<compile_context>
chip_gen: v7x
topology: tpu7x:2x2x1
jax: 0.10.2.dev20260603
libtpu: 0.0.44.dev20260713+nightly
codegen_flags: <defaults>
</compile_context>

<pallas_src>
import functools

import jax
import jax.numpy as jnp
from jax import lax
from jax.experimental import pallas as pl
from jax.experimental.pallas import tpu as pltpu
from jax.experimental.pallas import tpu_sc as plsc

N = 10000
E = 320000
H = 128
G = 64
OUT = 256
EPS = 1e-5

NC = 2
NS = 16
NW = NC * NS
L = 16

EPT = E // NW
ECH = 128
NFULL = EPT // ECH
ETAIL = EPT - NFULL * ECH

RPT = 624
RTAIL = N - NS * RPT

PN = 312
PTAIL = N - PN * NW

_F32 = jnp.float32
_I32 = jnp.int32

_mesh = plsc.VectorSubcoreMesh(
    core_axis_name="c", subcore_axis_name="s", num_cores=NC, num_subcores=NS)

_HIGH = lax.Precision.HIGHEST


def _slab_zero(zeros_hbm, acc, s):
    r0 = s * RPT
    pltpu.sync_copy(zeros_hbm.at[pl.ds(r0, RPT)], acc.at[pl.ds(r0, RPT)])

    @pl.when(s == NS - 1)
    def _tail():
        t0 = NS * RPT
        pltpu.sync_copy(zeros_hbm.at[pl.ds(t0, RTAIL)],
                        acc.at[pl.ds(t0, RTAIL)])


def _slab_out(acc, out_hbm, c, s):
    r0 = s * RPT
    pltpu.sync_copy(acc.at[pl.ds(r0, RPT)], out_hbm.at[pl.ds(c * N + r0, RPT)])

    @pl.when(s == NS - 1)
    def _tail():
        t0 = NS * RPT
        pltpu.sync_copy(acc.at[pl.ds(t0, RTAIL)],
                        out_hbm.at[pl.ds(c * N + t0, RTAIL)])



@functools.partial(
    pl.kernel,
    out_type=jax.ShapeDtypeStruct((NC * N, H), _F32),
    mesh=_mesh,
    scratch_types=[
        pltpu.VMEM((ECH,), _I32),
        pltpu.VMEM((ETAIL,), _I32),
        pltpu.VMEM((ECH, H), _F32),
        pltpu.VMEM((ETAIL, H), _F32),
        pltpu.VMEM_SHARED((N, H), _F32),
    ],
)
def _deg_sc(dst_hbm, zeros_hbm, ones_hbm, out_hbm, idx_d, idx_d2, ones_v,
            ones_v2, acc):
    c = lax.axis_index("c")
    s = lax.axis_index("s")
    wid = c * NS + s
    _slab_zero(zeros_hbm, acc, s)
    pltpu.sync_copy(ones_hbm.at[pl.ds(0, ECH)], ones_v)
    pltpu.sync_copy(ones_hbm.at[pl.ds(0, ETAIL)], ones_v2)
    plsc.subcore_barrier()
    e0 = wid * EPT

    @pl.loop(0, NFULL)
    def _chunk(k):
        base = e0 + k * ECH
        pltpu.sync_copy(dst_hbm.at[pl.ds(base, ECH)], idx_d)
        pltpu.sync_copy(ones_v, acc.at[idx_d], add=True)

    base = e0 + NFULL * ECH
    pltpu.sync_copy(dst_hbm.at[pl.ds(base, ETAIL)], idx_d2)
    pltpu.sync_copy(ones_v2, acc.at[idx_d2], add=True)
    plsc.subcore_barrier()
    _slab_out(acc, out_hbm, c, s)



PAIRS = NFULL // 2


@functools.partial(
    pl.kernel,
    out_type=jax.ShapeDtypeStruct((NC * N, H), _F32),
    mesh=_mesh,
    scratch_types=[
        pltpu.VMEM((ECH,), _I32),
        pltpu.VMEM((ECH,), _I32),
        pltpu.VMEM((ECH,), _I32),
        pltpu.VMEM((ECH,), _I32),
        pltpu.VMEM((ECH, H), _F32),
        pltpu.VMEM((ECH, H), _F32),
        pltpu.VMEM((ETAIL,), _I32),
        pltpu.VMEM((ETAIL,), _I32),
        pltpu.VMEM((ETAIL, H), _F32),
        pltpu.VMEM_SHARED((N, H), _F32),
        pltpu.SemaphoreType.DMA,
        pltpu.SemaphoreType.DMA,
        pltpu.SemaphoreType.DMA,
        pltpu.SemaphoreType.DMA,
    ],
)
def _edge_sc(h_hbm, src_hbm, dst_hbm, zeros_hbm, out_hbm, idx_s0, idx_d0,
             idx_s1, idx_d1, rows0, rows1, idx_s2, idx_d2, rows2, acc,
             gsem0, gsem1, ssem0, ssem1):
    c = lax.axis_index("c")
    s = lax.axis_index("s")
    wid = c * NS + s
    _slab_zero(zeros_hbm, acc, s)
    plsc.subcore_barrier()
    e0 = wid * EPT

    @pl.loop(0, PAIRS)
    def _pair(p):
        b0 = e0 + (2 * p) * ECH
        b1 = b0 + ECH

        @pl.when(p > 0)
        def _w0():
            pltpu.make_async_copy(rows0, acc.at[idx_d0], ssem0).wait()

        pltpu.sync_copy(src_hbm.at[pl.ds(b0, ECH)], idx_s0)
        pltpu.sync_copy(dst_hbm.at[pl.ds(b0, ECH)], idx_d0)
        pltpu.async_copy(h_hbm.at[idx_s0], rows0, gsem0)

        @pl.when(p > 0)
        def _w1():
            pltpu.make_async_copy(rows1, acc.at[idx_d1], ssem1).wait()

        pltpu.sync_copy(src_hbm.at[pl.ds(b1, ECH)], idx_s1)
        pltpu.sync_copy(dst_hbm.at[pl.ds(b1, ECH)], idx_d1)
        pltpu.async_copy(h_hbm.at[idx_s1], rows1, gsem1)

        pltpu.make_async_copy(h_hbm.at[idx_s0], rows0, gsem0).wait()
        pltpu.async_copy(rows0, acc.at[idx_d0], ssem0, add=True)
        pltpu.make_async_copy(h_hbm.at[idx_s1], rows1, gsem1).wait()
        pltpu.async_copy(rows1, acc.at[idx_d1], ssem1, add=True)

    pltpu.make_async_copy(rows0, acc.at[idx_d0], ssem0).wait()
    pltpu.make_async_copy(rows1, acc.at[idx_d1], ssem1).wait()
    base = e0 + NFULL * ECH
    pltpu.sync_copy(src_hbm.at[pl.ds(base, ETAIL)], idx_s2)
    pltpu.sync_copy(dst_hbm.at[pl.ds(base, ETAIL)], idx_d2)
    pltpu.async_copy(h_hbm.at[idx_s2], rows2, gsem0).wait()
    pltpu.sync_copy(rows2, acc.at[idx_d2], add=True)
    plsc.subcore_barrier()
    _slab_out(acc, out_hbm, c, s)



NCH = N // ECH
NTAIL = N - NCH * ECH
CPT = (NCH + NW - 1) // NW


@functools.partial(
    pl.kernel,
    out_type=(
        jax.ShapeDtypeStruct((NC * G, H), _F32),
        jax.ShapeDtypeStruct((NC * G, H), _F32),
    ),
    mesh=_mesh,
    scratch_types=[
        pltpu.VMEM((ECH,), _I32),
        pltpu.VMEM((ECH, H), _F32),
        pltpu.VMEM((ECH, H), _F32),
        pltpu.VMEM((NTAIL,), _I32),
        pltpu.VMEM((NTAIL, H), _F32),
        pltpu.VMEM_SHARED((G, H), _F32),
        pltpu.VMEM_SHARED((G, H), _F32),
        pltpu.SemaphoreType.DMA,
    ],
)
def _pool_sc(h_hbm, gb_hbm, zerosh_hbm, ones_hbm, sum_hbm,
             cnt_hbm, gbv, rows, ones_v, gbv2, rows2, accs, accc, sem):
    c = lax.axis_index("c")
    s = lax.axis_index("s")
    wid = c * NS + s

    @pl.when(s < G // 8)
    def _zero():
        r0 = s * 8
        pltpu.sync_copy(zerosh_hbm.at[pl.ds(r0, 8)], accs.at[pl.ds(r0, 8)])
        pltpu.sync_copy(zerosh_hbm.at[pl.ds(G + r0, 8)],
                        accc.at[pl.ds(r0, 8)])

    pltpu.sync_copy(ones_hbm, ones_v)
    plsc.subcore_barrier()

    @pl.loop(0, CPT)
    def _chunk(k):
        cid = wid + k * NW

        @pl.when(cid < NCH)
        def _go():
            base = cid * ECH
            pltpu.sync_copy(gb_hbm.at[pl.ds(base, ECH)], gbv)
            pltpu.sync_copy(h_hbm.at[pl.ds(base, ECH)], rows)
            pltpu.sync_copy(rows, accs.at[gbv], add=True)
            pltpu.sync_copy(ones_v, accc.at[gbv], add=True)

    @pl.when(wid == NW - 1)
    def _tail():
        tb = NCH * ECH
        pltpu.sync_copy(gb_hbm.at[pl.ds(tb, NTAIL)], gbv2)
        pltpu.sync_copy(h_hbm.at[pl.ds(tb, NTAIL)], rows2)
        pltpu.sync_copy(rows2, accs.at[gbv2], add=True)
        pltpu.sync_copy(ones_v.at[pl.ds(0, NTAIL)], accc.at[gbv2], add=True)

    plsc.subcore_barrier()

    @pl.when(s < G // 8)
    def _out():
        r0 = s * 8
        pltpu.sync_copy(accs.at[pl.ds(r0, 8)],
                        sum_hbm.at[pl.ds(c * G + r0, 8)])
        pltpu.sync_copy(accc.at[pl.ds(r0, 8)],
                        cnt_hbm.at[pl.ds(c * G + r0, 8)])



def _max_body(gb_ref, h_ref, o_ref, acc):
    i = pl.program_id(0)

    @pl.when(i == 0)
    def _init():
        acc[...] = jnp.full((G, H), -jnp.inf, _F32)

    gbv = gb_ref[...]
    hb = h_ref[...]
    for g in range(G):
        m = jnp.where(gbv == g, hb, -jnp.inf)
        acc[g:g + 1, :] = jnp.maximum(acc[g:g + 1, :],
                                      jnp.max(m, axis=0, keepdims=True))

    o_ref[...] = acc[...]


def _max_tc(gb2d, h):
    return pl.pallas_call(
        _max_body,
        grid=(N // _RB,),
        in_specs=[
            pl.BlockSpec((_RB, 1), lambda i: (i, 0)),
            pl.BlockSpec((_RB, H), lambda i: (i, 0)),
        ],
        out_specs=pl.BlockSpec((G, H), lambda i: (0, 0)),
        out_shape=jax.ShapeDtypeStruct((G, H), _F32),
        scratch_shapes=[pltpu.VMEM((G, H), _F32)],
    )(gb2d, h)



_RB = 400


def _layer_body(aggp_ref, degp_ref, h_ref, wn_ref, wr_ref, b_ref, g_ref,
                bt_ref, o_ref):
    agg = aggp_ref[0] + aggp_ref[1]
    deg = degp_ref[0, :, 0:1] + degp_ref[1, :, 0:1]
    mean = agg * (1.0 / jnp.maximum(deg, 1.0))
    z = (jnp.dot(mean, wn_ref[...], preferred_element_type=_F32,
                 precision=_HIGH)
         + jnp.dot(h_ref[...], wr_ref[...], preferred_element_type=_F32,
                   precision=_HIGH)
         + b_ref[...])
    mu = jnp.mean(z, axis=1, keepdims=True)
    var = jnp.mean((z - mu) * (z - mu), axis=1, keepdims=True)
    zn = (z - mu) * lax.rsqrt(var + EPS) * g_ref[...] + bt_ref[...]
    o_ref[...] = jnp.maximum(zn, 0.0)


def _layer_tc(aggp, degp, h, wn, wr, b, g, bt):
    grid = (N // _RB,)
    return pl.pallas_call(
        _layer_body,
        grid=grid,
        in_specs=[
            pl.BlockSpec((NC, _RB, H), lambda i: (0, i, 0)),
            pl.BlockSpec((NC, _RB, H), lambda i: (0, i, 0)),
            pl.BlockSpec((_RB, H), lambda i: (i, 0)),
            pl.BlockSpec((H, H), lambda i: (0, 0)),
            pl.BlockSpec((H, H), lambda i: (0, 0)),
            pl.BlockSpec((1, H), lambda i: (0, 0)),
            pl.BlockSpec((1, H), lambda i: (0, 0)),
            pl.BlockSpec((1, H), lambda i: (0, 0)),
        ],
        out_specs=pl.BlockSpec((_RB, H), lambda i: (i, 0)),
        out_shape=jax.ShapeDtypeStruct((N, H), _F32),
    )(aggp, degp, h, wn, wr, b.reshape(1, H), g.reshape(1, H),
      bt.reshape(1, H))



def _readout_body(sump_ref, maxv_ref, cntp_ref, w1_ref, b1_ref, w2_ref,
                  b2_ref, o_ref):
    sums = sump_ref[0] + sump_ref[1]
    maxs = maxv_ref[...]
    cnt = cntp_ref[0, :, 0:1] + cntp_ref[1, :, 0:1]
    mean = sums / jnp.maximum(cnt, 1.0)
    maxs = jnp.where(jnp.isfinite(maxs), maxs, 0.0)
    pooled = jnp.concatenate([mean, maxs], axis=1)
    z = jnp.maximum(
        jnp.dot(pooled, w1_ref[...], preferred_element_type=_F32,
                precision=_HIGH) + b1_ref[...], 0.0)
    emb = jnp.dot(z, w2_ref[...], preferred_element_type=_F32,
                  precision=_HIGH) + b2_ref[...]
    nrm = jnp.sqrt(jnp.sum(emb * emb, axis=1, keepdims=True))
    o_ref[...] = emb / jnp.maximum(nrm, 1e-12)


def _readout_tc(sump, maxv, cntp, w1, b1, w2, b2):
    return pl.pallas_call(
        _readout_body,
        out_shape=jax.ShapeDtypeStruct((G, OUT), _F32),
    )(sump, maxv, cntp, w1, b1.reshape(1, H), w2, b2.reshape(1, OUT))



def kernel(x, edge_index, graph_batch, Wn1, Wr1, b1, Wn2, Wr2, b2, Wn3, Wr3,
           b3, g1, bt1, g2, bt2, g3, bt3, Wro1, bro1, Wro2, bro2):
    src = edge_index[0]
    dst = edge_index[1]
    zeros_nh = jnp.zeros((N, H), _F32)
    ones_eh = jnp.ones((ECH, H), _F32)

    degp = _deg_sc(dst, zeros_nh, ones_eh).reshape(NC, N, H)

    h = x
    for wn, wr, b, g, bt in ((Wn1, Wr1, b1, g1, bt1),
                             (Wn2, Wr2, b2, g2, bt2),
                             (Wn3, Wr3, b3, g3, bt3)):
        aggp = _edge_sc(h, src, dst, zeros_nh).reshape(NC, N, H)
        h = _layer_tc(aggp, degp, h, wn, wr, b, g, bt)

    sump, cntp = _pool_sc(h, graph_batch, zeros_nh, ones_eh)
    maxv = _max_tc(graph_batch.reshape(N, 1), h)
    return _readout_tc(sump.reshape(NC, G, H), maxv,
                       cntp.reshape(NC, G, H), Wro1, bro1, Wro2, bro2)

# --- scband reference (transcript-rebuilt; emitter-appended) ---
"""Pipeline reference for scband-graph-plan-encoder-7593502179348 (READ-ONLY COPY).

The authoritative reference and input builder live on the scoring server;
editing this copy changes nothing except your own understanding.
"""

import jax, jax.numpy as jnp
import numpy as np

N = 10000
E = 320000
IN = 128
H = 128
OUT = 256
G = 64
EPS = 1e-5


def setup_inputs(seed: int = 0) -> dict:
    key = jax.random.key(seed)
    ks = jax.random.split(key, 32)
    inp = {}
    inp['x'] = jax.random.normal(ks[0], (N, IN), dtype=jnp.float32)
    inp['edge_index'] = jax.random.randint(ks[1], (2, E), 0, N, dtype=jnp.int32)
    inp['graph_batch'] = jnp.sort(jax.random.randint(ks[2], (N,), 0, G, dtype=jnp.int32))
    # SAGEConv params: lin_l (neighbor agg) and lin_r (root) + bias
    dims = [(IN, H), (H, H), (H, H)]
    for i, (di, do) in enumerate(dims, start=1):
        s = 1.0 / np.sqrt(di)
        inp[f'Wn{i}'] = jax.random.uniform(ks[2 + 3 * i], (di, do), jnp.float32, -s, s)
        inp[f'Wr{i}'] = jax.random.uniform(ks[3 + 3 * i], (di, do), jnp.float32, -s, s)
        inp[f'b{i}'] = jnp.zeros((do,), jnp.float32)
    # LayerNorm params
    for i in range(1, 4):
        inp[f'g{i}'] = jnp.ones((H,), jnp.float32)
        inp[f'bt{i}'] = jnp.zeros((H,), jnp.float32)
    # readout MLP: Linear(2H -> H), Linear(H -> OUT)
    s1 = 1.0 / np.sqrt(2 * H)
    inp['Wro1'] = jax.random.uniform(ks[20], (2 * H, H), jnp.float32, -s1, s1)
    inp['bro1'] = jnp.zeros((H,), jnp.float32)
    s2 = 1.0 / np.sqrt(H)
    inp['Wro2'] = jax.random.uniform(ks[21], (H, OUT), jnp.float32, -s2, s2)
    inp['bro2'] = jnp.zeros((OUT,), jnp.float32)
    return inp


def _layernorm(v, g, b):
    mu = jnp.mean(v, axis=-1, keepdims=True)
    var = jnp.var(v, axis=-1, keepdims=True)
    return (v - mu) / jnp.sqrt(var + EPS) * g + b


def _sage(x, Wn, Wr, b, src, dst, inv_deg):
    agg = jax.ops.segment_sum(x[src], dst, num_segments=N)
    mean_nei = agg * inv_deg
    return mean_nei @ Wn + x @ Wr + b


def reference(x, edge_index, graph_batch, Wn1, Wr1, b1, Wn2, Wr2, b2, Wn3, Wr3, b3, g1, bt1, g2, bt2, g3, bt3, Wro1, bro1, Wro2, bro2):
    src = edge_index[0]
    dst = edge_index[1]
    deg = jax.ops.segment_sum(jnp.ones((E,), jnp.float32), dst, num_segments=N)
    inv_deg = (1.0 / jnp.maximum(deg, 1.0))[:, None]

    h = _sage(x, Wn1, Wr1, b1, src, dst, inv_deg)
    h = jax.nn.relu(_layernorm(h, g1, bt1))
    h = _sage(h, Wn2, Wr2, b2, src, dst, inv_deg)
    h = jax.nn.relu(_layernorm(h, g2, bt2))
    h = _sage(h, Wn3, Wr3, b3, src, dst, inv_deg)
    h = jax.nn.relu(_layernorm(h, g3, bt3))

    counts = jax.ops.segment_sum(jnp.ones((N,), jnp.float32), graph_batch, num_segments=G)
    pooled_mean = jax.ops.segment_sum(h, graph_batch, num_segments=G) / jnp.maximum(counts, 1.0)[:, None]
    pooled_max = jax.ops.segment_max(h, graph_batch, num_segments=G)
    pooled_max = jnp.where(jnp.isfinite(pooled_max), pooled_max, 0.0)
    pooled = jnp.concatenate([pooled_mean, pooled_max], axis=-1)

    emb = jax.nn.relu(pooled @ Wro1 + bro1) @ Wro2 + bro2
    nrm = jnp.sqrt(jnp.sum(emb * emb, axis=-1, keepdims=True))
    return emb / jnp.maximum(nrm, 1e-12)

if __name__ == "__main__":
    import jax
    _d = setup_inputs()
    print(jax.jit(kernel)(*tuple(_d.values())))

</pallas_src>

<mosaic_0001>
#map = affine_map<(d0, d1) -> (0)>
#map1 = affine_map<(d0, d1) -> (0, 0)>
module attributes {stable_mosaic.version = 14 : i64} {
  func.func @_deg_sc(%arg0: i32, %arg1: i32, %arg2: memref<320000xi32, #tpu.memory_space<hbm>>, %arg3: memref<10000x128xf32, #tpu.memory_space<hbm>>, %arg4: memref<128x128xf32, #tpu.memory_space<hbm>>, %arg5: memref<20000x128xf32, #tpu.memory_space<hbm>>, %arg6: memref<128xi32, #tpu.memory_space<vmem>>, %arg7: memref<16xi32, #tpu.memory_space<vmem>>, %arg8: memref<128x128xf32, #tpu.memory_space<vmem>>, %arg9: memref<16x128xf32, #tpu.memory_space<vmem>>, %arg10: memref<10000x128xf32, #tpu.memory_space<vmem_shared>>) attributes {dimension_semantics = [#tpu.dimension_semantics<core_parallel>, #tpu.dimension_semantics<subcore_parallel>], iteration_bounds = array<i64: 2, 16>, scalar_prefetch = 0 : i64, scratch_operands = 5 : i64, tpu.core_type = #tpu.core_type<sc_vector_subcore>, window_params = [{transform_indices = #map}, {transform_indices = #map1}, {transform_indices = #map1}, {transform_indices = #map1}]} {
    %mul3A = arith.constant 16 : i32
    %mul3A_0 = arith.muli %arg0, %mul3A : i32
    %add3A = arith.addi %mul3A_0, %arg1 : i32
    %mul3A_1 = arith.constant 624 : i32
    %mul3A_2 = arith.muli %arg1, %mul3A_1 : i32
    "tpu.region"() ({
      %run_scoped3A = tpu.sem_alloc : memref<!tpu.dma_semaphore, #tpu.memory_space<semaphore_mem>>
      %dma_start3A = arith.constant 0 : i32
      %dma_start3A_24 = tpu.memref_slice %arg10[%mul3A_2, %dma_start3A] : memref<10000x128xf32, #tpu.memory_space<vmem_shared>> -> memref<624x128xf32, #tpu.memory_space<vmem_shared>>
      %dma_start3A_25 = arith.constant 0 : i32
      %dma_start3A_26 = tpu.memref_slice %arg3[%mul3A_2, %dma_start3A_25] : memref<10000x128xf32, #tpu.memory_space<hbm>> -> memref<624x128xf32, #tpu.memory_space<hbm>>
      tpu.enqueue_dma source(%dma_start3A_26 : memref<624x128xf32, #tpu.memory_space<hbm>>) target(%dma_start3A_24 : memref<624x128xf32, #tpu.memory_space<vmem_shared>>) target_semaphore(%run_scoped3A : memref<!tpu.dma_semaphore, #tpu.memory_space<semaphore_mem>>)
      %dma_wait3A = arith.constant 0 : i32
      %dma_wait3A_27 = tpu.memref_slice %arg10[%mul3A_2, %dma_wait3A] : memref<10000x128xf32, #tpu.memory_space<vmem_shared>> -> memref<624x128xf32, #tpu.memory_space<vmem_shared>>
      %dma_wait3A_28 = arith.constant 0 : i32
      %dma_wait3A_29 = tpu.memref_slice %arg3[%mul3A_2, %dma_wait3A_28] : memref<10000x128xf32, #tpu.memory_space<hbm>> -> memref<624x128xf32, #tpu.memory_space<hbm>>
      tpu.wait_dma2 semaphore(%run_scoped3A : memref<!tpu.dma_semaphore, #tpu.memory_space<semaphore_mem>>) src(%dma_wait3A_29 : memref<624x128xf32, #tpu.memory_space<hbm>>) dst(%dma_wait3A_27 : memref<624x128xf32, #tpu.memory_space<vmem_shared>>)
      tpu.yield
    }) : () -> ()
    %eq3A = arith.constant 15 : i32
    %eq3A_3 = arith.cmpi eq, %arg1, %eq3A : i32
    %convert_element_type3A = arith.extui %eq3A_3 : i1 to i32
    %cond3A = arith.constant 0 : i32
    %cond3A_4 = arith.cmpi ne, %convert_element_type3A, %cond3A : i32
    scf.if %cond3A_4 {
      "tpu.region"() ({
        %run_scoped3A = tpu.sem_alloc : memref<!tpu.dma_semaphore, #tpu.memory_space<semaphore_mem>>
        %dma_start3A = arith.constant 9984 : i32
        %dma_start3A_24 = arith.constant 0 : i32
        %dma_start3A_25 = tpu.memref_slice %arg10[%dma_start3A, %dma_start3A_24] : memref<10000x128xf32, #tpu.memory_space<vmem_shared>> -> memref<16x128xf32, #tpu.memory_space<vmem_shared>>
        %dma_start3A_26 = arith.constant 9984 : i32
        %dma_start3A_27 = arith.constant 0 : i32
        %dma_start3A_28 = tpu.memref_slice %arg3[%dma_start3A_26, %dma_start3A_27] : memref<10000x128xf32, #tpu.memory_space<hbm>> -> memref<16x128xf32, #tpu.memory_space<hbm>>
        tpu.enqueue_dma source(%dma_start3A_28 : memref<16x128xf32, #tpu.memory_space<hbm>>) target(%dma_start3A_25 : memref<16x128xf32, #tpu.memory_space<vmem_shared>>) target_semaphore(%run_scoped3A : memref<!tpu.dma_semaphore, #tpu.memory_space<semaphore_mem>>)
        %dma_wait3A = arith.constant 9984 : i32
        %dma_wait3A_29 = arith.constant 0 : i32
        %dma_wait3A_30 = tpu.memref_slice %arg10[%dma_wait3A, %dma_wait3A_29] : memref<10000x128xf32, #tpu.memory_space<vmem_shared>> -> memref<16x128xf32, #tpu.memory_space<vmem_shared>>
        %dma_wait3A_31 = arith.constant 9984 : i32
        %dma_wait3A_32 = arith.constant 0 : i32
        %dma_wait3A_33 = tpu.memref_slice %arg3[%dma_wait3A_31, %dma_wait3A_32] : memref<10000x128xf32, #tpu.memory_space<hbm>> -> memref<16x128xf32, #tpu.memory_space<hbm>>
        tpu.wait_dma2 semaphore(%run_scoped3A : memref<!tpu.dma_semaphore, #tpu.memory_space<semaphore_mem>>) src(%dma_wait3A_33 : memref<16x128xf32, #tpu.memory_space<hbm>>) dst(%dma_wait3A_30 : memref<16x128xf32, #tpu.memory_space<vmem_shared>>)
        tpu.yield
      }) : () -> ()
    } else {
    }
    "tpu.region"() ({
      %run_scoped3A = tpu.sem_alloc : memref<!tpu.dma_semaphore, #tpu.memory_space<semaphore_mem>>
      %dma_start3A = arith.constant 0 : i32
      %dma_start3A_24 = arith.constant 0 : i32
      %dma_start3A_25 = tpu.memref_slice %arg4[%dma_start3A, %dma_start3A_24] : memref<128x128xf32, #tpu.memory_space<hbm>> -> memref<128x128xf32, #tpu.memory_space<hbm>>
      %dma_start3A_26 = arith.constant 0 : i32
      %dma_start3A_27 = arith.constant 0 : i32
      %dma_start3A_28 = tpu.memref_slice %arg4[%dma_start3A_26, %dma_start3A_27] : memref<128x128xf32, #tpu.memory_space<hbm>> -> memref<128x128xf32, #tpu.memory_space<hbm>>
      tpu.enqueue_dma source(%dma_start3A_28 : memref<128x128xf32, #tpu.memory_space<hbm>>) target(%arg8 : memref<128x128xf32, #tpu.memory_space<vmem>>) target_semaphore(%run_scoped3A : memref<!tpu.dma_semaphore, #tpu.memory_space<semaphore_mem>>)
      %dma_wait3A = arith.constant 0 : i32
      %dma_wait3A_29 = arith.constant 0 : i32
      %dma_wait3A_30 = tpu.memref_slice %arg4[%dma_wait3A, %dma_wait3A_29] : memref<128x128xf32, #tpu.memory_space<hbm>> -> memref<128x128xf32, #tpu.memory_space<hbm>>
      %dma_wait3A_31 = arith.constant 0 : i32
      %dma_wait3A_32 = arith.constant 0 : i32
      %dma_wait3A_33 = tpu.memref_slice %arg4[%dma_wait3A_31, %dma_wait3A_32] : memref<128x128xf32, #tpu.memory_space<hbm>> -> memref<128x128xf32, #tpu.memory_space<hbm>>
      tpu.wait_dma2 semaphore(%run_scoped3A : memref<!tpu.dma_semaphore, #tpu.memory_space<semaphore_mem>>) src(%dma_wait3A_33 : memref<128x128xf32, #tpu.memory_space<hbm>>) dst(%arg8 : memref<128x128xf32, #tpu.memory_space<vmem>>)
      tpu.yield
    }) : () -> ()
    "tpu.region"() ({
      %run_scoped3A = tpu.sem_alloc : memref<!tpu.dma_semaphore, #tpu.memory_space<semaphore_mem>>
      %dma_start3A = arith.constant 0 : i32
      %dma_start3A_24 = arith.constant 0 : i32
      %dma_start3A_25 = tpu.memref_slice %arg4[%dma_start3A, %dma_start3A_24] : memref<128x128xf32, #tpu.memory_space<hbm>> -> memref<16x128xf32, #tpu.memory_space<hbm>>
      %dma_start3A_26 = arith.constant 0 : i32
      %dma_start3A_27 = arith.constant 0 : i32
      %dma_start3A_28 = tpu.memref_slice %arg4[%dma_start3A_26, %dma_start3A_27] : memref<128x128xf32, #tpu.memory_space<hbm>> -> memref<16x128xf32, #tpu.memory_space<hbm>>
      tpu.enqueue_dma source(%dma_start3A_28 : memref<16x128xf32, #tpu.memory_space<hbm>>) target(%arg9 : memref<16x128xf32, #tpu.memory_space<vmem>>) target_semaphore(%run_scoped3A : memref<!tpu.dma_semaphore, #tpu.memory_space<semaphore_mem>>)
      %dma_wait3A = arith.constant 0 : i32
      %dma_wait3A_29 = arith.constant 0 : i32
      %dma_wait3A_30 = tpu.memref_slice %arg4[%dma_wait3A, %dma_wait3A_29] : memref<128x128xf32, #tpu.memory_space<hbm>> -> memref<16x128xf32, #tpu.memory_space<hbm>>
      %dma_wait3A_31 = arith.constant 0 : i32
      %dma_wait3A_32 = arith.constant 0 : i32
      %dma_wait3A_33 = tpu.memref_slice %arg4[%dma_wait3A_31, %dma_wait3A_32] : memref<128x128xf32, #tpu.memory_space<hbm>> -> memref<16x128xf32, #tpu.memory_space<hbm>>
      tpu.wait_dma2 semaphore(%run_scoped3A : memref<!tpu.dma_semaphore, #tpu.memory_space<semaphore_mem>>) src(%dma_wait3A_33 : memref<16x128xf32, #tpu.memory_space<hbm>>) dst(%arg9 : memref<16x128xf32, #tpu.memory_space<vmem>>)
      tpu.yield
    }) : () -> ()
    %barrier3A = arith.constant 0 : index
    tpu.barrier barrier_id(%barrier3A)
    %mul3A_5 = arith.constant 10000 : i32
    %mul3A_6 = arith.muli %add3A, %mul3A_5 : i32
    %scan3A = arith.constant 0 : i32
    %scan3A_7 = arith.constant 78 : i32
    %scan3A_8 = arith.addi %scan3A, %scan3A_7 : i32
    %scan3A_9 = arith.constant 1 : i32
    scf.for %scan3A_24 = %scan3A to %scan3A_8 step %scan3A_9  : i32 {
      %mul3A_25 = arith.constant 1 : i32
      %mul3A_26 = arith.muli %scan3A_24, %mul3A_25 : i32
      %add3A_27 = arith.constant 0 : i32
      %add3A_28 = arith.addi %add3A_27, %mul3A_26 : i32
      %mul3A_29 = arith.constant 128 : i32
      %mul3A_30 = arith.muli %add3A_28, %mul3A_29 : i32
      %add3A_31 = arith.addi %mul3A_6, %mul3A_30 : i32
      "tpu.region"() ({
        %run_scoped3A = tpu.sem_alloc : memref<!tpu.dma_semaphore, #tpu.memory_space<semaphore_mem>>
        %dma_start3A = tpu.memref_slice %arg2[%add3A_31] : memref<320000xi32, #tpu.memory_space<hbm>> -> memref<128xi32, #tpu.memory_space<hbm>>
        %dma_start3A_32 = tpu.memref_slice %arg2[%add3A_31] : memref<320000xi32, #tpu.memory_space<hbm>> -> memref<128xi32, #tpu.memory_space<hbm>>
        tpu.enqueue_dma source(%dma_start3A_32 : memref<128xi32, #tpu.memory_space<hbm>>) target(%arg6 : memref<128xi32, #tpu.memory_space<vmem>>) target_semaphore(%run_scoped3A : memref<!tpu.dma_semaphore, #tpu.memory_space<semaphore_mem>>)
        %dma_wait3A = tpu.memref_slice %arg2[%add3A_31] : memref<320000xi32, #tpu.memory_space<hbm>> -> memref<128xi32, #tpu.memory_space<hbm>>
        %dma_wait3A_33 = tpu.memref_slice %arg2[%add3A_31] : memref<320000xi32, #tpu.memory_space<hbm>> -> memref<128xi32, #tpu.memory_space<hbm>>
        tpu.wait_dma2 semaphore(%run_scoped3A : memref<!tpu.dma_semaphore, #tpu.memory_space<semaphore_mem>>) src(%dma_wait3A_33 : memref<128xi32, #tpu.memory_space<hbm>>) dst(%arg6 : memref<128xi32, #tpu.memory_space<vmem>>)
        tpu.yield
      }) : () -> ()
      "tpu.region"() ({
        %run_scoped3A = tpu.sem_alloc : memref<!tpu.dma_semaphore, #tpu.memory_space<semaphore_mem>>
        %dma_start3A = arith.constant 0 : i32
        %dma_start3A_32 = arith.constant 0 : i32
        %dma_start3A_33 = tpu.memref_slice %arg10[%dma_start3A, %dma_start3A_32] : memref<10000x128xf32, #tpu.memory_space<vmem_shared>> -> memref<10000x128xf32, #tpu.memory_space<vmem_shared>>
        tpu.enqueue_indirect_dma source(%arg8 : memref<128x128xf32, #tpu.memory_space<vmem>>) target(%dma_start3A_33 : memref<10000x128xf32, #tpu.memory_space<vmem_shared>>) offsets(%arg6 : memref<128xi32, #tpu.memory_space<vmem>>) semaphore(%run_scoped3A : memref<!tpu.dma_semaphore, #tpu.memory_space<semaphore_mem>>) {add = true}
        %dma_wait3A = arith.constant 0 : i32
        %dma_wait3A_34 = arith.constant 0 : i32
        %dma_wait3A_35 = tpu.memref_slice %arg10[%dma_wait3A, %dma_wait3A_34] : memref<10000x128xf32, #tpu.memory_space<vmem_shared>> -> memref<10000x128xf32, #tpu.memory_space<vmem_shared>>
        tpu.wait_indirect_dma semaphore(%run_scoped3A : memref<!tpu.dma_semaphore, #tpu.memory_space<semaphore_mem>>) src(%arg8 : memref<128x128xf32, #tpu.memory_space<vmem>>) dst(%dma_wait3A_35 : memref<10000x128xf32, #tpu.memory_space<vmem_shared>>)
        tpu.yield
      }) : () -> ()
    }
    %scan3A_10 = arith.constant 78 : i32
    %add3A_11 = arith.constant 9984 : i32
    %add3A_12 = arith.addi %mul3A_6, %add3A_11 : i32
    "tpu.region"() ({
      %run_scoped3A = tpu.sem_alloc : memref<!tpu.dma_semaphore, #tpu.memory_space<semaphore_mem>>
      %dma_start3A = tpu.memref_slice %arg2[%add3A_12] : memref<320000xi32, #tpu.memory_space<hbm>> -> memref<16xi32, #tpu.memory_space<hbm>>
      %dma_start3A_24 = tpu.memref_slice %arg2[%add3A_12] : memref<320000xi32, #tpu.memory_space<hbm>> -> memref<16xi32, #tpu.memory_space<hbm>>
      tpu.enqueue_dma source(%dma_start3A_24 : memref<16xi32, #tpu.memory_space<hbm>>) target(%arg7 : memref<16xi32, #tpu.memory_space<vmem>>) target_semaphore(%run_scoped3A : memref<!tpu.dma_semaphore, #tpu.memory_space<semaphore_mem>>)
      %dma_wait3A = tpu.memref_slice %arg2[%add3A_12] : memref<320000xi32, #tpu.memory_space<hbm>> -> memref<16xi32, #tpu.memory_space<hbm>>
      %dma_wait3A_25 = tpu.memref_slice %arg2[%add3A_12] : memref<320000xi32, #tpu.memory_space<hbm>> -> memref<16xi32, #tpu.memory_space<hbm>>
      tpu.wait_dma2 semaphore(%run_scoped3A : memref<!tpu.dma_semaphore, #tpu.memory_space<semaphore_mem>>) src(%dma_wait3A_25 : memref<16xi32, #tpu.memory_space<hbm>>) dst(%arg7 : memref<16xi32, #tpu.memory_space<vmem>>)
      tpu.yield
    }) : () -> ()
    "tpu.region"() ({
      %run_scoped3A = tpu.sem_alloc : memref<!tpu.dma_semaphore, #tpu.memory_space<semaphore_mem>>
      %dma_start3A = arith.constant 0 : i32
      %dma_start3A_24 = arith.constant 0 : i32
      %dma_start3A_25 = tpu.memref_slice %arg10[%dma_start3A, %dma_start3A_24] : memref<10000x128xf32, #tpu.memory_space<vmem_shared>> -> memref<10000x128xf32, #tpu.memory_space<vmem_shared>>
      tpu.enqueue_indirect_dma source(%arg9 : memref<16x128xf32, #tpu.memory_space<vmem>>) target(%dma_start3A_25 : memref<10000x128xf32, #tpu.memory_space<vmem_shared>>) offsets(%arg7 : memref<16xi32, #tpu.memory_space<vmem>>) semaphore(%run_scoped3A : memref<!tpu.dma_semaphore, #tpu.memory_space<semaphore_mem>>) {add = true}
      %dma_wait3A = arith.constant 0 : i32
      %dma_wait3A_26 = arith.constant 0 : i32
      %dma_wait3A_27 = tpu.memref_slice %arg10[%dma_wait3A, %dma_wait3A_26] : memref<10000x128xf32, #tpu.memory_space<vmem_shared>> -> memref<10000x128xf32, #tpu.memory_space<vmem_shared>>
      tpu.wait_indirect_dma semaphore(%run_scoped3A : memref<!tpu.dma_semaphore, #tpu.memory_space<semaphore_mem>>) src(%arg9 : memref<16x128xf32, #tpu.memory_space<vmem>>) dst(%dma_wait3A_27 : memref<10000x128xf32, #tpu.memory_space<vmem_shared>>)
      tpu.yield
    }) : () -> ()
    %barrier3A_13 = arith.constant 0 : index
    tpu.barrier barrier_id(%barrier3A_13)
    %mul3A_14 = arith.constant 624 : i32
    %mul3A_15 = arith.muli %arg1, %mul3A_14 : i32
    %mul3A_16 = arith.constant 10000 : i32
    %mul3A_17 = arith.muli %arg0, %mul3A_16 : i32
    %add3A_18 = arith.addi %mul3A_17, %mul3A_15 : i32
    "tpu.region"() ({
      %run_scoped3A = tpu.sem_alloc : memref<!tpu.dma_semaphore, #tpu.memory_space<semaphore_mem>>
      %dma_start3A = arith.constant 0 : i32
      %dma_start3A_24 = tpu.memref_slice %arg5[%add3A_18, %dma_start3A] : memref<20000x128xf32, #tpu.memory_space<hbm>> -> memref<624x128xf32, #tpu.memory_space<hbm>>
      %dma_start3A_25 = arith.constant 0 : i32
      %dma_start3A_26 = tpu.memref_slice %arg10[%mul3A_15, %dma_start3A_25] : memref<10000x128xf32, #tpu.memory_space<vmem_shared>> -> memref<624x128xf32, #tpu.memory_space<vmem_shared>>
      tpu.enqueue_dma source(%dma_start3A_26 : memref<624x128xf32, #tpu.memory_space<vmem_shared>>) target(%dma_start3A_24 : memref<624x128xf32, #tpu.memory_space<hbm>>) target_semaphore(%run_scoped3A : memref<!tpu.dma_semaphore, #tpu.memory_space<semaphore_mem>>)
      %dma_wait3A = arith.constant 0 : i32
      %dma_wait3A_27 = tpu.memref_slice %arg5[%add3A_18, %dma_wait3A] : memref<20000x128xf32, #tpu.memory_space<hbm>> -> memref<624x128xf32, #tpu.memory_space<hbm>>
      %dma_wait3A_28 = arith.constant 0 : i32
      %dma_wait3A_29 = tpu.memref_slice %arg10[%mul3A_15, %dma_wait3A_28] : memref<10000x128xf32, #tpu.memory_space<vmem_shared>> -> memref<624x128xf32, #tpu.memory_space<vmem_shared>>
      tpu.wait_dma2 semaphore(%run_scoped3A : memref<!tpu.dma_semaphore, #tpu.memory_space<semaphore_mem>>) src(%dma_wait3A_29 : memref<624x128xf32, #tpu.memory_space<vmem_shared>>) dst(%dma_wait3A_27 : memref<624x128xf32, #tpu.memory_space<hbm>>)
      tpu.yield
    }) : () -> ()
    %eq3A_19 = arith.constant 15 : i32
    %eq3A_20 = arith.cmpi eq, %arg1, %eq3A_19 : i32
    %convert_element_type3A_21 = arith.extui %eq3A_20 : i1 to i32
    %cond3A_22 = arith.constant 0 : i32
    %cond3A_23 = arith.cmpi ne, %convert_element_type3A_21, %cond3A_22 : i32
    scf.if %cond3A_23 {
      %mul3A_24 = arith.constant 10000 : i32
      %mul3A_25 = arith.muli %arg0, %mul3A_24 : i32
      %add3A_26 = arith.constant 9984 : i32
      %add3A_27 = arith.addi %mul3A_25, %add3A_26 : i32
      "tpu.region"() ({
        %run_scoped3A = tpu.sem_alloc : memref<!tpu.dma_semaphore, #tpu.memory_space<semaphore_mem>>
        %dma_start3A = arith.constant 0 : i32
        %dma_start3A_28 = tpu.memref_slice %arg5[%add3A_27, %dma_start3A] : memref<20000x128xf32, #tpu.memory_space<hbm>> -> memref<16x128xf32, #tpu.memory_space<hbm>>
        %dma_start3A_29 = arith.constant 9984 : i32
        %dma_start3A_30 = arith.constant 0 : i32
        %dma_start3A_31 = tpu.memref_slice %arg10[%dma_start3A_29, %dma_start3A_30] : memref<10000x128xf32, #tpu.memory_space<vmem_shared>> -> memref<16x128xf32, #tpu.memory_space<vmem_shared>>
        tpu.enqueue_dma source(%dma_start3A_31 : memref<16x128xf32, #tpu.memory_space<vmem_shared>>) target(%dma_start3A_28 : memref<16x128xf32, #tpu.memory_space<hbm>>) target_semaphore(%run_scoped3A : memref<!tpu.dma_semaphore, #tpu.memory_space<semaphore_mem>>)
        %dma_wait3A = arith.constant 0 : i32
        %dma_wait3A_32 = tpu.memref_slice %arg5[%add3A_27, %dma_wait3A] : memref<20000x128xf32, #tpu.memory_space<hbm>> -> memref<16x128xf32, #tpu.memory_space<hbm>>
        %dma_wait3A_33 = arith.constant 9984 : i32
        %dma_wait3A_34 = arith.constant 0 : i32
        %dma_wait3A_35 = tpu.memref_slice %arg10[%dma_wait3A_33, %dma_wait3A_34] : memref<10000x128xf32, #tpu.memory_space<vmem_shared>> -> memref<16x128xf32, #tpu.memory_space<vmem_shared>>
        tpu.wait_dma2 semaphore(%run_scoped3A : memref<!tpu.dma_semaphore, #tpu.memory_space<semaphore_mem>>) src(%dma_wait3A_35 : memref<16x128xf32, #tpu.memory_space<vmem_shared>>) dst(%dma_wait3A_32 : memref<16x128xf32, #tpu.memory_space<hbm>>)
        tpu.yield
      }) : () -> ()
    } else {
    }
    return
  }
}

#map = affine_map<(d0, d1) -> (0, 0)>
#map1 = affine_map<(d0, d1) -> (0)>
module attributes {stable_mosaic.version = 14 : i64} {
  func.func @_edge_sc(%arg0: i32, %arg1: i32, %arg2: memref<10000x128xf32, #tpu.memory_space<hbm>>, %arg3: memref<320000xi32, #tpu.memory_space<hbm>>, %arg4: memref<320000xi32, #tpu.memory_space<hbm>>, %arg5: memref<10000x128xf32, #tpu.memory_space<hbm>>, %arg6: memref<20000x128xf32, #tpu.memory_space<hbm>>, %arg7: memref<128xi32, #tpu.memory_space<vmem>>, %arg8: memref<128xi32, #tpu.memory_space<vmem>>, %arg9: memref<128xi32, #tpu.memory_space<vmem>>, %arg10: memref<128xi32, #tpu.memory_space<vmem>>, %arg11: memref<128x128xf32, #tpu.memory_space<vmem>>, %arg12: memref<128x128xf32, #tpu.memory_space<vmem>>, %arg13: memref<16xi32, #tpu.memory_space<vmem>>, %arg14: memref<16xi32, #tpu.memory_space<vmem>>, %arg15: memref<16x128xf32, #tpu.memory_space<vmem>>, %arg16: memref<10000x128xf32, #tpu.memory_space<vmem_shared>>, %arg17: memref<!tpu.dma_semaphore, #tpu.memory_space<semaphore_mem>>, %arg18: memref<!tpu.dma_semaphore, #tpu.memory_space<semaphore_mem>>, %arg19: memref<!tpu.dma_semaphore, #tpu.memory_space<semaphore_mem>>, %arg20: memref<!tpu.dma_semaphore, #tpu.memory_space<semaphore_mem>>) attributes {dimension_semantics = [#tpu.dimension_semantics<core_parallel>, #tpu.dimension_semantics<subcore_parallel>], iteration_bounds = array<i64: 2, 16>, scalar_prefetch = 0 : i64, scratch_operands = 14 : i64, tpu.core_type = #tpu.core_type<sc_vector_subcore>, window_params = [{transform_indices = #map}, {transform_indices = #map1}, {transform_indices = #map1}, {transform_indices = #map}, {transform_indices = #map}]} {
    %mul3A = arith.constant 16 : i32
    %mul3A_0 = arith.muli %arg0, %mul3A : i32
    %add3A = arith.addi %mul3A_0, %arg1 : i32
    %mul3A_1 = arith.constant 624 : i32
    %mul3A_2 = arith.muli %arg1, %mul3A_1 : i32
    "tpu.region"() ({
      %run_scoped3A = tpu.sem_alloc : memref<!tpu.dma_semaphore, #tpu.memory_space<semaphore_mem>>
      %dma_start3A_34 = arith.constant 0 : i32
      %dma_start3A_35 = tpu.memref_slice %arg16[%mul3A_2, %dma_start3A_34] : memref<10000x128xf32, #tpu.memory_space<vmem_shared>> -> memref<624x128xf32, #tpu.memory_space<vmem_shared>>
      %dma_start3A_36 = arith.constant 0 : i32
      %dma_start3A_37 = tpu.memref_slice %arg5[%mul3A_2, %dma_start3A_36] : memref<10000x128xf32, #tpu.memory_space<hbm>> -> memref<624x128xf32, #tpu.memory_space<hbm>>
      tpu.enqueue_dma source(%dma_start3A_37 : memref<624x128xf32, #tpu.memory_space<hbm>>) target(%dma_start3A_35 : memref<624x128xf32, #tpu.memory_space<vmem_shared>>) target_semaphore(%run_scoped3A : memref<!tpu.dma_semaphore, #tpu.memory_space<semaphore_mem>>)
      %dma_wait3A_38 = arith.constant 0 : i32
      %dma_wait3A_39 = tpu.memref_slice %arg16[%mul3A_2, %dma_wait3A_38] : memref<10000x128xf32, #tpu.memory_space<vmem_shared>> -> memref<624x128xf32, #tpu.memory_space<vmem_shared>>
      %dma_wait3A_40 = arith.constant 0 : i32
      %dma_wait3A_41 = tpu.memref_slice %arg5[%mul3A_2, %dma_wait3A_40] : memref<10000x128xf32, #tpu.memory_space<hbm>> -> memref<624x128xf32, #tpu.memory_space<hbm>>
      tpu.wait_dma2 semaphore(%run_scoped3A : memref<!tpu.dma_semaphore, #tpu.memory_space<semaphore_mem>>) src(%dma_wait3A_41 : memref<624x128xf32, #tpu.memory_space<hbm>>) dst(%dma_wait3A_39 : memref<624x128xf32, #tpu.memory_space<vmem_shared>>)
      tpu.yield
    }) : () -> ()
    %eq3A = arith.constant 15 : i32
    %eq3A_3 = arith.cmpi eq, %arg1, %eq3A : i32
    %convert_element_type3A = arith.extui %eq3A_3 : i1 to i32
    %cond3A = arith.constant 0 : i32
    %cond3A_4 = arith.cmpi ne, %convert_element_type3A, %cond3A : i32
    scf.if %cond3A_4 {
      "tpu.region"() ({
        %run_scoped3A = tpu.sem_alloc : memref<!tpu.dma_semaphore, #tpu.memory_space<semaphore_mem>>
        %dma_start3A_34 = arith.constant 9984 : i32
        %dma_start3A_35 = arith.constant 0 : i32
        %dma_start3A_36 = tpu.memref_slice %arg16[%dma_start3A_34, %dma_start3A_35] : memref<10000x128xf32, #tpu.memory_space<vmem_shared>> -> memref<16x128xf32, #tpu.memory_space<vmem_shared>>
        %dma_start3A_37 = arith.constant 9984 : i32
        %dma_start3A_38 = arith.constant 0 : i32
        %dma_start3A_39 = tpu.memref_slice %arg5[%dma_start3A_37, %dma_start3A_38] : memref<10000x128xf32, #tpu.memory_space<hbm>> -> memref<16x128xf32, #tpu.memory_space<hbm>>
        tpu.enqueue_dma source(%dma_start3A_39 : memref<16x128xf32, #tpu.memory_space<hbm>>) target(%dma_start3A_36 : memref<16x128xf32, #tpu.memory_space<vmem_shared>>) target_semaphore(%run_scoped3A : memref<!tpu.dma_semaphore, #tpu.memory_space<semaphore_mem>>)
        %dma_wait3A_40 = arith.constant 9984 : i32
        %dma_wait3A_41 = arith.constant 0 : i32
        %dma_wait3A_42 = tpu.memref_slice %arg16[%dma_wait3A_40, %dma_wait3A_41] : memref<10000x128xf32, #tpu.memory_space<vmem_shared>> -> memref<16x128xf32, #tpu.memory_space<vmem_shared>>
        %dma_wait3A_43 = arith.constant 9984 : i32
        %dma_wait3A_44 = arith.constant 0 : i32
        %dma_wait3A_45 = tpu.memref_slice %arg5[%dma_wait3A_43, %dma_wait3A_44] : memref<10000x128xf32, #tpu.memory_space<hbm>> -> memref<16x128xf32, #tpu.memory_space<hbm>>
        tpu.wait_dma2 semaphore(%run_scoped3A : memref<!tpu.dma_semaphore, #tpu.memory_space<semaphore_mem>>) src(%dma_wait3A_45 : memref<16x128xf32, #tpu.memory_space<hbm>>) dst(%dma_wait3A_42 : memref<16x128xf32, #tpu.memory_space<vmem_shared>>)
        tpu.yield
      }) : () -> ()
    } else {
    }
    %barrier3A = arith.constant 0 : index
    tpu.barrier barrier_id(%barrier3A)
    %mul3A_5 = arith.constant 10000 : i32
    %mul3A_6 = arith.muli %add3A, %mul3A_5 : i32
    %scan3A = arith.constant 0 : i32
    %scan3A_7 = arith.constant 39 : i32
    %scan3A_8 = arith.addi %scan3A, %scan3A_7 : i32
    %scan3A_9 = arith.constant 1 : i32
    scf.for %scan3A_34 = %scan3A to %scan3A_8 step %scan3A_9  : i32 {
      %mul3A_35 = arith.constant 1 : i32
      %mul3A_36 = arith.muli %scan3A_34, %mul3A_35 : i32
      %add3A_37 = arith.constant 0 : i32
      %add3A_38 = arith.addi %add3A_37, %mul3A_36 : i32
      %mul3A_39 = arith.constant 2 : i32
      %mul3A_40 = arith.muli %mul3A_39, %add3A_38 : i32
      %mul3A_41 = arith.constant 128 : i32
      %mul3A_42 = arith.muli %mul3A_40, %mul3A_41 : i32
      %add3A_43 = arith.addi %mul3A_6, %mul3A_42 : i32
      %add3A_44 = arith.constant 128 : i32
      %add3A_45 = arith.addi %add3A_43, %add3A_44 : i32
      %gt3A = arith.constant 0 : i32
      %gt3A_46 = arith.cmpi sgt, %add3A_38, %gt3A : i32
      %convert_element_type3A_47 = arith.extui %gt3A_46 : i1 to i32
      %cond3A_48 = arith.constant 0 : i32
      %cond3A_49 = arith.cmpi ne, %convert_element_type3A_47, %cond3A_48 : i32
      scf.if %cond3A_49 {
        %dma_wait3A_73 = arith.constant 0 : i32
        %dma_wait3A_74 = arith.constant 0 : i32
        %dma_wait3A_75 = tpu.memref_slice %arg16[%dma_wait3A_73, %dma_wait3A_74] : memref<10000x128xf32, #tpu.memory_space<vmem_shared>> -> memref<10000x128xf32, #tpu.memory_space<vmem_shared>>
        tpu.wait_indirect_dma semaphore(%arg19 : memref<!tpu.dma_semaphore, #tpu.memory_space<semaphore_mem>>) src(%arg11 : memref<128x128xf32, #tpu.memory_space<vmem>>) dst(%dma_wait3A_75 : memref<10000x128xf32, #tpu.memory_space<vmem_shared>>)
      } else {
      }
      "tpu.region"() ({
        %run_scoped3A = tpu.sem_alloc : memref<!tpu.dma_semaphore, #tpu.memory_space<semaphore_mem>>
        %dma_start3A_73 = tpu.memref_slice %arg3[%add3A_43] : memref<320000xi32, #tpu.memory_space<hbm>> -> memref<128xi32, #tpu.memory_space<hbm>>
        %dma_start3A_74 = tpu.memref_slice %arg3[%add3A_43] : memref<320000xi32, #tpu.memory_space<hbm>> -> memref<128xi32, #tpu.memory_space<hbm>>
        tpu.enqueue_dma source(%dma_start3A_74 : memref<128xi32, #tpu.memory_space<hbm>>) target(%arg7 : memref<128xi32, #tpu.memory_space<vmem>>) target_semaphore(%run_scoped3A : memref<!tpu.dma_semaphore, #tpu.memory_space<semaphore_mem>>)
        %dma_wait3A_75 = tpu.memref_slice %arg3[%add3A_43] : memref<320000xi32, #tpu.memory_space<hbm>> -> memref<128xi32, #tpu.memory_space<hbm>>
        %dma_wait3A_76 = tpu.memref_slice %arg3[%add3A_43] : memref<320000xi32, #tpu.memory_space<hbm>> -> memref<128xi32, #tpu.memory_space<hbm>>
        tpu.wait_dma2 semaphore(%run_scoped3A : memref<!tpu.dma_semaphore, #tpu.memory_space<semaphore_mem>>) src(%dma_wait3A_76 : memref<128xi32, #tpu.memory_space<hbm>>) dst(%arg7 : memref<128xi32, #tpu.memory_space<vmem>>)
        tpu.yield
      }) : () -> ()
      "tpu.region"() ({
        %run_scoped3A = tpu.sem_alloc : memref<!tpu.dma_semaphore, #tpu.memory_space<semaphore_mem>>
        %dma_start3A_73 = tpu.memref_slice %arg4[%add3A_43] : memref<320000xi32, #tpu.memory_space<hbm>> -> memref<128xi32, #tpu.memory_space<hbm>>
        %dma_start3A_74 = tpu.memref_slice %arg4[%add3A_43] : memref<320000xi32, #tpu.memory_space<hbm>> -> memref<128xi32, #tpu.memory_space<hbm>>
        tpu.enqueue_dma source(%dma_start3A_74 : memref<128xi32, #tpu.memory_space<hbm>>) target(%arg8 : memref<128xi32, #tpu.memory_space<vmem>>) target_semaphore(%run_scoped3A : memref<!tpu.dma_semaphore, #tpu.memory_space<semaphore_mem>>)
        %dma_wait3A_75 = tpu.memref_slice %arg4[%add3A_43] : memref<320000xi32, #tpu.memory_space<hbm>> -> memref<128xi32, #tpu.memory_space<hbm>>
        %dma_wait3A_76 = tpu.memref_slice %arg4[%add3A_43] : memref<320000xi32, #tpu.memory_space<hbm>> -> memref<128xi32, #tpu.memory_space<hbm>>
        tpu.wait_dma2 semaphore(%run_scoped3A : memref<!tpu.dma_semaphore, #tpu.memory_space<semaphore_mem>>) src(%dma_wait3A_76 : memref<128xi32, #tpu.memory_space<hbm>>) dst(%arg8 : memref<128xi32, #tpu.memory_space<vmem>>)
        tpu.yield
      }) : () -> ()
      %dma_start3A_50 = arith.constant 0 : i32
      %dma_start3A_51 = arith.constant 0 : i32
      %dma_start3A_52 = tpu.memref_slice %arg2[%dma_start3A_50, %dma_start3A_51] : memref<10000x128xf32, #tpu.memory_space<hbm>> -> memref<10000x128xf32, #tpu.memory_space<hbm>>
      tpu.enqueue_indirect_dma source(%dma_start3A_52 : memref<10000x128xf32, #tpu.memory_space<hbm>>) target(%arg11 : memref<128x128xf32, #tpu.memory_space<vmem>>) offsets(%arg7 : memref<128xi32, #tpu.memory_space<vmem>>) semaphore(%arg17 : memref<!tpu.dma_semaphore, #tpu.memory_space<semaphore_mem>>)
      %gt3A_53 = arith.constant 0 : i32
      %gt3A_54 = arith.cmpi sgt, %add3A_38, %gt3A_53 : i32
      %convert_element_type3A_55 = arith.extui %gt3A_54 : i1 to i32
      %cond3A_56 = arith.constant 0 : i32
      %cond3A_57 = arith.cmpi ne, %convert_element_type3A_55, %cond3A_56 : i32
      scf.if %cond3A_57 {
        %dma_wait3A_73 = arith.constant 0 : i32
        %dma_wait3A_74 = arith.constant 0 : i32
        %dma_wait3A_75 = tpu.memref_slice %arg16[%dma_wait3A_73, %dma_wait3A_74] : memref<10000x128xf32, #tpu.memory_space<vmem_shared>> -> memref<10000x128xf32, #tpu.memory_space<vmem_shared>>
        tpu.wait_indirect_dma semaphore(%arg20 : memref<!tpu.dma_semaphore, #tpu.memory_space<semaphore_mem>>) src(%arg12 : memref<128x128xf32, #tpu.memory_space<vmem>>) dst(%dma_wait3A_75 : memref<10000x128xf32, #tpu.memory_space<vmem_shared>>)
      } else {
      }
      "tpu.region"() ({
        %run_scoped3A = tpu.sem_alloc : memref<!tpu.dma_semaphore, #tpu.memory_space<semaphore_mem>>
        %dma_start3A_73 = tpu.memref_slice %arg3[%add3A_45] : memref<320000xi32, #tpu.memory_space<hbm>> -> memref<128xi32, #tpu.memory_space<hbm>>
        %dma_start3A_74 = tpu.memref_slice %arg3[%add3A_45] : memref<320000xi32, #tpu.memory_space<hbm>> -> memref<128xi32, #tpu.memory_space<hbm>>
        tpu.enqueue_dma source(%dma_start3A_74 : memref<128xi32, #tpu.memory_space<hbm>>) target(%arg9 : memref<128xi32, #tpu.memory_space<vmem>>) target_semaphore(%run_scoped3A : memref<!tpu.dma_semaphore, #tpu.memory_space<semaphore_mem>>)
        %dma_wait3A_75 = tpu.memref_slice %arg3[%add3A_45] : memref<320000xi32, #tpu.memory_space<hbm>> -> memref<128xi32, #tpu.memory_space<hbm>>
        %dma_wait3A_76 = tpu.memref_slice %arg3[%add3A_45] : memref<320000xi32, #tpu.memory_space<hbm>> -> memref<128xi32, #tpu.memory_space<hbm>>
        tpu.wait_dma2 semaphore(%run_scoped3A : memref<!tpu.dma_semaphore, #tpu.memory_space<semaphore_mem>>) src(%dma_wait3A_76 : memref<128xi32, #tpu.memory_space<hbm>>) dst(%arg9 : memref<128xi32, #tpu.memory_space<vmem>>)
        tpu.yield
      }) : () -> ()
      "tpu.region"() ({
        %run_scoped3A = tpu.sem_alloc : memref<!tpu.dma_semaphore, #tpu.memory_space<semaphore_mem>>
        %dma_start3A_73 = tpu.memref_slice %arg4[%add3A_45] : memref<320000xi32, #tpu.memory_space<hbm>> -> memref<128xi32, #tpu.memory_space<hbm>>
        %dma_start3A_74 = tpu.memref_slice %arg4[%add3A_45] : memref<320000xi32, #tpu.memory_space<hbm>> -> memref<128xi32, #tpu.memory_space<hbm>>
        tpu.enqueue_dma source(%dma_start3A_74 : memref<128xi32, #tpu.memory_space<hbm>>) target(%arg10 : memref<128xi32, #tpu.memory_space<vmem>>) target_semaphore(%run_scoped3A : memref<!tpu.dma_semaphore, #tpu.memory_space<semaphore_mem>>)
        %dma_wait3A_75 = tpu.memref_slice %arg4[%add3A_45] : memref<320000xi32, #tpu.memory_space<hbm>> -> memref<128xi32, #tpu.memory_space<hbm>>
        %dma_wait3A_76 = tpu.memref_slice %arg4[%add3A_45] : memref<320000xi32, #tpu.memory_space<hbm>> -> memref<128xi32, #tpu.memory_space<hbm>>
        tpu.wait_dma2 semaphore(%run_scoped3A : memref<!tpu.dma_semaphore, #tpu.memory_space<semaphore_mem>>) src(%dma_wait3A_76 : memref<128xi32, #tpu.memory_space<hbm>>) dst(%arg10 : memref<128xi32, #tpu.memory_space<vmem>>)
        tpu.yield
      }) : () -> ()
      %dma_start3A_58 = arith.constant 0 : i32
      %dma_start3A_59 = arith.constant 0 : i32
      %dma_start3A_60 = tpu.memref_slice %arg2[%dma_start3A_58, %dma_start3A_59] : memref<10000x128xf32, #tpu.memory_space<hbm>> -> memref<10000x128xf32, #tpu.memory_space<hbm>>
      tpu.enqueue_indirect_dma source(%dma_start3A_60 : memref<10000x128xf32, #tpu.memory_space<hbm>>) target(%arg12 : memref<128x128xf32, #tpu.memory_space<vmem>>) offsets(%arg9 : memref<128xi32, #tpu.memory_space<vmem>>) semaphore(%arg18 : memref<!tpu.dma_semaphore, #tpu.memory_space<semaphore_mem>>)
      %dma_wait3A_61 = arith.constant 0 : i32
      %dma_wait3A_62 = arith.constant 0 : i32
      %dma_wait3A_63 = tpu.memref_slice %arg2[%dma_wait3A_61, %dma_wait3A_62] : memref<10000x128xf32, #tpu.memory_space<hbm>> -> memref<10000x128xf32, #tpu.memory_space<hbm>>
      tpu.wait_indirect_dma semaphore(%arg17 : memref<!tpu.dma_semaphore, #tpu.memory_space<semaphore_mem>>) src(%dma_wait3A_63 : memref<10000x128xf32, #tpu.memory_space<hbm>>) dst(%arg11 : memref<128x128xf32, #tpu.memory_space<vmem>>)
      %dma_start3A_64 = arith.constant 0 : i32
      %dma_start3A_65 = arith.constant 0 : i32
      %dma_start3A_66 = tpu.memref_slice %arg16[%dma_start3A_64, %dma_start3A_65] : memref<10000x128xf32, #tpu.memory_space<vmem_shared>> -> memref<10000x128xf32, #tpu.memory_space<vmem_shared>>
      tpu.enqueue_indirect_dma source(%arg11 : memref<128x128xf32, #tpu.memory_space<vmem>>) target(%dma_start3A_66 : memref<10000x128xf32, #tpu.memory_space<vmem_shared>>) offsets(%arg8 : memref<128xi32, #tpu.memory_space<vmem>>) semaphore(%arg19 : memref<!tpu.dma_semaphore, #tpu.memory_space<semaphore_mem>>) {add = true}
      %dma_wait3A_67 = arith.constant 0 : i32
      %dma_wait3A_68 = arith.constant 0 : i32
      %dma_wait3A_69 = tpu.memref_slice %arg2[%dma_wait3A_67, %dma_wait3A_68] : memref<10000x128xf32, #tpu.memory_space<hbm>> -> memref<10000x128xf32, #tpu.memory_space<hbm>>
      tpu.wait_indirect_dma semaphore(%arg18 : memref<!tpu.dma_semaphore, #tpu.memory_space<semaphore_mem>>) src(%dma_wait3A_69 : memref<10000x128xf32, #tpu.memory_space<hbm>>) dst(%arg12 : memref<128x128xf32, #tpu.memory_space<vmem>>)
      %dma_start3A_70 = arith.constant 0 : i32
      %dma_start3A_71 = arith.constant 0 : i32
      %dma_start3A_72 = tpu.memref_slice %arg16[%dma_start3A_70, %dma_start3A_71] : memref<10000x128xf32, #tpu.memory_space<vmem_shared>> -> memref<10000x128xf32, #tpu.memory_space<vmem_shared>>
      tpu.enqueue_indirect_dma source(%arg12 : memref<128x128xf32, #tpu.memory_space<vmem>>) target(%dma_start3A_72 : memref<10000x128xf32, #tpu.memory_space<vmem_shared>>) offsets(%arg10 : memref<128xi32, #tpu.memory_space<vmem>>) semaphore(%arg20 : memref<!tpu.dma_semaphore, #tpu.memory_space<semaphore_mem>>) {add = true}
    }
    %scan3A_10 = arith.constant 39 : i32
    %dma_wait3A = arith.constant 0 : i32
    %dma_wait3A_11 = arith.constant 0 : i32
    %dma_wait3A_12 = tpu.memref_slice %arg16[%dma_wait3A, %dma_wait3A_11] : memref<10000x128xf32, #tpu.memory_space<vmem_shared>> -> memref<10000x128xf32, #tpu.memory_space<vmem_shared>>
    tpu.wait_indirect_dma semaphore(%arg19 : memref<!tpu.dma_semaphore, #tpu.memory_space<semaphore_mem>>) src(%arg11 : memref<128x128xf32, #tpu.memory_space<vmem>>) dst(%dma_wait3A_12 : memref<10000x128xf32, #tpu.memory_space<vmem_shared>>)
    %dma_wait3A_13 = arith.constant 0 : i32
    %dma_wait3A_14 = arith.constant 0 : i32
    %dma_wait3A_15 = tpu.memref_slice %arg16[%dma_wait3A_13, %dma_wait3A_14] : memref<10000x128xf32, #tpu.memory_space<vmem_shared>> -> memref<10000x128xf32, #tpu.memory_space<vmem_shared>>
    tpu.wait_indirect_dma semaphore(%arg20 : memref<!tpu.dma_semaphore, #tpu.memory_space<semaphore_mem>>) src(%arg12 : memref<128x128xf32, #tpu.memory_space<vmem>>) dst(%dma_wait3A_15 : memref<10000x128xf32, #tpu.memory_space<vmem_shared>>)
    %add3A_16 = arith.constant 9984 : i32
    %add3A_17 = arith.addi %mul3A_6, %add3A_16 : i32
    "tpu.region"() ({
      %run_scoped3A = tpu.sem_alloc : memref<!tpu.dma_semaphore, #tpu.memory_space<semaphore_mem>>
      %dma_start3A_34 = tpu.memref_slice %arg3[%add3A_17] : memref<320000xi32, #tpu.memory_space<hbm>> -> memref<16xi32, #tpu.memory_space<hbm>>
      %dma_start3A_35 = tpu.memref_slice %arg3[%add3A_17] : memref<320000xi32, #tpu.memory_space<hbm>> -> memref<16xi32, #tpu.memory_space<hbm>>
      tpu.enqueue_dma source(%dma_start3A_35 : memref<16xi32, #tpu.memory_space<hbm>>) target(%arg13 : memref<16xi32, #tpu.memory_space<vmem>>) target_semaphore(%run_scoped3A : memref<!tpu.dma_semaphore, #tpu.memory_space<semaphore_mem>>)
      %dma_wait3A_36 = tpu.memref_slice %arg3[%add3A_17] : memref<320000xi32, #tpu.memory_space<hbm>> -> memref<16xi32, #tpu.memory_space<hbm>>
      %dma_wait3A_37 = tpu.memref_slice %arg3[%add3A_17] : memref<320000xi32, #tpu.memory_space<hbm>> -> memref<16xi32, #tpu.memory_space<hbm>>
      tpu.wait_dma2 semaphore(%run_scoped3A : memref<!tpu.dma_semaphore, #tpu.memory_space<semaphore_mem>>) src(%dma_wait3A_37 : memref<16xi32, #tpu.memory_space<hbm>>) dst(%arg13 : memref<16xi32, #tpu.memory_space<vmem>>)
      tpu.yield
    }) : () -> ()
    "tpu.region"() ({
      %run_scoped3A = tpu.sem_alloc : memref<!tpu.dma_semaphore, #tpu.memory_space<semaphore_mem>>
      %dma_start3A_34 = tpu.memref_slice %arg4[%add3A_17] : memref<320000xi32, #tpu.memory_space<hbm>> -> memref<16xi32, #tpu.memory_space<hbm>>
      %dma_start3A_35 = tpu.memref_slice %arg4[%add3A_17] : memref<320000xi32, #tpu.memory_space<hbm>> -> memref<16xi32, #tpu.memory_space<hbm>>
      tpu.enqueue_dma source(%dma_start3A_35 : memref<16xi32, #tpu.memory_space<hbm>>) target(%arg14 : memref<16xi32, #tpu.memory_space<vmem>>) target_semaphore(%run_scoped3A : memref<!tpu.dma_semaphore, #tpu.memory_space<semaphore_mem>>)
      %dma_wait3A_36 = tpu.memref_slice %arg4[%add3A_17] : memref<320000xi32, #tpu.memory_space<hbm>> -> memref<16xi32, #tpu.memory_space<hbm>>
      %dma_wait3A_37 = tpu.memref_slice %arg4[%add3A_17] : memref<320000xi32, #tpu.memory_space<hbm>> -> memref<16xi32, #tpu.memory_space<hbm>>
      tpu.wait_dma2 semaphore(%run_scoped3A : memref<!tpu.dma_semaphore, #tpu.memory_space<semaphore_mem>>) src(%dma_wait3A_37 : memref<16xi32, #tpu.memory_space<hbm>>) dst(%arg14 : memref<16xi32, #tpu.memory_space<vmem>>)
      tpu.yield
    }) : () -> ()
    %dma_start3A = arith.constant 0 : i32
    %dma_start3A_18 = arith.constant 0 : i32
    %dma_start3A_19 = tpu.memref_slice %arg2[%dma_start3A, %dma_start3A_18] : memref<10000x128xf32, #tpu.memory_space<hbm>> -> memref<10000x128xf32, #tpu.memory_space<hbm>>
    tpu.enqueue_indirect_dma source(%dma_start3A_19 : memref<10000x128xf32, #tpu.memory_space<hbm>>) target(%arg15 : memref<16x128xf32, #tpu.memory_space<vmem>>) offsets(%arg13 : memref<16xi32, #tpu.memory_space<vmem>>) semaphore(%arg17 : memref<!tpu.dma_semaphore, #tpu.memory_space<semaphore_mem>>)
    %dma_wait3A_20 = arith.constant 0 : i32
    %dma_wait3A_21 = arith.constant 0 : i32
    %dma_wait3A_22 = tpu.memref_slice %arg2[%dma_wait3A_20, %dma_wait3A_21] : memref<10000x128xf32, #tpu.memory_space<hbm>> -> memref<10000x128xf32, #tpu.memory_space<hbm>>
    tpu.wait_indirect_dma semaphore(%arg17 : memref<!tpu.dma_semaphore, #tpu.memory_space<semaphore_mem>>) src(%dma_wait3A_22 : memref<10000x128xf32, #tpu.memory_space<hbm>>) dst(%arg15 : memref<16x128xf32, #tpu.memory_space<vmem>>)
    "tpu.region"() ({
      %run_scoped3A = tpu.sem_alloc : memref<!tpu.dma_semaphore, #tpu.memory_space<semaphore_mem>>
      %dma_start3A_34 = arith.constant 0 : i32
      %dma_start3A_35 = arith.constant 0 : i32
      %dma_start3A_36 = tpu.memref_slice %arg16[%dma_start3A_34, %dma_start3A_35] : memref<10000x128xf32, #tpu.memory_space<vmem_shared>> -> memref<10000x128xf32, #tpu.memory_space<vmem_shared>>
      tpu.enqueue_indirect_dma source(%arg15 : memref<16x128xf32, #tpu.memory_space<vmem>>) target(%dma_start3A_36 : memref<10000x128xf32, #tpu.memory_space<vmem_shared>>) offsets(%arg14 : memref<16xi32, #tpu.memory_space<vmem>>) semaphore(%run_scoped3A : memref<!tpu.dma_semaphore, #tpu.memory_space<semaphore_mem>>) {add = true}
      %dma_wait3A_37 = arith.constant 0 : i32
      %dma_wait3A_38 = arith.constant 0 : i32
      %dma_wait3A_39 = tpu.memref_slice %arg16[%dma_wait3A_37, %dma_wait3A_38] : memref<10000x128xf32, #tpu.memory_space<vmem_shared>> -> memref<10000x128xf32, #tpu.memory_space<vmem_shared>>
      tpu.wait_indirect_dma semaphore(%run_scoped3A : memref<!tpu.dma_semaphore, #tpu.memory_space<semaphore_mem>>) src(%arg15 : memref<16x128xf32, #tpu.memory_space<vmem>>) dst(%dma_wait3A_39 : memref<10000x128xf32, #tpu.memory_space<vmem_shared>>)
      tpu.yield
    }) : () -> ()
    %barrier3A_23 = arith.constant 0 : index
    tpu.barrier barrier_id(%barrier3A_23)
    %mul3A_24 = arith.constant 624 : i32
    %mul3A_25 = arith.muli %arg1, %mul3A_24 : i32
    %mul3A_26 = arith.constant 10000 : i32
    %mul3A_27 = arith.muli %arg0, %mul3A_26 : i32
    %add3A_28 = arith.addi %mul3A_27, %mul3A_25 : i32
    "tpu.region"() ({
      %run_scoped3A = tpu.sem_alloc : memref<!tpu.dma_semaphore, #tpu.memory_space<semaphore_mem>>
      %dma_start3A_34 = arith.constant 0 : i32
      %dma_start3A_35 = tpu.memref_slice %arg6[%add3A_28, %dma_start3A_34] : memref<20000x128xf32, #tpu.memory_space<hbm>> -> memref<624x128xf32, #tpu.memory_space<hbm>>
      %dma_start3A_36 = arith.constant 0 : i32
      %dma_start3A_37 = tpu.memref_slice %arg16[%mul3A_25, %dma_start3A_36] : memref<10000x128xf32, #tpu.memory_space<vmem_shared>> -> memref<624x128xf32, #tpu.memory_space<vmem_shared>>
      tpu.enqueue_dma source(%dma_start3A_37 : memref<624x128xf32, #tpu.memory_space<vmem_shared>>) target(%dma_start3A_35 : memref<624x128xf32, #tpu.memory_space<hbm>>) target_semaphore(%run_scoped3A : memref<!tpu.dma_semaphore, #tpu.memory_space<semaphore_mem>>)
      %dma_wait3A_38 = arith.constant 0 : i32
      %dma_wait3A_39 = tpu.memref_slice %arg6[%add3A_28, %dma_wait3A_38] : memref<20000x128xf32, #tpu.memory_space<hbm>> -> memref<624x128xf32, #tpu.memory_space<hbm>>
      %dma_wait3A_40 = arith.constant 0 : i32
      %dma_wait3A_41 = tpu.memref_slice %arg16[%mul3A_25, %dma_wait3A_40] : memref<10000x128xf32, #tpu.memory_space<vmem_shared>> -> memref<624x128xf32, #tpu.memory_space<vmem_shared>>
      tpu.wait_dma2 semaphore(%run_scoped3A : memref<!tpu.dma_semaphore, #tpu.memory_space<semaphore_mem>>) src(%dma_wait3A_41 : memref<624x128xf32, #tpu.memory_space<vmem_shared>>) dst(%dma_wait3A_39 : memref<624x128xf32, #tpu.memory_space<hbm>>)
      tpu.yield
    }) : () -> ()
    %eq3A_29 = arith.constant 15 : i32
    %eq3A_30 = arith.cmpi eq, %arg1, %eq3A_29 : i32
    %convert_element_type3A_31 = arith.extui %eq3A_30 : i1 to i32
    %cond3A_32 = arith.constant 0 : i32
    %cond3A_33 = arith.cmpi ne, %convert_element_type3A_31, %cond3A_32 : i32
    scf.if %cond3A_33 {
      %mul3A_34 = arith.constant 10000 : i32
      %mul3A_35 = arith.muli %arg0, %mul3A_34 : i32
      %add3A_36 = arith.constant 9984 : i32
      %add3A_37 = arith.addi %mul3A_35, %add3A_36 : i32
      "tpu.region"() ({
        %run_scoped3A = tpu.sem_alloc : memref<!tpu.dma_semaphore, #tpu.memory_space<semaphore_mem>>
        %dma_start3A_38 = arith.constant 0 : i32
        %dma_start3A_39 = tpu.memref_slice %arg6[%add3A_37, %dma_start3A_38] : memref<20000x128xf32, #tpu.memory_space<hbm>> -> memref<16x128xf32, #tpu.memory_space<hbm>>
        %dma_start3A_40 = arith.constant 9984 : i32
        %dma_start3A_41 = arith.constant 0 : i32
        %dma_start3A_42 = tpu.memref_slice %arg16[%dma_start3A_40, %dma_start3A_41] : memref<10000x128xf32, #tpu.memory_space<vmem_shared>> -> memref<16x128xf32, #tpu.memory_space<vmem_shared>>
        tpu.enqueue_dma source(%dma_start3A_42 : memref<16x128xf32, #tpu.memory_space<vmem_shared>>) target(%dma_start3A_39 : memref<16x128xf32, #tpu.memory_space<hbm>>) target_semaphore(%run_scoped3A : memref<!tpu.dma_semaphore, #tpu.memory_space<semaphore_mem>>)
        %dma_wait3A_43 = arith.constant 0 : i32
        %dma_wait3A_44 = tpu.memref_slice %arg6[%add3A_37, %dma_wait3A_43] : memref<20000x128xf32, #tpu.memory_space<hbm>> -> memref<16x128xf32, #tpu.memory_space<hbm>>
        %dma_wait3A_45 = arith.constant 9984 : i32
        %dma_wait3A_46 = arith.constant 0 : i32
        %dma_wait3A_47 = tpu.memref_slice %arg16[%dma_wait3A_45, %dma_wait3A_46] : memref<10000x128xf32, #tpu.memory_space<vmem_shared>> -> memref<16x128xf32, #tpu.memory_space<vmem_shared>>
        tpu.wait_dma2 semaphore(%run_scoped3A : memref<!tpu.dma_semaphore, #tpu.memory_space<semaphore_mem>>) src(%dma_wait3A_47 : memref<16x128xf32, #tpu.memory_space<vmem_shared>>) dst(%dma_wait3A_44 : memref<16x128xf32, #tpu.memory_space<hbm>>)
        tpu.yield
      }) : () -> ()
    } else {
    }
    return
  }
}

#map = affine_map<(d0, d1) -> (0, 0)>
#map1 = affine_map<(d0, d1) -> (0)>
module attributes {stable_mosaic.version = 14 : i64} {
  func.func @_edge_sc(%arg0: i32, %arg1: i32, %arg2: memref<10000x128xf32, #tpu.memory_space<hbm>>, %arg3: memref<320000xi32, #tpu.memory_space<hbm>>, %arg4: memref<320000xi32, #tpu.memory_space<hbm>>, %arg5: memref<10000x128xf32, #tpu.memory_space<hbm>>, %arg6: memref<20000x128xf32, #tpu.memory_space<hbm>>, %arg7: memref<128xi32, #tpu.memory_space<vmem>>, %arg8: memref<128xi32, #tpu.memory_space<vmem>>, %arg9: memref<128xi32, #tpu.memory_space<vmem>>, %arg10: memref<128xi32, #tpu.memory_space<vmem>>, %arg11: memref<128x128xf32, #tpu.memory_space<vmem>>, %arg12: memref<128x128xf32, #tpu.memory_space<vmem>>, %arg13: memref<16xi32, #tpu.memory_space<vmem>>, %arg14: memref<16xi32, #tpu.memory_space<vmem>>, %arg15: memref<16x128xf32, #tpu.memory_space<vmem>>, %arg16: memref<10000x128xf32, #tpu.memory_space<vmem_shared>>, %arg17: memref<!tpu.dma_semaphore, #tpu.memory_space<semaphore_mem>>, %arg18: memref<!tpu.dma_semaphore, #tpu.memory_space<semaphore_mem>>, %arg19: memref<!tpu.dma_semaphore, #tpu.memory_space<semaphore_mem>>, %arg20: memref<!tpu.dma_semaphore, #tpu.memory_space<semaphore_mem>>) attributes {dimension_semantics = [#tpu.dimension_semantics<core_parallel>, #tpu.dimension_semantics<subcore_parallel>], iteration_bounds = array<i64: 2, 16>, scalar_prefetch = 0 : i64, scratch_operands = 14 : i64, tpu.core_type = #tpu.core_type<sc_vector_subcore>, window_params = [{transform_indices = #map}, {transform_indices = #map1}, {transform_indices = #map1}, {transform_indices = #map}, {transform_indices = #map}]} {
    %mul3A = arith.constant 16 : i32
    %mul3A_0 = arith.muli %arg0, %mul3A : i32
    %add3A = arith.addi %mul3A_0, %arg1 : i32
    %mul3A_1 = arith.constant 624 : i32
    %mul3A_2 = arith.muli %arg1, %mul3A_1 : i32
    "tpu.region"() ({
      %run_scoped3A = tpu.sem_alloc : memref<!tpu.dma_semaphore, #tpu.memory_space<semaphore_mem>>
      %dma_start3A_34 = arith.constant 0 : i32
      %dma_start3A_35 = tpu.memref_slice %arg16[%mul3A_2, %dma_start3A_34] : memref<10000x128xf32, #tpu.memory_space<vmem_shared>> -> memref<624x128xf32, #tpu.memory_space<vmem_shared>>
      %dma_start3A_36 = arith.constant 0 : i32
      %dma_start3A_37 = tpu.memref_slice %arg5[%mul3A_2, %dma_start3A_36] : memref<10000x128xf32, #tpu.memory_space<hbm>> -> memref<624x128xf32, #tpu.memory_space<hbm>>
      tpu.enqueue_dma source(%dma_start3A_37 : memref<624x128xf32, #tpu.memory_space<hbm>>) target(%dma_start3A_35 : memref<624x128xf32, #tpu.memory_space<vmem_shared>>) target_semaphore(%run_scoped3A : memref<!tpu.dma_semaphore, #tpu.memory_space<semaphore_mem>>)
      %dma_wait3A_38 = arith.constant 0 : i32
      %dma_wait3A_39 = tpu.memref_slice %arg16[%mul3A_2, %dma_wait3A_38] : memref<10000x128xf32, #tpu.memory_space<vmem_shared>> -> memref<624x128xf32, #tpu.memory_space<vmem_shared>>
      %dma_wait3A_40 = arith.constant 0 : i32
      %dma_wait3A_41 = tpu.memref_slice %arg5[%mul3A_2, %dma_wait3A_40] : memref<10000x128xf32, #tpu.memory_space<hbm>> -> memref<624x128xf32, #tpu.memory_space<hbm>>
      tpu.wait_dma2 semaphore(%run_scoped3A : memref<!tpu.dma_semaphore, #tpu.memory_space<semaphore_mem>>) src(%dma_wait3A_41 : memref<624x128xf32, #tpu.memory_space<hbm>>) dst(%dma_wait3A_39 : memref<624x128xf32, #tpu.memory_space<vmem_shared>>)
      tpu.yield
    }) : () -> ()
    %eq3A = arith.constant 15 : i32
    %eq3A_3 = arith.cmpi eq, %arg1, %eq3A : i32
    %convert_element_type3A = arith.extui %eq3A_3 : i1 to i32
    %cond3A = arith.constant 0 : i32
    %cond3A_4 = arith.cmpi ne, %convert_element_type3A, %cond3A : i32
    scf.if %cond3A_4 {
      "tpu.region"() ({
        %run_scoped3A = tpu.sem_alloc : memref<!tpu.dma_semaphore, #tpu.memory_space<semaphore_mem>>
        %dma_start3A_34 = arith.constant 9984 : i32
        %dma_start3A_35 = arith.constant 0 : i32
        %dma_start3A_36 = tpu.memref_slice %arg16[%dma_start3A_34, %dma_start3A_35] : memref<10000x128xf32, #tpu.memory_space<vmem_shared>> -> memref<16x128xf32, #tpu.memory_space<vmem_shared>>
        %dma_start3A_37 = arith.constant 9984 : i32
        %dma_start3A_38 = arith.constant 0 : i32
        %dma_start3A_39 = tpu.memref_slice %arg5[%dma_start3A_37, %dma_start3A_38] : memref<10000x128xf32, #tpu.memory_space<hbm>> -> memref<16x128xf32, #tpu.memory_space<hbm>>
        tpu.enqueue_dma source(%dma_start3A_39 : memref<16x128xf32, #tpu.memory_space<hbm>>) target(%dma_start3A_36 : memref<16x128xf32, #tpu.memory_space<vmem_shared>>) target_semaphore(%run_scoped3A : memref<!tpu.dma_semaphore, #tpu.memory_space<semaphore_mem>>)
        %dma_wait3A_40 = arith.constant 9984 : i32
        %dma_wait3A_41 = arith.constant 0 : i32
        %dma_wait3A_42 = tpu.memref_slice %arg16[%dma_wait3A_40, %dma_wait3A_41] : memref<10000x128xf32, #tpu.memory_space<vmem_shared>> -> memref<16x128xf32, #tpu.memory_space<vmem_shared>>
        %dma_wait3A_43 = arith.constant 9984 : i32
        %dma_wait3A_44 = arith.constant 0 : i32
        %dma_wait3A_45 = tpu.memref_slice %arg5[%dma_wait3A_43, %dma_wait3A_44] : memref<10000x128xf32, #tpu.memory_space<hbm>> -> memref<16x128xf32, #tpu.memory_space<hbm>>
        tpu.wait_dma2 semaphore(%run_scoped3A : memref<!tpu.dma_semaphore, #tpu.memory_space<semaphore_mem>>) src(%dma_wait3A_45 : memref<16x128xf32, #tpu.memory_space<hbm>>) dst(%dma_wait3A_42 : memref<16x128xf32, #tpu.memory_space<vmem_shared>>)
        tpu.yield
      }) : () -> ()
    } else {
    }
    %barrier3A = arith.constant 0 : index
    tpu.barrier barrier_id(%barrier3A)
    %mul3A_5 = arith.constant 10000 : i32
    %mul3A_6 = arith.muli %add3A, %mul3A_5 : i32
    %scan3A = arith.constant 0 : i32
    %scan3A_7 = arith.constant 39 : i32
    %scan3A_8 = arith.addi %scan3A, %scan3A_7 : i32
    %scan3A_9 = arith.constant 1 : i32
    scf.for %scan3A_34 = %scan3A to %scan3A_8 step %scan3A_9  : i32 {
      %mul3A_35 = arith.constant 1 : i32
      %mul3A_36 = arith.muli %scan3A_34, %mul3A_35 : i32
      %add3A_37 = arith.constant 0 : i32
      %add3A_38 = arith.addi %add3A_37, %mul3A_36 : i32
      %mul3A_39 = arith.constant 2 : i32
      %mul3A_40 = arith.muli %mul3A_39, %add3A_38 : i32
      %mul3A_41 = arith.constant 128 : i32
      %mul3A_42 = arith.muli %mul3A_40, %mul3A_41 : i32
      %add3A_43 = arith.addi %mul3A_6, %mul3A_42 : i32
      %add3A_44 = arith.constant 128 : i32
      %add3A_45 = arith.addi %add3A_43, %add3A_44 : i32
      %gt3A = arith.constant 0 : i32
      %gt3A_46 = arith.cmpi sgt, %add3A_38, %gt3A : i32
      %convert_element_type3A_47 = arith.extui %gt3A_46 : i1 to i32
      %cond3A_48 = arith.constant 0 : i32
      %cond3A_49 = arith.cmpi ne, %convert_element_type3A_47, %cond3A_48 : i32
      scf.if %cond3A_49 {
        %dma_wait3A_73 = arith.constant 0 : i32
        %dma_wait3A_74 = arith.constant 0 : i32
        %dma_wait3A_75 = tpu.memref_slice %arg16[%dma_wait3A_73, %dma_wait3A_74] : memref<10000x128xf32, #tpu.memory_space<vmem_shared>> -> memref<10000x128xf32, #tpu.memory_space<vmem_shared>>
        tpu.wait_indirect_dma semaphore(%arg19 : memref<!tpu.dma_semaphore, #tpu.memory_space<semaphore_mem>>) src(%arg11 : memref<128x128xf32, #tpu.memory_space<vmem>>) dst(%dma_wait3A_75 : memref<10000x128xf32, #tpu.memory_space<vmem_shared>>)
      } else {
      }
      "tpu.region"() ({
        %run_scoped3A = tpu.sem_alloc : memref<!tpu.dma_semaphore, #tpu.memory_space<semaphore_mem>>
        %dma_start3A_73 = tpu.memref_slice %arg3[%add3A_43] : memref<320000xi32, #tpu.memory_space<hbm>> -> memref<128xi32, #tpu.memory_space<hbm>>
        %dma_start3A_74 = tpu.memref_slice %arg3[%add3A_43] : memref<320000xi32, #tpu.memory_space<hbm>> -> memref<128xi32, #tpu.memory_space<hbm>>
        tpu.enqueue_dma source(%dma_start3A_74 : memref<128xi32, #tpu.memory_space<hbm>>) target(%arg7 : memref<128xi32, #tpu.memory_space<vmem>>) target_semaphore(%run_scoped3A : memref<!tpu.dma_semaphore, #tpu.memory_space<semaphore_mem>>)
        %dma_wait3A_75 = tpu.memref_slice %arg3[%add3A_43] : memref<320000xi32, #tpu.memory_space<hbm>> -> memref<128xi32, #tpu.memory_space<hbm>>
        %dma_wait3A_76 = tpu.memref_slice %arg3[%add3A_43] : memref<320000xi32, #tpu.memory_space<hbm>> -> memref<128xi32, #tpu.memory_space<hbm>>
        tpu.wait_dma2 semaphore(%run_scoped3A : memref<!tpu.dma_semaphore, #tpu.memory_space<semaphore_mem>>) src(%dma_wait3A_76 : memref<128xi32, #tpu.memory_space<hbm>>) dst(%arg7 : memref<128xi32, #tpu.memory_space<vmem>>)
        tpu.yield
      }) : () -> ()
      "tpu.region"() ({
        %run_scoped3A = tpu.sem_alloc : memref<!tpu.dma_semaphore, #tpu.memory_space<semaphore_mem>>
        %dma_start3A_73 = tpu.memref_slice %arg4[%add3A_43] : memref<320000xi32, #tpu.memory_space<hbm>> -> memref<128xi32, #tpu.memory_space<hbm>>
        %dma_start3A_74 = tpu.memref_slice %arg4[%add3A_43] : memref<320000xi32, #tpu.memory_space<hbm>> -> memref<128xi32, #tpu.memory_space<hbm>>
        tpu.enqueue_dma source(%dma_start3A_74 : memref<128xi32, #tpu.memory_space<hbm>>) target(%arg8 : memref<128xi32, #tpu.memory_space<vmem>>) target_semaphore(%run_scoped3A : memref<!tpu.dma_semaphore, #tpu.memory_space<semaphore_mem>>)
        %dma_wait3A_75 = tpu.memref_slice %arg4[%add3A_43] : memref<320000xi32, #tpu.memory_space<hbm>> -> memref<128xi32, #tpu.memory_space<hbm>>
        %dma_wait3A_76 = tpu.memref_slice %arg4[%add3A_43] : memref<320000xi32, #tpu.memory_space<hbm>> -> memref<128xi32, #tpu.memory_space<hbm>>
        tpu.wait_dma2 semaphore(%run_scoped3A : memref<!tpu.dma_semaphore, #tpu.memory_space<semaphore_mem>>) src(%dma_wait3A_76 : memref<128xi32, #tpu.memory_space<hbm>>) dst(%arg8 : memref<128xi32, #tpu.memory_space<vmem>>)
        tpu.yield
      }) : () -> ()
      %dma_start3A_50 = arith.constant 0 : i32
      %dma_start3A_51 = arith.constant 0 : i32
      %dma_start3A_52 = tpu.memref_slice %arg2[%dma_start3A_50, %dma_start3A_51] : memref<10000x128xf32, #tpu.memory_space<hbm>> -> memref<10000x128xf32, #tpu.memory_space<hbm>>
      tpu.enqueue_indirect_dma source(%dma_start3A_52 : memref<10000x128xf32, #tpu.memory_space<hbm>>) target(%arg11 : memref<128x128xf32, #tpu.memory_space<vmem>>) offsets(%arg7 : memref<128xi32, #tpu.memory_space<vmem>>) semaphore(%arg17 : memref<!tpu.dma_semaphore, #tpu.memory_space<semaphore_mem>>)
      %gt3A_53 = arith.constant 0 : i32
      %gt3A_54 = arith.cmpi sgt, %add3A_38, %gt3A_53 : i32
      %convert_element_type3A_55 = arith.extui %gt3A_54 : i1 to i32
      %cond3A_56 = arith.constant 0 : i32
      %cond3A_57 = arith.cmpi ne, %convert_element_type3A_55, %cond3A_56 : i32
      scf.if %cond3A_57 {
        %dma_wait3A_73 = arith.constant 0 : i32
        %dma_wait3A_74 = arith.constant 0 : i32
        %dma_wait3A_75 = tpu.memref_slice %arg16[%dma_wait3A_73, %dma_wait3A_74] : memref<10000x128xf32, #tpu.memory_space<vmem_shared>> -> memref<10000x128xf32, #tpu.memory_space<vmem_shared>>
        tpu.wait_indirect_dma semaphore(%arg20 : memref<!tpu.dma_semaphore, #tpu.memory_space<semaphore_mem>>) src(%arg12 : memref<128x128xf32, #tpu.memory_space<vmem>>) dst(%dma_wait3A_75 : memref<10000x128xf32, #tpu.memory_space<vmem_shared>>)
      } else {
      }
      "tpu.region"() ({
        %run_scoped3A = tpu.sem_alloc : memref<!tpu.dma_semaphore, #tpu.memory_space<semaphore_mem>>
        %dma_start3A_73 = tpu.memref_slice %arg3[%add3A_45] : memref<320000xi32, #tpu.memory_space<hbm>> -> memref<128xi32, #tpu.memory_space<hbm>>
        %dma_start3A_74 = tpu.memref_slice %arg3[%add3A_45] : memref<320000xi32, #tpu.memory_space<hbm>> -> memref<128xi32, #tpu.memory_space<hbm>>
        tpu.enqueue_dma source(%dma_start3A_74 : memref<128xi32, #tpu.memory_space<hbm>>) target(%arg9 : memref<128xi32, #tpu.memory_space<vmem>>) target_semaphore(%run_scoped3A : memref<!tpu.dma_semaphore, #tpu.memory_space<semaphore_mem>>)
        %dma_wait3A_75 = tpu.memref_slice %arg3[%add3A_45] : memref<320000xi32, #tpu.memory_space<hbm>> -> memref<128xi32, #tpu.memory_space<hbm>>
        %dma_wait3A_76 = tpu.memref_slice %arg3[%add3A_45] : memref<320000xi32, #tpu.memory_space<hbm>> -> memref<128xi32, #tpu.memory_space<hbm>>
        tpu.wait_dma2 semaphore(%run_scoped3A : memref<!tpu.dma_semaphore, #tpu.memory_space<semaphore_mem>>) src(%dma_wait3A_76 : memref<128xi32, #tpu.memory_space<hbm>>) dst(%arg9 : memref<128xi32, #tpu.memory_space<vmem>>)
        tpu.yield
      }) : () -> ()
      "tpu.region"() ({
        %run_scoped3A = tpu.sem_alloc : memref<!tpu.dma_semaphore, #tpu.memory_space<semaphore_mem>>
        %dma_start3A_73 = tpu.memref_slice %arg4[%add3A_45] : memref<320000xi32, #tpu.memory_space<hbm>> -> memref<128xi32, #tpu.memory_space<hbm>>
        %dma_start3A_74 = tpu.memref_slice %arg4[%add3A_45] : memref<320000xi32, #tpu.memory_space<hbm>> -> memref<128xi32, #tpu.memory_space<hbm>>
        tpu.enqueue_dma source(%dma_start3A_74 : memref<128xi32, #tpu.memory_space<hbm>>) target(%arg10 : memref<128xi32, #tpu.memory_space<vmem>>) target_semaphore(%run_scoped3A : memref<!tpu.dma_semaphore, #tpu.memory_space<semaphore_mem>>)
        %dma_wait3A_75 = tpu.memref_slice %arg4[%add3A_45] : memref<320000xi32, #tpu.memory_space<hbm>> -> memref<128xi32, #tpu.memory_space<hbm>>
        %dma_wait3A_76 = tpu.memref_slice %arg4[%add3A_45] : memref<320000xi32, #tpu.memory_space<hbm>> -> memref<128xi32, #tpu.memory_space<hbm>>
        tpu.wait_dma2 semaphore(%run_scoped3A : memref<!tpu.dma_semaphore, #tpu.memory_space<semaphore_mem>>) src(%dma_wait3A_76 : memref<128xi32, #tpu.memory_space<hbm>>) dst(%arg10 : memref<128xi32, #tpu.memory_space<vmem>>)
        tpu.yield
      }) : () -> ()
      %dma_start3A_58 = arith.constant 0 : i32
      %dma_start3A_59 = arith.constant 0 : i32
      %dma_start3A_60 = tpu.memref_slice %arg2[%dma_start3A_58, %dma_start3A_59] : memref<10000x128xf32, #tpu.memory_space<hbm>> -> memref<10000x128xf32, #tpu.memory_space<hbm>>
      tpu.enqueue_indirect_dma source(%dma_start3A_60 : memref<10000x128xf32, #tpu.memory_space<hbm>>) target(%arg12 : memref<128x128xf32, #tpu.memory_space<vmem>>) offsets(%arg9 : memref<128xi32, #tpu.memory_space<vmem>>) semaphore(%arg18 : memref<!tpu.dma_semaphore, #tpu.memory_space<semaphore_mem>>)
      %dma_wait3A_61 = arith.constant 0 : i32
      %dma_wait3A_62 = arith.constant 0 : i32
      %dma_wait3A_63 = tpu.memref_slice %arg2[%dma_wait3A_61, %dma_wait3A_62] : memref<10000x128xf32, #tpu.memory_space<hbm>> -> memref<10000x128xf32, #tpu.memory_space<hbm>>
      tpu.wait_indirect_dma semaphore(%arg17 : memref<!tpu.dma_semaphore, #tpu.memory_space<semaphore_mem>>) src(%dma_wait3A_63 : memref<10000x128xf32, #tpu.memory_space<hbm>>) dst(%arg11 : memref<128x128xf32, #tpu.memory_space<vmem>>)
      %dma_start3A_64 = arith.constant 0 : i32
      %dma_start3A_65 = arith.constant 0 : i32
      %dma_start3A_66 = tpu.memref_slice %arg16[%dma_start3A_64, %dma_start3A_65] : memref<10000x128xf32, #tpu.memory_space<vmem_shared>> -> memref<10000x128xf32, #tpu.memory_space<vmem_shared>>
      tpu.enqueue_indirect_dma source(%arg11 : memref<128x128xf32, #tpu.memory_space<vmem>>) target(%dma_start3A_66 : memref<10000x128xf32, #tpu.memory_space<vmem_shared>>) offsets(%arg8 : memref<128xi32, #tpu.memory_space<vmem>>) semaphore(%arg19 : memref<!tpu.dma_semaphore, #tpu.memory_space<semaphore_mem>>) {add = true}
      %dma_wait3A_67 = arith.constant 0 : i32
      %dma_wait3A_68 = arith.constant 0 : i32
      %dma_wait3A_69 = tpu.memref_slice %arg2[%dma_wait3A_67, %dma_wait3A_68] : memref<10000x128xf32, #tpu.memory_space<hbm>> -> memref<10000x128xf32, #tpu.memory_space<hbm>>
      tpu.wait_indirect_dma semaphore(%arg18 : memref<!tpu.dma_semaphore, #tpu.memory_space<semaphore_mem>>) src(%dma_wait3A_69 : memref<10000x128xf32, #tpu.memory_space<hbm>>) dst(%arg12 : memref<128x128xf32, #tpu.memory_space<vmem>>)
      %dma_start3A_70 = arith.constant 0 : i32
      %dma_start3A_71 = arith.constant 0 : i32
      %dma_start3A_72 = tpu.memref_slice %arg16[%dma_start3A_70, %dma_start3A_71] : memref<10000x128xf32, #tpu.memory_space<vmem_shared>> -> memref<10000x128xf32, #tpu.memory_space<vmem_shared>>
      tpu.enqueue_indirect_dma source(%arg12 : memref<128x128xf32, #tpu.memory_space<vmem>>) target(%dma_start3A_72 : memref<10000x128xf32, #tpu.memory_space<vmem_shared>>) offsets(%arg10 : memref<128xi32, #tpu.memory_space<vmem>>) semaphore(%arg20 : memref<!tpu.dma_semaphore, #tpu.memory_space<semaphore_mem>>) {add = true}
    }
    %scan3A_10 = arith.constant 39 : i32
    %dma_wait3A = arith.constant 0 : i32
    %dma_wait3A_11 = arith.constant 0 : i32
    %dma_wait3A_12 = tpu.memref_slice %arg16[%dma_wait3A, %dma_wait3A_11] : memref<10000x128xf32, #tpu.memory_space<vmem_shared>> -> memref<10000x128xf32, #tpu.memory_space<vmem_shared>>
    tpu.wait_indirect_dma semaphore(%arg19 : memref<!tpu.dma_semaphore, #tpu.memory_space<semaphore_mem>>) src(%arg11 : memref<128x128xf32, #tpu.memory_space<vmem>>) dst(%dma_wait3A_12 : memref<10000x128xf32, #tpu.memory_space<vmem_shared>>)
    %dma_wait3A_13 = arith.constant 0 : i32
    %dma_wait3A_14 = arith.constant 0 : i32
    %dma_wait3A_15 = tpu.memref_slice %arg16[%dma_wait3A_13, %dma_wait3A_14] : memref<10000x128xf32, #tpu.memory_space<vmem_shared>> -> memref<10000x128xf32, #tpu.memory_space<vmem_shared>>
    tpu.wait_indirect_dma semaphore(%arg20 : memref<!tpu.dma_semaphore, #tpu.memory_space<semaphore_mem>>) src(%arg12 : memref<128x128xf32, #tpu.memory_space<vmem>>) dst(%dma_wait3A_15 : memref<10000x128xf32, #tpu.memory_space<vmem_shared>>)
    %add3A_16 = arith.constant 9984 : i32
    %add3A_17 = arith.addi %mul3A_6, %add3A_16 : i32
    "tpu.region"() ({
      %run_scoped3A = tpu.sem_alloc : memref<!tpu.dma_semaphore, #tpu.memory_space<semaphore_mem>>
      %dma_start3A_34 = tpu.memref_slice %arg3[%add3A_17] : memref<320000xi32, #tpu.memory_space<hbm>> -> memref<16xi32, #tpu.memory_space<hbm>>
      %dma_start3A_35 = tpu.memref_slice %arg3[%add3A_17] : memref<320000xi32, #tpu.memory_space<hbm>> -> memref<16xi32, #tpu.memory_space<hbm>>
      tpu.enqueue_dma source(%dma_start3A_35 : memref<16xi32, #tpu.memory_space<hbm>>) target(%arg13 : memref<16xi32, #tpu.memory_space<vmem>>) target_semaphore(%run_scoped3A : memref<!tpu.dma_semaphore, #tpu.memory_space<semaphore_mem>>)
      %dma_wait3A_36 = tpu.memref_slice %arg3[%add3A_17] : memref<320000xi32, #tpu.memory_space<hbm>> -> memref<16xi32, #tpu.memory_space<hbm>>
      %dma_wait3A_37 = tpu.memref_slice %arg3[%add3A_17] : memref<320000xi32, #tpu.memory_space<hbm>> -> memref<16xi32, #tpu.memory_space<hbm>>
      tpu.wait_dma2 semaphore(%run_scoped3A : memref<!tpu.dma_semaphore, #tpu.memory_space<semaphore_mem>>) src(%dma_wait3A_37 : memref<16xi32, #tpu.memory_space<hbm>>) dst(%arg13 : memref<16xi32, #tpu.memory_space<vmem>>)
      tpu.yield
    }) : () -> ()
    "tpu.region"() ({
      %run_scoped3A = tpu.sem_alloc : memref<!tpu.dma_semaphore, #tpu.memory_space<semaphore_mem>>
      %dma_start3A_34 = tpu.memref_slice %arg4[%add3A_17] : memref<320000xi32, #tpu.memory_space<hbm>> -> memref<16xi32, #tpu.memory_space<hbm>>
      %dma_start3A_35 = tpu.memref_slice %arg4[%add3A_17] : memref<320000xi32, #tpu.memory_space<hbm>> -> memref<16xi32, #tpu.memory_space<hbm>>
      tpu.enqueue_dma source(%dma_start3A_35 : memref<16xi32, #tpu.memory_space<hbm>>) target(%arg14 : memref<16xi32, #tpu.memory_space<vmem>>) target_semaphore(%run_scoped3A : memref<!tpu.dma_semaphore, #tpu.memory_space<semaphore_mem>>)
      %dma_wait3A_36 = tpu.memref_slice %arg4[%add3A_17] : memref<320000xi32, #tpu.memory_space<hbm>> -> memref<16xi32, #tpu.memory_space<hbm>>
      %dma_wait3A_37 = tpu.memref_slice %arg4[%add3A_17] : memref<320000xi32, #tpu.memory_space<hbm>> -> memref<16xi32, #tpu.memory_space<hbm>>
      tpu.wait_dma2 semaphore(%run_scoped3A : memref<!tpu.dma_semaphore, #tpu.memory_space<semaphore_mem>>) src(%dma_wait3A_37 : memref<16xi32, #tpu.memory_space<hbm>>) dst(%arg14 : memref<16xi32, #tpu.memory_space<vmem>>)
      tpu.yield
    }) : () -> ()
    %dma_start3A = arith.constant 0 : i32
    %dma_start3A_18 = arith.constant 0 : i32
    %dma_start3A_19 = tpu.memref_slice %arg2[%dma_start3A, %dma_start3A_18] : memref<10000x128xf32, #tpu.memory_space<hbm>> -> memref<10000x128xf32, #tpu.memory_space<hbm>>
    tpu.enqueue_indirect_dma source(%dma_start3A_19 : memref<10000x128xf32, #tpu.memory_space<hbm>>) target(%arg15 : memref<16x128xf32, #tpu.memory_space<vmem>>) offsets(%arg13 : memref<16xi32, #tpu.memory_space<vmem>>) semaphore(%arg17 : memref<!tpu.dma_semaphore, #tpu.memory_space<semaphore_mem>>)
    %dma_wait3A_20 = arith.constant 0 : i32
    %dma_wait3A_21 = arith.constant 0 : i32
    %dma_wait3A_22 = tpu.memref_slice %arg2[%dma_wait3A_20, %dma_wait3A_21] : memref<10000x128xf32, #tpu.memory_space<hbm>> -> memref<10000x128xf32, #tpu.memory_space<hbm>>
    tpu.wait_indirect_dma semaphore(%arg17 : memref<!tpu.dma_semaphore, #tpu.memory_space<semaphore_mem>>) src(%dma_wait3A_22 : memref<10000x128xf32, #tpu.memory_space<hbm>>) dst(%arg15 : memref<16x128xf32, #tpu.memory_space<vmem>>)
    "tpu.region"() ({
      %run_scoped3A = tpu.sem_alloc : memref<!tpu.dma_semaphore, #tpu.memory_space<semaphore_mem>>
      %dma_start3A_34 = arith.constant 0 : i32
      %dma_start3A_35 = arith.constant 0 : i32
      %dma_start3A_36 = tpu.memref_slice %arg16[%dma_start3A_34, %dma_start3A_35] : memref<10000x128xf32, #tpu.memory_space<vmem_shared>> -> memref<10000x128xf32, #tpu.memory_space<vmem_shared>>
      tpu.enqueue_indirect_dma source(%arg15 : memref<16x128xf32, #tpu.memory_space<vmem>>) target(%dma_start3A_36 : memref<10000x128xf32, #tpu.memory_space<vmem_shared>>) offsets(%arg14 : memref<16xi32, #tpu.memory_space<vmem>>) semaphore(%run_scoped3A : memref<!tpu.dma_semaphore, #tpu.memory_space<semaphore_mem>>) {add = true}
      %dma_wait3A_37 = arith.constant 0 : i32
      %dma_wait3A_38 = arith.constant 0 : i32
      %dma_wait3A_39 = tpu.memref_slice %arg16[%dma_wait3A_37, %dma_wait3A_38] : memref<10000x128xf32, #tpu.memory_space<vmem_shared>> -> memref<10000x128xf32, #tpu.memory_space<vmem_shared>>
      tpu.wait_indirect_dma semaphore(%run_scoped3A : memref<!tpu.dma_semaphore, #tpu.memory_space<semaphore_mem>>) src(%arg15 : memref<16x128xf32, #tpu.memory_space<vmem>>) dst(%dma_wait3A_39 : memref<10000x128xf32, #tpu.memory_space<vmem_shared>>)
      tpu.yield
    }) : () -> ()
    %barrier3A_23 = arith.constant 0 : index
    tpu.barrier barrier_id(%barrier3A_23)
    %mul3A_24 = arith.constant 624 : i32
    %mul3A_25 = arith.muli %arg1, %mul3A_24 : i32
    %mul3A_26 = arith.constant 10000 : i32
    %mul3A_27 = arith.muli %arg0, %mul3A_26 : i32
    %add3A_28 = arith.addi %mul3A_27, %mul3A_25 : i32
    "tpu.region"() ({
      %run_scoped3A = tpu.sem_alloc : memref<!tpu.dma_semaphore, #tpu.memory_space<semaphore_mem>>
      %dma_start3A_34 = arith.constant 0 : i32
      %dma_start3A_35 = tpu.memref_slice %arg6[%add3A_28, %dma_start3A_34] : memref<20000x128xf32, #tpu.memory_space<hbm>> -> memref<624x128xf32, #tpu.memory_space<hbm>>
      %dma_start3A_36 = arith.constant 0 : i32
      %dma_start3A_37 = tpu.memref_slice %arg16[%mul3A_25, %dma_start3A_36] : memref<10000x128xf32, #tpu.memory_space<vmem_shared>> -> memref<624x128xf32, #tpu.memory_space<vmem_shared>>
      tpu.enqueue_dma source(%dma_start3A_37 : memref<624x128xf32, #tpu.memory_space<vmem_shared>>) target(%dma_start3A_35 : memref<624x128xf32, #tpu.memory_space<hbm>>) target_semaphore(%run_scoped3A : memref<!tpu.dma_semaphore, #tpu.memory_space<semaphore_mem>>)
      %dma_wait3A_38 = arith.constant 0 : i32
      %dma_wait3A_39 = tpu.memref_slice %arg6[%add3A_28, %dma_wait3A_38] : memref<20000x128xf32, #tpu.memory_space<hbm>> -> memref<624x128xf32, #tpu.memory_space<hbm>>
      %dma_wait3A_40 = arith.constant 0 : i32
      %dma_wait3A_41 = tpu.memref_slice %arg16[%mul3A_25, %dma_wait3A_40] : memref<10000x128xf32, #tpu.memory_space<vmem_shared>> -> memref<624x128xf32, #tpu.memory_space<vmem_shared>>
      tpu.wait_dma2 semaphore(%run_scoped3A : memref<!tpu.dma_semaphore, #tpu.memory_space<semaphore_mem>>) src(%dma_wait3A_41 : memref<624x128xf32, #tpu.memory_space<vmem_shared>>) dst(%dma_wait3A_39 : memref<624x128xf32, #tpu.memory_space<hbm>>)
      tpu.yield
    }) : () -> ()
    %eq3A_29 = arith.constant 15 : i32
    %eq3A_30 = arith.cmpi eq, %arg1, %eq3A_29 : i32
    %convert_element_type3A_31 = arith.extui %eq3A_30 : i1 to i32
    %cond3A_32 = arith.constant 0 : i32
    %cond3A_33 = arith.cmpi ne, %convert_element_type3A_31, %cond3A_32 : i32
    scf.if %cond3A_33 {
      %mul3A_34 = arith.constant 10000 : i32
      %mul3A_35 = arith.muli %arg0, %mul3A_34 : i32
      %add3A_36 = arith.constant 9984 : i32
      %add3A_37 = arith.addi %mul3A_35, %add3A_36 : i32
      "tpu.region"() ({
        %run_scoped3A = tpu.sem_alloc : memref<!tpu.dma_semaphore, #tpu.memory_space<semaphore_mem>>
        %dma_start3A_38 = arith.constant 0 : i32
        %dma_start3A_39 = tpu.memref_slice %arg6[%add3A_37, %dma_start3A_38] : memref<20000x128xf32, #tpu.memory_space<hbm>> -> memref<16x128xf32, #tpu.memory_space<hbm>>
        %dma_start3A_40 = arith.constant 9984 : i32
        %dma_start3A_41 = arith.constant 0 : i32
        %dma_start3A_42 = tpu.memref_slice %arg16[%dma_start3A_40, %dma_start3A_41] : memref<10000x128xf32, #tpu.memory_space<vmem_shared>> -> memref<16x128xf32, #tpu.memory_space<vmem_shared>>
        tpu.enqueue_dma source(%dma_start3A_42 : memref<16x128xf32, #tpu.memory_space<vmem_shared>>) target(%dma_start3A_39 : memref<16x128xf32, #tpu.memory_space<hbm>>) target_semaphore(%run_scoped3A : memref<!tpu.dma_semaphore, #tpu.memory_space<semaphore_mem>>)
        %dma_wait3A_43 = arith.constant 0 : i32
        %dma_wait3A_44 = tpu.memref_slice %arg6[%add3A_37, %dma_wait3A_43] : memref<20000x128xf32, #tpu.memory_space<hbm>> -> memref<16x128xf32, #tpu.memory_space<hbm>>
        %dma_wait3A_45 = arith.constant 9984 : i32
        %dma_wait3A_46 = arith.constant 0 : i32
        %dma_wait3A_47 = tpu.memref_slice %arg16[%dma_wait3A_45, %dma_wait3A_46] : memref<10000x128xf32, #tpu.memory_space<vmem_shared>> -> memref<16x128xf32, #tpu.memory_space<vmem_shared>>
        tpu.wait_dma2 semaphore(%run_scoped3A : memref<!tpu.dma_semaphore, #tpu.memory_space<semaphore_mem>>) src(%dma_wait3A_47 : memref<16x128xf32, #tpu.memory_space<vmem_shared>>) dst(%dma_wait3A_44 : memref<16x128xf32, #tpu.memory_space<hbm>>)
        tpu.yield
      }) : () -> ()
    } else {
    }
    return
  }
}

#map = affine_map<(d0, d1) -> (0, 0)>
#map1 = affine_map<(d0, d1) -> (0)>
module attributes {stable_mosaic.version = 14 : i64} {
  func.func @_edge_sc(%arg0: i32, %arg1: i32, %arg2: memref<10000x128xf32, #tpu.memory_space<hbm>>, %arg3: memref<320000xi32, #tpu.memory_space<hbm>>, %arg4: memref<320000xi32, #tpu.memory_space<hbm>>, %arg5: memref<10000x128xf32, #tpu.memory_space<hbm>>, %arg6: memref<20000x128xf32, #tpu.memory_space<hbm>>, %arg7: memref<128xi32, #tpu.memory_space<vmem>>, %arg8: memref<128xi32, #tpu.memory_space<vmem>>, %arg9: memref<128xi32, #tpu.memory_space<vmem>>, %arg10: memref<128xi32, #tpu.memory_space<vmem>>, %arg11: memref<128x128xf32, #tpu.memory_space<vmem>>, %arg12: memref<128x128xf32, #tpu.memory_space<vmem>>, %arg13: memref<16xi32, #tpu.memory_space<vmem>>, %arg14: memref<16xi32, #tpu.memory_space<vmem>>, %arg15: memref<16x128xf32, #tpu.memory_space<vmem>>, %arg16: memref<10000x128xf32, #tpu.memory_space<vmem_shared>>, %arg17: memref<!tpu.dma_semaphore, #tpu.memory_space<semaphore_mem>>, %arg18: memref<!tpu.dma_semaphore, #tpu.memory_space<semaphore_mem>>, %arg19: memref<!tpu.dma_semaphore, #tpu.memory_space<semaphore_mem>>, %arg20: memref<!tpu.dma_semaphore, #tpu.memory_space<semaphore_mem>>) attributes {dimension_semantics = [#tpu.dimension_semantics<core_parallel>, #tpu.dimension_semantics<subcore_parallel>], iteration_bounds = array<i64: 2, 16>, scalar_prefetch = 0 : i64, scratch_operands = 14 : i64, tpu.core_type = #tpu.core_type<sc_vector_subcore>, window_params = [{transform_indices = #map}, {transform_indices = #map1}, {transform_indices = #map1}, {transform_indices = #map}, {transform_indices = #map}]} {
    %mul3A = arith.constant 16 : i32
    %mul3A_0 = arith.muli %arg0, %mul3A : i32
    %add3A = arith.addi %mul3A_0, %arg1 : i32
    %mul3A_1 = arith.constant 624 : i32
    %mul3A_2 = arith.muli %arg1, %mul3A_1 : i32
    "tpu.region"() ({
      %run_scoped3A = tpu.sem_alloc : memref<!tpu.dma_semaphore, #tpu.memory_space<semaphore_mem>>
      %dma_start3A_34 = arith.constant 0 : i32
      %dma_start3A_35 = tpu.memref_slice %arg16[%mul3A_2, %dma_start3A_34] : memref<10000x128xf32, #tpu.memory_space<vmem_shared>> -> memref<624x128xf32, #tpu.memory_space<vmem_shared>>
      %dma_start3A_36 = arith.constant 0 : i32
      %dma_start3A_37 = tpu.memref_slice %arg5[%mul3A_2, %dma_start3A_36] : memref<10000x128xf32, #tpu.memory_space<hbm>> -> memref<624x128xf32, #tpu.memory_space<hbm>>
      tpu.enqueue_dma source(%dma_start3A_37 : memref<624x128xf32, #tpu.memory_space<hbm>>) target(%dma_start3A_35 : memref<624x128xf32, #tpu.memory_space<vmem_shared>>) target_semaphore(%run_scoped3A : memref<!tpu.dma_semaphore, #tpu.memory_space<semaphore_mem>>)
      %dma_wait3A_38 = arith.constant 0 : i32
      %dma_wait3A_39 = tpu.memref_slice %arg16[%mul3A_2, %dma_wait3A_38] : memref<10000x128xf32, #tpu.memory_space<vmem_shared>> -> memref<624x128xf32, #tpu.memory_space<vmem_shared>>
      %dma_wait3A_40 = arith.constant 0 : i32
      %dma_wait3A_41 = tpu.memref_slice %arg5[%mul3A_2, %dma_wait3A_40] : memref<10000x128xf32, #tpu.memory_space<hbm>> -> memref<624x128xf32, #tpu.memory_space<hbm>>
      tpu.wait_dma2 semaphore(%run_scoped3A : memref<!tpu.dma_semaphore, #tpu.memory_space<semaphore_mem>>) src(%dma_wait3A_41 : memref<624x128xf32, #tpu.memory_space<hbm>>) dst(%dma_wait3A_39 : memref<624x128xf32, #tpu.memory_space<vmem_shared>>)
      tpu.yield
    }) : () -> ()
    %eq3A = arith.constant 15 : i32
    %eq3A_3 = arith.cmpi eq, %arg1, %eq3A : i32
    %convert_element_type3A = arith.extui %eq3A_3 : i1 to i32
    %cond3A = arith.constant 0 : i32
    %cond3A_4 = arith.cmpi ne, %convert_element_type3A, %cond3A : i32
    scf.if %cond3A_4 {
      "tpu.region"() ({
        %run_scoped3A = tpu.sem_alloc : memref<!tpu.dma_semaphore, #tpu.memory_space<semaphore_mem>>
        %dma_start3A_34 = arith.constant 9984 : i32
        %dma_start3A_35 = arith.constant 0 : i32
        %dma_start3A_36 = tpu.memref_slice %arg16[%dma_start3A_34, %dma_start3A_35] : memref<10000x128xf32, #tpu.memory_space<vmem_shared>> -> memref<16x128xf32, #tpu.memory_space<vmem_shared>>
        %dma_start3A_37 = arith.constant 9984 : i32
        %dma_start3A_38 = arith.constant 0 : i32
        %dma_start3A_39 = tpu.memref_slice %arg5[%dma_start3A_37, %dma_start3A_38] : memref<10000x128xf32, #tpu.memory_space<hbm>> -> memref<16x128xf32, #tpu.memory_space<hbm>>
        tpu.enqueue_dma source(%dma_start3A_39 : memref<16x128xf32, #tpu.memory_space<hbm>>) target(%dma_start3A_36 : memref<16x128xf32, #tpu.memory_space<vmem_shared>>) target_semaphore(%run_scoped3A : memref<!tpu.dma_semaphore, #tpu.memory_space<semaphore_mem>>)
        %dma_wait3A_40 = arith.constant 9984 : i32
        %dma_wait3A_41 = arith.constant 0 : i32
        %dma_wait3A_42 = tpu.memref_slice %arg16[%dma_wait3A_40, %dma_wait3A_41] : memref<10000x128xf32, #tpu.memory_space<vmem_shared>> -> memref<16x128xf32, #tpu.memory_space<vmem_shared>>
        %dma_wait3A_43 = arith.constant 9984 : i32
        %dma_wait3A_44 = arith.constant 0 : i32
        %dma_wait3A_45 = tpu.memref_slice %arg5[%dma_wait3A_43, %dma_wait3A_44] : memref<10000x128xf32, #tpu.memory_space<hbm>> -> memref<16x128xf32, #tpu.memory_space<hbm>>
        tpu.wait_dma2 semaphore(%run_scoped3A : memref<!tpu.dma_semaphore, #tpu.memory_space<semaphore_mem>>) src(%dma_wait3A_45 : memref<16x128xf32, #tpu.memory_space<hbm>>) dst(%dma_wait3A_42 : memref<16x128xf32, #tpu.memory_space<vmem_shared>>)
        tpu.yield
      }) : () -> ()
    } else {
    }
    %barrier3A = arith.constant 0 : index
    tpu.barrier barrier_id(%barrier3A)
    %mul3A_5 = arith.constant 10000 : i32
    %mul3A_6 = arith.muli %add3A, %mul3A_5 : i32
    %scan3A = arith.constant 0 : i32
    %scan3A_7 = arith.constant 39 : i32
    %scan3A_8 = arith.addi %scan3A, %scan3A_7 : i32
    %scan3A_9 = arith.constant 1 : i32
    scf.for %scan3A_34 = %scan3A to %scan3A_8 step %scan3A_9  : i32 {
      %mul3A_35 = arith.constant 1 : i32
      %mul3A_36 = arith.muli %scan3A_34, %mul3A_35 : i32
      %add3A_37 = arith.constant 0 : i32
      %add3A_38 = arith.addi %add3A_37, %mul3A_36 : i32
      %mul3A_39 = arith.constant 2 : i32
      %mul3A_40 = arith.muli %mul3A_39, %add3A_38 : i32
      %mul3A_41 = arith.constant 128 : i32
      %mul3A_42 = arith.muli %mul3A_40, %mul3A_41 : i32
      %add3A_43 = arith.addi %mul3A_6, %mul3A_42 : i32
      %add3A_44 = arith.constant 128 : i32
      %add3A_45 = arith.addi %add3A_43, %add3A_44 : i32
      %gt3A = arith.constant 0 : i32
      %gt3A_46 = arith.cmpi sgt, %add3A_38, %gt3A : i32
      %convert_element_type3A_47 = arith.extui %gt3A_46 : i1 to i32
      %cond3A_48 = arith.constant 0 : i32
      %cond3A_49 = arith.cmpi ne, %convert_element_type3A_47, %cond3A_48 : i32
      scf.if %cond3A_49 {
        %dma_wait3A_73 = arith.constant 0 : i32
        %dma_wait3A_74 = arith.constant 0 : i32
        %dma_wait3A_75 = tpu.memref_slice %arg16[%dma_wait3A_73, %dma_wait3A_74] : memref<10000x128xf32, #tpu.memory_space<vmem_shared>> -> memref<10000x128xf32, #tpu.memory_space<vmem_shared>>
        tpu.wait_indirect_dma semaphore(%arg19 : memref<!tpu.dma_semaphore, #tpu.memory_space<semaphore_mem>>) src(%arg11 : memref<128x128xf32, #tpu.memory_space<vmem>>) dst(%dma_wait3A_75 : memref<10000x128xf32, #tpu.memory_space<vmem_shared>>)
      } else {
      }
      "tpu.region"() ({
        %run_scoped3A = tpu.sem_alloc : memref<!tpu.dma_semaphore, #tpu.memory_space<semaphore_mem>>
        %dma_start3A_73 = tpu.memref_slice %arg3[%add3A_43] : memref<320000xi32, #tpu.memory_space<hbm>> -> memref<128xi32, #tpu.memory_space<hbm>>
        %dma_start3A_74 = tpu.memref_slice %arg3[%add3A_43] : memref<320000xi32, #tpu.memory_space<hbm>> -> memref<128xi32, #tpu.memory_space<hbm>>
        tpu.enqueue_dma source(%dma_start3A_74 : memref<128xi32, #tpu.memory_space<hbm>>) target(%arg7 : memref<128xi32, #tpu.memory_space<vmem>>) target_semaphore(%run_scoped3A : memref<!tpu.dma_semaphore, #tpu.memory_space<semaphore_mem>>)
        %dma_wait3A_75 = tpu.memref_slice %arg3[%add3A_43] : memref<320000xi32, #tpu.memory_space<hbm>> -> memref<128xi32, #tpu.memory_space<hbm>>
        %dma_wait3A_76 = tpu.memref_slice %arg3[%add3A_43] : memref<320000xi32, #tpu.memory_space<hbm>> -> memref<128xi32, #tpu.memory_space<hbm>>
        tpu.wait_dma2 semaphore(%run_scoped3A : memref<!tpu.dma_semaphore, #tpu.memory_space<semaphore_mem>>) src(%dma_wait3A_76 : memref<128xi32, #tpu.memory_space<hbm>>) dst(%arg7 : memref<128xi32, #tpu.memory_space<vmem>>)
        tpu.yield
      }) : () -> ()
      "tpu.region"() ({
        %run_scoped3A = tpu.sem_alloc : memref<!tpu.dma_semaphore, #tpu.memory_space<semaphore_mem>>
        %dma_start3A_73 = tpu.memref_slice %arg4[%add3A_43] : memref<320000xi32, #tpu.memory_space<hbm>> -> memref<128xi32, #tpu.memory_space<hbm>>
        %dma_start3A_74 = tpu.memref_slice %arg4[%add3A_43] : memref<320000xi32, #tpu.memory_space<hbm>> -> memref<128xi32, #tpu.memory_space<hbm>>
        tpu.enqueue_dma source(%dma_start3A_74 : memref<128xi32, #tpu.memory_space<hbm>>) target(%arg8 : memref<128xi32, #tpu.memory_space<vmem>>) target_semaphore(%run_scoped3A : memref<!tpu.dma_semaphore, #tpu.memory_space<semaphore_mem>>)
        %dma_wait3A_75 = tpu.memref_slice %arg4[%add3A_43] : memref<320000xi32, #tpu.memory_space<hbm>> -> memref<128xi32, #tpu.memory_space<hbm>>
        %dma_wait3A_76 = tpu.memref_slice %arg4[%add3A_43] : memref<320000xi32, #tpu.memory_space<hbm>> -> memref<128xi32, #tpu.memory_space<hbm>>
        tpu.wait_dma2 semaphore(%run_scoped3A : memref<!tpu.dma_semaphore, #tpu.memory_space<semaphore_mem>>) src(%dma_wait3A_76 : memref<128xi32, #tpu.memory_space<hbm>>) dst(%arg8 : memref<128xi32, #tpu.memory_space<vmem>>)
        tpu.yield
      }) : () -> ()
      %dma_start3A_50 = arith.constant 0 : i32
      %dma_start3A_51 = arith.constant 0 : i32
      %dma_start3A_52 = tpu.memref_slice %arg2[%dma_start3A_50, %dma_start3A_51] : memref<10000x128xf32, #tpu.memory_space<hbm>> -> memref<10000x128xf32, #tpu.memory_space<hbm>>
      tpu.enqueue_indirect_dma source(%dma_start3A_52 : memref<10000x128xf32, #tpu.memory_space<hbm>>) target(%arg11 : memref<128x128xf32, #tpu.memory_space<vmem>>) offsets(%arg7 : memref<128xi32, #tpu.memory_space<vmem>>) semaphore(%arg17 : memref<!tpu.dma_semaphore, #tpu.memory_space<semaphore_mem>>)
      %gt3A_53 = arith.constant 0 : i32
      %gt3A_54 = arith.cmpi sgt, %add3A_38, %gt3A_53 : i32
      %convert_element_type3A_55 = arith.extui %gt3A_54 : i1 to i32
      %cond3A_56 = arith.constant 0 : i32
      %cond3A_57 = arith.cmpi ne, %convert_element_type3A_55, %cond3A_56 : i32
      scf.if %cond3A_57 {
        %dma_wait3A_73 = arith.constant 0 : i32
        %dma_wait3A_74 = arith.constant 0 : i32
        %dma_wait3A_75 = tpu.memref_slice %arg16[%dma_wait3A_73, %dma_wait3A_74] : memref<10000x128xf32, #tpu.memory_space<vmem_shared>> -> memref<10000x128xf32, #tpu.memory_space<vmem_shared>>
        tpu.wait_indirect_dma semaphore(%arg20 : memref<!tpu.dma_semaphore, #tpu.memory_space<semaphore_mem>>) src(%arg12 : memref<128x128xf32, #tpu.memory_space<vmem>>) dst(%dma_wait3A_75 : memref<10000x128xf32, #tpu.memory_space<vmem_shared>>)
      } else {
      }
      "tpu.region"() ({
        %run_scoped3A = tpu.sem_alloc : memref<!tpu.dma_semaphore, #tpu.memory_space<semaphore_mem>>
        %dma_start3A_73 = tpu.memref_slice %arg3[%add3A_45] : memref<320000xi32, #tpu.memory_space<hbm>> -> memref<128xi32, #tpu.memory_space<hbm>>
        %dma_start3A_74 = tpu.memref_slice %arg3[%add3A_45] : memref<320000xi32, #tpu.memory_space<hbm>> -> memref<128xi32, #tpu.memory_space<hbm>>
        tpu.enqueue_dma source(%dma_start3A_74 : memref<128xi32, #tpu.memory_space<hbm>>) target(%arg9 : memref<128xi32, #tpu.memory_space<vmem>>) target_semaphore(%run_scoped3A : memref<!tpu.dma_semaphore, #tpu.memory_space<semaphore_mem>>)
        %dma_wait3A_75 = tpu.memref_slice %arg3[%add3A_45] : memref<320000xi32, #tpu.memory_space<hbm>> -> memref<128xi32, #tpu.memory_space<hbm>>
        %dma_wait3A_76 = tpu.memref_slice %arg3[%add3A_45] : memref<320000xi32, #tpu.memory_space<hbm>> -> memref<128xi32, #tpu.memory_space<hbm>>
        tpu.wait_dma2 semaphore(%run_scoped3A : memref<!tpu.dma_semaphore, #tpu.memory_space<semaphore_mem>>) src(%dma_wait3A_76 : memref<128xi32, #tpu.memory_space<hbm>>) dst(%arg9 : memref<128xi32, #tpu.memory_space<vmem>>)
        tpu.yield
      }) : () -> ()
      "tpu.region"() ({
        %run_scoped3A = tpu.sem_alloc : memref<!tpu.dma_semaphore, #tpu.memory_space<semaphore_mem>>
        %dma_start3A_73 = tpu.memref_slice %arg4[%add3A_45] : memref<320000xi32, #tpu.memory_space<hbm>> -> memref<128xi32, #tpu.memory_space<hbm>>
        %dma_start3A_74 = tpu.memref_slice %arg4[%add3A_45] : memref<320000xi32, #tpu.memory_space<hbm>> -> memref<128xi32, #tpu.memory_space<hbm>>
        tpu.enqueue_dma source(%dma_start3A_74 : memref<128xi32, #tpu.memory_space<hbm>>) target(%arg10 : memref<128xi32, #tpu.memory_space<vmem>>) target_semaphore(%run_scoped3A : memref<!tpu.dma_semaphore, #tpu.memory_space<semaphore_mem>>)
        %dma_wait3A_75 = tpu.memref_slice %arg4[%add3A_45] : memref<320000xi32, #tpu.memory_space<hbm>> -> memref<128xi32, #tpu.memory_space<hbm>>
        %dma_wait3A_76 = tpu.memref_slice %arg4[%add3A_45] : memref<320000xi32, #tpu.memory_space<hbm>> -> memref<128xi32, #tpu.memory_space<hbm>>
        tpu.wait_dma2 semaphore(%run_scoped3A : memref<!tpu.dma_semaphore, #tpu.memory_space<semaphore_mem>>) src(%dma_wait3A_76 : memref<128xi32, #tpu.memory_space<hbm>>) dst(%arg10 : memref<128xi32, #tpu.memory_space<vmem>>)
        tpu.yield
      }) : () -> ()
      %dma_start3A_58 = arith.constant 0 : i32
      %dma_start3A_59 = arith.constant 0 : i32
      %dma_start3A_60 = tpu.memref_slice %arg2[%dma_start3A_58, %dma_start3A_59] : memref<10000x128xf32, #tpu.memory_space<hbm>> -> memref<10000x128xf32, #tpu.memory_space<hbm>>
      tpu.enqueue_indirect_dma source(%dma_start3A_60 : memref<10000x128xf32, #tpu.memory_space<hbm>>) target(%arg12 : memref<128x128xf32, #tpu.memory_space<vmem>>) offsets(%arg9 : memref<128xi32, #tpu.memory_space<vmem>>) semaphore(%arg18 : memref<!tpu.dma_semaphore, #tpu.memory_space<semaphore_mem>>)
      %dma_wait3A_61 = arith.constant 0 : i32
      %dma_wait3A_62 = arith.constant 0 : i32
      %dma_wait3A_63 = tpu.memref_slice %arg2[%dma_wait3A_61, %dma_wait3A_62] : memref<10000x128xf32, #tpu.memory_space<hbm>> -> memref<10000x128xf32, #tpu.memory_space<hbm>>
      tpu.wait_indirect_dma semaphore(%arg17 : memref<!tpu.dma_semaphore, #tpu.memory_space<semaphore_mem>>) src(%dma_wait3A_63 : memref<10000x128xf32, #tpu.memory_space<hbm>>) dst(%arg11 : memref<128x128xf32, #tpu.memory_space<vmem>>)
      %dma_start3A_64 = arith.constant 0 : i32
      %dma_start3A_65 = arith.constant 0 : i32
      %dma_start3A_66 = tpu.memref_slice %arg16[%dma_start3A_64, %dma_start3A_65] : memref<10000x128xf32, #tpu.memory_space<vmem_shared>> -> memref<10000x128xf32, #tpu.memory_space<vmem_shared>>
      tpu.enqueue_indirect_dma source(%arg11 : memref<128x128xf32, #tpu.memory_space<vmem>>) target(%dma_start3A_66 : memref<10000x128xf32, #tpu.memory_space<vmem_shared>>) offsets(%arg8 : memref<128xi32, #tpu.memory_space<vmem>>) semaphore(%arg19 : memref<!tpu.dma_semaphore, #tpu.memory_space<semaphore_mem>>) {add = true}
      %dma_wait3A_67 = arith.constant 0 : i32
      %dma_wait3A_68 = arith.constant 0 : i32
      %dma_wait3A_69 = tpu.memref_slice %arg2[%dma_wait3A_67, %dma_wait3A_68] : memref<10000x128xf32, #tpu.memory_space<hbm>> -> memref<10000x128xf32, #tpu.memory_space<hbm>>
      tpu.wait_indirect_dma semaphore(%arg18 : memref<!tpu.dma_semaphore, #tpu.memory_space<semaphore_mem>>) src(%dma_wait3A_69 : memref<10000x128xf32, #tpu.memory_space<hbm>>) dst(%arg12 : memref<128x128xf32, #tpu.memory_space<vmem>>)
      %dma_start3A_70 = arith.constant 0 : i32
      %dma_start3A_71 = arith.constant 0 : i32
      %dma_start3A_72 = tpu.memref_slice %arg16[%dma_start3A_70, %dma_start3A_71] : memref<10000x128xf32, #tpu.memory_space<vmem_shared>> -> memref<10000x128xf32, #tpu.memory_space<vmem_shared>>
      tpu.enqueue_indirect_dma source(%arg12 : memref<128x128xf32, #tpu.memory_space<vmem>>) target(%dma_start3A_72 : memref<10000x128xf32, #tpu.memory_space<vmem_shared>>) offsets(%arg10 : memref<128xi32, #tpu.memory_space<vmem>>) semaphore(%arg20 : memref<!tpu.dma_semaphore, #tpu.memory_space<semaphore_mem>>) {add = true}
    }
    %scan3A_10 = arith.constant 39 : i32
    %dma_wait3A = arith.constant 0 : i32
    %dma_wait3A_11 = arith.constant 0 : i32
    %dma_wait3A_12 = tpu.memref_slice %arg16[%dma_wait3A, %dma_wait3A_11] : memref<10000x128xf32, #tpu.memory_space<vmem_shared>> -> memref<10000x128xf32, #tpu.memory_space<vmem_shared>>
    tpu.wait_indirect_dma semaphore(%arg19 : memref<!tpu.dma_semaphore, #tpu.memory_space<semaphore_mem>>) src(%arg11 : memref<128x128xf32, #tpu.memory_space<vmem>>) dst(%dma_wait3A_12 : memref<10000x128xf32, #tpu.memory_space<vmem_shared>>)
    %dma_wait3A_13 = arith.constant 0 : i32
    %dma_wait3A_14 = arith.constant 0 : i32
    %dma_wait3A_15 = tpu.memref_slice %arg16[%dma_wait3A_13, %dma_wait3A_14] : memref<10000x128xf32, #tpu.memory_space<vmem_shared>> -> memref<10000x128xf32, #tpu.memory_space<vmem_shared>>
    tpu.wait_indirect_dma semaphore(%arg20 : memref<!tpu.dma_semaphore, #tpu.memory_space<semaphore_mem>>) src(%arg12 : memref<128x128xf32, #tpu.memory_space<vmem>>) dst(%dma_wait3A_15 : memref<10000x128xf32, #tpu.memory_space<vmem_shared>>)
    %add3A_16 = arith.constant 9984 : i32
    %add3A_17 = arith.addi %mul3A_6, %add3A_16 : i32
    "tpu.region"() ({
      %run_scoped3A = tpu.sem_alloc : memref<!tpu.dma_semaphore, #tpu.memory_space<semaphore_mem>>
      %dma_start3A_34 = tpu.memref_slice %arg3[%add3A_17] : memref<320000xi32, #tpu.memory_space<hbm>> -> memref<16xi32, #tpu.memory_space<hbm>>
      %dma_start3A_35 = tpu.memref_slice %arg3[%add3A_17] : memref<320000xi32, #tpu.memory_space<hbm>> -> memref<16xi32, #tpu.memory_space<hbm>>
      tpu.enqueue_dma source(%dma_start3A_35 : memref<16xi32, #tpu.memory_space<hbm>>) target(%arg13 : memref<16xi32, #tpu.memory_space<vmem>>) target_semaphore(%run_scoped3A : memref<!tpu.dma_semaphore, #tpu.memory_space<semaphore_mem>>)
      %dma_wait3A_36 = tpu.memref_slice %arg3[%add3A_17] : memref<320000xi32, #tpu.memory_space<hbm>> -> memref<16xi32, #tpu.memory_space<hbm>>
      %dma_wait3A_37 = tpu.memref_slice %arg3[%add3A_17] : memref<320000xi32, #tpu.memory_space<hbm>> -> memref<16xi32, #tpu.memory_space<hbm>>
      tpu.wait_dma2 semaphore(%run_scoped3A : memref<!tpu.dma_semaphore, #tpu.memory_space<semaphore_mem>>) src(%dma_wait3A_37 : memref<16xi32, #tpu.memory_space<hbm>>) dst(%arg13 : memref<16xi32, #tpu.memory_space<vmem>>)
      tpu.yield
    }) : () -> ()
    "tpu.region"() ({
      %run_scoped3A = tpu.sem_alloc : memref<!tpu.dma_semaphore, #tpu.memory_space<semaphore_mem>>
      %dma_start3A_34 = tpu.memref_slice %arg4[%add3A_17] : memref<320000xi32, #tpu.memory_space<hbm>> -> memref<16xi32, #tpu.memory_space<hbm>>
      %dma_start3A_35 = tpu.memref_slice %arg4[%add3A_17] : memref<320000xi32, #tpu.memory_space<hbm>> -> memref<16xi32, #tpu.memory_space<hbm>>
      tpu.enqueue_dma source(%dma_start3A_35 : memref<16xi32, #tpu.memory_space<hbm>>) target(%arg14 : memref<16xi32, #tpu.memory_space<vmem>>) target_semaphore(%run_scoped3A : memref<!tpu.dma_semaphore, #tpu.memory_space<semaphore_mem>>)
      %dma_wait3A_36 = tpu.memref_slice %arg4[%add3A_17] : memref<320000xi32, #tpu.memory_space<hbm>> -> memref<16xi32, #tpu.memory_space<hbm>>
      %dma_wait3A_37 = tpu.memref_slice %arg4[%add3A_17] : memref<320000xi32, #tpu.memory_space<hbm>> -> memref<16xi32, #tpu.memory_space<hbm>>
      tpu.wait_dma2 semaphore(%run_scoped3A : memref<!tpu.dma_semaphore, #tpu.memory_space<semaphore_mem>>) src(%dma_wait3A_37 : memref<16xi32, #tpu.memory_space<hbm>>) dst(%arg14 : memref<16xi32, #tpu.memory_space<vmem>>)
      tpu.yield
    }) : () -> ()
    %dma_start3A = arith.constant 0 : i32
    %dma_start3A_18 = arith.constant 0 : i32
    %dma_start3A_19 = tpu.memref_slice %arg2[%dma_start3A, %dma_start3A_18] : memref<10000x128xf32, #tpu.memory_space<hbm>> -> memref<10000x128xf32, #tpu.memory_space<hbm>>
    tpu.enqueue_indirect_dma source(%dma_start3A_19 : memref<10000x128xf32, #tpu.memory_space<hbm>>) target(%arg15 : memref<16x128xf32, #tpu.memory_space<vmem>>) offsets(%arg13 : memref<16xi32, #tpu.memory_space<vmem>>) semaphore(%arg17 : memref<!tpu.dma_semaphore, #tpu.memory_space<semaphore_mem>>)
    %dma_wait3A_20 = arith.constant 0 : i32
    %dma_wait3A_21 = arith.constant 0 : i32
    %dma_wait3A_22 = tpu.memref_slice %arg2[%dma_wait3A_20, %dma_wait3A_21] : memref<10000x128xf32, #tpu.memory_space<hbm>> -> memref<10000x128xf32, #tpu.memory_space<hbm>>
    tpu.wait_indirect_dma semaphore(%arg17 : memref<!tpu.dma_semaphore, #tpu.memory_space<semaphore_mem>>) src(%dma_wait3A_22 : memref<10000x128xf32, #tpu.memory_space<hbm>>) dst(%arg15 : memref<16x128xf32, #tpu.memory_space<vmem>>)
    "tpu.region"() ({
      %run_scoped3A = tpu.sem_alloc : memref<!tpu.dma_semaphore, #tpu.memory_space<semaphore_mem>>
      %dma_start3A_34 = arith.constant 0 : i32
      %dma_start3A_35 = arith.constant 0 : i32
      %dma_start3A_36 = tpu.memref_slice %arg16[%dma_start3A_34, %dma_start3A_35] : memref<10000x128xf32, #tpu.memory_space<vmem_shared>> -> memref<10000x128xf32, #tpu.memory_space<vmem_shared>>
      tpu.enqueue_indirect_dma source(%arg15 : memref<16x128xf32, #tpu.memory_space<vmem>>) target(%dma_start3A_36 : memref<10000x128xf32, #tpu.memory_space<vmem_shared>>) offsets(%arg14 : memref<16xi32, #tpu.memory_space<vmem>>) semaphore(%run_scoped3A : memref<!tpu.dma_semaphore, #tpu.memory_space<semaphore_mem>>) {add = true}
      %dma_wait3A_37 = arith.constant 0 : i32
      %dma_wait3A_38 = arith.constant 0 : i32
      %dma_wait3A_39 = tpu.memref_slice %arg16[%dma_wait3A_37, %dma_wait3A_38] : memref<10000x128xf32, #tpu.memory_space<vmem_shared>> -> memref<10000x128xf32, #tpu.memory_space<vmem_shared>>
      tpu.wait_indirect_dma semaphore(%run_scoped3A : memref<!tpu.dma_semaphore, #tpu.memory_space<semaphore_mem>>) src(%arg15 : memref<16x128xf32, #tpu.memory_space<vmem>>) dst(%dma_wait3A_39 : memref<10000x128xf32, #tpu.memory_space<vmem_shared>>)
      tpu.yield
    }) : () -> ()
    %barrier3A_23 = arith.constant 0 : index
    tpu.barrier barrier_id(%barrier3A_23)
    %mul3A_24 = arith.constant 624 : i32
    %mul3A_25 = arith.muli %arg1, %mul3A_24 : i32
    %mul3A_26 = arith.constant 10000 : i32
    %mul3A_27 = arith.muli %arg0, %mul3A_26 : i32
    %add3A_28 = arith.addi %mul3A_27, %mul3A_25 : i32
    "tpu.region"() ({
      %run_scoped3A = tpu.sem_alloc : memref<!tpu.dma_semaphore, #tpu.memory_space<semaphore_mem>>
      %dma_start3A_34 = arith.constant 0 : i32
      %dma_start3A_35 = tpu.memref_slice %arg6[%add3A_28, %dma_start3A_34] : memref<20000x128xf32, #tpu.memory_space<hbm>> -> memref<624x128xf32, #tpu.memory_space<hbm>>
      %dma_start3A_36 = arith.constant 0 : i32
      %dma_start3A_37 = tpu.memref_slice %arg16[%mul3A_25, %dma_start3A_36] : memref<10000x128xf32, #tpu.memory_space<vmem_shared>> -> memref<624x128xf32, #tpu.memory_space<vmem_shared>>
      tpu.enqueue_dma source(%dma_start3A_37 : memref<624x128xf32, #tpu.memory_space<vmem_shared>>) target(%dma_start3A_35 : memref<624x128xf32, #tpu.memory_space<hbm>>) target_semaphore(%run_scoped3A : memref<!tpu.dma_semaphore, #tpu.memory_space<semaphore_mem>>)
      %dma_wait3A_38 = arith.constant 0 : i32
      %dma_wait3A_39 = tpu.memref_slice %arg6[%add3A_28, %dma_wait3A_38] : memref<20000x128xf32, #tpu.memory_space<hbm>> -> memref<624x128xf32, #tpu.memory_space<hbm>>
      %dma_wait3A_40 = arith.constant 0 : i32
      %dma_wait3A_41 = tpu.memref_slice %arg16[%mul3A_25, %dma_wait3A_40] : memref<10000x128xf32, #tpu.memory_space<vmem_shared>> -> memref<624x128xf32, #tpu.memory_space<vmem_shared>>
      tpu.wait_dma2 semaphore(%run_scoped3A : memref<!tpu.dma_semaphore, #tpu.memory_space<semaphore_mem>>) src(%dma_wait3A_41 : memref<624x128xf32, #tpu.memory_space<vmem_shared>>) dst(%dma_wait3A_39 : memref<624x128xf32, #tpu.memory_space<hbm>>)
      tpu.yield
    }) : () -> ()
    %eq3A_29 = arith.constant 15 : i32
    %eq3A_30 = arith.cmpi eq, %arg1, %eq3A_29 : i32
    %convert_element_type3A_31 = arith.extui %eq3A_30 : i1 to i32
    %cond3A_32 = arith.constant 0 : i32
    %cond3A_33 = arith.cmpi ne, %convert_element_type3A_31, %cond3A_32 : i32
    scf.if %cond3A_33 {
      %mul3A_34 = arith.constant 10000 : i32
      %mul3A_35 = arith.muli %arg0, %mul3A_34 : i32
      %add3A_36 = arith.constant 9984 : i32
      %add3A_37 = arith.addi %mul3A_35, %add3A_36 : i32
      "tpu.region"() ({
        %run_scoped3A = tpu.sem_alloc : memref<!tpu.dma_semaphore, #tpu.memory_space<semaphore_mem>>
        %dma_start3A_38 = arith.constant 0 : i32
        %dma_start3A_39 = tpu.memref_slice %arg6[%add3A_37, %dma_start3A_38] : memref<20000x128xf32, #tpu.memory_space<hbm>> -> memref<16x128xf32, #tpu.memory_space<hbm>>
        %dma_start3A_40 = arith.constant 9984 : i32
        %dma_start3A_41 = arith.constant 0 : i32
        %dma_start3A_42 = tpu.memref_slice %arg16[%dma_start3A_40, %dma_start3A_41] : memref<10000x128xf32, #tpu.memory_space<vmem_shared>> -> memref<16x128xf32, #tpu.memory_space<vmem_shared>>
        tpu.enqueue_dma source(%dma_start3A_42 : memref<16x128xf32, #tpu.memory_space<vmem_shared>>) target(%dma_start3A_39 : memref<16x128xf32, #tpu.memory_space<hbm>>) target_semaphore(%run_scoped3A : memref<!tpu.dma_semaphore, #tpu.memory_space<semaphore_mem>>)
        %dma_wait3A_43 = arith.constant 0 : i32
        %dma_wait3A_44 = tpu.memref_slice %arg6[%add3A_37, %dma_wait3A_43] : memref<20000x128xf32, #tpu.memory_space<hbm>> -> memref<16x128xf32, #tpu.memory_space<hbm>>
        %dma_wait3A_45 = arith.constant 9984 : i32
        %dma_wait3A_46 = arith.constant 0 : i32
        %dma_wait3A_47 = tpu.memref_slice %arg16[%dma_wait3A_45, %dma_wait3A_46] : memref<10000x128xf32, #tpu.memory_space<vmem_shared>> -> memref<16x128xf32, #tpu.memory_space<vmem_shared>>
        tpu.wait_dma2 semaphore(%run_scoped3A : memref<!tpu.dma_semaphore, #tpu.memory_space<semaphore_mem>>) src(%dma_wait3A_47 : memref<16x128xf32, #tpu.memory_space<vmem_shared>>) dst(%dma_wait3A_44 : memref<16x128xf32, #tpu.memory_space<hbm>>)
        tpu.yield
      }) : () -> ()
    } else {
    }
    return
  }
}

#map = affine_map<(d0, d1) -> (0, 0)>
#map1 = affine_map<(d0, d1) -> (0)>
module attributes {stable_mosaic.version = 14 : i64} {
  func.func @_pool_sc(%arg0: i32, %arg1: i32, %arg2: memref<10000x128xf32, #tpu.memory_space<hbm>>, %arg3: memref<10000xi32, #tpu.memory_space<hbm>>, %arg4: memref<10000x128xf32, #tpu.memory_space<hbm>>, %arg5: memref<128x128xf32, #tpu.memory_space<hbm>>, %arg6: memref<128x128xf32, #tpu.memory_space<hbm>>, %arg7: memref<128x128xf32, #tpu.memory_space<hbm>>, %arg8: memref<128xi32, #tpu.memory_space<vmem>>, %arg9: memref<128x128xf32, #tpu.memory_space<vmem>>, %arg10: memref<128x128xf32, #tpu.memory_space<vmem>>, %arg11: memref<16xi32, #tpu.memory_space<vmem>>, %arg12: memref<16x128xf32, #tpu.memory_space<vmem>>, %arg13: memref<64x128xf32, #tpu.memory_space<vmem_shared>>, %arg14: memref<64x128xf32, #tpu.memory_space<vmem_shared>>, %arg15: memref<!tpu.dma_semaphore, #tpu.memory_space<semaphore_mem>>) attributes {dimension_semantics = [#tpu.dimension_semantics<core_parallel>, #tpu.dimension_semantics<subcore_parallel>], iteration_bounds = array<i64: 2, 16>, scalar_prefetch = 0 : i64, scratch_operands = 8 : i64, tpu.core_type = #tpu.core_type<sc_vector_subcore>, window_params = [{transform_indices = #map}, {transform_indices = #map1}, {transform_indices = #map}, {transform_indices = #map}, {transform_indices = #map}, {transform_indices = #map}]} {
    %mul3A = arith.constant 16 : i32
    %mul3A_0 = arith.muli %arg0, %mul3A : i32
    %add3A = arith.addi %mul3A_0, %arg1 : i32
    %lt3A = arith.constant 8 : i32
    %lt3A_1 = arith.cmpi slt, %arg1, %lt3A : i32
    %convert_element_type3A = arith.extui %lt3A_1 : i1 to i32
    %cond3A = arith.constant 0 : i32
    %cond3A_2 = arith.cmpi ne, %convert_element_type3A, %cond3A : i32
    scf.if %cond3A_2 {
      %mul3A_17 = arith.constant 8 : i32
      %mul3A_18 = arith.muli %arg1, %mul3A_17 : i32
      "tpu.region"() ({
        %run_scoped3A = tpu.sem_alloc : memref<!tpu.dma_semaphore, #tpu.memory_space<semaphore_mem>>
        %dma_start3A = arith.constant 0 : i32
        %dma_start3A_21 = tpu.memref_slice %arg13[%mul3A_18, %dma_start3A] : memref<64x128xf32, #tpu.memory_space<vmem_shared>> -> memref<8x128xf32, #tpu.memory_space<vmem_shared>>
        %dma_start3A_22 = arith.constant 0 : i32
        %dma_start3A_23 = tpu.memref_slice %arg4[%mul3A_18, %dma_start3A_22] : memref<10000x128xf32, #tpu.memory_space<hbm>> -> memref<8x128xf32, #tpu.memory_space<hbm>>
        tpu.enqueue_dma source(%dma_start3A_23 : memref<8x128xf32, #tpu.memory_space<hbm>>) target(%dma_start3A_21 : memref<8x128xf32, #tpu.memory_space<vmem_shared>>) target_semaphore(%run_scoped3A : memref<!tpu.dma_semaphore, #tpu.memory_space<semaphore_mem>>)
        %dma_wait3A = arith.constant 0 : i32
        %dma_wait3A_24 = tpu.memref_slice %arg13[%mul3A_18, %dma_wait3A] : memref<64x128xf32, #tpu.memory_space<vmem_shared>> -> memref<8x128xf32, #tpu.memory_space<vmem_shared>>
        %dma_wait3A_25 = arith.constant 0 : i32
        %dma_wait3A_26 = tpu.memref_slice %arg4[%mul3A_18, %dma_wait3A_25] : memref<10000x128xf32, #tpu.memory_space<hbm>> -> memref<8x128xf32, #tpu.memory_space<hbm>>
        tpu.wait_dma2 semaphore(%run_scoped3A : memref<!tpu.dma_semaphore, #tpu.memory_space<semaphore_mem>>) src(%dma_wait3A_26 : memref<8x128xf32, #tpu.memory_space<hbm>>) dst(%dma_wait3A_24 : memref<8x128xf32, #tpu.memory_space<vmem_shared>>)
        tpu.yield
      }) : () -> ()
      %add3A_19 = arith.constant 64 : i32
      %add3A_20 = arith.addi %add3A_19, %mul3A_18 : i32
      "tpu.region"() ({
        %run_scoped3A = tpu.sem_alloc : memref<!tpu.dma_semaphore, #tpu.memory_space<semaphore_mem>>
        %dma_start3A = arith.constant 0 : i32
        %dma_start3A_21 = tpu.memref_slice %arg14[%mul3A_18, %dma_start3A] : memref<64x128xf32, #tpu.memory_space<vmem_shared>> -> memref<8x128xf32, #tpu.memory_space<vmem_shared>>
        %dma_start3A_22 = arith.constant 0 : i32
        %dma_start3A_23 = tpu.memref_slice %arg4[%add3A_20, %dma_start3A_22] : memref<10000x128xf32, #tpu.memory_space<hbm>> -> memref<8x128xf32, #tpu.memory_space<hbm>>
        tpu.enqueue_dma source(%dma_start3A_23 : memref<8x128xf32, #tpu.memory_space<hbm>>) target(%dma_start3A_21 : memref<8x128xf32, #tpu.memory_space<vmem_shared>>) target_semaphore(%run_scoped3A : memref<!tpu.dma_semaphore, #tpu.memory_space<semaphore_mem>>)
        %dma_wait3A = arith.constant 0 : i32
        %dma_wait3A_24 = tpu.memref_slice %arg14[%mul3A_18, %dma_wait3A] : memref<64x128xf32, #tpu.memory_space<vmem_shared>> -> memref<8x128xf32, #tpu.memory_space<vmem_shared>>
        %dma_wait3A_25 = arith.constant 0 : i32
        %dma_wait3A_26 = tpu.memref_slice %arg4[%add3A_20, %dma_wait3A_25] : memref<10000x128xf32, #tpu.memory_space<hbm>> -> memref<8x128xf32, #tpu.memory_space<hbm>>
        tpu.wait_dma2 semaphore(%run_scoped3A : memref<!tpu.dma_semaphore, #tpu.memory_space<semaphore_mem>>) src(%dma_wait3A_26 : memref<8x128xf32, #tpu.memory_space<hbm>>) dst(%dma_wait3A_24 : memref<8x128xf32, #tpu.memory_space<vmem_shared>>)
        tpu.yield
      }) : () -> ()
    } else {
    }
    "tpu.region"() ({
      %run_scoped3A = tpu.sem_alloc : memref<!tpu.dma_semaphore, #tpu.memory_space<semaphore_mem>>
      tpu.enqueue_dma source(%arg5 : memref<128x128xf32, #tpu.memory_space<hbm>>) target(%arg10 : memref<128x128xf32, #tpu.memory_space<vmem>>) target_semaphore(%run_scoped3A : memref<!tpu.dma_semaphore, #tpu.memory_space<semaphore_mem>>)
      tpu.wait_dma2 semaphore(%run_scoped3A : memref<!tpu.dma_semaphore, #tpu.memory_space<semaphore_mem>>) src(%arg5 : memref<128x128xf32, #tpu.memory_space<hbm>>) dst(%arg10 : memref<128x128xf32, #tpu.memory_space<vmem>>)
      tpu.yield
    }) : () -> ()
    %barrier3A = arith.constant 0 : index
    tpu.barrier barrier_id(%barrier3A)
    %scan3A = arith.constant 0 : i32
    %scan3A_3 = arith.constant 3 : i32
    %scan3A_4 = arith.addi %scan3A, %scan3A_3 : i32
    %scan3A_5 = arith.constant 1 : i32
    scf.for %scan3A_17 = %scan3A to %scan3A_4 step %scan3A_5  : i32 {
      %mul3A_18 = arith.constant 1 : i32
      %mul3A_19 = arith.muli %scan3A_17, %mul3A_18 : i32
      %add3A_20 = arith.constant 0 : i32
      %add3A_21 = arith.addi %add3A_20, %mul3A_19 : i32
      %mul3A_22 = arith.constant 32 : i32
      %mul3A_23 = arith.muli %add3A_21, %mul3A_22 : i32
      %add3A_24 = arith.addi %add3A, %mul3A_23 : i32
      %lt3A_25 = arith.constant 78 : i32
      %lt3A_26 = arith.cmpi slt, %add3A_24, %lt3A_25 : i32
      %convert_element_type3A_27 = arith.extui %lt3A_26 : i1 to i32
      %cond3A_28 = arith.constant 0 : i32
      %cond3A_29 = arith.cmpi ne, %convert_element_type3A_27, %cond3A_28 : i32
      scf.if %cond3A_29 {
        %mul3A_30 = arith.constant 128 : i32
        %mul3A_31 = arith.muli %add3A_24, %mul3A_30 : i32
        "tpu.region"() ({
          %run_scoped3A = tpu.sem_alloc : memref<!tpu.dma_semaphore, #tpu.memory_space<semaphore_mem>>
          %dma_start3A = tpu.memref_slice %arg3[%mul3A_31] : memref<10000xi32, #tpu.memory_space<hbm>> -> memref<128xi32, #tpu.memory_space<hbm>>
          %dma_start3A_32 = tpu.memref_slice %arg3[%mul3A_31] : memref<10000xi32, #tpu.memory_space<hbm>> -> memref<128xi32, #tpu.memory_space<hbm>>
          tpu.enqueue_dma source(%dma_start3A_32 : memref<128xi32, #tpu.memory_space<hbm>>) target(%arg8 : memref<128xi32, #tpu.memory_space<vmem>>) target_semaphore(%run_scoped3A : memref<!tpu.dma_semaphore, #tpu.memory_space<semaphore_mem>>)
          %dma_wait3A = tpu.memref_slice %arg3[%mul3A_31] : memref<10000xi32, #tpu.memory_space<hbm>> -> memref<128xi32, #tpu.memory_space<hbm>>
          %dma_wait3A_33 = tpu.memref_slice %arg3[%mul3A_31] : memref<10000xi32, #tpu.memory_space<hbm>> -> memref<128xi32, #tpu.memory_space<hbm>>
          tpu.wait_dma2 semaphore(%run_scoped3A : memref<!tpu.dma_semaphore, #tpu.memory_space<semaphore_mem>>) src(%dma_wait3A_33 : memref<128xi32, #tpu.memory_space<hbm>>) dst(%arg8 : memref<128xi32, #tpu.memory_space<vmem>>)
          tpu.yield
        }) : () -> ()
        "tpu.region"() ({
          %run_scoped3A = tpu.sem_alloc : memref<!tpu.dma_semaphore, #tpu.memory_space<semaphore_mem>>
          %dma_start3A = arith.constant 0 : i32
          %dma_start3A_32 = tpu.memref_slice %arg2[%mul3A_31, %dma_start3A] : memref<10000x128xf32, #tpu.memory_space<hbm>> -> memref<128x128xf32, #tpu.memory_space<hbm>>
          %dma_start3A_33 = arith.constant 0 : i32
          %dma_start3A_34 = tpu.memref_slice %arg2[%mul3A_31, %dma_start3A_33] : memref<10000x128xf32, #tpu.memory_space<hbm>> -> memref<128x128xf32, #tpu.memory_space<hbm>>
          tpu.enqueue_dma source(%dma_start3A_34 : memref<128x128xf32, #tpu.memory_space<hbm>>) target(%arg9 : memref<128x128xf32, #tpu.memory_space<vmem>>) target_semaphore(%run_scoped3A : memref<!tpu.dma_semaphore, #tpu.memory_space<semaphore_mem>>)
          %dma_wait3A = arith.constant 0 : i32
          %dma_wait3A_35 = tpu.memref_slice %arg2[%mul3A_31, %dma_wait3A] : memref<10000x128xf32, #tpu.memory_space<hbm>> -> memref<128x128xf32, #tpu.memory_space<hbm>>
          %dma_wait3A_36 = arith.constant 0 : i32
          %dma_wait3A_37 = tpu.memref_slice %arg2[%mul3A_31, %dma_wait3A_36] : memref<10000x128xf32, #tpu.memory_space<hbm>> -> memref<128x128xf32, #tpu.memory_space<hbm>>
          tpu.wait_dma2 semaphore(%run_scoped3A : memref<!tpu.dma_semaphore, #tpu.memory_space<semaphore_mem>>) src(%dma_wait3A_37 : memref<128x128xf32, #tpu.memory_space<hbm>>) dst(%arg9 : memref<128x128xf32, #tpu.memory_space<vmem>>)
          tpu.yield
        }) : () -> ()
        "tpu.region"() ({
          %run_scoped3A = tpu.sem_alloc : memref<!tpu.dma_semaphore, #tpu.memory_space<semaphore_mem>>
          %dma_start3A = arith.constant 0 : i32
          %dma_start3A_32 = arith.constant 0 : i32
          %dma_start3A_33 = tpu.memref_slice %arg13[%dma_start3A, %dma_start3A_32] : memref<64x128xf32, #tpu.memory_space<vmem_shared>> -> memref<64x128xf32, #tpu.memory_space<vmem_shared>>
          tpu.enqueue_indirect_dma source(%arg9 : memref<128x128xf32, #tpu.memory_space<vmem>>) target(%dma_start3A_33 : memref<64x128xf32, #tpu.memory_space<vmem_shared>>) offsets(%arg8 : memref<128xi32, #tpu.memory_space<vmem>>) semaphore(%run_scoped3A : memref<!tpu.dma_semaphore, #tpu.memory_space<semaphore_mem>>) {add = true}
          %dma_wait3A = arith.constant 0 : i32
          %dma_wait3A_34 = arith.constant 0 : i32
          %dma_wait3A_35 = tpu.memref_slice %arg13[%dma_wait3A, %dma_wait3A_34] : memref<64x128xf32, #tpu.memory_space<vmem_shared>> -> memref<64x128xf32, #tpu.memory_space<vmem_shared>>
          tpu.wait_indirect_dma semaphore(%run_scoped3A : memref<!tpu.dma_semaphore, #tpu.memory_space<semaphore_mem>>) src(%arg9 : memref<128x128xf32, #tpu.memory_space<vmem>>) dst(%dma_wait3A_35 : memref<64x128xf32, #tpu.memory_space<vmem_shared>>)
          tpu.yield
        }) : () -> ()
        "tpu.region"() ({
          %run_scoped3A = tpu.sem_alloc : memref<!tpu.dma_semaphore, #tpu.memory_space<semaphore_mem>>
          %dma_start3A = arith.constant 0 : i32
          %dma_start3A_32 = arith.constant 0 : i32
          %dma_start3A_33 = tpu.memref_slice %arg14[%dma_start3A, %dma_start3A_32] : memref<64x128xf32, #tpu.memory_space<vmem_shared>> -> memref<64x128xf32, #tpu.memory_space<vmem_shared>>
          tpu.enqueue_indirect_dma source(%arg10 : memref<128x128xf32, #tpu.memory_space<vmem>>) target(%dma_start3A_33 : memref<64x128xf32, #tpu.memory_space<vmem_shared>>) offsets(%arg8 : memref<128xi32, #tpu.memory_space<vmem>>) semaphore(%run_scoped3A : memref<!tpu.dma_semaphore, #tpu.memory_space<semaphore_mem>>) {add = true}
          %dma_wait3A = arith.constant 0 : i32
          %dma_wait3A_34 = arith.constant 0 : i32
          %dma_wait3A_35 = tpu.memref_slice %arg14[%dma_wait3A, %dma_wait3A_34] : memref<64x128xf32, #tpu.memory_space<vmem_shared>> -> memref<64x128xf32, #tpu.memory_space<vmem_shared>>
          tpu.wait_indirect_dma semaphore(%run_scoped3A : memref<!tpu.dma_semaphore, #tpu.memory_space<semaphore_mem>>) src(%arg10 : memref<128x128xf32, #tpu.memory_space<vmem>>) dst(%dma_wait3A_35 : memref<64x128xf32, #tpu.memory_space<vmem_shared>>)
          tpu.yield
        }) : () -> ()
      } else {
      }
    }
    %scan3A_6 = arith.constant 3 : i32
    %eq3A = arith.constant 31 : i32
    %eq3A_7 = arith.cmpi eq, %add3A, %eq3A : i32
    %convert_element_type3A_8 = arith.extui %eq3A_7 : i1 to i32
    %cond3A_9 = arith.constant 0 : i32
    %cond3A_10 = arith.cmpi ne, %convert_element_type3A_8, %cond3A_9 : i32
    scf.if %cond3A_10 {
      "tpu.region"() ({
        %run_scoped3A = tpu.sem_alloc : memref<!tpu.dma_semaphore, #tpu.memory_space<semaphore_mem>>
        %dma_start3A = arith.constant 9984 : i32
        %dma_start3A_17 = tpu.memref_slice %arg3[%dma_start3A] : memref<10000xi32, #tpu.memory_space<hbm>> -> memref<16xi32, #tpu.memory_space<hbm>>
        %dma_start3A_18 = arith.constant 9984 : i32
        %dma_start3A_19 = tpu.memref_slice %arg3[%dma_start3A_18] : memref<10000xi32, #tpu.memory_space<hbm>> -> memref<16xi32, #tpu.memory_space<hbm>>
        tpu.enqueue_dma source(%dma_start3A_19 : memref<16xi32, #tpu.memory_space<hbm>>) target(%arg11 : memref<16xi32, #tpu.memory_space<vmem>>) target_semaphore(%run_scoped3A : memref<!tpu.dma_semaphore, #tpu.memory_space<semaphore_mem>>)
        %dma_wait3A = arith.constant 9984 : i32
        %dma_wait3A_20 = tpu.memref_slice %arg3[%dma_wait3A] : memref<10000xi32, #tpu.memory_space<hbm>> -> memref<16xi32, #tpu.memory_space<hbm>>
        %dma_wait3A_21 = arith.constant 9984 : i32
        %dma_wait3A_22 = tpu.memref_slice %arg3[%dma_wait3A_21] : memref<10000xi32, #tpu.memory_space<hbm>> -> memref<16xi32, #tpu.memory_space<hbm>>
        tpu.wait_dma2 semaphore(%run_scoped3A : memref<!tpu.dma_semaphore, #tpu.memory_space<semaphore_mem>>) src(%dma_wait3A_22 : memref<16xi32, #tpu.memory_space<hbm>>) dst(%arg11 : memref<16xi32, #tpu.memory_space<vmem>>)
        tpu.yield
      }) : () -> ()
      "tpu.region"() ({
        %run_scoped3A = tpu.sem_alloc : memref<!tpu.dma_semaphore, #tpu.memory_space<semaphore_mem>>
        %dma_start3A = arith.constant 9984 : i32
        %dma_start3A_17 = arith.constant 0 : i32
        %dma_start3A_18 = tpu.memref_slice %arg2[%dma_start3A, %dma_start3A_17] : memref<10000x128xf32, #tpu.memory_space<hbm>> -> memref<16x128xf32, #tpu.memory_space<hbm>>
        %dma_start3A_19 = arith.constant 9984 : i32
        %dma_start3A_20 = arith.constant 0 : i32
        %dma_start3A_21 = tpu.memref_slice %arg2[%dma_start3A_19, %dma_start3A_20] : memref<10000x128xf32, #tpu.memory_space<hbm>> -> memref<16x128xf32, #tpu.memory_space<hbm>>
        tpu.enqueue_dma source(%dma_start3A_21 : memref<16x128xf32, #tpu.memory_space<hbm>>) target(%arg12 : memref<16x128xf32, #tpu.memory_space<vmem>>) target_semaphore(%run_scoped3A : memref<!tpu.dma_semaphore, #tpu.memory_space<semaphore_mem>>)
        %dma_wait3A = arith.constant 9984 : i32
        %dma_wait3A_22 = arith.constant 0 : i32
        %dma_wait3A_23 = tpu.memref_slice %arg2[%dma_wait3A, %dma_wait3A_22] : memref<10000x128xf32, #tpu.memory_space<hbm>> -> memref<16x128xf32, #tpu.memory_space<hbm>>
        %dma_wait3A_24 = arith.constant 9984 : i32
        %dma_wait3A_25 = arith.constant 0 : i32
        %dma_wait3A_26 = tpu.memref_slice %arg2[%dma_wait3A_24, %dma_wait3A_25] : memref<10000x128xf32, #tpu.memory_space<hbm>> -> memref<16x128xf32, #tpu.memory_space<hbm>>
        tpu.wait_dma2 semaphore(%run_scoped3A : memref<!tpu.dma_semaphore, #tpu.memory_space<semaphore_mem>>) src(%dma_wait3A_26 : memref<16x128xf32, #tpu.memory_space<hbm>>) dst(%arg12 : memref<16x128xf32, #tpu.memory_space<vmem>>)
        tpu.yield
      }) : () -> ()
      "tpu.region"() ({
        %run_scoped3A = tpu.sem_alloc : memref<!tpu.dma_semaphore, #tpu.memory_space<semaphore_mem>>
        %dma_start3A = arith.constant 0 : i32
        %dma_start3A_17 = arith.constant 0 : i32
        %dma_start3A_18 = tpu.memref_slice %arg13[%dma_start3A, %dma_start3A_17] : memref<64x128xf32, #tpu.memory_space<vmem_shared>> -> memref<64x128xf32, #tpu.memory_space<vmem_shared>>
        tpu.enqueue_indirect_dma source(%arg12 : memref<16x128xf32, #tpu.memory_space<vmem>>) target(%dma_start3A_18 : memref<64x128xf32, #tpu.memory_space<vmem_shared>>) offsets(%arg11 : memref<16xi32, #tpu.memory_space<vmem>>) semaphore(%run_scoped3A : memref<!tpu.dma_semaphore, #tpu.memory_space<semaphore_mem>>) {add = true}
        %dma_wait3A = arith.constant 0 : i32
        %dma_wait3A_19 = arith.constant 0 : i32
        %dma_wait3A_20 = tpu.memref_slice %arg13[%dma_wait3A, %dma_wait3A_19] : memref<64x128xf32, #tpu.memory_space<vmem_shared>> -> memref<64x128xf32, #tpu.memory_space<vmem_shared>>
        tpu.wait_indirect_dma semaphore(%run_scoped3A : memref<!tpu.dma_semaphore, #tpu.memory_space<semaphore_mem>>) src(%arg12 : memref<16x128xf32, #tpu.memory_space<vmem>>) dst(%dma_wait3A_20 : memref<64x128xf32, #tpu.memory_space<vmem_shared>>)
        tpu.yield
      }) : () -> ()
      "tpu.region"() ({
        %run_scoped3A = tpu.sem_alloc : memref<!tpu.dma_semaphore, #tpu.memory_space<semaphore_mem>>
        %dma_start3A = arith.constant 0 : i32
        %dma_start3A_17 = arith.constant 0 : i32
        %dma_start3A_18 = tpu.memref_slice %arg10[%dma_start3A, %dma_start3A_17] : memref<128x128xf32, #tpu.memory_space<vmem>> -> memref<16x128xf32, #tpu.memory_space<vmem>>
        %dma_start3A_19 = arith.constant 0 : i32
        %dma_start3A_20 = arith.constant 0 : i32
        %dma_start3A_21 = tpu.memref_slice %arg14[%dma_start3A_19, %dma_start3A_20] : memref<64x128xf32, #tpu.memory_space<vmem_shared>> -> memref<64x128xf32, #tpu.memory_space<vmem_shared>>
        tpu.enqueue_indirect_dma source(%dma_start3A_18 : memref<16x128xf32, #tpu.memory_space<vmem>>) target(%dma_start3A_21 : memref<64x128xf32, #tpu.memory_space<vmem_shared>>) offsets(%arg11 : memref<16xi32, #tpu.memory_space<vmem>>) semaphore(%run_scoped3A : memref<!tpu.dma_semaphore, #tpu.memory_space<semaphore_mem>>) {add = true}
        %dma_wait3A = arith.constant 0 : i32
        %dma_wait3A_22 = arith.constant 0 : i32
        %dma_wait3A_23 = tpu.memref_slice %arg10[%dma_wait3A, %dma_wait3A_22] : memref<128x128xf32, #tpu.memory_space<vmem>> -> memref<16x128xf32, #tpu.memory_space<vmem>>
        %dma_wait3A_24 = arith.constant 0 : i32
        %dma_wait3A_25 = arith.constant 0 : i32
        %dma_wait3A_26 = tpu.memref_slice %arg14[%dma_wait3A_24, %dma_wait3A_25] : memref<64x128xf32, #tpu.memory_space<vmem_shared>> -> memref<64x128xf32, #tpu.memory_space<vmem_shared>>
        tpu.wait_indirect_dma semaphore(%run_scoped3A : memref<!tpu.dma_semaphore, #tpu.memory_space<semaphore_mem>>) src(%dma_wait3A_23 : memref<16x128xf32, #tpu.memory_space<vmem>>) dst(%dma_wait3A_26 : memref<64x128xf32, #tpu.memory_space<vmem_shared>>)
        tpu.yield
      }) : () -> ()
    } else {
    }
    %barrier3A_11 = arith.constant 0 : index
    tpu.barrier barrier_id(%barrier3A_11)
    %lt3A_12 = arith.constant 8 : i32
    %lt3A_13 = arith.cmpi slt, %arg1, %lt3A_12 : i32
    %convert_element_type3A_14 = arith.extui %lt3A_13 : i1 to i32
    %cond3A_15 = arith.constant 0 : i32
    %cond3A_16 = arith.cmpi ne, %convert_element_type3A_14, %cond3A_15 : i32
    scf.if %cond3A_16 {
      %mul3A_17 = arith.constant 8 : i32
      %mul3A_18 = arith.muli %arg1, %mul3A_17 : i32
      %mul3A_19 = arith.constant 64 : i32
      %mul3A_20 = arith.muli %arg0, %mul3A_19 : i32
      %add3A_21 = arith.addi %mul3A_20, %mul3A_18 : i32
      "tpu.region"() ({
        %run_scoped3A = tpu.sem_alloc : memref<!tpu.dma_semaphore, #tpu.memory_space<semaphore_mem>>
        %dma_start3A = arith.constant 0 : i32
        %dma_start3A_25 = tpu.memref_slice %arg6[%add3A_21, %dma_start3A] : memref<128x128xf32, #tpu.memory_space<hbm>> -> memref<8x128xf32, #tpu.memory_space<hbm>>
        %dma_start3A_26 = arith.constant 0 : i32
        %dma_start3A_27 = tpu.memref_slice %arg13[%mul3A_18, %dma_start3A_26] : memref<64x128xf32, #tpu.memory_space<vmem_shared>> -> memref<8x128xf32, #tpu.memory_space<vmem_shared>>
        tpu.enqueue_dma source(%dma_start3A_27 : memref<8x128xf32, #tpu.memory_space<vmem_shared>>) target(%dma_start3A_25 : memref<8x128xf32, #tpu.memory_space<hbm>>) target_semaphore(%run_scoped3A : memref<!tpu.dma_semaphore, #tpu.memory_space<semaphore_mem>>)
        %dma_wait3A = arith.constant 0 : i32
        %dma_wait3A_28 = tpu.memref_slice %arg6[%add3A_21, %dma_wait3A] : memref<128x128xf32, #tpu.memory_space<hbm>> -> memref<8x128xf32, #tpu.memory_space<hbm>>
        %dma_wait3A_29 = arith.constant 0 : i32
        %dma_wait3A_30 = tpu.memref_slice %arg13[%mul3A_18, %dma_wait3A_29] : memref<64x128xf32, #tpu.memory_space<vmem_shared>> -> memref<8x128xf32, #tpu.memory_space<vmem_shared>>
        tpu.wait_dma2 semaphore(%run_scoped3A : memref<!tpu.dma_semaphore, #tpu.memory_space<semaphore_mem>>) src(%dma_wait3A_30 : memref<8x128xf32, #tpu.memory_space<vmem_shared>>) dst(%dma_wait3A_28 : memref<8x128xf32, #tpu.memory_space<hbm>>)
        tpu.yield
      }) : () -> ()
      %mul3A_22 = arith.constant 64 : i32
      %mul3A_23 = arith.muli %arg0, %mul3A_22 : i32
      %add3A_24 = arith.addi %mul3A_23, %mul3A_18 : i32
      "tpu.region"() ({
        %run_scoped3A = tpu.sem_alloc : memref<!tpu.dma_semaphore, #tpu.memory_space<semaphore_mem>>
        %dma_start3A = arith.constant 0 : i32
        %dma_start3A_25 = tpu.memref_slice %arg7[%add3A_24, %dma_start3A] : memref<128x128xf32, #tpu.memory_space<hbm>> -> memref<8x128xf32, #tpu.memory_space<hbm>>
        %dma_start3A_26 = arith.constant 0 : i32
        %dma_start3A_27 = tpu.memref_slice %arg14[%mul3A_18, %dma_start3A_26] : memref<64x128xf32, #tpu.memory_space<vmem_shared>> -> memref<8x128xf32, #tpu.memory_space<vmem_shared>>
        tpu.enqueue_dma source(%dma_start3A_27 : memref<8x128xf32, #tpu.memory_space<vmem_shared>>) target(%dma_start3A_25 : memref<8x128xf32, #tpu.memory_space<hbm>>) target_semaphore(%run_scoped3A : memref<!tpu.dma_semaphore, #tpu.memory_space<semaphore_mem>>)
        %dma_wait3A = arith.constant 0 : i32
        %dma_wait3A_28 = tpu.memref_slice %arg7[%add3A_24, %dma_wait3A] : memref<128x128xf32, #tpu.memory_space<hbm>> -> memref<8x128xf32, #tpu.memory_space<hbm>>
        %dma_wait3A_29 = arith.constant 0 : i32
        %dma_wait3A_30 = tpu.memref_slice %arg14[%mul3A_18, %dma_wait3A_29] : memref<64x128xf32, #tpu.memory_space<vmem_shared>> -> memref<8x128xf32, #tpu.memory_space<vmem_shared>>
        tpu.wait_dma2 semaphore(%run_scoped3A : memref<!tpu.dma_semaphore, #tpu.memory_space<semaphore_mem>>) src(%dma_wait3A_30 : memref<8x128xf32, #tpu.memory_space<vmem_shared>>) dst(%dma_wait3A_28 : memref<8x128xf32, #tpu.memory_space<hbm>>)
        tpu.yield
      }) : () -> ()
    } else {
    }
    return
  }
}

module attributes {stable_mosaic.version = 14 : i64} {
  func.func @_layer_body(%arg0: i32, %arg1: memref<2x400x128xf32, #tpu.memory_space<vmem>>, %arg2: memref<2x400x128xf32, #tpu.memory_space<vmem>>, %arg3: memref<400x128xf32, #tpu.memory_space<vmem>>, %arg4: memref<128x128xf32, #tpu.memory_space<vmem>>, %arg5: memref<128x128xf32, #tpu.memory_space<vmem>>, %arg6: memref<1x128xf32, #tpu.memory_space<vmem>>, %arg7: memref<1x128xf32, #tpu.memory_space<vmem>>, %arg8: memref<1x128xf32, #tpu.memory_space<vmem>>, %arg9: memref<400x128xf32, #tpu.memory_space<vmem>>) attributes {dimension_semantics = [#tpu.dimension_semantics<arbitrary>], iteration_bounds = array<i64: 25>, scalar_prefetch = 0 : i64, scratch_operands = 0 : i64, tpu.core_type = #tpu.core_type<tc>, window_params = [{transform_indices = @transform_0, window_bounds = array<i64: 2, 400, 128>}, {transform_indices = @transform_1, window_bounds = array<i64: 2, 400, 128>}, {transform_indices = @transform_2, window_bounds = array<i64: 400, 128>}, {pipeline_mode = #tpu.pipeline_mode<synchronous>, transform_indices = @transform_3, window_bounds = array<i64: 128, 128>}, {pipeline_mode = #tpu.pipeline_mode<synchronous>, transform_indices = @transform_4, window_bounds = array<i64: 128, 128>}, {pipeline_mode = #tpu.pipeline_mode<synchronous>, transform_indices = @transform_5, window_bounds = array<i64: 1, 128>}, {pipeline_mode = #tpu.pipeline_mode<synchronous>, transform_indices = @transform_6, window_bounds = array<i64: 1, 128>}, {pipeline_mode = #tpu.pipeline_mode<synchronous>, transform_indices = @transform_7, window_bounds = array<i64: 1, 128>}, {transform_indices = @transform_8, window_bounds = array<i64: 400, 128>}]} {
    %get3A = arith.constant 0 : index
    %get3A_0 = arith.constant 0 : index
    %get3A_1 = arith.constant 0 : index
    %get3A_2 = vector.load %arg1[%get3A, %get3A_0, %get3A_1] : memref<2x400x128xf32, #tpu.memory_space<vmem>>, vector<1x400x128xf32>
    %get3A_3 = vector.shape_cast %get3A_2 : vector<1x400x128xf32> to vector<400x128xf32>
    %get3A_4 = arith.constant 1 : index
    %get3A_5 = arith.constant 0 : index
    %get3A_6 = arith.constant 0 : index
    %get3A_7 = vector.load %arg1[%get3A_4, %get3A_5, %get3A_6] : memref<2x400x128xf32, #tpu.memory_space<vmem>>, vector<1x400x128xf32>
    %get3A_8 = vector.shape_cast %get3A_7 : vector<1x400x128xf32> to vector<400x128xf32>
    %add3A = arith.addf %get3A_3, %get3A_8 : vector<400x128xf32>
    %get3A_9 = arith.constant 0 : index
    %get3A_10 = arith.constant 0 : index
    %get3A_11 = arith.constant 0 : index
    %get3A_12 = vector.load %arg2[%get3A_9, %get3A_10, %get3A_11] : memref<2x400x128xf32, #tpu.memory_space<vmem>>, vector<1x400x1xf32>
    %get3A_13 = vector.shape_cast %get3A_12 : vector<1x400x1xf32> to vector<400x1xf32>
    %get3A_14 = arith.constant 1 : index
    %get3A_15 = arith.constant 0 : index
    %get3A_16 = arith.constant 0 : index
    %get3A_17 = vector.load %arg2[%get3A_14, %get3A_15, %get3A_16] : memref<2x400x128xf32, #tpu.memory_space<vmem>>, vector<1x400x1xf32>
    %get3A_18 = vector.shape_cast %get3A_17 : vector<1x400x1xf32> to vector<400x1xf32>
    %add3A_19 = arith.addf %get3A_13, %get3A_18 : vector<400x1xf32>
    %max3A = arith.constant 1.000000e+00 : f32
    %max3A_20 = vector.broadcast %max3A : f32 to vector<400x1xf32>
    %max3A_21 = arith.maximumf %add3A_19, %max3A_20 : vector<400x1xf32>
    %div3A = arith.constant 1.000000e+00 : f32
    %div3A_22 = vector.broadcast %div3A : f32 to vector<400x1xf32>
    %div3A_23 = arith.divf %div3A_22, %max3A_21 : vector<400x1xf32>
    %mul3A = vector.broadcast %div3A_23 : vector<400x1xf32> to vector<400x128xf32>
    %mul3A_24 = arith.mulf %add3A, %mul3A : vector<400x128xf32>
    %get3A_25 = arith.constant 0 : index
    %get3A_26 = arith.constant 0 : index
    %get3A_27 = vector.load %arg4[%get3A_25, %get3A_26] : memref<128x128xf32, #tpu.memory_space<vmem>>, vector<128x128xf32>
    %dot_general3A = arith.constant dense<0.000000e+00> : vector<400x128xf32>
    %dot_general3A_28 = tpu.matmul %mul3A_24, %get3A_27, %dot_general3A {dimension_numbers = #tpu.dot_dimension_numbers<[1], [0], [0], [1], [0, 0, 1, 1], [], []>, precision = #tpu.contract_precision<fp32>, transpose_lhs_hint = false} : vector<400x128xf32>, vector<128x128xf32>, vector<400x128xf32> -> vector<400x128xf32>
    %get3A_29 = arith.constant 0 : index
    %get3A_30 = arith.constant 0 : index
    %get3A_31 = vector.load %arg3[%get3A_29, %get3A_30] : memref<400x128xf32, #tpu.memory_space<vmem>>, vector<400x128xf32>
    %get3A_32 = arith.constant 0 : index
    %get3A_33 = arith.constant 0 : index
    %get3A_34 = vector.load %arg5[%get3A_32, %get3A_33] : memref<128x128xf32, #tpu.memory_space<vmem>>, vector<128x128xf32>
    %dot_general3A_35 = arith.constant dense<0.000000e+00> : vector<400x128xf32>
    %dot_general3A_36 = tpu.matmul %get3A_31, %get3A_34, %dot_general3A_35 {dimension_numbers = #tpu.dot_dimension_numbers<[1], [0], [0], [1], [0, 0, 1, 1], [], []>, precision = #tpu.contract_precision<fp32>, transpose_lhs_hint = false} : vector<400x128xf32>, vector<128x128xf32>, vector<400x128xf32> -> vector<400x128xf32>
    %add3A_37 = arith.addf %dot_general3A_28, %dot_general3A_36 : vector<400x128xf32>
    %get3A_38 = arith.constant 0 : index
    %get3A_39 = arith.constant 0 : index
    %get3A_40 = vector.load %arg6[%get3A_38, %get3A_39] : memref<1x128xf32, #tpu.memory_space<vmem>>, vector<1x128xf32>
    %add3A_41 = vector.broadcast %get3A_40 : vector<1x128xf32> to vector<400x128xf32>
    %add3A_42 = arith.addf %add3A_37, %add3A_41 : vector<400x128xf32>
    %reduce_sum3A = arith.constant dense<0.000000e+00> : vector<400xf32>
    %reduce_sum3A_43 = vector.multi_reduction <add>, %add3A_42, %reduce_sum3A [1] : vector<400x128xf32> to vector<400xf32>
    %broadcast_in_dim3A = vector.shape_cast %reduce_sum3A_43 : vector<400xf32> to vector<400x1xf32>
    %div3A_44 = arith.constant 1.280000e+02 : f32
    %div3A_45 = vector.broadcast %div3A_44 : f32 to vector<400x1xf32>
    %div3A_46 = arith.divf %broadcast_in_dim3A, %div3A_45 : vector<400x1xf32>
    %sub3A = vector.broadcast %div3A_46 : vector<400x1xf32> to vector<400x128xf32>
    %sub3A_47 = arith.subf %add3A_42, %sub3A : vector<400x128xf32>
    %sub3A_48 = vector.broadcast %div3A_46 : vector<400x1xf32> to vector<400x128xf32>
    %sub3A_49 = arith.subf %add3A_42, %sub3A_48 : vector<400x128xf32>
    %mul3A_50 = arith.mulf %sub3A_47, %sub3A_49 : vector<400x128xf32>
    %reduce_sum3A_51 = arith.constant dense<0.000000e+00> : vector<400xf32>
    %reduce_sum3A_52 = vector.multi_reduction <add>, %mul3A_50, %reduce_sum3A_51 [1] : vector<400x128xf32> to vector<400xf32>
    %broadcast_in_dim3A_53 = vector.shape_cast %reduce_sum3A_52 : vector<400xf32> to vector<400x1xf32>
    %div3A_54 = arith.constant 1.280000e+02 : f32
    %div3A_55 = vector.broadcast %div3A_54 : f32 to vector<400x1xf32>
    %div3A_56 = arith.divf %broadcast_in_dim3A_53, %div3A_55 : vector<400x1xf32>
    %sub3A_57 = vector.broadcast %div3A_46 : vector<400x1xf32> to vector<400x128xf32>
    %sub3A_58 = arith.subf %add3A_42, %sub3A_57 : vector<400x128xf32>
    %add3A_59 = arith.constant 9.99999974E-6 : f32
    %add3A_60 = vector.broadcast %add3A_59 : f32 to vector<400x1xf32>
    %add3A_61 = arith.addf %div3A_56, %add3A_60 : vector<400x1xf32>
    %rsqrt3A = math.rsqrt %add3A_61 : vector<400x1xf32>
    %mul3A_62 = vector.broadcast %rsqrt3A : vector<400x1xf32> to vector<400x128xf32>
    %mul3A_63 = arith.mulf %sub3A_58, %mul3A_62 : vector<400x128xf32>
    %get3A_64 = arith.constant 0 : index
    %get3A_65 = arith.constant 0 : index
    %get3A_66 = vector.load %arg7[%get3A_64, %get3A_65] : memref<1x128xf32, #tpu.memory_space<vmem>>, vector<1x128xf32>
    %mul3A_67 = vector.broadcast %get3A_66 : vector<1x128xf32> to vector<400x128xf32>
    %mul3A_68 = arith.mulf %mul3A_63, %mul3A_67 : vector<400x128xf32>
    %get3A_69 = arith.constant 0 : index
    %get3A_70 = arith.constant 0 : index
    %get3A_71 = vector.load %arg8[%get3A_69, %get3A_70] : memref<1x128xf32, #tpu.memory_space<vmem>>, vector<1x128xf32>
    %add3A_72 = vector.broadcast %get3A_71 : vector<1x128xf32> to vector<400x128xf32>
    %add3A_73 = arith.addf %mul3A_68, %add3A_72 : vector<400x128xf32>
    %max3A_74 = arith.constant 0.000000e+00 : f32
    %max3A_75 = vector.broadcast %max3A_74 : f32 to vector<400x128xf32>
    %max3A_76 = arith.maximumf %add3A_73, %max3A_75 : vector<400x128xf32>
    %swap3A = arith.constant 0 : index
    %swap3A_77 = arith.constant 0 : index
    %swap3A_78 = vector.load %arg9[%swap3A, %swap3A_77] : memref<400x128xf32, #tpu.memory_space<vmem>>, vector<400x128xf32>
    tpu.vector_store %arg9[%swap3A, %swap3A_77], %max3A_76 {strides = array<i32>} : memref<400x128xf32, #tpu.memory_space<vmem>>, vector<400x128xf32>,
    return
  }
  func.func @transform_0(%arg0: i32) -> (i32, i32, i32) {
    %c0_i32 = arith.constant 0 : i32
    %c0_i32_0 = arith.constant 0 : i32
    %c0_i32_1 = arith.constant 0 : i32
    return %c0_i32, %arg0, %c0_i32_0 : i32, i32, i32
  }
  func.func @transform_1(%arg0: i32) -> (i32, i32, i32) {
    %c0_i32 = arith.constant 0 : i32
    %c0_i32_0 = arith.constant 0 : i32
    %c0_i32_1 = arith.constant 0 : i32
    return %c0_i32, %arg0, %c0_i32_0 : i32, i32, i32
  }
  func.func @transform_2(%arg0: i32) -> (i32, i32) {
    %c0_i32 = arith.constant 0 : i32
    %c0_i32_0 = arith.constant 0 : i32
    return %arg0, %c0_i32 : i32, i32
  }
  func.func @transform_3(%arg0: i32) -> (i32, i32) {
    %c0_i32 = arith.constant 0 : i32
    %c0_i32_0 = arith.constant 0 : i32
    %c0_i32_1 = arith.constant 0 : i32
    return %c0_i32, %c0_i32_0 : i32, i32
  }
  func.func @transform_4(%arg0: i32) -> (i32, i32) {
    %c0_i32 = arith.constant 0 : i32
    %c0_i32_0 = arith.constant 0 : i32
    %c0_i32_1 = arith.constant 0 : i32
    return %c0_i32, %c0_i32_0 : i32, i32
  }
  func.func @transform_5(%arg0: i32) -> (i32, i32) {
    %c0_i32 = arith.constant 0 : i32
    %c0_i32_0 = arith.constant 0 : i32
    %c0_i32_1 = arith.constant 0 : i32
    return %c0_i32, %c0_i32_0 : i32, i32
  }
  func.func @transform_6(%arg0: i32) -> (i32, i32) {
    %c0_i32 = arith.constant 0 : i32
    %c0_i32_0 = arith.constant 0 : i32
    %c0_i32_1 = arith.constant 0 : i32
    return %c0_i32, %c0_i32_0 : i32, i32
  }
  func.func @transform_7(%arg0: i32) -> (i32, i32) {
    %c0_i32 = arith.constant 0 : i32
    %c0_i32_0 = arith.constant 0 : i32
    %c0_i32_1 = arith.constant 0 : i32
    return %c0_i32, %c0_i32_0 : i32, i32
  }
  func.func @transform_8(%arg0: i32) -> (i32, i32) {
    %c0_i32 = arith.constant 0 : i32
    %c0_i32_0 = arith.constant 0 : i32
    return %arg0, %c0_i32 : i32, i32
  }
}

module attributes {stable_mosaic.version = 14 : i64} {
  func.func @_max_body(%arg0: i32, %arg1: memref<400x1xi32, #tpu.memory_space<vmem>>, %arg2: memref<400x128xf32, #tpu.memory_space<vmem>>, %arg3: memref<64x128xf32, #tpu.memory_space<vmem>>, %arg4: memref<64x128xf32, #tpu.memory_space<vmem>>) attributes {dimension_semantics = [#tpu.dimension_semantics<arbitrary>], iteration_bounds = array<i64: 25>, scalar_prefetch = 0 : i64, scratch_operands = 1 : i64, tpu.core_type = #tpu.core_type<tc>, window_params = [{transform_indices = @transform_0, window_bounds = array<i64: 400, 1>}, {transform_indices = @transform_1, window_bounds = array<i64: 400, 128>}, {pipeline_mode = #tpu.pipeline_mode<synchronous>, transform_indices = @transform_2, window_bounds = array<i64: 64, 128>}]} {
    %eq3A = arith.constant 0 : i32
    %eq3A_0 = arith.cmpi eq, %arg0, %eq3A : i32
    %convert_element_type3A = arith.extui %eq3A_0 : i1 to i32
    %cond3A = arith.constant 0 : i32
    %cond3A_1 = arith.cmpi ne, %convert_element_type3A, %cond3A : i32
    scf.if %cond3A_1 {
      %broadcast_in_dim3A_1159 = arith.constant 0xFF800000 : f32
      %broadcast_in_dim3A_1160 = vector.broadcast %broadcast_in_dim3A_1159 : f32 to vector<64x128xf32>
      %swap3A_1161 = arith.constant 0 : index
      %swap3A_1162 = arith.constant 0 : index
      %swap3A_1163 = vector.load %arg4[%swap3A_1161, %swap3A_1162] : memref<64x128xf32, #tpu.memory_space<vmem>>, vector<64x128xf32>
      tpu.vector_store %arg4[%swap3A_1161, %swap3A_1162], %broadcast_in_dim3A_1160 {strides = array<i32>} : memref<64x128xf32, #tpu.memory_space<vmem>>, vector<64x128xf32>,
    } else {
    }
    %get3A = arith.constant 0 : index
    %get3A_2 = arith.constant 0 : index
    %get3A_3 = vector.load %arg1[%get3A, %get3A_2] : memref<400x1xi32, #tpu.memory_space<vmem>>, vector<400x1xi32>
    %get3A_4 = arith.constant 0 : index
    %get3A_5 = arith.constant 0 : index
    %get3A_6 = vector.load %arg2[%get3A_4, %get3A_5] : memref<400x128xf32, #tpu.memory_space<vmem>>, vector<400x128xf32>
    %eq3A_7 = arith.constant 0 : i32
    %eq3A_8 = vector.broadcast %eq3A_7 : i32 to vector<400x1xi32>
    %eq3A_9 = arith.cmpi eq, %get3A_3, %eq3A_8 : vector<400x1xi32>
    %jit3A = arith.constant 0xFF800000 : f32
    %broadcast_in_dim3A = vector.shape_cast %eq3A_9 : vector<400x1xi1> to vector<400x1xi1>
    %broadcast_in_dim3A_10 = vector.broadcast %broadcast_in_dim3A : vector<400x1xi1> to vector<400x128xi1>
    %broadcast_in_dim3A_11 = vector.broadcast %jit3A : f32 to vector<400x128xf32>
    %select_n3A = arith.select %broadcast_in_dim3A_10, %get3A_6, %broadcast_in_dim3A_11 : vector<400x128xi1>, vector<400x128xf32>
    %get3A_12 = arith.constant 0 : index
    %get3A_13 = arith.constant 0 : index
    %get3A_14 = vector.load %arg4[%get3A_12, %get3A_13] : memref<64x128xf32, #tpu.memory_space<vmem>>, vector<1x128xf32>
    %reduce_max3A = arith.constant dense<0xFF800000> : vector<128xf32>
    %reduce_max3A_15 = vector.multi_reduction <maximumf>, %select_n3A, %reduce_max3A [0] : vector<400x128xf32> to vector<128xf32>
    %broadcast_in_dim3A_16 = vector.shape_cast %reduce_max3A_15 : vector<128xf32> to vector<1x128xf32>
    %max3A = arith.maximumf %get3A_14, %broadcast_in_dim3A_16 : vector<1x128xf32>
    %swap3A = arith.constant 0 : index
    %swap3A_17 = arith.constant 0 : index
    %swap3A_18 = vector.load %arg4[%swap3A, %swap3A_17] : memref<64x128xf32, #tpu.memory_space<vmem>>, vector<1x128xf32>
    tpu.vector_store %arg4[%swap3A, %swap3A_17], %max3A {strides = array<i32>} : memref<64x128xf32, #tpu.memory_space<vmem>>, vector<1x128xf32>,
    %eq3A_19 = arith.constant 1 : i32
    %eq3A_20 = vector.broadcast %eq3A_19 : i32 to vector<400x1xi32>
    %eq3A_21 = arith.cmpi eq, %get3A_3, %eq3A_20 : vector<400x1xi32>
    %jit3A_22 = arith.constant 0xFF800000 : f32
    %broadcast_in_dim3A_23 = vector.shape_cast %eq3A_21 : vector<400x1xi1> to vector<400x1xi1>
    %broadcast_in_dim3A_24 = vector.broadcast %broadcast_in_dim3A_23 : vector<400x1xi1> to vector<400x128xi1>
    %broadcast_in_dim3A_25 = vector.broadcast %jit3A_22 : f32 to vector<400x128xf32>
    %select_n3A_26 = arith.select %broadcast_in_dim3A_24, %get3A_6, %broadcast_in_dim3A_25 : vector<400x128xi1>, vector<400x128xf32>
    %get3A_27 = arith.constant 1 : index
    %get3A_28 = arith.constant 0 : index
    %get3A_29 = vector.load %arg4[%get3A_27, %get3A_28] : memref<64x128xf32, #tpu.memory_space<vmem>>, vector<1x128xf32>
    %reduce_max3A_30 = arith.constant dense<0xFF800000> : vector<128xf32>
    %reduce_max3A_31 = vector.multi_reduction <maximumf>, %select_n3A_26, %reduce_max3A_30 [0] : vector<400x128xf32> to vector<128xf32>
    %broadcast_in_dim3A_32 = vector.shape_cast %reduce_max3A_31 : vector<128xf32> to vector<1x128xf32>
    %max3A_33 = arith.maximumf %get3A_29, %broadcast_in_dim3A_32 : vector<1x128xf32>
    %swap3A_34 = arith.constant 1 : index
    %swap3A_35 = arith.constant 0 : index
    %swap3A_36 = vector.load %arg4[%swap3A_34, %swap3A_35] : memref<64x128xf32, #tpu.memory_space<vmem>>, vector<1x128xf32>
    tpu.vector_store %arg4[%swap3A_34, %swap3A_35], %max3A_33 {strides = array<i32>} : memref<64x128xf32, #tpu.memory_space<vmem>>, vector<1x128xf32>,
    %eq3A_37 = arith.constant 2 : i32
    %eq3A_38 = vector.broadcast %eq3A_37 : i32 to vector<400x1xi32>
    %eq3A_39 = arith.cmpi eq, %get3A_3, %eq3A_38 : vector<400x1xi32>
    %jit3A_40 = arith.constant 0xFF800000 : f32
    %broadcast_in_dim3A_41 = vector.shape_cast %eq3A_39 : vector<400x1xi1> to vector<400x1xi1>
    %broadcast_in_dim3A_42 = vector.broadcast %broadcast_in_dim3A_41 : vector<400x1xi1> to vector<400x128xi1>
    %broadcast_in_dim3A_43 = vector.broadcast %jit3A_40 : f32 to vector<400x128xf32>
    %select_n3A_44 = arith.select %broadcast_in_dim3A_42, %get3A_6, %broadcast_in_dim3A_43 : vector<400x128xi1>, vector<400x128xf32>
    %get3A_45 = arith.constant 2 : index
    %get3A_46 = arith.constant 0 : index
    %get3A_47 = vector.load %arg4[%get3A_45, %get3A_46] : memref<64x128xf32, #tpu.memory_space<vmem>>, vector<1x128xf32>
    %reduce_max3A_48 = arith.constant dense<0xFF800000> : vector<128xf32>
    %reduce_max3A_49 = vector.multi_reduction <maximumf>, %select_n3A_44, %reduce_max3A_48 [0] : vector<400x128xf32> to vector<128xf32>
    %broadcast_in_dim3A_50 = vector.shape_cast %reduce_max3A_49 : vector<128xf32> to vector<1x128xf32>
    %max3A_51 = arith.maximumf %get3A_47, %broadcast_in_dim3A_50 : vector<1x128xf32>
    %swap3A_52 = arith.constant 2 : index
    %swap3A_53 = arith.constant 0 : index
    %swap3A_54 = vector.load %arg4[%swap3A_52, %swap3A_53] : memref<64x128xf32, #tpu.memory_space<vmem>>, vector<1x128xf32>
    tpu.vector_store %arg4[%swap3A_52, %swap3A_53], %max3A_51 {strides = array<i32>} : memref<64x128xf32, #tpu.memory_space<vmem>>, vector<1x128xf32>,
    %eq3A_55 = arith.constant 3 : i32
    %eq3A_56 = vector.broadcast %eq3A_55 : i32 to vector<400x1xi32>
    %eq3A_57 = arith.cmpi eq, %get3A_3, %eq3A_56 : vector<400x1xi32>
    %jit3A_58 = arith.constant 0xFF800000 : f32
    %broadcast_in_dim3A_59 = vector.shape_cast %eq3A_57 : vector<400x1xi1> to vector<400x1xi1>
    %broadcast_in_dim3A_60 = vector.broadcast %broadcast_in_dim3A_59 : vector<400x1xi1> to vector<400x128xi1>
    %broadcast_in_dim3A_61 = vector.broadcast %jit3A_58 : f32 to vector<400x128xf32>
    %select_n3A_62 = arith.select %broadcast_in_dim3A_60, %get3A_6, %broadcast_in_dim3A_61 : vector<400x128xi1>, vector<400x128xf32>
    %get3A_63 = arith.constant 3 : index
    %get3A_64 = arith.constant 0 : index
    %get3A_65 = vector.load %arg4[%get3A_63, %get3A_64] : memref<64x128xf32, #tpu.memory_space<vmem>>, vector<1x128xf32>
    %reduce_max3A_66 = arith.constant dense<0xFF800000> : vector<128xf32>
    %reduce_max3A_67 = vector.multi_reduction <maximumf>, %select_n3A_62, %reduce_max3A_66 [0] : vector<400x128xf32> to vector<128xf32>
    %broadcast_in_dim3A_68 = vector.shape_cast %reduce_max3A_67 : vector<128xf32> to vector<1x128xf32>
    %max3A_69 = arith.maximumf %get3A_65, %broadcast_in_dim3A_68 : vector<1x128xf32>
    %swap3A_70 = arith.constant 3 : index
    %swap3A_71 = arith.constant 0 : index
    %swap3A_72 = vector.load %arg4[%swap3A_70, %swap3A_71] : memref<64x128xf32, #tpu.memory_space<vmem>>, vector<1x128xf32>
    tpu.vector_store %arg4[%swap3A_70, %swap3A_71], %max3A_69 {strides = array<i32>} : memref<64x128xf32, #tpu.memory_space<vmem>>, vector<1x128xf32>,
    %eq3A_73 = arith.constant 4 : i32
    %eq3A_74 = vector.broadcast %eq3A_73 : i32 to vector<400x1xi32>
    %eq3A_75 = arith.cmpi eq, %get3A_3, %eq3A_74 : vector<400x1xi32>
    %jit3A_76 = arith.constant 0xFF800000 : f32
    %broadcast_in_dim3A_77 = vector.shape_cast %eq3A_75 : vector<400x1xi1> to vector<400x1xi1>
    %broadcast_in_dim3A_78 = vector.broadcast %broadcast_in_dim3A_77 : vector<400x1xi1> to vector<400x128xi1>
    %broadcast_in_dim3A_79 = vector.broadcast %jit3A_76 : f32 to vector<400x128xf32>
    %select_n3A_80 = arith.select %broadcast_in_dim3A_78, %get3A_6, %broadcast_in_dim3A_79 : vector<400x128xi1>, vector<400x128xf32>
    %get3A_81 = arith.constant 4 : index
    %get3A_82 = arith.constant 0 : index
    %get3A_83 = vector.load %arg4[%get3A_81, %get3A_82] : memref<64x128xf32, #tpu.memory_space<vmem>>, vector<1x128xf32>
    %reduce_max3A_84 = arith.constant dense<0xFF800000> : vector<128xf32>
    %reduce_max3A_85 = vector.multi_reduction <maximumf>, %select_n3A_80, %reduce_max3A_84 [0] : vector<400x128xf32> to vector<128xf32>
    %broadcast_in_dim3A_86 = vector.shape_cast %reduce_max3A_85 : vector<128xf32> to vector<1x128xf32>
    %max3A_87 = arith.maximumf %get3A_83, %broadcast_in_dim3A_86 : vector<1x128xf32>
    %swap3A_88 = arith.constant 4 : index
    %swap3A_89 = arith.constant 0 : index
    %swap3A_90 = vector.load %arg4[%swap3A_88, %swap3A_89] : memref<64x128xf32, #tpu.memory_space<vmem>>, vector<1x128xf32>
    tpu.vector_store %arg4[%swap3A_88, %swap3A_89], %max3A_87 {strides = array<i32>} : memref<64x128xf32, #tpu.memory_space<vmem>>, vector<1x128xf32>,
    %eq3A_91 = arith.constant 5 : i32
    %eq3A_92 = vector.broadcast %eq3A_91 : i32 to vector<400x1xi32>
    %eq3A_93 = arith.cmpi eq, %get3A_3, %eq3A_92 : vector<400x1xi32>
    %jit3A_94 = arith.constant 0xFF800000 : f32
    %broadcast_in_dim3A_95 = vector.shape_cast %eq3A_93 : vector<400x1xi1> to vector<400x1xi1>
    %broadcast_in_dim3A_96 = vector.broadcast %broadcast_in_dim3A_95 : vector<400x1xi1> to vector<400x128xi1>
    %broadcast_in_dim3A_97 = vector.broadcast %jit3A_94 : f32 to vector<400x128xf32>
    %select_n3A_98 = arith.select %broadcast_in_dim3A_96, %get3A_6, %broadcast_in_dim3A_97 : vector<400x128xi1>, vector<400x128xf32>
    %get3A_99 = arith.constant 5 : index
    %get3A_100 = arith.constant 0 : index
    %get3A_101 = vector.load %arg4[%get3A_99, %get3A_100] : memref<64x128xf32, #tpu.memory_space<vmem>>, vector<1x128xf32>
    %reduce_max3A_102 = arith.constant dense<0xFF800000> : vector<128xf32>
    %reduce_max3A_103 = vector.multi_reduction <maximumf>, %select_n3A_98, %reduce_max3A_102 [0] : vector<400x128xf32> to vector<128xf32>
    %broadcast_in_dim3A_104 = vector.shape_cast %reduce_max3A_103 : vector<128xf32> to vector<1x128xf32>
    %max3A_105 = arith.maximumf %get3A_101, %broadcast_in_dim3A_104 : vector<1x128xf32>
    %swap3A_106 = arith.constant 5 : index
    %swap3A_107 = arith.constant 0 : index
    %swap3A_108 = vector.load %arg4[%swap3A_106, %swap3A_107] : memref<64x128xf32, #tpu.memory_space<vmem>>, vector<1x128xf32>
    tpu.vector_store %arg4[%swap3A_106, %swap3A_107], %max3A_105 {strides = array<i32>} : memref<64x128xf32, #tpu.memory_space<vmem>>, vector<1x128xf32>,
    %eq3A_109 = arith.constant 6 : i32
    %eq3A_110 = vector.broadcast %eq3A_109 : i32 to vector<400x1xi32>
    %eq3A_111 = arith.cmpi eq, %get3A_3, %eq3A_110 : vector<400x1xi32>
    %jit3A_112 = arith.constant 0xFF800000 : f32
    %broadcast_in_dim3A_113 = vector.shape_cast %eq3A_111 : vector<400x1xi1> to vector<400x1xi1>
    %broadcast_in_dim3A_114 = vector.broadcast %broadcast_in_dim3A_113 : vector<400x1xi1> to vector<400x128xi1>
    %broadcast_in_dim3A_115 = vector.broadcast %jit3A_112 : f32 to vector<400x128xf32>
    %select_n3A_116 = arith.select %broadcast_in_dim3A_114, %get3A_6, %broadcast_in_dim3A_115 : vector<400x128xi1>, vector<400x128xf32>
    %get3A_117 = arith.constant 6 : index
    %get3A_118 = arith.constant 0 : index
    %get3A_119 = vector.load %arg4[%get3A_117, %get3A_118] : memref<64x128xf32, #tpu.memory_space<vmem>>, vector<1x128xf32>
    %reduce_max3A_120 = arith.constant dense<0xFF800000> : vector<128xf32>
    %reduce_max3A_121 = vector.multi_reduction <maximumf>, %select_n3A_116, %reduce_max3A_120 [0] : vector<400x128xf32> to vector<128xf32>
    %broadcast_in_dim3A_122 = vector.shape_cast %reduce_max3A_121 : vector<128xf32> to vector<1x128xf32>
    %max3A_123 = arith.maximumf %get3A_119, %broadcast_in_dim3A_122 : vector<1x128xf32>
    %swap3A_124 = arith.constant 6 : index
    %swap3A_125 = arith.constant 0 : index
    %swap3A_126 = vector.load %arg4[%swap3A_124, %swap3A_125] : memref<64x128xf32, #tpu.memory_space<vmem>>, vector<1x128xf32>
    tpu.vector_store %arg4[%swap3A_124, %swap3A_125], %max3A_123 {strides = array<i32>} : memref<64x128xf32, #tpu.memory_space<vmem>>, vector<1x128xf32>,
    %eq3A_127 = arith.constant 7 : i32
    %eq3A_128 = vector.broadcast %eq3A_127 : i32 to vector<400x1xi32>
    %eq3A_129 = arith.cmpi eq, %get3A_3, %eq3A_128 : vector<400x1xi32>
    %jit3A_130 = arith.constant 0xFF800000 : f32
    %broadcast_in_dim3A_131 = vector.shape_cast %eq3A_129 : vector<400x1xi1> to vector<400x1xi1>
    %broadcast_in_dim3A_132 = vector.broadcast %broadcast_in_dim3A_131 : vector<400x1xi1> to vector<400x128xi1>
    %broadcast_in_dim3A_133 = vector.broadcast %jit3A_130 : f32 to vector<400x128xf32>
    %select_n3A_134 = arith.select %broadcast_in_dim3A_132, %get3A_6, %broadcast_in_dim3A_133 : vector<400x128xi1>, vector<400x128xf32>
    %get3A_135 = arith.constant 7 : index
    %get3A_136 = arith.constant 0 : index
    %get3A_137 = vector.load %arg4[%get3A_135, %get3A_136] : memref<64x128xf32, #tpu.memory_space<vmem>>, vector<1x128xf32>
    %reduce_max3A_138 = arith.constant dense<0xFF800000> : vector<128xf32>
    %reduce_max3A_139 = vector.multi_reduction <maximumf>, %select_n3A_134, %reduce_max3A_138 [0] : vector<400x128xf32> to vector<128xf32>
    %broadcast_in_dim3A_140 = vector.shape_cast %reduce_max3A_139 : vector<128xf32> to vector<1x128xf32>
    %max3A_141 = arith.maximumf %get3A_137, %broadcast_in_dim3A_140 : vector<1x128xf32>
    %swap3A_142 = arith.constant 7 : index
    %swap3A_143 = arith.constant 0 : index
    %swap3A_144 = vector.load %arg4[%swap3A_142, %swap3A_143] : memref<64x128xf32, #tpu.memory_space<vmem>>, vector<1x128xf32>
    tpu.vector_store %arg4[%swap3A_142, %swap3A_143], %max3A_141 {strides = array<i32>} : memref<64x128xf32, #tpu.memory_space<vmem>>, vector<1x128xf32>,
    %eq3A_145 = arith.constant 8 : i32
    %eq3A_146 = vector.broadcast %eq3A_145 : i32 to vector<400x1xi32>
    %eq3A_147 = arith.cmpi eq, %get3A_3, %eq3A_146 : vector<400x1xi32>
    %jit3A_148 = arith.constant 0xFF800000 : f32
    %broadcast_in_dim3A_149 = vector.shape_cast %eq3A_147 : vector<400x1xi1> to vector<400x1xi1>
    %broadcast_in_dim3A_150 = vector.broadcast %broadcast_in_dim3A_149 : vector<400x1xi1> to vector<400x128xi1>
    %broadcast_in_dim3A_151 = vector.broadcast %jit3A_148 : f32 to vector<400x128xf32>
    %select_n3A_152 = arith.select %broadcast_in_dim3A_150, %get3A_6, %broadcast_in_dim3A_151 : vector<400x128xi1>, vector<400x128xf32>
    %get3A_153 = arith.constant 8 : index
    %get3A_154 = arith.constant 0 : index
    %get3A_155 = vector.load %arg4[%get3A_153, %get3A_154] : memref<64x128xf32, #tpu.memory_space<vmem>>, vector<1x128xf32>
    %reduce_max3A_156 = arith.constant dense<0xFF800000> : vector<128xf32>
    %reduce_max3A_157 = vector.multi_reduction <maximumf>, %select_n3A_152, %reduce_max3A_156 [0] : vector<400x128xf32> to vector<128xf32>
    %broadcast_in_dim3A_158 = vector.shape_cast %reduce_max3A_157 : vector<128xf32> to vector<1x128xf32>
    %max3A_159 = arith.maximumf %get3A_155, %broadcast_in_dim3A_158 : vector<1x128xf32>
    %swap3A_160 = arith.constant 8 : index
    %swap3A_161 = arith.constant 0 : index
    %swap3A_162 = vector.load %arg4[%swap3A_160, %swap3A_161] : memref<64x128xf32, #tpu.memory_space<vmem>>, vector<1x128xf32>
    tpu.vector_store %arg4[%swap3A_160, %swap3A_161], %max3A_159 {strides = array<i32>} : memref<64x128xf32, #tpu.memory_space<vmem>>, vector<1x128xf32>,
    %eq3A_163 = arith.constant 9 : i32
    %eq3A_164 = vector.broadcast %eq3A_163 : i32 to vector<400x1xi32>
    %eq3A_165 = arith.cmpi eq, %get3A_3, %eq3A_164 : vector<400x1xi32>
    %jit3A_166 = arith.constant 0xFF800000 : f32
    %broadcast_in_dim3A_167 = vector.shape_cast %eq3A_165 : vector<400x1xi1> to vector<400x1xi1>
    %broadcast_in_dim3A_168 = vector.broadcast %broadcast_in_dim3A_167 : vector<400x1xi1> to vector<400x128xi1>
    %broadcast_in_dim3A_169 = vector.broadcast %jit3A_166 : f32 to vector<400x128xf32>
    %select_n3A_170 = arith.select %broadcast_in_dim3A_168, %get3A_6, %broadcast_in_dim3A_169 : vector<400x128xi1>, vector<400x128xf32>
    %get3A_171 = arith.constant 9 : index
    %get3A_172 = arith.constant 0 : index
    %get3A_173 = vector.load %arg4[%get3A_171, %get3A_172] : memref<64x128xf32, #tpu.memory_space<vmem>>, vector<1x128xf32>
    %reduce_max3A_174 = arith.constant dense<0xFF800000> : vector<128xf32>
    %reduce_max3A_175 = vector.multi_reduction <maximumf>, %select_n3A_170, %reduce_max3A_174 [0] : vector<400x128xf32> to vector<128xf32>
    %broadcast_in_dim3A_176 = vector.shape_cast %reduce_max3A_175 : vector<128xf32> to vector<1x128xf32>
    %max3A_177 = arith.maximumf %get3A_173, %broadcast_in_dim3A_176 : vector<1x128xf32>
    %swap3A_178 = arith.constant 9 : index
    %swap3A_179 = arith.constant 0 : index
    %swap3A_180 = vector.load %arg4[%swap3A_178, %swap3A_179] : memref<64x128xf32, #tpu.memory_space<vmem>>, vector<1x128xf32>
    tpu.vector_store %arg4[%swap3A_178, %swap3A_179], %max3A_177 {strides = array<i32>} : memref<64x128xf32, #tpu.memory_space<vmem>>, vector<1x128xf32>,
    %eq3A_181 = arith.constant 10 : i32
    %eq3A_182 = vector.broadcast %eq3A_181 : i32 to vector<400x1xi32>
    %eq3A_183 = arith.cmpi eq, %get3A_3, %eq3A_182 : vector<400x1xi32>
    %jit3A_184 = arith.constant 0xFF800000 : f32
    %broadcast_in_dim3A_185 = vector.shape_cast %eq3A_183 : vector<400x1xi1> to vector<400x1xi1>
    %broadcast_in_dim3A_186 = vector.broadcast %broadcast_in_dim3A_185 : vector<400x1xi1> to vector<400x128xi1>
    %broadcast_in_dim3A_187 = vector.broadcast %jit3A_184 : f32 to vector<400x128xf32>
    %select_n3A_188 = arith.select %broadcast_in_dim3A_186, %get3A_6, %broadcast_in_dim3A_187 : vector<400x128xi1>, vector<400x128xf32>
    %get3A_189 = arith.constant 10 : index
    %get3A_190 = arith.constant 0 : index
    %get3A_191 = vector.load %arg4[%get3A_189, %get3A_190] : memref<64x128xf32, #tpu.memory_space<vmem>>, vector<1x128xf32>
    %reduce_max3A_192 = arith.constant dense<0xFF800000> : vector<128xf32>
    %reduce_max3A_193 = vector.multi_reduction <maximumf>, %select_n3A_188, %reduce_max3A_192 [0] : vector<400x128xf32> to vector<128xf32>
    %broadcast_in_dim3A_194 = vector.shape_cast %reduce_max3A_193 : vector<128xf32> to vector<1x128xf32>
    %max3A_195 = arith.maximumf %get3A_191, %broadcast_in_dim3A_194 : vector<1x128xf32>
    %swap3A_196 = arith.constant 10 : index
    %swap3A_197 = arith.constant 0 : index
    %swap3A_198 = vector.load %arg4[%swap3A_196, %swap3A_197] : memref<64x128xf32, #tpu.memory_space<vmem>>, vector<1x128xf32>
    tpu.vector_store %arg4[%swap3A_196, %swap3A_197], %max3A_195 {strides = array<i32>} : memref<64x128xf32, #tpu.memory_space<vmem>>, vector<1x128xf32>,
    %eq3A_199 = arith.constant 11 : i32
    %eq3A_200 = vector.broadcast %eq3A_199 : i32 to vector<400x1xi32>
    %eq3A_201 = arith.cmpi eq, %get3A_3, %eq3A_200 : vector<400x1xi32>
    %jit3A_202 = arith.constant 0xFF800000 : f32
    %broadcast_in_dim3A_203 = vector.shape_cast %eq3A_201 : vector<400x1xi1> to vector<400x1xi1>
    %broadcast_in_dim3A_204 = vector.broadcast %broadcast_in_dim3A_203 : vector<400x1xi1> to vector<400x128xi1>
    %broadcast_in_dim3A_205 = vector.broadcast %jit3A_202 : f32 to vector<400x128xf32>
    %select_n3A_206 = arith.select %broadcast_in_dim3A_204, %get3A_6, %broadcast_in_dim3A_205 : vector<400x128xi1>, vector<400x128xf32>
    %get3A_207 = arith.constant 11 : index
    %get3A_208 = arith.constant 0 : index
    %get3A_209 = vector.load %arg4[%get3A_207, %get3A_208] : memref<64x128xf32, #tpu.memory_space<vmem>>, vector<1x128xf32>
    %reduce_max3A_210 = arith.constant dense<0xFF800000> : vector<128xf32>
    %reduce_max3A_211 = vector.multi_reduction <maximumf>, %select_n3A_206, %reduce_max3A_210 [0] : vector<400x128xf32> to vector<128xf32>
    %broadcast_in_dim3A_212 = vector.shape_cast %reduce_max3A_211 : vector<128xf32> to vector<1x128xf32>
    %max3A_213 = arith.maximumf %get3A_209, %broadcast_in_dim3A_212 : vector<1x128xf32>
    %swap3A_214 = arith.constant 11 : index
    %swap3A_215 = arith.constant 0 : index
    %swap3A_216 = vector.load %arg4[%swap3A_214, %swap3A_215] : memref<64x128xf32, #tpu.memory_space<vmem>>, vector<1x128xf32>
    tpu.vector_store %arg4[%swap3A_214, %swap3A_215], %max3A_213 {strides = array<i32>} : memref<64x128xf32, #tpu.memory_space<vmem>>, vector<1x128xf32>,
    %eq3A_217 = arith.constant 12 : i32
    %eq3A_218 = vector.broadcast %eq3A_217 : i32 to vector<400x1xi32>
    %eq3A_219 = arith.cmpi eq, %get3A_3, %eq3A_218 : vector<400x1xi32>
    %jit3A_220 = arith.constant 0xFF800000 : f32
    %broadcast_in_dim3A_221 = vector.shape_cast %eq3A_219 : vector<400x1xi1> to vector<400x1xi1>
    %broadcast_in_dim3A_222 = vector.broadcast %broadcast_in_dim3A_221 : vector<400x1xi1> to vector<400x128xi1>
    %broadcast_in_dim3A_223 = vector.broadcast %jit3A_220 : f32 to vector<400x128xf32>
    %select_n3A_224 = arith.select %broadcast_in_dim3A_222, %get3A_6, %broadcast_in_dim3A_223 : vector<400x128xi1>, vector<400x128xf32>
    %get3A_225 = arith.constant 12 : index
    %get3A_226 = arith.constant 0 : index
    %get3A_227 = vector.load %arg4[%get3A_225, %get3A_226] : memref<64x128xf32, #tpu.memory_space<vmem>>, vector<1x128xf32>
    %reduce_max3A_228 = arith.constant dense<0xFF800000> : vector<128xf32>
    %reduce_max3A_229 = vector.multi_reduction <maximumf>, %select_n3A_224, %reduce_max3A_228 [0] : vector<400x128xf32> to vector<128xf32>
    %broadcast_in_dim3A_230 = vector.shape_cast %reduce_max3A_229 : vector<128xf32> to vector<1x128xf32>
    %max3A_231 = arith.maximumf %get3A_227, %broadcast_in_dim3A_230 : vector<1x128xf32>
    %swap3A_232 = arith.constant 12 : index
    %swap3A_233 = arith.constant 0 : index
    %swap3A_234 = vector.load %arg4[%swap3A_232, %swap3A_233] : memref<64x128xf32, #tpu.memory_space<vmem>>, vector<1x128xf32>
    tpu.vector_store %arg4[%swap3A_232, %swap3A_233], %max3A_231 {strides = array<i32>} : memref<64x128xf32, #tpu.memory_space<vmem>>, vector<1x128xf32>,
    %eq3A_235 = arith.constant 13 : i32
    %eq3A_236 = vector.broadcast %eq3A_235 : i32 to vector<400x1xi32>
    %eq3A_237 = arith.cmpi eq, %get3A_3, %eq3A_236 : vector<400x1xi32>
    %jit3A_238 = arith.constant 0xFF800000 : f32
    %broadcast_in_dim3A_239 = vector.shape_cast %eq3A_237 : vector<400x1xi1> to vector<400x1xi1>
    %broadcast_in_dim3A_240 = vector.broadcast %broadcast_in_dim3A_239 : vector<400x1xi1> to vector<400x128xi1>
    %broadcast_in_dim3A_241 = vector.broadcast %jit3A_238 : f32 to vector<400x128xf32>
    %select_n3A_242 = arith.select %broadcast_in_dim3A_240, %get3A_6, %broadcast_in_dim3A_241 : vector<400x128xi1>, vector<400x128xf32>
    %get3A_243 = arith.constant 13 : index
    %get3A_244 = arith.constant 0 : index
    %get3A_245 = vector.load %arg4[%get3A_243, %get3A_244] : memref<64x128xf32, #tpu.memory_space<vmem>>, vector<1x128xf32>
    %reduce_max3A_246 = arith.constant dense<0xFF800000> : vector<128xf32>
    %reduce_max3A_247 = vector.multi_reduction <maximumf>, %select_n3A_242, %reduce_max3A_246 [0] : vector<400x128xf32> to vector<128xf32>
    %broadcast_in_dim3A_248 = vector.shape_cast %reduce_max3A_247 : vector<128xf32> to vector<1x128xf32>
    %max3A_249 = arith.maximumf %get3A_245, %broadcast_in_dim3A_248 : vector<1x128xf32>
    %swap3A_250 = arith.constant 13 : index
    %swap3A_251 = arith.constant 0 : index
    %swap3A_252 = vector.load %arg4[%swap3A_250, %swap3A_251] : memref<64x128xf32, #tpu.memory_space<vmem>>, vector<1x128xf32>
    tpu.vector_store %arg4[%swap3A_250, %swap3A_251], %max3A_249 {strides = array<i32>} : memref<64x128xf32, #tpu.memory_space<vmem>>, vector<1x128xf32>,
    %eq3A_253 = arith.constant 14 : i32
    %eq3A_254 = vector.broadcast %eq3A_253 : i32 to vector<400x1xi32>
    %eq3A_255 = arith.cmpi eq, %get3A_3, %eq3A_254 : vector<400x1xi32>
    %jit3A_256 = arith.constant 0xFF800000 : f32
    %broadcast_in_dim3A_257 = vector.shape_cast %eq3A_255 : vector<400x1xi1> to vector<400x1xi1>
    %broadcast_in_dim3A_258 = vector.broadcast %broadcast_in_dim3A_257 : vector<400x1xi1> to vector<400x128xi1>
    %broadcast_in_dim3A_259 = vector.broadcast %jit3A_256 : f32 to vector<400x128xf32>
    %select_n3A_260 = arith.select %broadcast_in_dim3A_258, %get3A_6, %broadcast_in_dim3A_259 : vector<400x128xi1>, vector<400x128xf32>
    %get3A_261 = arith.constant 14 : index
    %get3A_262 = arith.constant 0 : index
    %get3A_263 = vector.load %arg4[%get3A_261, %get3A_262] : memref<64x128xf32, #tpu.memory_space<vmem>>, vector<1x128xf32>
    %reduce_max3A_264 = arith.constant dense<0xFF800000> : vector<128xf32>
    %reduce_max3A_265 = vector.multi_reduction <maximumf>, %select_n3A_260, %reduce_max3A_264 [0] : vector<400x128xf32> to vector<128xf32>
    %broadcast_in_dim3A_266 = vector.shape_cast %reduce_max3A_265 : vector<128xf32> to vector<1x128xf32>
    %max3A_267 = arith.maximumf %get3A_263, %broadcast_in_dim3A_266 : vector<1x128xf32>
    %swap3A_268 = arith.constant 14 : index
    %swap3A_269 = arith.constant 0 : index
    %swap3A_270 = vector.load %arg4[%swap3A_268, %swap3A_269] : memref<64x128xf32, #tpu.memory_space<vmem>>, vector<1x128xf32>
    tpu.vector_store %arg4[%swap3A_268, %swap3A_269], %max3A_267 {strides = array<i32>} : memref<64x128xf32, #tpu.memory_space<vmem>>, vector<1x128xf32>,
    %eq3A_271 = arith.constant 15 : i32
    %eq3A_272 = vector.broadcast %eq3A_271 : i32 to vector<400x1xi32>
    %eq3A_273 = arith.cmpi eq, %get3A_3, %eq3A_272 : vector<400x1xi32>
    %jit3A_274 = arith.constant 0xFF800000 : f32
    %broadcast_in_dim3A_275 = vector.shape_cast %eq3A_273 : vector<400x1xi1> to vector<400x1xi1>
    %broadcast_in_dim3A_276 = vector.broadcast %broadcast_in_dim3A_275 : vector<400x1xi1> to vector<400x128xi1>
    %broadcast_in_dim3A_277 = vector.broadcast %jit3A_274 : f32 to vector<400x128xf32>
    %select_n3A_278 = arith.select %broadcast_in_dim3A_276, %get3A_6, %broadcast_in_dim3A_277 : vector<400x128xi1>, vector<400x128xf32>
    %get3A_279 = arith.constant 15 : index
    %get3A_280 = arith.constant 0 : index
    %get3A_281 = vector.load %arg4[%get3A_279, %get3A_280] : memref<64x128xf32, #tpu.memory_space<vmem>>, vector<1x128xf32>
    %reduce_max3A_282 = arith.constant dense<0xFF800000> : vector<128xf32>
    %reduce_max3A_283 = vector.multi_reduction <maximumf>, %select_n3A_278, %reduce_max3A_282 [0] : vector<400x128xf32> to vector<128xf32>
    %broadcast_in_dim3A_284 = vector.shape_cast %reduce_max3A_283 : vector<128xf32> to vector<1x128xf32>
    %max3A_285 = arith.maximumf %get3A_281, %broadcast_in_dim3A_284 : vector<1x128xf32>
    %swap3A_286 = arith.constant 15 : index
    %swap3A_287 = arith.constant 0 : index
    %swap3A_288 = vector.load %arg4[%swap3A_286, %swap3A_287] : memref<64x128xf32, #tpu.memory_space<vmem>>, vector<1x128xf32>
    tpu.vector_store %arg4[%swap3A_286, %swap3A_287], %max3A_285 {strides = array<i32>} : memref<64x128xf32, #tpu.memory_space<vmem>>, vector<1x128xf32>,
    %eq3A_289 = arith.constant 16 : i32
    %eq3A_290 = vector.broadcast %eq3A_289 : i32 to vector<400x1xi32>
    %eq3A_291 = arith.cmpi eq, %get3A_3, %eq3A_290 : vector<400x1xi32>
    %jit3A_292 = arith.constant 0xFF800000 : f32
    %broadcast_in_dim3A_293 = vector.shape_cast %eq3A_291 : vector<400x1xi1> to vector<400x1xi1>
    %broadcast_in_dim3A_294 = vector.broadcast %broadcast_in_dim3A_293 : vector<400x1xi1> to vector<400x128xi1>
    %broadcast_in_dim3A_295 = vector.broadcast %jit3A_292 : f32 to vector<400x128xf32>
    %select_n3A_296 = arith.select %broadcast_in_dim3A_294, %get3A_6, %broadcast_in_dim3A_295 : vector<400x128xi1>, vector<400x128xf32>
    %get3A_297 = arith.constant 16 : index
    %get3A_298 = arith.constant 0 : index
    %get3A_299 = vector.load %arg4[%get3A_297, %get3A_298] : memref<64x128xf32, #tpu.memory_space<vmem>>, vector<1x128xf32>
    %reduce_max3A_300 = arith.constant dense<0xFF800000> : vector<128xf32>
    %reduce_max3A_301 = vector.multi_reduction <maximumf>, %select_n3A_296, %reduce_max3A_300 [0] : vector<400x128xf32> to vector<128xf32>
    %broadcast_in_dim3A_302 = vector.shape_cast %reduce_max3A_301 : vector<128xf32> to vector<1x128xf32>
    %max3A_303 = arith.maximumf %get3A_299, %broadcast_in_dim3A_302 : vector<1x128xf32>
    %swap3A_304 = arith.constant 16 : index
    %swap3A_305 = arith.constant 0 : index
    %swap3A_306 = vector.load %arg4[%swap3A_304, %swap3A_305] : memref<64x128xf32, #tpu.memory_space<vmem>>, vector<1x128xf32>
    tpu.vector_store %arg4[%swap3A_304, %swap3A_305], %max3A_303 {strides = array<i32>} : memref<64x128xf32, #tpu.memory_space<vmem>>, vector<1x128xf32>,
    %eq3A_307 = arith.constant 17 : i32
    %eq3A_308 = vector.broadcast %eq3A_307 : i32 to vector<400x1xi32>
    %eq3A_309 = arith.cmpi eq, %get3A_3, %eq3A_308 : vector<400x1xi32>
    %jit3A_310 = arith.constant 0xFF800000 : f32
    %broadcast_in_dim3A_311 = vector.shape_cast %eq3A_309 : vector<400x1xi1> to vector<400x1xi1>
    %broadcast_in_dim3A_312 = vector.broadcast %broadcast_in_dim3A_311 : vector<400x1xi1> to vector<400x128xi1>
    %broadcast_in_dim3A_313 = vector.broadcast %jit3A_310 : f32 to vector<400x128xf32>
    %select_n3A_314 = arith.select %broadcast_in_dim3A_312, %get3A_6, %broadcast_in_dim3A_313 : vector<400x128xi1>, vector<400x128xf32>
    %get3A_315 = arith.constant 17 : index
    %get3A_316 = arith.constant 0 : index
    %get3A_317 = vector.load %arg4[%get3A_315, %get3A_316] : memref<64x128xf32, #tpu.memory_space<vmem>>, vector<1x128xf32>
    %reduce_max3A_318 = arith.constant dense<0xFF800000> : vector<128xf32>
    %reduce_max3A_319 = vector.multi_reduction <maximumf>, %select_n3A_314, %reduce_max3A_318 [0] : vector<400x128xf32> to vector<128xf32>
    %broadcast_in_dim3A_320 = vector.shape_cast %reduce_max3A_319 : vector<128xf32> to vector<1x128xf32>
    %max3A_321 = arith.maximumf %get3A_317, %broadcast_in_dim3A_320 : vector<1x128xf32>
    %swap3A_322 = arith.constant 17 : index
    %swap3A_323 = arith.constant 0 : index
    %swap3A_324 = vector.load %arg4[%swap3A_322, %swap3A_323] : memref<64x128xf32, #tpu.memory_space<vmem>>, vector<1x128xf32>
    tpu.vector_store %arg4[%swap3A_322, %swap3A_323], %max3A_321 {strides = array<i32>} : memref<64x128xf32, #tpu.memory_space<vmem>>, vector<1x128xf32>,
    %eq3A_325 = arith.constant 18 : i32
    %eq3A_326 = vector.broadcast %eq3A_325 : i32 to vector<400x1xi32>
    %eq3A_327 = arith.cmpi eq, %get3A_3, %eq3A_326 : vector<400x1xi32>
    %jit3A_328 = arith.constant 0xFF800000 : f32
    %broadcast_in_dim3A_329 = vector.shape_cast %eq3A_327 : vector<400x1xi1> to vector<400x1xi1>
    %broadcast_in_dim3A_330 = vector.broadcast %broadcast_in_dim3A_329 : vector<400x1xi1> to vector<400x128xi1>
    %broadcast_in_dim3A_331 = vector.broadcast %jit3A_328 : f32 to vector<400x128xf32>
    %select_n3A_332 = arith.select %broadcast_in_dim3A_330, %get3A_6, %broadcast_in_dim3A_331 : vector<400x128xi1>, vector<400x128xf32>
    %get3A_333 = arith.constant 18 : index
    %get3A_334 = arith.constant 0 : index
    %get3A_335 = vector.load %arg4[%get3A_333, %get3A_334] : memref<64x128xf32, #tpu.memory_space<vmem>>, vector<1x128xf32>
    %reduce_max3A_336 = arith.constant dense<0xFF800000> : vector<128xf32>
    %reduce_max3A_337 = vector.multi_reduction <maximumf>, %select_n3A_332, %reduce_max3A_336 [0] : vector<400x128xf32> to vector<128xf32>
    %broadcast_in_dim3A_338 = vector.shape_cast %reduce_max3A_337 : vector<128xf32> to vector<1x128xf32>
    %max3A_339 = arith.maximumf %get3A_335, %broadcast_in_dim3A_338 : vector<1x128xf32>
    %swap3A_340 = arith.constant 18 : index
    %swap3A_341 = arith.constant 0 : index
    %swap3A_342 = vector.load %arg4[%swap3A_340, %swap3A_341] : memref<64x128xf32, #tpu.memory_space<vmem>>, vector<1x128xf32>
    tpu.vector_store %arg4[%swap3A_340, %swap3A_341], %max3A_339 {strides = array<i32>} : memref<64x128xf32, #tpu.memory_space<vmem>>, vector<1x128xf32>,
    %eq3A_343 = arith.constant 19 : i32
    %eq3A_344 = vector.broadcast %eq3A_343 : i32 to vector<400x1xi32>
    %eq3A_345 = arith.cmpi eq, %get3A_3, %eq3A_344 : vector<400x1xi32>
    %jit3A_346 = arith.constant 0xFF800000 : f32
    %broadcast_in_dim3A_347 = vector.shape_cast %eq3A_345 : vector<400x1xi1> to vector<400x1xi1>
    %broadcast_in_dim3A_348 = vector.broadcast %broadcast_in_dim3A_347 : vector<400x1xi1> to vector<400x128xi1>
    %broadcast_in_dim3A_349 = vector.broadcast %jit3A_346 : f32 to vector<400x128xf32>
    %select_n3A_350 = arith.select %broadcast_in_dim3A_348, %get3A_6, %broadcast_in_dim3A_349 : vector<400x128xi1>, vector<400x128xf32>
    %get3A_351 = arith.constant 19 : index
    %get3A_352 = arith.constant 0 : index
    %get3A_353 = vector.load %arg4[%get3A_351, %get3A_352] : memref<64x128xf32, #tpu.memory_space<vmem>>, vector<1x128xf32>
    %reduce_max3A_354 = arith.constant dense<0xFF800000> : vector<128xf32>
    %reduce_max3A_355 = vector.multi_reduction <maximumf>, %select_n3A_350, %reduce_max3A_354 [0] : vector<400x128xf32> to vector<128xf32>
    %broadcast_in_dim3A_356 = vector.shape_cast %reduce_max3A_355 : vector<128xf32> to vector<1x128xf32>
    %max3A_357 = arith.maximumf %get3A_353, %broadcast_in_dim3A_356 : vector<1x128xf32>
    %swap3A_358 = arith.constant 19 : index
    %swap3A_359 = arith.constant 0 : index
    %swap3A_360 = vector.load %arg4[%swap3A_358, %swap3A_359] : memref<64x128xf32, #tpu.memory_space<vmem>>, vector<1x128xf32>
    tpu.vector_store %arg4[%swap3A_358, %swap3A_359], %max3A_357 {strides = array<i32>} : memref<64x128xf32, #tpu.memory_space<vmem>>, vector<1x128xf32>,
    %eq3A_361 = arith.constant 20 : i32
    %eq3A_362 = vector.broadcast %eq3A_361 : i32 to vector<400x1xi32>
    %eq3A_363 = arith.cmpi eq, %get3A_3, %eq3A_362 : vector<400x1xi32>
    %jit3A_364 = arith.constant 0xFF800000 : f32
    %broadcast_in_dim3A_365 = vector.shape_cast %eq3A_363 : vector<400x1xi1> to vector<400x1xi1>
    %broadcast_in_dim3A_366 = vector.broadcast %broadcast_in_dim3A_365 : vector<400x1xi1> to vector<400x128xi1>
    %broadcast_in_dim3A_367 = vector.broadcast %jit3A_364 : f32 to vector<400x128xf32>
    %select_n3A_368 = arith.select %broadcast_in_dim3A_366, %get3A_6, %broadcast_in_dim3A_367 : vector<400x128xi1>, vector<400x128xf32>
    %get3A_369 = arith.constant 20 : index
    %get3A_370 = arith.constant 0 : index
    %get3A_371 = vector.load %arg4[%get3A_369, %get3A_370] : memref<64x128xf32, #tpu.memory_space<vmem>>, vector<1x128xf32>
    %reduce_max3A_372 = arith.constant dense<0xFF800000> : vector<128xf32>
    %reduce_max3A_373 = vector.multi_reduction <maximumf>, %select_n3A_368, %reduce_max3A_372 [0] : vector<400x128xf32> to vector<128xf32>
    %broadcast_in_dim3A_374 = vector.shape_cast %reduce_max3A_373 : vector<128xf32> to vector<1x128xf32>
    %max3A_375 = arith.maximumf %get3A_371, %broadcast_in_dim3A_374 : vector<1x128xf32>
    %swap3A_376 = arith.constant 20 : index
    %swap3A_377 = arith.constant 0 : index
    %swap3A_378 = vector.load %arg4[%swap3A_376, %swap3A_377] : memref<64x128xf32, #tpu.memory_space<vmem>>, vector<1x128xf32>
    tpu.vector_store %arg4[%swap3A_376, %swap3A_377], %max3A_375 {strides = array<i32>} : memref<64x128xf32, #tpu.memory_space<vmem>>, vector<1x128xf32>,
    %eq3A_379 = arith.constant 21 : i32
    %eq3A_380 = vector.broadcast %eq3A_379 : i32 to vector<400x1xi32>
    %eq3A_381 = arith.cmpi eq, %get3A_3, %eq3A_380 : vector<400x1xi32>
    %jit3A_382 = arith.constant 0xFF800000 : f32
    %broadcast_in_dim3A_383 = vector.shape_cast %eq3A_381 : vector<400x1xi1> to vector<400x1xi1>
    %broadcast_in_dim3A_384 = vector.broadcast %broadcast_in_dim3A_383 : vector<400x1xi1> to vector<400x128xi1>
    %broadcast_in_dim3A_385 = vector.broadcast %jit3A_382 : f32 to vector<400x128xf32>
    %select_n3A_386 = arith.select %broadcast_in_dim3A_384, %get3A_6, %broadcast_in_dim3A_385 : vector<400x128xi1>, vector<400x128xf32>
    %get3A_387 = arith.constant 21 : index
    %get3A_388 = arith.constant 0 : index
    %get3A_389 = vector.load %arg4[%get3A_387, %get3A_388] : memref<64x128xf32, #tpu.memory_space<vmem>>, vector<1x128xf32>
    %reduce_max3A_390 = arith.constant dense<0xFF800000> : vector<128xf32>
    %reduce_max3A_391 = vector.multi_reduction <maximumf>, %select_n3A_386, %reduce_max3A_390 [0] : vector<400x128xf32> to vector<128xf32>
    %broadcast_in_dim3A_392 = vector.shape_cast %reduce_max3A_391 : vector<128xf32> to vector<1x128xf32>
    %max3A_393 = arith.maximumf %get3A_389, %broadcast_in_dim3A_392 : vector<1x128xf32>
    %swap3A_394 = arith.constant 21 : index
    %swap3A_395 = arith.constant 0 : index
    %swap3A_396 = vector.load %arg4[%swap3A_394, %swap3A_395] : memref<64x128xf32, #tpu.memory_space<vmem>>, vector<1x128xf32>
    tpu.vector_store %arg4[%swap3A_394, %swap3A_395], %max3A_393 {strides = array<i32>} : memref<64x128xf32, #tpu.memory_space<vmem>>, vector<1x128xf32>,
    %eq3A_397 = arith.constant 22 : i32
    %eq3A_398 = vector.broadcast %eq3A_397 : i32 to vector<400x1xi32>
    %eq3A_399 = arith.cmpi eq, %get3A_3, %eq3A_398 : vector<400x1xi32>
    %jit3A_400 = arith.constant 0xFF800000 : f32
    %broadcast_in_dim3A_401 = vector.shape_cast %eq3A_399 : vector<400x1xi1> to vector<400x1xi1>
    %broadcast_in_dim3A_402 = vector.broadcast %broadcast_in_dim3A_401 : vector<400x1xi1> to vector<400x128xi1>
    %broadcast_in_dim3A_403 = vector.broadcast %jit3A_400 : f32 to vector<400x128xf32>
    %select_n3A_404 = arith.select %broadcast_in_dim3A_402, %get3A_6, %broadcast_in_dim3A_403 : vector<400x128xi1>, vector<400x128xf32>
    %get3A_405 = arith.constant 22 : index
    %get3A_406 = arith.constant 0 : index
    %get3A_407 = vector.load %arg4[%get3A_405, %get3A_406] : memref<64x128xf32, #tpu.memory_space<vmem>>, vector<1x128xf32>
    %reduce_max3A_408 = arith.constant dense<0xFF800000> : vector<128xf32>
    %reduce_max3A_409 = vector.multi_reduction <maximumf>, %select_n3A_404, %reduce_max3A_408 [0] : vector<400x128xf32> to vector<128xf32>
    %broadcast_in_dim3A_410 = vector.shape_cast %reduce_max3A_409 : vector<128xf32> to vector<1x128xf32>
    %max3A_411 = arith.maximumf %get3A_407, %broadcast_in_dim3A_410 : vector<1x128xf32>
    %swap3A_412 = arith.constant 22 : index
    %swap3A_413 = arith.constant 0 : index
    %swap3A_414 = vector.load %arg4[%swap3A_412, %swap3A_413] : memref<64x128xf32, #tpu.memory_space<vmem>>, vector<1x128xf32>
    tpu.vector_store %arg4[%swap3A_412, %swap3A_413], %max3A_411 {strides = array<i32>} : memref<64x128xf32, #tpu.memory_space<vmem>>, vector<1x128xf32>,
    %eq3A_415 = arith.constant 23 : i32
    %eq3A_416 = vector.broadcast %eq3A_415 : i32 to vector<400x1xi32>
    %eq3A_417 = arith.cmpi eq, %get3A_3, %eq3A_416 : vector<400x1xi32>
    %jit3A_418 = arith.constant 0xFF800000 : f32
    %broadcast_in_dim3A_419 = vector.shape_cast %eq3A_417 : vector<400x1xi1> to vector<400x1xi1>
    %broadcast_in_dim3A_420 = vector.broadcast %broadcast_in_dim3A_419 : vector<400x1xi1> to vector<400x128xi1>
    %broadcast_in_dim3A_421 = vector.broadcast %jit3A_418 : f32 to vector<400x128xf32>
    %select_n3A_422 = arith.select %broadcast_in_dim3A_420, %get3A_6, %broadcast_in_dim3A_421 : vector<400x128xi1>, vector<400x128xf32>
    %get3A_423 = arith.constant 23 : index
    %get3A_424 = arith.constant 0 : index
    %get3A_425 = vector.load %arg4[%get3A_423, %get3A_424] : memref<64x128xf32, #tpu.memory_space<vmem>>, vector<1x128xf32>
    %reduce_max3A_426 = arith.constant dense<0xFF800000> : vector<128xf32>
    %reduce_max3A_427 = vector.multi_reduction <maximumf>, %select_n3A_422, %reduce_max3A_426 [0] : vector<400x128xf32> to vector<128xf32>
    %broadcast_in_dim3A_428 = vector.shape_cast %reduce_max3A_427 : vector<128xf32> to vector<1x128xf32>
    %max3A_429 = arith.maximumf %get3A_425, %broadcast_in_dim3A_428 : vector<1x128xf32>
    %swap3A_430 = arith.constant 23 : index
    %swap3A_431 = arith.constant 0 : index
    %swap3A_432 = vector.load %arg4[%swap3A_430, %swap3A_431] : memref<64x128xf32, #tpu.memory_space<vmem>>, vector<1x128xf32>
    tpu.vector_store %arg4[%swap3A_430, %swap3A_431], %max3A_429 {strides = array<i32>} : memref<64x128xf32, #tpu.memory_space<vmem>>, vector<1x128xf32>,
    %eq3A_433 = arith.constant 24 : i32
    %eq3A_434 = vector.broadcast %eq3A_433 : i32 to vector<400x1xi32>
    %eq3A_435 = arith.cmpi eq, %get3A_3, %eq3A_434 : vector<400x1xi32>
    %jit3A_436 = arith.constant 0xFF800000 : f32
    %broadcast_in_dim3A_437 = vector.shape_cast %eq3A_435 : vector<400x1xi1> to vector<400x1xi1>
    %broadcast_in_dim3A_438 = vector.broadcast %broadcast_in_dim3A_437 : vector<400x1xi1> to vector<400x128xi1>
    %broadcast_in_dim3A_439 = vector.broadcast %jit3A_436 : f32 to vector<400x128xf32>
    %select_n3A_440 = arith.select %broadcast_in_dim3A_438, %get3A_6, %broadcast_in_dim3A_439 : vector<400x128xi1>, vector<400x128xf32>
    %get3A_441 = arith.constant 24 : index
    %get3A_442 = arith.constant 0 : index
    %get3A_443 = vector.load %arg4[%get3A_441, %get3A_442] : memref<64x128xf32, #tpu.memory_space<vmem>>, vector<1x128xf32>
    %reduce_max3A_444 = arith.constant dense<0xFF800000> : vector<128xf32>
    %reduce_max3A_445 = vector.multi_reduction <maximumf>, %select_n3A_440, %reduce_max3A_444 [0] : vector<400x128xf32> to vector<128xf32>
    %broadcast_in_dim3A_446 = vector.shape_cast %reduce_max3A_445 : vector<128xf32> to vector<1x128xf32>
    %max3A_447 = arith.maximumf %get3A_443, %broadcast_in_dim3A_446 : vector<1x128xf32>
    %swap3A_448 = arith.constant 24 : index
    %swap3A_449 = arith.constant 0 : index
    %swap3A_450 = vector.load %arg4[%swap3A_448, %swap3A_449] : memref<64x128xf32, #tpu.memory_space<vmem>>, vector<1x128xf32>
    tpu.vector_store %arg4[%swap3A_448, %swap3A_449], %max3A_447 {strides = array<i32>} : memref<64x128xf32, #tpu.memory_space<vmem>>, vector<1x128xf32>,
    %eq3A_451 = arith.constant 25 : i32
    %eq3A_452 = vector.broadcast %eq3A_451 : i32 to vector<400x1xi32>
    %eq3A_453 = arith.cmpi eq, %get3A_3, %eq3A_452 : vector<400x1xi32>
    %jit3A_454 = arith.constant 0xFF800000 : f32
    %broadcast_in_dim3A_455 = vector.shape_cast %eq3A_453 : vector<400x1xi1> to vector<400x1xi1>
    %broadcast_in_dim3A_456 = vector.broadcast %broadcast_in_dim3A_455 : vector<400x1xi1> to vector<400x128xi1>
    %broadcast_in_dim3A_457 = vector.broadcast %jit3A_454 : f32 to vector<400x128xf32>
    %select_n3A_458 = arith.select %broadcast_in_dim3A_456, %get3A_6, %broadcast_in_dim3A_457 : vector<400x128xi1>, vector<400x128xf32>
    %get3A_459 = arith.constant 25 : index
    %get3A_460 = arith.constant 0 : index
    %get3A_461 = vector.load %arg4[%get3A_459, %get3A_460] : memref<64x128xf32, #tpu.memory_space<vmem>>, vector<1x128xf32>
    %reduce_max3A_462 = arith.constant dense<0xFF800000> : vector<128xf32>
    %reduce_max3A_463 = vector.multi_reduction <maximumf>, %select_n3A_458, %reduce_max3A_462 [0] : vector<400x128xf32> to vector<128xf32>
    %broadcast_in_dim3A_464 = vector.shape_cast %reduce_max3A_463 : vector<128xf32> to vector<1x128xf32>
    %max3A_465 = arith.maximumf %get3A_461, %broadcast_in_dim3A_464 : vector<1x128xf32>
    %swap3A_466 = arith.constant 25 : index
    %swap3A_467 = arith.constant 0 : index
    %swap3A_468 = vector.load %arg4[%swap3A_466, %swap3A_467] : memref<64x128xf32, #tpu.memory_space<vmem>>, vector<1x128xf32>
    tpu.vector_store %arg4[%swap3A_466, %swap3A_467], %max3A_465 {strides = array<i32>} : memref<64x128xf32, #tpu.memory_space<vmem>>, vector<1x128xf32>,
    %eq3A_469 = arith.constant 26 : i32
    %eq3A_470 = vector.broadcast %eq3A_469 : i32 to vector<400x1xi32>
    %eq3A_471 = arith.cmpi eq, %get3A_3, %eq3A_470 : vector<400x1xi32>
    %jit3A_472 = arith.constant 0xFF800000 : f32
    %broadcast_in_dim3A_473 = vector.shape_cast %eq3A_471 : vector<400x1xi1> to vector<400x1xi1>
    %broadcast_in_dim3A_474 = vector.broadcast %broadcast_in_dim3A_473 : vector<400x1xi1> to vector<400x128xi1>
    %broadcast_in_dim3A_475 = vector.broadcast %jit3A_472 : f32 to vector<400x128xf32>
    %select_n3A_476 = arith.select %broadcast_in_dim3A_474, %get3A_6, %broadcast_in_dim3A_475 : vector<400x128xi1>, vector<400x128xf32>
    %get3A_477 = arith.constant 26 : index
    %get3A_478 = arith.constant 0 : index
    %get3A_479 = vector.load %arg4[%get3A_477, %get3A_478] : memref<64x128xf32, #tpu.memory_space<vmem>>, vector<1x128xf32>
    %reduce_max3A_480 = arith.constant dense<0xFF800000> : vector<128xf32>
    %reduce_max3A_481 = vector.multi_reduction <maximumf>, %select_n3A_476, %reduce_max3A_480 [0] : vector<400x128xf32> to vector<128xf32>
    %broadcast_in_dim3A_482 = vector.shape_cast %reduce_max3A_481 : vector<128xf32> to vector<1x128xf32>
    %max3A_483 = arith.maximumf %get3A_479, %broadcast_in_dim3A_482 : vector<1x128xf32>
    %swap3A_484 = arith.constant 26 : index
    %swap3A_485 = arith.constant 0 : index
    %swap3A_486 = vector.load %arg4[%swap3A_484, %swap3A_485] : memref<64x128xf32, #tpu.memory_space<vmem>>, vector<1x128xf32>
    tpu.vector_store %arg4[%swap3A_484, %swap3A_485], %max3A_483 {strides = array<i32>} : memref<64x128xf32, #tpu.memory_space<vmem>>, vector<1x128xf32>,
    %eq3A_487 = arith.constant 27 : i32
    %eq3A_488 = vector.broadcast %eq3A_487 : i32 to vector<400x1xi32>
    %eq3A_489 = arith.cmpi eq, %get3A_3, %eq3A_488 : vector<400x1xi32>
    %jit3A_490 = arith.constant 0xFF800000 : f32
    %broadcast_in_dim3A_491 = vector.shape_cast %eq3A_489 : vector<400x1xi1> to vector<400x1xi1>
    %broadcast_in_dim3A_492 = vector.broadcast %broadcast_in_dim3A_491 : vector<400x1xi1> to vector<400x128xi1>
    %broadcast_in_dim3A_493 = vector.broadcast %jit3A_490 : f32 to vector<400x128xf32>
    %select_n3A_494 = arith.select %broadcast_in_dim3A_492, %get3A_6, %broadcast_in_dim3A_493 : vector<400x128xi1>, vector<400x128xf32>
    %get3A_495 = arith.constant 27 : index
    %get3A_496 = arith.constant 0 : index
    %get3A_497 = vector.load %arg4[%get3A_495, %get3A_496] : memref<64x128xf32, #tpu.memory_space<vmem>>, vector<1x128xf32>
    %reduce_max3A_498 = arith.constant dense<0xFF800000> : vector<128xf32>
    %reduce_max3A_499 = vector.multi_reduction <maximumf>, %select_n3A_494, %reduce_max3A_498 [0] : vector<400x128xf32> to vector<128xf32>
    %broadcast_in_dim3A_500 = vector.shape_cast %reduce_max3A_499 : vector<128xf32> to vector<1x128xf32>
    %max3A_501 = arith.maximumf %get3A_497, %broadcast_in_dim3A_500 : vector<1x128xf32>
    %swap3A_502 = arith.constant 27 : index
    %swap3A_503 = arith.constant 0 : index
    %swap3A_504 = vector.load %arg4[%swap3A_502, %swap3A_503] : memref<64x128xf32, #tpu.memory_space<vmem>>, vector<1x128xf32>
    tpu.vector_store %arg4[%swap3A_502, %swap3A_503], %max3A_501 {strides = array<i32>} : memref<64x128xf32, #tpu.memory_space<vmem>>, vector<1x128xf32>,
    %eq3A_505 = arith.constant 28 : i32
    %eq3A_506 = vector.broadcast %eq3A_505 : i32 to vector<400x1xi32>
    %eq3A_507 = arith.cmpi eq, %get3A_3, %eq3A_506 : vector<400x1xi32>
    %jit3A_508 = arith.constant 0xFF800000 : f32
    %broadcast_in_dim3A_509 = vector.shape_cast %eq3A_507 : vector<400x1xi1> to vector<400x1xi1>
    %broadcast_in_dim3A_510 = vector.broadcast %broadcast_in_dim3A_509 : vector<400x1xi1> to vector<400x128xi1>
    %broadcast_in_dim3A_511 = vector.broadcast %jit3A_508 : f32 to vector<400x128xf32>
    %select_n3A_512 = arith.select %broadcast_in_dim3A_510, %get3A_6, %broadcast_in_dim3A_511 : vector<400x128xi1>, vector<400x128xf32>
    %get3A_513 = arith.constant 28 : index
    %get3A_514 = arith.constant 0 : index
    %get3A_515 = vector.load %arg4[%get3A_513, %get3A_514] : memref<64x128xf32, #tpu.memory_space<vmem>>, vector<1x128xf32>
    %reduce_max3A_516 = arith.constant dense<0xFF800000> : vector<128xf32>
    %reduce_max3A_517 = vector.multi_reduction <maximumf>, %select_n3A_512, %reduce_max3A_516 [0] : vector<400x128xf32> to vector<128xf32>
    %broadcast_in_dim3A_518 = vector.shape_cast %reduce_max3A_517 : vector<128xf32> to vector<1x128xf32>
    %max3A_519 = arith.maximumf %get3A_515, %broadcast_in_dim3A_518 : vector<1x128xf32>
    %swap3A_520 = arith.constant 28 : index
    %swap3A_521 = arith.constant 0 : index
    %swap3A_522 = vector.load %arg4[%swap3A_520, %swap3A_521] : memref<64x128xf32, #tpu.memory_space<vmem>>, vector<1x128xf32>
    tpu.vector_store %arg4[%swap3A_520, %swap3A_521], %max3A_519 {strides = array<i32>} : memref<64x128xf32, #tpu.memory_space<vmem>>, vector<1x128xf32>,
    %eq3A_523 = arith.constant 29 : i32
    %eq3A_524 = vector.broadcast %eq3A_523 : i32 to vector<400x1xi32>
    %eq3A_525 = arith.cmpi eq, %get3A_3, %eq3A_524 : vector<400x1xi32>
    %jit3A_526 = arith.constant 0xFF800000 : f32
    %broadcast_in_dim3A_527 = vector.shape_cast %eq3A_525 : vector<400x1xi1> to vector<400x1xi1>
    %broadcast_in_dim3A_528 = vector.broadcast %broadcast_in_dim3A_527 : vector<400x1xi1> to vector<400x128xi1>
    %broadcast_in_dim3A_529 = vector.broadcast %jit3A_526 : f32 to vector<400x128xf32>
    %select_n3A_530 = arith.select %broadcast_in_dim3A_528, %get3A_6, %broadcast_in_dim3A_529 : vector<400x128xi1>, vector<400x128xf32>
    %get3A_531 = arith.constant 29 : index
    %get3A_532 = arith.constant 0 : index
    %get3A_533 = vector.load %arg4[%get3A_531, %get3A_532] : memref<64x128xf32, #tpu.memory_space<vmem>>, vector<1x128xf32>
    %reduce_max3A_534 = arith.constant dense<0xFF800000> : vector<128xf32>
    %reduce_max3A_535 = vector.multi_reduction <maximumf>, %select_n3A_530, %reduce_max3A_534 [0] : vector<400x128xf32> to vector<128xf32>
    %broadcast_in_dim3A_536 = vector.shape_cast %reduce_max3A_535 : vector<128xf32> to vector<1x128xf32>
    %max3A_537 = arith.maximumf %get3A_533, %broadcast_in_dim3A_536 : vector<1x128xf32>
    %swap3A_538 = arith.constant 29 : index
    %swap3A_539 = arith.constant 0 : index
    %swap3A_540 = vector.load %arg4[%swap3A_538, %swap3A_539] : memref<64x128xf32, #tpu.memory_space<vmem>>, vector<1x128xf32>
    tpu.vector_store %arg4[%swap3A_538, %swap3A_539], %max3A_537 {strides = array<i32>} : memref<64x128xf32, #tpu.memory_space<vmem>>, vector<1x128xf32>,
    %eq3A_541 = arith.constant 30 : i32
    %eq3A_542 = vector.broadcast %eq3A_541 : i32 to vector<400x1xi32>
    %eq3A_543 = arith.cmpi eq, %get3A_3, %eq3A_542 : vector<400x1xi32>
    %jit3A_544 = arith.constant 0xFF800000 : f32
    %broadcast_in_dim3A_545 = vector.shape_cast %eq3A_543 : vector<400x1xi1> to vector<400x1xi1>
    %broadcast_in_dim3A_546 = vector.broadcast %broadcast_in_dim3A_545 : vector<400x1xi1> to vector<400x128xi1>
    %broadcast_in_dim3A_547 = vector.broadcast %jit3A_544 : f32 to vector<400x128xf32>
    %select_n3A_548 = arith.select %broadcast_in_dim3A_546, %get3A_6, %broadcast_in_dim3A_547 : vector<400x128xi1>, vector<400x128xf32>
    %get3A_549 = arith.constant 30 : index
    %get3A_550 = arith.constant 0 : index
    %get3A_551 = vector.load %arg4[%get3A_549, %get3A_550] : memref<64x128xf32, #tpu.memory_space<vmem>>, vector<1x128xf32>
    %reduce_max3A_552 = arith.constant dense<0xFF800000> : vector<128xf32>
    %reduce_max3A_553 = vector.multi_reduction <maximumf>, %select_n3A_548, %reduce_max3A_552 [0] : vector<400x128xf32> to vector<128xf32>
    %broadcast_in_dim3A_554 = vector.shape_cast %reduce_max3A_553 : vector<128xf32> to vector<1x128xf32>
    %max3A_555 = arith.maximumf %get3A_551, %broadcast_in_dim3A_554 : vector<1x128xf32>
    %swap3A_556 = arith.constant 30 : index
    %swap3A_557 = arith.constant 0 : index
    %swap3A_558 = vector.load %arg4[%swap3A_556, %swap3A_557] : memref<64x128xf32, #tpu.memory_space<vmem>>, vector<1x128xf32>
    tpu.vector_store %arg4[%swap3A_556, %swap3A_557], %max3A_555 {strides = array<i32>} : memref<64x128xf32, #tpu.memory_space<vmem>>, vector<1x128xf32>,
    %eq3A_559 = arith.constant 31 : i32
    %eq3A_560 = vector.broadcast %eq3A_559 : i32 to vector<400x1xi32>
    %eq3A_561 = arith.cmpi eq, %get3A_3, %eq3A_560 : vector<400x1xi32>
    %jit3A_562 = arith.constant 0xFF800000 : f32
    %broadcast_in_dim3A_563 = vector.shape_cast %eq3A_561 : vector<400x1xi1> to vector<400x1xi1>
    %broadcast_in_dim3A_564 = vector.broadcast %broadcast_in_dim3A_563 : vector<400x1xi1> to vector<400x128xi1>
    %broadcast_in_dim3A_565 = vector.broadcast %jit3A_562 : f32 to vector<400x128xf32>
    %select_n3A_566 = arith.select %broadcast_in_dim3A_564, %get3A_6, %broadcast_in_dim3A_565 : vector<400x128xi1>, vector<400x128xf32>
    %get3A_567 = arith.constant 31 : index
    %get3A_568 = arith.constant 0 : index
    %get3A_569 = vector.load %arg4[%get3A_567, %get3A_568] : memref<64x128xf32, #tpu.memory_space<vmem>>, vector<1x128xf32>
    %reduce_max3A_570 = arith.constant dense<0xFF800000> : vector<128xf32>
    %reduce_max3A_571 = vector.multi_reduction <maximumf>, %select_n3A_566, %reduce_max3A_570 [0] : vector<400x128xf32> to vector<128xf32>
    %broadcast_in_dim3A_572 = vector.shape_cast %reduce_max3A_571 : vector<128xf32> to vector<1x128xf32>
    %max3A_573 = arith.maximumf %get3A_569, %broadcast_in_dim3A_572 : vector<1x128xf32>
    %swap3A_574 = arith.constant 31 : index
    %swap3A_575 = arith.constant 0 : index
    %swap3A_576 = vector.load %arg4[%swap3A_574, %swap3A_575] : memref<64x128xf32, #tpu.memory_space<vmem>>, vector<1x128xf32>
    tpu.vector_store %arg4[%swap3A_574, %swap3A_575], %max3A_573 {strides = array<i32>} : memref<64x128xf32, #tpu.memory_space<vmem>>, vector<1x128xf32>,
    %eq3A_577 = arith.constant 32 : i32
    %eq3A_578 = vector.broadcast %eq3A_577 : i32 to vector<400x1xi32>
    %eq3A_579 = arith.cmpi eq, %get3A_3, %eq3A_578 : vector<400x1xi32>
    %jit3A_580 = arith.constant 0xFF800000 : f32
    %broadcast_in_dim3A_581 = vector.shape_cast %eq3A_579 : vector<400x1xi1> to vector<400x1xi1>
    %broadcast_in_dim3A_582 = vector.broadcast %broadcast_in_dim3A_581 : vector<400x1xi1> to vector<400x128xi1>
    %broadcast_in_dim3A_583 = vector.broadcast %jit3A_580 : f32 to vector<400x128xf32>
    %select_n3A_584 = arith.select %broadcast_in_dim3A_582, %get3A_6, %broadcast_in_dim3A_583 : vector<400x128xi1>, vector<400x128xf32>
    %get3A_585 = arith.constant 32 : index
    %get3A_586 = arith.constant 0 : index
    %get3A_587 = vector.load %arg4[%get3A_585, %get3A_586] : memref<64x128xf32, #tpu.memory_space<vmem>>, vector<1x128xf32>
    %reduce_max3A_588 = arith.constant dense<0xFF800000> : vector<128xf32>
    %reduce_max3A_589 = vector.multi_reduction <maximumf>, %select_n3A_584, %reduce_max3A_588 [0] : vector<400x128xf32> to vector<128xf32>
    %broadcast_in_dim3A_590 = vector.shape_cast %reduce_max3A_589 : vector<128xf32> to vector<1x128xf32>
    %max3A_591 = arith.maximumf %get3A_587, %broadcast_in_dim3A_590 : vector<1x128xf32>
    %swap3A_592 = arith.constant 32 : index
    %swap3A_593 = arith.constant 0 : index
    %swap3A_594 = vector.load %arg4[%swap3A_592, %swap3A_593] : memref<64x128xf32, #tpu.memory_space<vmem>>, vector<1x128xf32>
    tpu.vector_store %arg4[%swap3A_592, %swap3A_593], %max3A_591 {strides = array<i32>} : memref<64x128xf32, #tpu.memory_space<vmem>>, vector<1x128xf32>,
    %eq3A_595 = arith.constant 33 : i32
    %eq3A_596 = vector.broadcast %eq3A_595 : i32 to vector<400x1xi32>
    %eq3A_597 = arith.cmpi eq, %get3A_3, %eq3A_596 : vector<400x1xi32>
    %jit3A_598 = arith.constant 0xFF800000 : f32
    %broadcast_in_dim3A_599 = vector.shape_cast %eq3A_597 : vector<400x1xi1> to vector<400x1xi1>
    %broadcast_in_dim3A_600 = vector.broadcast %broadcast_in_dim3A_599 : vector<400x1xi1> to vector<400x128xi1>
    %broadcast_in_dim3A_601 = vector.broadcast %jit3A_598 : f32 to vector<400x128xf32>
    %select_n3A_602 = arith.select %broadcast_in_dim3A_600, %get3A_6, %broadcast_in_dim3A_601 : vector<400x128xi1>, vector<400x128xf32>
    %get3A_603 = arith.constant 33 : index
    %get3A_604 = arith.constant 0 : index
    %get3A_605 = vector.load %arg4[%get3A_603, %get3A_604] : memref<64x128xf32, #tpu.memory_space<vmem>>, vector<1x128xf32>
    %reduce_max3A_606 = arith.constant dense<0xFF800000> : vector<128xf32>
    %reduce_max3A_607 = vector.multi_reduction <maximumf>, %select_n3A_602, %reduce_max3A_606 [0] : vector<400x128xf32> to vector<128xf32>
    %broadcast_in_dim3A_608 = vector.shape_cast %reduce_max3A_607 : vector<128xf32> to vector<1x128xf32>
    %max3A_609 = arith.maximumf %get3A_605, %broadcast_in_dim3A_608 : vector<1x128xf32>
    %swap3A_610 = arith.constant 33 : index
    %swap3A_611 = arith.constant 0 : index
    %swap3A_612 = vector.load %arg4[%swap3A_610, %swap3A_611] : memref<64x128xf32, #tpu.memory_space<vmem>>, vector<1x128xf32>
    tpu.vector_store %arg4[%swap3A_610, %swap3A_611], %max3A_609 {strides = array<i32>} : memref<64x128xf32, #tpu.memory_space<vmem>>, vector<1x128xf32>,
    %eq3A_613 = arith.constant 34 : i32
    %eq3A_614 = vector.broadcast %eq3A_613 : i32 to vector<400x1xi32>
    %eq3A_615 = arith.cmpi eq, %get3A_3, %eq3A_614 : vector<400x1xi32>
    %jit3A_616 = arith.constant 0xFF800000 : f32
    %broadcast_in_dim3A_617 = vector.shape_cast %eq3A_615 : vector<400x1xi1> to vector<400x1xi1>
    %broadcast_in_dim3A_618 = vector.broadcast %broadcast_in_dim3A_617 : vector<400x1xi1> to vector<400x128xi1>
    %broadcast_in_dim3A_619 = vector.broadcast %jit3A_616 : f32 to vector<400x128xf32>
    %select_n3A_620 = arith.select %broadcast_in_dim3A_618, %get3A_6, %broadcast_in_dim3A_619 : vector<400x128xi1>, vector<400x128xf32>
    %get3A_621 = arith.constant 34 : index
    %get3A_622 = arith.constant 0 : index
    %get3A_623 = vector.load %arg4[%get3A_621, %get3A_622] : memref<64x128xf32, #tpu.memory_space<vmem>>, vector<1x128xf32>
    %reduce_max3A_624 = arith.constant dense<0xFF800000> : vector<128xf32>
    %reduce_max3A_625 = vector.multi_reduction <maximumf>, %select_n3A_620, %reduce_max3A_624 [0] : vector<400x128xf32> to vector<128xf32>
    %broadcast_in_dim3A_626 = vector.shape_cast %reduce_max3A_625 : vector<128xf32> to vector<1x128xf32>
    %max3A_627 = arith.maximumf %get3A_623, %broadcast_in_dim3A_626 : vector<1x128xf32>
    %swap3A_628 = arith.constant 34 : index
    %swap3A_629 = arith.constant 0 : index
    %swap3A_630 = vector.load %arg4[%swap3A_628, %swap3A_629] : memref<64x128xf32, #tpu.memory_space<vmem>>, vector<1x128xf32>
    tpu.vector_store %arg4[%swap3A_628, %swap3A_629], %max3A_627 {strides = array<i32>} : memref<64x128xf32, #tpu.memory_space<vmem>>, vector<1x128xf32>,
    %eq3A_631 = arith.constant 35 : i32
    %eq3A_632 = vector.broadcast %eq3A_631 : i32 to vector<400x1xi32>
    %eq3A_633 = arith.cmpi eq, %get3A_3, %eq3A_632 : vector<400x1xi32>
    %jit3A_634 = arith.constant 0xFF800000 : f32
    %broadcast_in_dim3A_635 = vector.shape_cast %eq3A_633 : vector<400x1xi1> to vector<400x1xi1>
    %broadcast_in_dim3A_636 = vector.broadcast %broadcast_in_dim3A_635 : vector<400x1xi1> to vector<400x128xi1>
    %broadcast_in_dim3A_637 = vector.broadcast %jit3A_634 : f32 to vector<400x128xf32>
    %select_n3A_638 = arith.select %broadcast_in_dim3A_636, %get3A_6, %broadcast_in_dim3A_637 : vector<400x128xi1>, vector<400x128xf32>
    %get3A_639 = arith.constant 35 : index
    %get3A_640 = arith.constant 0 : index
    %get3A_641 = vector.load %arg4[%get3A_639, %get3A_640] : memref<64x128xf32, #tpu.memory_space<vmem>>, vector<1x128xf32>
    %reduce_max3A_642 = arith.constant dense<0xFF800000> : vector<128xf32>
    %reduce_max3A_643 = vector.multi_reduction <maximumf>, %select_n3A_638, %reduce_max3A_642 [0] : vector<400x128xf32> to vector<128xf32>
    %broadcast_in_dim3A_644 = vector.shape_cast %reduce_max3A_643 : vector<128xf32> to vector<1x128xf32>
    %max3A_645 = arith.maximumf %get3A_641, %broadcast_in_dim3A_644 : vector<1x128xf32>
    %swap3A_646 = arith.constant 35 : index
    %swap3A_647 = arith.constant 0 : index
    %swap3A_648 = vector.load %arg4[%swap3A_646, %swap3A_647] : memref<64x128xf32, #tpu.memory_space<vmem>>, vector<1x128xf32>
    tpu.vector_store %arg4[%swap3A_646, %swap3A_647], %max3A_645 {strides = array<i32>} : memref<64x128xf32, #tpu.memory_space<vmem>>, vector<1x128xf32>,
    %eq3A_649 = arith.constant 36 : i32
    %eq3A_650 = vector.broadcast %eq3A_649 : i32 to vector<400x1xi32>
    %eq3A_651 = arith.cmpi eq, %get3A_3, %eq3A_650 : vector<400x1xi32>
    %jit3A_652 = arith.constant 0xFF800000 : f32
    %broadcast_in_dim3A_653 = vector.shape_cast %eq3A_651 : vector<400x1xi1> to vector<400x1xi1>
    %broadcast_in_dim3A_654 = vector.broadcast %broadcast_in_dim3A_653 : vector<400x1xi1> to vector<400x128xi1>
    %broadcast_in_dim3A_655 = vector.broadcast %jit3A_652 : f32 to vector<400x128xf32>
    %select_n3A_656 = arith.select %broadcast_in_dim3A_654, %get3A_6, %broadcast_in_dim3A_655 : vector<400x128xi1>, vector<400x128xf32>
    %get3A_657 = arith.constant 36 : index
    %get3A_658 = arith.constant 0 : index
    %get3A_659 = vector.load %arg4[%get3A_657, %get3A_658] : memref<64x128xf32, #tpu.memory_space<vmem>>, vector<1x128xf32>
    %reduce_max3A_660 = arith.constant dense<0xFF800000> : vector<128xf32>
    %reduce_max3A_661 = vector.multi_reduction <maximumf>, %select_n3A_656, %reduce_max3A_660 [0] : vector<400x128xf32> to vector<128xf32>
    %broadcast_in_dim3A_662 = vector.shape_cast %reduce_max3A_661 : vector<128xf32> to vector<1x128xf32>
    %max3A_663 = arith.maximumf %get3A_659, %broadcast_in_dim3A_662 : vector<1x128xf32>
    %swap3A_664 = arith.constant 36 : index
    %swap3A_665 = arith.constant 0 : index
    %swap3A_666 = vector.load %arg4[%swap3A_664, %swap3A_665] : memref<64x128xf32, #tpu.memory_space<vmem>>, vector<1x128xf32>
    tpu.vector_store %arg4[%swap3A_664, %swap3A_665], %max3A_663 {strides = array<i32>} : memref<64x128xf32, #tpu.memory_space<vmem>>, vector<1x128xf32>,
    %eq3A_667 = arith.constant 37 : i32
    %eq3A_668 = vector.broadcast %eq3A_667 : i32 to vector<400x1xi32>
    %eq3A_669 = arith.cmpi eq, %get3A_3, %eq3A_668 : vector<400x1xi32>
    %jit3A_670 = arith.constant 0xFF800000 : f32
    %broadcast_in_dim3A_671 = vector.shape_cast %eq3A_669 : vector<400x1xi1> to vector<400x1xi1>
    %broadcast_in_dim3A_672 = vector.broadcast %broadcast_in_dim3A_671 : vector<400x1xi1> to vector<400x128xi1>
    %broadcast_in_dim3A_673 = vector.broadcast %jit3A_670 : f32 to vector<400x128xf32>
    %select_n3A_674 = arith.select %broadcast_in_dim3A_672, %get3A_6, %broadcast_in_dim3A_673 : vector<400x128xi1>, vector<400x128xf32>
    %get3A_675 = arith.constant 37 : index
    %get3A_676 = arith.constant 0 : index
    %get3A_677 = vector.load %arg4[%get3A_675, %get3A_676] : memref<64x128xf32, #tpu.memory_space<vmem>>, vector<1x128xf32>
    %reduce_max3A_678 = arith.constant dense<0xFF800000> : vector<128xf32>
    %reduce_max3A_679 = vector.multi_reduction <maximumf>, %select_n3A_674, %reduce_max3A_678 [0] : vector<400x128xf32> to vector<128xf32>
    %broadcast_in_dim3A_680 = vector.shape_cast %reduce_max3A_679 : vector<128xf32> to vector<1x128xf32>
    %max3A_681 = arith.maximumf %get3A_677, %broadcast_in_dim3A_680 : vector<1x128xf32>
    %swap3A_682 = arith.constant 37 : index
    %swap3A_683 = arith.constant 0 : index
    %swap3A_684 = vector.load %arg4[%swap3A_682, %swap3A_683] : memref<64x128xf32, #tpu.memory_space<vmem>>, vector<1x128xf32>
    tpu.vector_store %arg4[%swap3A_682, %swap3A_683], %max3A_681 {strides = array<i32>} : memref<64x128xf32, #tpu.memory_space<vmem>>, vector<1x128xf32>,
    %eq3A_685 = arith.constant 38 : i32
    %eq3A_686 = vector.broadcast %eq3A_685 : i32 to vector<400x1xi32>
    %eq3A_687 = arith.cmpi eq, %get3A_3, %eq3A_686 : vector<400x1xi32>
    %jit3A_688 = arith.constant 0xFF800000 : f32
    %broadcast_in_dim3A_689 = vector.shape_cast %eq3A_687 : vector<400x1xi1> to vector<400x1xi1>
    %broadcast_in_dim3A_690 = vector.broadcast %broadcast_in_dim3A_689 : vector<400x1xi1> to vector<400x128xi1>
    %broadcast_in_dim3A_691 = vector.broadcast %jit3A_688 : f32 to vector<400x128xf32>
    %select_n3A_692 = arith.select %broadcast_in_dim3A_690, %get3A_6, %broadcast_in_dim3A_691 : vector<400x128xi1>, vector<400x128xf32>
    %get3A_693 = arith.constant 38 : index
    %get3A_694 = arith.constant 0 : index
    %get3A_695 = vector.load %arg4[%get3A_693, %get3A_694] : memref<64x128xf32, #tpu.memory_space<vmem>>, vector<1x128xf32>
    %reduce_max3A_696 = arith.constant dense<0xFF800000> : vector<128xf32>
    %reduce_max3A_697 = vector.multi_reduction <maximumf>, %select_n3A_692, %reduce_max3A_696 [0] : vector<400x128xf32> to vector<128xf32>
    %broadcast_in_dim3A_698 = vector.shape_cast %reduce_max3A_697 : vector<128xf32> to vector<1x128xf32>
    %max3A_699 = arith.maximumf %get3A_695, %broadcast_in_dim3A_698 : vector<1x128xf32>
    %swap3A_700 = arith.constant 38 : index
    %swap3A_701 = arith.constant 0 : index
    %swap3A_702 = vector.load %arg4[%swap3A_700, %swap3A_701] : memref<64x128xf32, #tpu.memory_space<vmem>>, vector<1x128xf32>
    tpu.vector_store %arg4[%swap3A_700, %swap3A_701], %max3A_699 {strides = array<i32>} : memref<64x128xf32, #tpu.memory_space<vmem>>, vector<1x128xf32>,
    %eq3A_703 = arith.constant 39 : i32
    %eq3A_704 = vector.broadcast %eq3A_703 : i32 to vector<400x1xi32>
    %eq3A_705 = arith.cmpi eq, %get3A_3, %eq3A_704 : vector<400x1xi32>
    %jit3A_706 = arith.constant 0xFF800000 : f32
    %broadcast_in_dim3A_707 = vector.shape_cast %eq3A_705 : vector<400x1xi1> to vector<400x1xi1>
    %broadcast_in_dim3A_708 = vector.broadcast %broadcast_in_dim3A_707 : vector<400x1xi1> to vector<400x128xi1>
    %broadcast_in_dim3A_709 = vector.broadcast %jit3A_706 : f32 to vector<400x128xf32>
    %select_n3A_710 = arith.select %broadcast_in_dim3A_708, %get3A_6, %broadcast_in_dim3A_709 : vector<400x128xi1>, vector<400x128xf32>
    %get3A_711 = arith.constant 39 : index
    %get3A_712 = arith.constant 0 : index
    %get3A_713 = vector.load %arg4[%get3A_711, %get3A_712] : memref<64x128xf32, #tpu.memory_space<vmem>>, vector<1x128xf32>
    %reduce_max3A_714 = arith.constant dense<0xFF800000> : vector<128xf32>
    %reduce_max3A_715 = vector.multi_reduction <maximumf>, %select_n3A_710, %reduce_max3A_714 [0] : vector<400x128xf32> to vector<128xf32>
    %broadcast_in_dim3A_716 = vector.shape_cast %reduce_max3A_715 : vector<128xf32> to vector<1x128xf32>
    %max3A_717 = arith.maximumf %get3A_713, %broadcast_in_dim3A_716 : vector<1x128xf32>
    %swap3A_718 = arith.constant 39 : index
    %swap3A_719 = arith.constant 0 : index
    %swap3A_720 = vector.load %arg4[%swap3A_718, %swap3A_719] : memref<64x128xf32, #tpu.memory_space<vmem>>, vector<1x128xf32>
    tpu.vector_store %arg4[%swap3A_718, %swap3A_719], %max3A_717 {strides = array<i32>} : memref<64x128xf32, #tpu.memory_space<vmem>>, vector<1x128xf32>,
    %eq3A_721 = arith.constant 40 : i32
    %eq3A_722 = vector.broadcast %eq3A_721 : i32 to vector<400x1xi32>
    %eq3A_723 = arith.cmpi eq, %get3A_3, %eq3A_722 : vector<400x1xi32>
    %jit3A_724 = arith.constant 0xFF800000 : f32
    %broadcast_in_dim3A_725 = vector.shape_cast %eq3A_723 : vector<400x1xi1> to vector<400x1xi1>
    %broadcast_in_dim3A_726 = vector.broadcast %broadcast_in_dim3A_725 : vector<400x1xi1> to vector<400x128xi1>
    %broadcast_in_dim3A_727 = vector.broadcast %jit3A_724 : f32 to vector<400x128xf32>
    %select_n3A_728 = arith.select %broadcast_in_dim3A_726, %get3A_6, %broadcast_in_dim3A_727 : vector<400x128xi1>, vector<400x128xf32>
    %get3A_729 = arith.constant 40 : index
    %get3A_730 = arith.constant 0 : index
    %get3A_731 = vector.load %arg4[%get3A_729, %get3A_730] : memref<64x128xf32, #tpu.memory_space<vmem>>, vector<1x128xf32>
    %reduce_max3A_732 = arith.constant dense<0xFF800000> : vector<128xf32>
    %reduce_max3A_733 = vector.multi_reduction <maximumf>, %select_n3A_728, %reduce_max3A_732 [0] : vector<400x128xf32> to vector<128xf32>
    %broadcast_in_dim3A_734 = vector.shape_cast %reduce_max3A_733 : vector<128xf32> to vector<1x128xf32>
    %max3A_735 = arith.maximumf %get3A_731, %broadcast_in_dim3A_734 : vector<1x128xf32>
    %swap3A_736 = arith.constant 40 : index
    %swap3A_737 = arith.constant 0 : index
    %swap3A_738 = vector.load %arg4[%swap3A_736, %swap3A_737] : memref<64x128xf32, #tpu.memory_space<vmem>>, vector<1x128xf32>
    tpu.vector_store %arg4[%swap3A_736, %swap3A_737], %max3A_735 {strides = array<i32>} : memref<64x128xf32, #tpu.memory_space<vmem>>, vector<1x128xf32>,
    %eq3A_739 = arith.constant 41 : i32
    %eq3A_740 = vector.broadcast %eq3A_739 : i32 to vector<400x1xi32>
    %eq3A_741 = arith.cmpi eq, %get3A_3, %eq3A_740 : vector<400x1xi32>
    %jit3A_742 = arith.constant 0xFF800000 : f32
    %broadcast_in_dim3A_743 = vector.shape_cast %eq3A_741 : vector<400x1xi1> to vector<400x1xi1>
    %broadcast_in_dim3A_744 = vector.broadcast %broadcast_in_dim3A_743 : vector<400x1xi1> to vector<400x128xi1>
    %broadcast_in_dim3A_745 = vector.broadcast %jit3A_742 : f32 to vector<400x128xf32>
    %select_n3A_746 = arith.select %broadcast_in_dim3A_744, %get3A_6, %broadcast_in_dim3A_745 : vector<400x128xi1>, vector<400x128xf32>
    %get3A_747 = arith.constant 41 : index
    %get3A_748 = arith.constant 0 : index
    %get3A_749 = vector.load %arg4[%get3A_747, %get3A_748] : memref<64x128xf32, #tpu.memory_space<vmem>>, vector<1x128xf32>
    %reduce_max3A_750 = arith.constant dense<0xFF800000> : vector<128xf32>
    %reduce_max3A_751 = vector.multi_reduction <maximumf>, %select_n3A_746, %reduce_max3A_750 [0] : vector<400x128xf32> to vector<128xf32>
    %broadcast_in_dim3A_752 = vector.shape_cast %reduce_max3A_751 : vector<128xf32> to vector<1x128xf32>
    %max3A_753 = arith.maximumf %get3A_749, %broadcast_in_dim3A_752 : vector<1x128xf32>
    %swap3A_754 = arith.constant 41 : index
    %swap3A_755 = arith.constant 0 : index
    %swap3A_756 = vector.load %arg4[%swap3A_754, %swap3A_755] : memref<64x128xf32, #tpu.memory_space<vmem>>, vector<1x128xf32>
    tpu.vector_store %arg4[%swap3A_754, %swap3A_755], %max3A_753 {strides = array<i32>} : memref<64x128xf32, #tpu.memory_space<vmem>>, vector<1x128xf32>,
    %eq3A_757 = arith.constant 42 : i32
    %eq3A_758 = vector.broadcast %eq3A_757 : i32 to vector<400x1xi32>
    %eq3A_759 = arith.cmpi eq, %get3A_3, %eq3A_758 : vector<400x1xi32>
    %jit3A_760 = arith.constant 0xFF800000 : f32
    %broadcast_in_dim3A_761 = vector.shape_cast %eq3A_759 : vector<400x1xi1> to vector<400x1xi1>
    %broadcast_in_dim3A_762 = vector.broadcast %broadcast_in_dim3A_761 : vector<400x1xi1> to vector<400x128xi1>
    %broadcast_in_dim3A_763 = vector.broadcast %jit3A_760 : f32 to vector<400x128xf32>
    %select_n3A_764 = arith.select %broadcast_in_dim3A_762, %get3A_6, %broadcast_in_dim3A_763 : vector<400x128xi1>, vector<400x128xf32>
    %get3A_765 = arith.constant 42 : index
    %get3A_766 = arith.constant 0 : index
    %get3A_767 = vector.load %arg4[%get3A_765, %get3A_766] : memref<64x128xf32, #tpu.memory_space<vmem>>, vector<1x128xf32>
    %reduce_max3A_768 = arith.constant dense<0xFF800000> : vector<128xf32>
    %reduce_max3A_769 = vector.multi_reduction <maximumf>, %select_n3A_764, %reduce_max3A_768 [0] : vector<400x128xf32> to vector<128xf32>
    %broadcast_in_dim3A_770 = vector.shape_cast %reduce_max3A_769 : vector<128xf32> to vector<1x128xf32>
    %max3A_771 = arith.maximumf %get3A_767, %broadcast_in_dim3A_770 : vector<1x128xf32>
    %swap3A_772 = arith.constant 42 : index
    %swap3A_773 = arith.constant 0 : index
    %swap3A_774 = vector.load %arg4[%swap3A_772, %swap3A_773] : memref<64x128xf32, #tpu.memory_space<vmem>>, vector<1x128xf32>
    tpu.vector_store %arg4[%swap3A_772, %swap3A_773], %max3A_771 {strides = array<i32>} : memref<64x128xf32, #tpu.memory_space<vmem>>, vector<1x128xf32>,
    %eq3A_775 = arith.constant 43 : i32
    %eq3A_776 = vector.broadcast %eq3A_775 : i32 to vector<400x1xi32>
    %eq3A_777 = arith.cmpi eq, %get3A_3, %eq3A_776 : vector<400x1xi32>
    %jit3A_778 = arith.constant 0xFF800000 : f32
    %broadcast_in_dim3A_779 = vector.shape_cast %eq3A_777 : vector<400x1xi1> to vector<400x1xi1>
    %broadcast_in_dim3A_780 = vector.broadcast %broadcast_in_dim3A_779 : vector<400x1xi1> to vector<400x128xi1>
    %broadcast_in_dim3A_781 = vector.broadcast %jit3A_778 : f32 to vector<400x128xf32>
    %select_n3A_782 = arith.select %broadcast_in_dim3A_780, %get3A_6, %broadcast_in_dim3A_781 : vector<400x128xi1>, vector<400x128xf32>
    %get3A_783 = arith.constant 43 : index
    %get3A_784 = arith.constant 0 : index
    %get3A_785 = vector.load %arg4[%get3A_783, %get3A_784] : memref<64x128xf32, #tpu.memory_space<vmem>>, vector<1x128xf32>
    %reduce_max3A_786 = arith.constant dense<0xFF800000> : vector<128xf32>
    %reduce_max3A_787 = vector.multi_reduction <maximumf>, %select_n3A_782, %reduce_max3A_786 [0] : vector<400x128xf32> to vector<128xf32>
    %broadcast_in_dim3A_788 = vector.shape_cast %reduce_max3A_787 : vector<128xf32> to vector<1x128xf32>
    %max3A_789 = arith.maximumf %get3A_785, %broadcast_in_dim3A_788 : vector<1x128xf32>
    %swap3A_790 = arith.constant 43 : index
    %swap3A_791 = arith.constant 0 : index
    %swap3A_792 = vector.load %arg4[%swap3A_790, %swap3A_791] : memref<64x128xf32, #tpu.memory_space<vmem>>, vector<1x128xf32>
    tpu.vector_store %arg4[%swap3A_790, %swap3A_791], %max3A_789 {strides = array<i32>} : memref<64x128xf32, #tpu.memory_space<vmem>>, vector<1x128xf32>,
    %eq3A_793 = arith.constant 44 : i32
    %eq3A_794 = vector.broadcast %eq3A_793 : i32 to vector<400x1xi32>
    %eq3A_795 = arith.cmpi eq, %get3A_3, %eq3A_794 : vector<400x1xi32>
    %jit3A_796 = arith.constant 0xFF800000 : f32
    %broadcast_in_dim3A_797 = vector.shape_cast %eq3A_795 : vector<400x1xi1> to vector<400x1xi1>
    %broadcast_in_dim3A_798 = vector.broadcast %broadcast_in_dim3A_797 : vector<400x1xi1> to vector<400x128xi1>
    %broadcast_in_dim3A_799 = vector.broadcast %jit3A_796 : f32 to vector<400x128xf32>
    %select_n3A_800 = arith.select %broadcast_in_dim3A_798, %get3A_6, %broadcast_in_dim3A_799 : vector<400x128xi1>, vector<400x128xf32>
    %get3A_801 = arith.constant 44 : index
    %get3A_802 = arith.constant 0 : index
    %get3A_803 = vector.load %arg4[%get3A_801, %get3A_802] : memref<64x128xf32, #tpu.memory_space<vmem>>, vector<1x128xf32>
    %reduce_max3A_804 = arith.constant dense<0xFF800000> : vector<128xf32>
    %reduce_max3A_805 = vector.multi_reduction <maximumf>, %select_n3A_800, %reduce_max3A_804 [0] : vector<400x128xf32> to vector<128xf32>
    %broadcast_in_dim3A_806 = vector.shape_cast %reduce_max3A_805 : vector<128xf32> to vector<1x128xf32>
    %max3A_807 = arith.maximumf %get3A_803, %broadcast_in_dim3A_806 : vector<1x128xf32>
    %swap3A_808 = arith.constant 44 : index
    %swap3A_809 = arith.constant 0 : index
    %swap3A_810 = vector.load %arg4[%swap3A_808, %swap3A_809] : memref<64x128xf32, #tpu.memory_space<vmem>>, vector<1x128xf32>
    tpu.vector_store %arg4[%swap3A_808, %swap3A_809], %max3A_807 {strides = array<i32>} : memref<64x128xf32, #tpu.memory_space<vmem>>, vector<1x128xf32>,
    %eq3A_811 = arith.constant 45 : i32
    %eq3A_812 = vector.broadcast %eq3A_811 : i32 to vector<400x1xi32>
    %eq3A_813 = arith.cmpi eq, %get3A_3, %eq3A_812 : vector<400x1xi32>
    %jit3A_814 = arith.constant 0xFF800000 : f32
    %broadcast_in_dim3A_815 = vector.shape_cast %eq3A_813 : vector<400x1xi1> to vector<400x1xi1>
    %broadcast_in_dim3A_816 = vector.broadcast %broadcast_in_dim3A_815 : vector<400x1xi1> to vector<400x128xi1>
    %broadcast_in_dim3A_817 = vector.broadcast %jit3A_814 : f32 to vector<400x128xf32>
    %select_n3A_818 = arith.select %broadcast_in_dim3A_816, %get3A_6, %broadcast_in_dim3A_817 : vector<400x128xi1>, vector<400x128xf32>
    %get3A_819 = arith.constant 45 : index
    %get3A_820 = arith.constant 0 : index
    %get3A_821 = vector.load %arg4[%get3A_819, %get3A_820] : memref<64x128xf32, #tpu.memory_space<vmem>>, vector<1x128xf32>
    %reduce_max3A_822 = arith.constant dense<0xFF800000> : vector<128xf32>
    %reduce_max3A_823 = vector.multi_reduction <maximumf>, %select_n3A_818, %reduce_max3A_822 [0] : vector<400x128xf32> to vector<128xf32>
    %broadcast_in_dim3A_824 = vector.shape_cast %reduce_max3A_823 : vector<128xf32> to vector<1x128xf32>
    %max3A_825 = arith.maximumf %get3A_821, %broadcast_in_dim3A_824 : vector<1x128xf32>
    %swap3A_826 = arith.constant 45 : index
    %swap3A_827 = arith.constant 0 : index
    %swap3A_828 = vector.load %arg4[%swap3A_826, %swap3A_827] : memref<64x128xf32, #tpu.memory_space<vmem>>, vector<1x128xf32>
    tpu.vector_store %arg4[%swap3A_826, %swap3A_827], %max3A_825 {strides = array<i32>} : memref<64x128xf32, #tpu.memory_space<vmem>>, vector<1x128xf32>,
    %eq3A_829 = arith.constant 46 : i32
    %eq3A_830 = vector.broadcast %eq3A_829 : i32 to vector<400x1xi32>
    %eq3A_831 = arith.cmpi eq, %get3A_3, %eq3A_830 : vector<400x1xi32>
    %jit3A_832 = arith.constant 0xFF800000 : f32
    %broadcast_in_dim3A_833 = vector.shape_cast %eq3A_831 : vector<400x1xi1> to vector<400x1xi1>
    %broadcast_in_dim3A_834 = vector.broadcast %broadcast_in_dim3A_833 : vector<400x1xi1> to vector<400x128xi1>
    %broadcast_in_dim3A_835 = vector.broadcast %jit3A_832 : f32 to vector<400x128xf32>
    %select_n3A_836 = arith.select %broadcast_in_dim3A_834, %get3A_6, %broadcast_in_dim3A_835 : vector<400x128xi1>, vector<400x128xf32>
    %get3A_837 = arith.constant 46 : index
    %get3A_838 = arith.constant 0 : index
    %get3A_839 = vector.load %arg4[%get3A_837, %get3A_838] : memref<64x128xf32, #tpu.memory_space<vmem>>, vector<1x128xf32>
    %reduce_max3A_840 = arith.constant dense<0xFF800000> : vector<128xf32>
    %reduce_max3A_841 = vector.multi_reduction <maximumf>, %select_n3A_836, %reduce_max3A_840 [0] : vector<400x128xf32> to vector<128xf32>
    %broadcast_in_dim3A_842 = vector.shape_cast %reduce_max3A_841 : vector<128xf32> to vector<1x128xf32>
    %max3A_843 = arith.maximumf %get3A_839, %broadcast_in_dim3A_842 : vector<1x128xf32>
    %swap3A_844 = arith.constant 46 : index
    %swap3A_845 = arith.constant 0 : index
    %swap3A_846 = vector.load %arg4[%swap3A_844, %swap3A_845] : memref<64x128xf32, #tpu.memory_space<vmem>>, vector<1x128xf32>
    tpu.vector_store %arg4[%swap3A_844, %swap3A_845], %max3A_843 {strides = array<i32>} : memref<64x128xf32, #tpu.memory_space<vmem>>, vector<1x128xf32>,
    %eq3A_847 = arith.constant 47 : i32
    %eq3A_848 = vector.broadcast %eq3A_847 : i32 to vector<400x1xi32>
    %eq3A_849 = arith.cmpi eq, %get3A_3, %eq3A_848 : vector<400x1xi32>
    %jit3A_850 = arith.constant 0xFF800000 : f32
    %broadcast_in_dim3A_851 = vector.shape_cast %eq3A_849 : vector<400x1xi1> to vector<400x1xi1>
    %broadcast_in_dim3A_852 = vector.broadcast %broadcast_in_dim3A_851 : vector<400x1xi1> to vector<400x128xi1>
    %broadcast_in_dim3A_853 = vector.broadcast %jit3A_850 : f32 to vector<400x128xf32>
    %select_n3A_854 = arith.select %broadcast_in_dim3A_852, %get3A_6, %broadcast_in_dim3A_853 : vector<400x128xi1>, vector<400x128xf32>
    %get3A_855 = arith.constant 47 : index
    %get3A_856 = arith.constant 0 : index
    %get3A_857 = vector.load %arg4[%get3A_855, %get3A_856] : memref<64x128xf32, #tpu.memory_space<vmem>>, vector<1x128xf32>
    %reduce_max3A_858 = arith.constant dense<0xFF800000> : vector<128xf32>
    %reduce_max3A_859 = vector.multi_reduction <maximumf>, %select_n3A_854, %reduce_max3A_858 [0] : vector<400x128xf32> to vector<128xf32>
    %broadcast_in_dim3A_860 = vector.shape_cast %reduce_max3A_859 : vector<128xf32> to vector<1x128xf32>
    %max3A_861 = arith.maximumf %get3A_857, %broadcast_in_dim3A_860 : vector<1x128xf32>
    %swap3A_862 = arith.constant 47 : index
    %swap3A_863 = arith.constant 0 : index
    %swap3A_864 = vector.load %arg4[%swap3A_862, %swap3A_863] : memref<64x128xf32, #tpu.memory_space<vmem>>, vector<1x128xf32>
    tpu.vector_store %arg4[%swap3A_862, %swap3A_863], %max3A_861 {strides = array<i32>} : memref<64x128xf32, #tpu.memory_space<vmem>>, vector<1x128xf32>,
    %eq3A_865 = arith.constant 48 : i32
    %eq3A_866 = vector.broadcast %eq3A_865 : i32 to vector<400x1xi32>
    %eq3A_867 = arith.cmpi eq, %get3A_3, %eq3A_866 : vector<400x1xi32>
    %jit3A_868 = arith.constant 0xFF800000 : f32
    %broadcast_in_dim3A_869 = vector.shape_cast %eq3A_867 : vector<400x1xi1> to vector<400x1xi1>
    %broadcast_in_dim3A_870 = vector.broadcast %broadcast_in_dim3A_869 : vector<400x1xi1> to vector<400x128xi1>
    %broadcast_in_dim3A_871 = vector.broadcast %jit3A_868 : f32 to vector<400x128xf32>
    %select_n3A_872 = arith.select %broadcast_in_dim3A_870, %get3A_6, %broadcast_in_dim3A_871 : vector<400x128xi1>, vector<400x128xf32>
    %get3A_873 = arith.constant 48 : index
    %get3A_874 = arith.constant 0 : index
    %get3A_875 = vector.load %arg4[%get3A_873, %get3A_874] : memref<64x128xf32, #tpu.memory_space<vmem>>, vector<1x128xf32>
    %reduce_max3A_876 = arith.constant dense<0xFF800000> : vector<128xf32>
    %reduce_max3A_877 = vector.multi_reduction <maximumf>, %select_n3A_872, %reduce_max3A_876 [0] : vector<400x128xf32> to vector<128xf32>
    %broadcast_in_dim3A_878 = vector.shape_cast %reduce_max3A_877 : vector<128xf32> to vector<1x128xf32>
    %max3A_879 = arith.maximumf %get3A_875, %broadcast_in_dim3A_878 : vector<1x128xf32>
    %swap3A_880 = arith.constant 48 : index
    %swap3A_881 = arith.constant 0 : index
    %swap3A_882 = vector.load %arg4[%swap3A_880, %swap3A_881] : memref<64x128xf32, #tpu.memory_space<vmem>>, vector<1x128xf32>
    tpu.vector_store %arg4[%swap3A_880, %swap3A_881], %max3A_879 {strides = array<i32>} : memref<64x128xf32, #tpu.memory_space<vmem>>, vector<1x128xf32>,
    %eq3A_883 = arith.constant 49 : i32
    %eq3A_884 = vector.broadcast %eq3A_883 : i32 to vector<400x1xi32>
    %eq3A_885 = arith.cmpi eq, %get3A_3, %eq3A_884 : vector<400x1xi32>
    %jit3A_886 = arith.constant 0xFF800000 : f32
    %broadcast_in_dim3A_887 = vector.shape_cast %eq3A_885 : vector<400x1xi1> to vector<400x1xi1>
    %broadcast_in_dim3A_888 = vector.broadcast %broadcast_in_dim3A_887 : vector<400x1xi1> to vector<400x128xi1>
    %broadcast_in_dim3A_889 = vector.broadcast %jit3A_886 : f32 to vector<400x128xf32>
    %select_n3A_890 = arith.select %broadcast_in_dim3A_888, %get3A_6, %broadcast_in_dim3A_889 : vector<400x128xi1>, vector<400x128xf32>
    %get3A_891 = arith.constant 49 : index
    %get3A_892 = arith.constant 0 : index
    %get3A_893 = vector.load %arg4[%get3A_891, %get3A_892] : memref<64x128xf32, #tpu.memory_space<vmem>>, vector<1x128xf32>
    %reduce_max3A_894 = arith.constant dense<0xFF800000> : vector<128xf32>
    %reduce_max3A_895 = vector.multi_reduction <maximumf>, %select_n3A_890, %reduce_max3A_894 [0] : vector<400x128xf32> to vector<128xf32>
    %broadcast_in_dim3A_896 = vector.shape_cast %reduce_max3A_895 : vector<128xf32> to vector<1x128xf32>
    %max3A_897 = arith.maximumf %get3A_893, %broadcast_in_dim3A_896 : vector<1x128xf32>
    %swap3A_898 = arith.constant 49 : index
    %swap3A_899 = arith.constant 0 : index
    %swap3A_900 = vector.load %arg4[%swap3A_898, %swap3A_899] : memref<64x128xf32, #tpu.memory_space<vmem>>, vector<1x128xf32>
    tpu.vector_store %arg4[%swap3A_898, %swap3A_899], %max3A_897 {strides = array<i32>} : memref<64x128xf32, #tpu.memory_space<vmem>>, vector<1x128xf32>,
    %eq3A_901 = arith.constant 50 : i32
    %eq3A_902 = vector.broadcast %eq3A_901 : i32 to vector<400x1xi32>
    %eq3A_903 = arith.cmpi eq, %get3A_3, %eq3A_902 : vector<400x1xi32>
    %jit3A_904 = arith.constant 0xFF800000 : f32
    %broadcast_in_dim3A_905 = vector.shape_cast %eq3A_903 : vector<400x1xi1> to vector<400x1xi1>
    %broadcast_in_dim3A_906 = vector.broadcast %broadcast_in_dim3A_905 : vector<400x1xi1> to vector<400x128xi1>
    %broadcast_in_dim3A_907 = vector.broadcast %jit3A_904 : f32 to vector<400x128xf32>
    %select_n3A_908 = arith.select %broadcast_in_dim3A_906, %get3A_6, %broadcast_in_dim3A_907 : vector<400x128xi1>, vector<400x128xf32>
    %get3A_909 = arith.constant 50 : index
    %get3A_910 = arith.constant 0 : index
    %get3A_911 = vector.load %arg4[%get3A_909, %get3A_910] : memref<64x128xf32, #tpu.memory_space<vmem>>, vector<1x128xf32>
    %reduce_max3A_912 = arith.constant dense<0xFF800000> : vector<128xf32>
    %reduce_max3A_913 = vector.multi_reduction <maximumf>, %select_n3A_908, %reduce_max3A_912 [0] : vector<400x128xf32> to vector<128xf32>
    %broadcast_in_dim3A_914 = vector.shape_cast %reduce_max3A_913 : vector<128xf32> to vector<1x128xf32>
    %max3A_915 = arith.maximumf %get3A_911, %broadcast_in_dim3A_914 : vector<1x128xf32>
    %swap3A_916 = arith.constant 50 : index
    %swap3A_917 = arith.constant 0 : index
    %swap3A_918 = vector.load %arg4[%swap3A_916, %swap3A_917] : memref<64x128xf32, #tpu.memory_space<vmem>>, vector<1x128xf32>
    tpu.vector_store %arg4[%swap3A_916, %swap3A_917], %max3A_915 {strides = array<i32>} : memref<64x128xf32, #tpu.memory_space<vmem>>, vector<1x128xf32>,
    %eq3A_919 = arith.constant 51 : i32
    %eq3A_920 = vector.broadcast %eq3A_919 : i32 to vector<400x1xi32>
    %eq3A_921 = arith.cmpi eq, %get3A_3, %eq3A_920 : vector<400x1xi32>
    %jit3A_922 = arith.constant 0xFF800000 : f32
    %broadcast_in_dim3A_923 = vector.shape_cast %eq3A_921 : vector<400x1xi1> to vector<400x1xi1>
    %broadcast_in_dim3A_924 = vector.broadcast %broadcast_in_dim3A_923 : vector<400x1xi1> to vector<400x128xi1>
    %broadcast_in_dim3A_925 = vector.broadcast %jit3A_922 : f32 to vector<400x128xf32>
    %select_n3A_926 = arith.select %broadcast_in_dim3A_924, %get3A_6, %broadcast_in_dim3A_925 : vector<400x128xi1>, vector<400x128xf32>
    %get3A_927 = arith.constant 51 : index
    %get3A_928 = arith.constant 0 : index
    %get3A_929 = vector.load %arg4[%get3A_927, %get3A_928] : memref<64x128xf32, #tpu.memory_space<vmem>>, vector<1x128xf32>
    %reduce_max3A_930 = arith.constant dense<0xFF800000> : vector<128xf32>
    %reduce_max3A_931 = vector.multi_reduction <maximumf>, %select_n3A_926, %reduce_max3A_930 [0] : vector<400x128xf32> to vector<128xf32>
    %broadcast_in_dim3A_932 = vector.shape_cast %reduce_max3A_931 : vector<128xf32> to vector<1x128xf32>
    %max3A_933 = arith.maximumf %get3A_929, %broadcast_in_dim3A_932 : vector<1x128xf32>
    %swap3A_934 = arith.constant 51 : index
    %swap3A_935 = arith.constant 0 : index
    %swap3A_936 = vector.load %arg4[%swap3A_934, %swap3A_935] : memref<64x128xf32, #tpu.memory_space<vmem>>, vector<1x128xf32>
    tpu.vector_store %arg4[%swap3A_934, %swap3A_935], %max3A_933 {strides = array<i32>} : memref<64x128xf32, #tpu.memory_space<vmem>>, vector<1x128xf32>,
    %eq3A_937 = arith.constant 52 : i32
    %eq3A_938 = vector.broadcast %eq3A_937 : i32 to vector<400x1xi32>
    %eq3A_939 = arith.cmpi eq, %get3A_3, %eq3A_938 : vector<400x1xi32>
    %jit3A_940 = arith.constant 0xFF800000 : f32
    %broadcast_in_dim3A_941 = vector.shape_cast %eq3A_939 : vector<400x1xi1> to vector<400x1xi1>
    %broadcast_in_dim3A_942 = vector.broadcast %broadcast_in_dim3A_941 : vector<400x1xi1> to vector<400x128xi1>
    %broadcast_in_dim3A_943 = vector.broadcast %jit3A_940 : f32 to vector<400x128xf32>
    %select_n3A_944 = arith.select %broadcast_in_dim3A_942, %get3A_6, %broadcast_in_dim3A_943 : vector<400x128xi1>, vector<400x128xf32>
    %get3A_945 = arith.constant 52 : index
    %get3A_946 = arith.constant 0 : index
    %get3A_947 = vector.load %arg4[%get3A_945, %get3A_946] : memref<64x128xf32, #tpu.memory_space<vmem>>, vector<1x128xf32>
    %reduce_max3A_948 = arith.constant dense<0xFF800000> : vector<128xf32>
    %reduce_max3A_949 = vector.multi_reduction <maximumf>, %select_n3A_944, %reduce_max3A_948 [0] : vector<400x128xf32> to vector<128xf32>
    %broadcast_in_dim3A_950 = vector.shape_cast %reduce_max3A_949 : vector<128xf32> to vector<1x128xf32>
    %max3A_951 = arith.maximumf %get3A_947, %broadcast_in_dim3A_950 : vector<1x128xf32>
    %swap3A_952 = arith.constant 52 : index
    %swap3A_953 = arith.constant 0 : index
    %swap3A_954 = vector.load %arg4[%swap3A_952, %swap3A_953] : memref<64x128xf32, #tpu.memory_space<vmem>>, vector<1x128xf32>
    tpu.vector_store %arg4[%swap3A_952, %swap3A_953], %max3A_951 {strides = array<i32>} : memref<64x128xf32, #tpu.memory_space<vmem>>, vector<1x128xf32>,
    %eq3A_955 = arith.constant 53 : i32
    %eq3A_956 = vector.broadcast %eq3A_955 : i32 to vector<400x1xi32>
    %eq3A_957 = arith.cmpi eq, %get3A_3, %eq3A_956 : vector<400x1xi32>
    %jit3A_958 = arith.constant 0xFF800000 : f32
    %broadcast_in_dim3A_959 = vector.shape_cast %eq3A_957 : vector<400x1xi1> to vector<400x1xi1>
    %broadcast_in_dim3A_960 = vector.broadcast %broadcast_in_dim3A_959 : vector<400x1xi1> to vector<400x128xi1>
    %broadcast_in_dim3A_961 = vector.broadcast %jit3A_958 : f32 to vector<400x128xf32>
    %select_n3A_962 = arith.select %broadcast_in_dim3A_960, %get3A_6, %broadcast_in_dim3A_961 : vector<400x128xi1>, vector<400x128xf32>
    %get3A_963 = arith.constant 53 : index
    %get3A_964 = arith.constant 0 : index
    %get3A_965 = vector.load %arg4[%get3A_963, %get3A_964] : memref<64x128xf32, #tpu.memory_space<vmem>>, vector<1x128xf32>
    %reduce_max3A_966 = arith.constant dense<0xFF800000> : vector<128xf32>
    %reduce_max3A_967 = vector.multi_reduction <maximumf>, %select_n3A_962, %reduce_max3A_966 [0] : vector<400x128xf32> to vector<128xf32>
    %broadcast_in_dim3A_968 = vector.shape_cast %reduce_max3A_967 : vector<128xf32> to vector<1x128xf32>
    %max3A_969 = arith.maximumf %get3A_965, %broadcast_in_dim3A_968 : vector<1x128xf32>
    %swap3A_970 = arith.constant 53 : index
    %swap3A_971 = arith.constant 0 : index
    %swap3A_972 = vector.load %arg4[%swap3A_970, %swap3A_971] : memref<64x128xf32, #tpu.memory_space<vmem>>, vector<1x128xf32>
    tpu.vector_store %arg4[%swap3A_970, %swap3A_971], %max3A_969 {strides = array<i32>} : memref<64x128xf32, #tpu.memory_space<vmem>>, vector<1x128xf32>,
    %eq3A_973 = arith.constant 54 : i32
    %eq3A_974 = vector.broadcast %eq3A_973 : i32 to vector<400x1xi32>
    %eq3A_975 = arith.cmpi eq, %get3A_3, %eq3A_974 : vector<400x1xi32>
    %jit3A_976 = arith.constant 0xFF800000 : f32
    %broadcast_in_dim3A_977 = vector.shape_cast %eq3A_975 : vector<400x1xi1> to vector<400x1xi1>
    %broadcast_in_dim3A_978 = vector.broadcast %broadcast_in_dim3A_977 : vector<400x1xi1> to vector<400x128xi1>
    %broadcast_in_dim3A_979 = vector.broadcast %jit3A_976 : f32 to vector<400x128xf32>
    %select_n3A_980 = arith.select %broadcast_in_dim3A_978, %get3A_6, %broadcast_in_dim3A_979 : vector<400x128xi1>, vector<400x128xf32>
    %get3A_981 = arith.constant 54 : index
    %get3A_982 = arith.constant 0 : index
    %get3A_983 = vector.load %arg4[%get3A_981, %get3A_982] : memref<64x128xf32, #tpu.memory_space<vmem>>, vector<1x128xf32>
    %reduce_max3A_984 = arith.constant dense<0xFF800000> : vector<128xf32>
    %reduce_max3A_985 = vector.multi_reduction <maximumf>, %select_n3A_980, %reduce_max3A_984 [0] : vector<400x128xf32> to vector<128xf32>
    %broadcast_in_dim3A_986 = vector.shape_cast %reduce_max3A_985 : vector<128xf32> to vector<1x128xf32>
    %max3A_987 = arith.maximumf %get3A_983, %broadcast_in_dim3A_986 : vector<1x128xf32>
    %swap3A_988 = arith.constant 54 : index
    %swap3A_989 = arith.constant 0 : index
    %swap3A_990 = vector.load %arg4[%swap3A_988, %swap3A_989] : memref<64x128xf32, #tpu.memory_space<vmem>>, vector<1x128xf32>
    tpu.vector_store %arg4[%swap3A_988, %swap3A_989], %max3A_987 {strides = array<i32>} : memref<64x128xf32, #tpu.memory_space<vmem>>, vector<1x128xf32>,
    %eq3A_991 = arith.constant 55 : i32
    %eq3A_992 = vector.broadcast %eq3A_991 : i32 to vector<400x1xi32>
    %eq3A_993 = arith.cmpi eq, %get3A_3, %eq3A_992 : vector<400x1xi32>
    %jit3A_994 = arith.constant 0xFF800000 : f32
    %broadcast_in_dim3A_995 = vector.shape_cast %eq3A_993 : vector<400x1xi1> to vector<400x1xi1>
    %broadcast_in_dim3A_996 = vector.broadcast %broadcast_in_dim3A_995 : vector<400x1xi1> to vector<400x128xi1>
    %broadcast_in_dim3A_997 = vector.broadcast %jit3A_994 : f32 to vector<400x128xf32>
    %select_n3A_998 = arith.select %broadcast_in_dim3A_996, %get3A_6, %broadcast_in_dim3A_997 : vector<400x128xi1>, vector<400x128xf32>
    %get3A_999 = arith.constant 55 : index
    %get3A_1000 = arith.constant 0 : index
    %get3A_1001 = vector.load %arg4[%get3A_999, %get3A_1000] : memref<64x128xf32, #tpu.memory_space<vmem>>, vector<1x128xf32>
    %reduce_max3A_1002 = arith.constant dense<0xFF800000> : vector<128xf32>
    %reduce_max3A_1003 = vector.multi_reduction <maximumf>, %select_n3A_998, %reduce_max3A_1002 [0] : vector<400x128xf32> to vector<128xf32>
    %broadcast_in_dim3A_1004 = vector.shape_cast %reduce_max3A_1003 : vector<128xf32> to vector<1x128xf32>
    %max3A_1005 = arith.maximumf %get3A_1001, %broadcast_in_dim3A_1004 : vector<1x128xf32>
    %swap3A_1006 = arith.constant 55 : index
    %swap3A_1007 = arith.constant 0 : index
    %swap3A_1008 = vector.load %arg4[%swap3A_1006, %swap3A_1007] : memref<64x128xf32, #tpu.memory_space<vmem>>, vector<1x128xf32>
    tpu.vector_store %arg4[%swap3A_1006, %swap3A_1007], %max3A_1005 {strides = array<i32>} : memref<64x128xf32, #tpu.memory_space<vmem>>, vector<1x128xf32>,
    %eq3A_1009 = arith.constant 56 : i32
    %eq3A_1010 = vector.broadcast %eq3A_1009 : i32 to vector<400x1xi32>
    %eq3A_1011 = arith.cmpi eq, %get3A_3, %eq3A_1010 : vector<400x1xi32>
    %jit3A_1012 = arith.constant 0xFF800000 : f32
    %broadcast_in_dim3A_1013 = vector.shape_cast %eq3A_1011 : vector<400x1xi1> to vector<400x1xi1>
    %broadcast_in_dim3A_1014 = vector.broadcast %broadcast_in_dim3A_1013 : vector<400x1xi1> to vector<400x128xi1>
    %broadcast_in_dim3A_1015 = vector.broadcast %jit3A_1012 : f32 to vector<400x128xf32>
    %select_n3A_1016 = arith.select %broadcast_in_dim3A_1014, %get3A_6, %broadcast_in_dim3A_1015 : vector<400x128xi1>, vector<400x128xf32>
    %get3A_1017 = arith.constant 56 : index
    %get3A_1018 = arith.constant 0 : index
    %get3A_1019 = vector.load %arg4[%get3A_1017, %get3A_1018] : memref<64x128xf32, #tpu.memory_space<vmem>>, vector<1x128xf32>
    %reduce_max3A_1020 = arith.constant dense<0xFF800000> : vector<128xf32>
    %reduce_max3A_1021 = vector.multi_reduction <maximumf>, %select_n3A_1016, %reduce_max3A_1020 [0] : vector<400x128xf32> to vector<128xf32>
    %broadcast_in_dim3A_1022 = vector.shape_cast %reduce_max3A_1021 : vector<128xf32> to vector<1x128xf32>
    %max3A_1023 = arith.maximumf %get3A_1019, %broadcast_in_dim3A_1022 : vector<1x128xf32>
    %swap3A_1024 = arith.constant 56 : index
    %swap3A_1025 = arith.constant 0 : index
    %swap3A_1026 = vector.load %arg4[%swap3A_1024, %swap3A_1025] : memref<64x128xf32, #tpu.memory_space<vmem>>, vector<1x128xf32>
    tpu.vector_store %arg4[%swap3A_1024, %swap3A_1025], %max3A_1023 {strides = array<i32>} : memref<64x128xf32, #tpu.memory_space<vmem>>, vector<1x128xf32>,
    %eq3A_1027 = arith.constant 57 : i32
    %eq3A_1028 = vector.broadcast %eq3A_1027 : i32 to vector<400x1xi32>
    %eq3A_1029 = arith.cmpi eq, %get3A_3, %eq3A_1028 : vector<400x1xi32>
    %jit3A_1030 = arith.constant 0xFF800000 : f32
    %broadcast_in_dim3A_1031 = vector.shape_cast %eq3A_1029 : vector<400x1xi1> to vector<400x1xi1>
    %broadcast_in_dim3A_1032 = vector.broadcast %broadcast_in_dim3A_1031 : vector<400x1xi1> to vector<400x128xi1>
    %broadcast_in_dim3A_1033 = vector.broadcast %jit3A_1030 : f32 to vector<400x128xf32>
    %select_n3A_1034 = arith.select %broadcast_in_dim3A_1032, %get3A_6, %broadcast_in_dim3A_1033 : vector<400x128xi1>, vector<400x128xf32>
    %get3A_1035 = arith.constant 57 : index
    %get3A_1036 = arith.constant 0 : index
    %get3A_1037 = vector.load %arg4[%get3A_1035, %get3A_1036] : memref<64x128xf32, #tpu.memory_space<vmem>>, vector<1x128xf32>
    %reduce_max3A_1038 = arith.constant dense<0xFF800000> : vector<128xf32>
    %reduce_max3A_1039 = vector.multi_reduction <maximumf>, %select_n3A_1034, %reduce_max3A_1038 [0] : vector<400x128xf32> to vector<128xf32>
    %broadcast_in_dim3A_1040 = vector.shape_cast %reduce_max3A_1039 : vector<128xf32> to vector<1x128xf32>
    %max3A_1041 = arith.maximumf %get3A_1037, %broadcast_in_dim3A_1040 : vector<1x128xf32>
    %swap3A_1042 = arith.constant 57 : index
    %swap3A_1043 = arith.constant 0 : index
    %swap3A_1044 = vector.load %arg4[%swap3A_1042, %swap3A_1043] : memref<64x128xf32, #tpu.memory_space<vmem>>, vector<1x128xf32>
    tpu.vector_store %arg4[%swap3A_1042, %swap3A_1043], %max3A_1041 {strides = array<i32>} : memref<64x128xf32, #tpu.memory_space<vmem>>, vector<1x128xf32>,
    %eq3A_1045 = arith.constant 58 : i32
    %eq3A_1046 = vector.broadcast %eq3A_1045 : i32 to vector<400x1xi32>
    %eq3A_1047 = arith.cmpi eq, %get3A_3, %eq3A_1046 : vector<400x1xi32>
    %jit3A_1048 = arith.constant 0xFF800000 : f32
    %broadcast_in_dim3A_1049 = vector.shape_cast %eq3A_1047 : vector<400x1xi1> to vector<400x1xi1>
    %broadcast_in_dim3A_1050 = vector.broadcast %broadcast_in_dim3A_1049 : vector<400x1xi1> to vector<400x128xi1>
    %broadcast_in_dim3A_1051 = vector.broadcast %jit3A_1048 : f32 to vector<400x128xf32>
    %select_n3A_1052 = arith.select %broadcast_in_dim3A_1050, %get3A_6, %broadcast_in_dim3A_1051 : vector<400x128xi1>, vector<400x128xf32>
    %get3A_1053 = arith.constant 58 : index
    %get3A_1054 = arith.constant 0 : index
    %get3A_1055 = vector.load %arg4[%get3A_1053, %get3A_1054] : memref<64x128xf32, #tpu.memory_space<vmem>>, vector<1x128xf32>
    %reduce_max3A_1056 = arith.constant dense<0xFF800000> : vector<128xf32>
    %reduce_max3A_1057 = vector.multi_reduction <maximumf>, %select_n3A_1052, %reduce_max3A_1056 [0] : vector<400x128xf32> to vector<128xf32>
    %broadcast_in_dim3A_1058 = vector.shape_cast %reduce_max3A_1057 : vector<128xf32> to vector<1x128xf32>
    %max3A_1059 = arith.maximumf %get3A_1055, %broadcast_in_dim3A_1058 : vector<1x128xf32>
    %swap3A_1060 = arith.constant 58 : index
    %swap3A_1061 = arith.constant 0 : index
    %swap3A_1062 = vector.load %arg4[%swap3A_1060, %swap3A_1061] : memref<64x128xf32, #tpu.memory_space<vmem>>, vector<1x128xf32>
    tpu.vector_store %arg4[%swap3A_1060, %swap3A_1061], %max3A_1059 {strides = array<i32>} : memref<64x128xf32, #tpu.memory_space<vmem>>, vector<1x128xf32>,
    %eq3A_1063 = arith.constant 59 : i32
    %eq3A_1064 = vector.broadcast %eq3A_1063 : i32 to vector<400x1xi32>
    %eq3A_1065 = arith.cmpi eq, %get3A_3, %eq3A_1064 : vector<400x1xi32>
    %jit3A_1066 = arith.constant 0xFF800000 : f32
    %broadcast_in_dim3A_1067 = vector.shape_cast %eq3A_1065 : vector<400x1xi1> to vector<400x1xi1>
    %broadcast_in_dim3A_1068 = vector.broadcast %broadcast_in_dim3A_1067 : vector<400x1xi1> to vector<400x128xi1>
    %broadcast_in_dim3A_1069 = vector.broadcast %jit3A_1066 : f32 to vector<400x128xf32>
    %select_n3A_1070 = arith.select %broadcast_in_dim3A_1068, %get3A_6, %broadcast_in_dim3A_1069 : vector<400x128xi1>, vector<400x128xf32>
    %get3A_1071 = arith.constant 59 : index
    %get3A_1072 = arith.constant 0 : index
    %get3A_1073 = vector.load %arg4[%get3A_1071, %get3A_1072] : memref<64x128xf32, #tpu.memory_space<vmem>>, vector<1x128xf32>
    %reduce_max3A_1074 = arith.constant dense<0xFF800000> : vector<128xf32>
    %reduce_max3A_1075 = vector.multi_reduction <maximumf>, %select_n3A_1070, %reduce_max3A_1074 [0] : vector<400x128xf32> to vector<128xf32>
    %broadcast_in_dim3A_1076 = vector.shape_cast %reduce_max3A_1075 : vector<128xf32> to vector<1x128xf32>
    %max3A_1077 = arith.maximumf %get3A_1073, %broadcast_in_dim3A_1076 : vector<1x128xf32>
    %swap3A_1078 = arith.constant 59 : index
    %swap3A_1079 = arith.constant 0 : index
    %swap3A_1080 = vector.load %arg4[%swap3A_1078, %swap3A_1079] : memref<64x128xf32, #tpu.memory_space<vmem>>, vector<1x128xf32>
    tpu.vector_store %arg4[%swap3A_1078, %swap3A_1079], %max3A_1077 {strides = array<i32>} : memref<64x128xf32, #tpu.memory_space<vmem>>, vector<1x128xf32>,
    %eq3A_1081 = arith.constant 60 : i32
    %eq3A_1082 = vector.broadcast %eq3A_1081 : i32 to vector<400x1xi32>
    %eq3A_1083 = arith.cmpi eq, %get3A_3, %eq3A_1082 : vector<400x1xi32>
    %jit3A_1084 = arith.constant 0xFF800000 : f32
    %broadcast_in_dim3A_1085 = vector.shape_cast %eq3A_1083 : vector<400x1xi1> to vector<400x1xi1>
    %broadcast_in_dim3A_1086 = vector.broadcast %broadcast_in_dim3A_1085 : vector<400x1xi1> to vector<400x128xi1>
    %broadcast_in_dim3A_1087 = vector.broadcast %jit3A_1084 : f32 to vector<400x128xf32>
    %select_n3A_1088 = arith.select %broadcast_in_dim3A_1086, %get3A_6, %broadcast_in_dim3A_1087 : vector<400x128xi1>, vector<400x128xf32>
    %get3A_1089 = arith.constant 60 : index
    %get3A_1090 = arith.constant 0 : index
    %get3A_1091 = vector.load %arg4[%get3A_1089, %get3A_1090] : memref<64x128xf32, #tpu.memory_space<vmem>>, vector<1x128xf32>
    %reduce_max3A_1092 = arith.constant dense<0xFF800000> : vector<128xf32>
    %reduce_max3A_1093 = vector.multi_reduction <maximumf>, %select_n3A_1088, %reduce_max3A_1092 [0] : vector<400x128xf32> to vector<128xf32>
    %broadcast_in_dim3A_1094 = vector.shape_cast %reduce_max3A_1093 : vector<128xf32> to vector<1x128xf32>
    %max3A_1095 = arith.maximumf %get3A_1091, %broadcast_in_dim3A_1094 : vector<1x128xf32>
    %swap3A_1096 = arith.constant 60 : index
    %swap3A_1097 = arith.constant 0 : index
    %swap3A_1098 = vector.load %arg4[%swap3A_1096, %swap3A_1097] : memref<64x128xf32, #tpu.memory_space<vmem>>, vector<1x128xf32>
    tpu.vector_store %arg4[%swap3A_1096, %swap3A_1097], %max3A_1095 {strides = array<i32>} : memref<64x128xf32, #tpu.memory_space<vmem>>, vector<1x128xf32>,
    %eq3A_1099 = arith.constant 61 : i32
    %eq3A_1100 = vector.broadcast %eq3A_1099 : i32 to vector<400x1xi32>
    %eq3A_1101 = arith.cmpi eq, %get3A_3, %eq3A_1100 : vector<400x1xi32>
    %jit3A_1102 = arith.constant 0xFF800000 : f32
    %broadcast_in_dim3A_1103 = vector.shape_cast %eq3A_1101 : vector<400x1xi1> to vector<400x1xi1>
    %broadcast_in_dim3A_1104 = vector.broadcast %broadcast_in_dim3A_1103 : vector<400x1xi1> to vector<400x128xi1>
    %broadcast_in_dim3A_1105 = vector.broadcast %jit3A_1102 : f32 to vector<400x128xf32>
    %select_n3A_1106 = arith.select %broadcast_in_dim3A_1104, %get3A_6, %broadcast_in_dim3A_1105 : vector<400x128xi1>, vector<400x128xf32>
    %get3A_1107 = arith.constant 61 : index
    %get3A_1108 = arith.constant 0 : index
    %get3A_1109 = vector.load %arg4[%get3A_1107, %get3A_1108] : memref<64x128xf32, #tpu.memory_space<vmem>>, vector<1x128xf32>
    %reduce_max3A_1110 = arith.constant dense<0xFF800000> : vector<128xf32>
    %reduce_max3A_1111 = vector.multi_reduction <maximumf>, %select_n3A_1106, %reduce_max3A_1110 [0] : vector<400x128xf32> to vector<128xf32>
    %broadcast_in_dim3A_1112 = vector.shape_cast %reduce_max3A_1111 : vector<128xf32> to vector<1x128xf32>
    %max3A_1113 = arith.maximumf %get3A_1109, %broadcast_in_dim3A_1112 : vector<1x128xf32>
    %swap3A_1114 = arith.constant 61 : index
    %swap3A_1115 = arith.constant 0 : index
    %swap3A_1116 = vector.load %arg4[%swap3A_1114, %swap3A_1115] : memref<64x128xf32, #tpu.memory_space<vmem>>, vector<1x128xf32>
    tpu.vector_store %arg4[%swap3A_1114, %swap3A_1115], %max3A_1113 {strides = array<i32>} : memref<64x128xf32, #tpu.memory_space<vmem>>, vector<1x128xf32>,
    %eq3A_1117 = arith.constant 62 : i32
    %eq3A_1118 = vector.broadcast %eq3A_1117 : i32 to vector<400x1xi32>
    %eq3A_1119 = arith.cmpi eq, %get3A_3, %eq3A_1118 : vector<400x1xi32>
    %jit3A_1120 = arith.constant 0xFF800000 : f32
    %broadcast_in_dim3A_1121 = vector.shape_cast %eq3A_1119 : vector<400x1xi1> to vector<400x1xi1>
    %broadcast_in_dim3A_1122 = vector.broadcast %broadcast_in_dim3A_1121 : vector<400x1xi1> to vector<400x128xi1>
    %broadcast_in_dim3A_1123 = vector.broadcast %jit3A_1120 : f32 to vector<400x128xf32>
    %select_n3A_1124 = arith.select %broadcast_in_dim3A_1122, %get3A_6, %broadcast_in_dim3A_1123 : vector<400x128xi1>, vector<400x128xf32>
    %get3A_1125 = arith.constant 62 : index
    %get3A_1126 = arith.constant 0 : index
    %get3A_1127 = vector.load %arg4[%get3A_1125, %get3A_1126] : memref<64x128xf32, #tpu.memory_space<vmem>>, vector<1x128xf32>
    %reduce_max3A_1128 = arith.constant dense<0xFF800000> : vector<128xf32>
    %reduce_max3A_1129 = vector.multi_reduction <maximumf>, %select_n3A_1124, %reduce_max3A_1128 [0] : vector<400x128xf32> to vector<128xf32>
    %broadcast_in_dim3A_1130 = vector.shape_cast %reduce_max3A_1129 : vector<128xf32> to vector<1x128xf32>
    %max3A_1131 = arith.maximumf %get3A_1127, %broadcast_in_dim3A_1130 : vector<1x128xf32>
    %swap3A_1132 = arith.constant 62 : index
    %swap3A_1133 = arith.constant 0 : index
    %swap3A_1134 = vector.load %arg4[%swap3A_1132, %swap3A_1133] : memref<64x128xf32, #tpu.memory_space<vmem>>, vector<1x128xf32>
    tpu.vector_store %arg4[%swap3A_1132, %swap3A_1133], %max3A_1131 {strides = array<i32>} : memref<64x128xf32, #tpu.memory_space<vmem>>, vector<1x128xf32>,
    %eq3A_1135 = arith.constant 63 : i32
    %eq3A_1136 = vector.broadcast %eq3A_1135 : i32 to vector<400x1xi32>
    %eq3A_1137 = arith.cmpi eq, %get3A_3, %eq3A_1136 : vector<400x1xi32>
    %jit3A_1138 = arith.constant 0xFF800000 : f32
    %broadcast_in_dim3A_1139 = vector.shape_cast %eq3A_1137 : vector<400x1xi1> to vector<400x1xi1>
    %broadcast_in_dim3A_1140 = vector.broadcast %broadcast_in_dim3A_1139 : vector<400x1xi1> to vector<400x128xi1>
    %broadcast_in_dim3A_1141 = vector.broadcast %jit3A_1138 : f32 to vector<400x128xf32>
    %select_n3A_1142 = arith.select %broadcast_in_dim3A_1140, %get3A_6, %broadcast_in_dim3A_1141 : vector<400x128xi1>, vector<400x128xf32>
    %get3A_1143 = arith.constant 63 : index
    %get3A_1144 = arith.constant 0 : index
    %get3A_1145 = vector.load %arg4[%get3A_1143, %get3A_1144] : memref<64x128xf32, #tpu.memory_space<vmem>>, vector<1x128xf32>
    %reduce_max3A_1146 = arith.constant dense<0xFF800000> : vector<128xf32>
    %reduce_max3A_1147 = vector.multi_reduction <maximumf>, %select_n3A_1142, %reduce_max3A_1146 [0] : vector<400x128xf32> to vector<128xf32>
    %broadcast_in_dim3A_1148 = vector.shape_cast %reduce_max3A_1147 : vector<128xf32> to vector<1x128xf32>
    %max3A_1149 = arith.maximumf %get3A_1145, %broadcast_in_dim3A_1148 : vector<1x128xf32>
    %swap3A_1150 = arith.constant 63 : index
    %swap3A_1151 = arith.constant 0 : index
    %swap3A_1152 = vector.load %arg4[%swap3A_1150, %swap3A_1151] : memref<64x128xf32, #tpu.memory_space<vmem>>, vector<1x128xf32>
    tpu.vector_store %arg4[%swap3A_1150, %swap3A_1151], %max3A_1149 {strides = array<i32>} : memref<64x128xf32, #tpu.memory_space<vmem>>, vector<1x128xf32>,
    %get3A_1153 = arith.constant 0 : index
    %get3A_1154 = arith.constant 0 : index
    %get3A_1155 = vector.load %arg4[%get3A_1153, %get3A_1154] : memref<64x128xf32, #tpu.memory_space<vmem>>, vector<64x128xf32>
    %swap3A_1156 = arith.constant 0 : index
    %swap3A_1157 = arith.constant 0 : index
    %swap3A_1158 = vector.load %arg3[%swap3A_1156, %swap3A_1157] : memref<64x128xf32, #tpu.memory_space<vmem>>, vector<64x128xf32>
    tpu.vector_store %arg3[%swap3A_1156, %swap3A_1157], %get3A_1155 {strides = array<i32>} : memref<64x128xf32, #tpu.memory_space<vmem>>, vector<64x128xf32>,
    return
  }
  func.func @transform_0(%arg0: i32) -> (i32, i32) {
    %c0_i32 = arith.constant 0 : i32
    %c0_i32_0 = arith.constant 0 : i32
    return %arg0, %c0_i32 : i32, i32
  }
  func.func @transform_1(%arg0: i32) -> (i32, i32) {
    %c0_i32 = arith.constant 0 : i32
    %c0_i32_0 = arith.constant 0 : i32
    return %arg0, %c0_i32 : i32, i32
  }
  func.func @transform_2(%arg0: i32) -> (i32, i32) {
    %c0_i32 = arith.constant 0 : i32
    %c0_i32_0 = arith.constant 0 : i32
    %c0_i32_1 = arith.constant 0 : i32
    return %c0_i32, %c0_i32_0 : i32, i32
  }
}

module attributes {stable_mosaic.version = 14 : i64} {
  func.func @_readout_body(%arg0: memref<2x64x128xf32, #tpu.memory_space<vmem>>, %arg1: memref<64x128xf32, #tpu.memory_space<vmem>>, %arg2: memref<2x64x128xf32, #tpu.memory_space<vmem>>, %arg3: memref<256x128xf32, #tpu.memory_space<vmem>>, %arg4: memref<1x128xf32, #tpu.memory_space<vmem>>, %arg5: memref<128x256xf32, #tpu.memory_space<vmem>>, %arg6: memref<1x256xf32, #tpu.memory_space<vmem>>, %arg7: memref<64x256xf32, #tpu.memory_space<vmem>>) attributes {dimension_semantics = [], scalar_prefetch = 0 : i64, scratch_operands = 0 : i64, tpu.core_type = #tpu.core_type<tc>} {
    %get3A = arith.constant 0 : index
    %get3A_0 = arith.constant 0 : index
    %get3A_1 = arith.constant 0 : index
    %get3A_2 = vector.load %arg0[%get3A, %get3A_0, %get3A_1] : memref<2x64x128xf32, #tpu.memory_space<vmem>>, vector<1x64x128xf32>
    %get3A_3 = vector.shape_cast %get3A_2 : vector<1x64x128xf32> to vector<64x128xf32>
    %get3A_4 = arith.constant 1 : index
    %get3A_5 = arith.constant 0 : index
    %get3A_6 = arith.constant 0 : index
    %get3A_7 = vector.load %arg0[%get3A_4, %get3A_5, %get3A_6] : memref<2x64x128xf32, #tpu.memory_space<vmem>>, vector<1x64x128xf32>
    %get3A_8 = vector.shape_cast %get3A_7 : vector<1x64x128xf32> to vector<64x128xf32>
    %add3A = arith.addf %get3A_3, %get3A_8 : vector<64x128xf32>
    %get3A_9 = arith.constant 0 : index
    %get3A_10 = arith.constant 0 : index
    %get3A_11 = vector.load %arg1[%get3A_9, %get3A_10] : memref<64x128xf32, #tpu.memory_space<vmem>>, vector<64x128xf32>
    %get3A_12 = arith.constant 0 : index
    %get3A_13 = arith.constant 0 : index
    %get3A_14 = arith.constant 0 : index
    %get3A_15 = vector.load %arg2[%get3A_12, %get3A_13, %get3A_14] : memref<2x64x128xf32, #tpu.memory_space<vmem>>, vector<1x64x1xf32>
    %get3A_16 = vector.shape_cast %get3A_15 : vector<1x64x1xf32> to vector<64x1xf32>
    %get3A_17 = arith.constant 1 : index
    %get3A_18 = arith.constant 0 : index
    %get3A_19 = arith.constant 0 : index
    %get3A_20 = vector.load %arg2[%get3A_17, %get3A_18, %get3A_19] : memref<2x64x128xf32, #tpu.memory_space<vmem>>, vector<1x64x1xf32>
    %get3A_21 = vector.shape_cast %get3A_20 : vector<1x64x1xf32> to vector<64x1xf32>
    %add3A_22 = arith.addf %get3A_16, %get3A_21 : vector<64x1xf32>
    %max3A = arith.constant 1.000000e+00 : f32
    %max3A_23 = vector.broadcast %max3A : f32 to vector<64x1xf32>
    %max3A_24 = arith.maximumf %add3A_22, %max3A_23 : vector<64x1xf32>
    %div3A = vector.broadcast %max3A_24 : vector<64x1xf32> to vector<64x128xf32>
    %div3A_25 = arith.divf %add3A, %div3A : vector<64x128xf32>
    %is_finite3A = tpu.weird %get3A_11 : vector<64x128xf32> -> vector<64x128xi1>
    %is_finite3A_26 = arith.constant dense<true> : vector<64x128xi1>
    %is_finite3A_27 = arith.xori %is_finite3A, %is_finite3A_26 : vector<64x128xi1>
    %jit3A = arith.constant 0.000000e+00 : f32
    %broadcast_in_dim3A = vector.broadcast %jit3A : f32 to vector<64x128xf32>
    %select_n3A = arith.select %is_finite3A_27, %get3A_11, %broadcast_in_dim3A : vector<64x128xi1>, vector<64x128xf32>
    %concatenate3A = tpu.concatenate %div3A_25, %select_n3A in 1 : vector<64x128xf32>, vector<64x128xf32> -> vector<64x256xf32>
    %get3A_28 = arith.constant 0 : index
    %get3A_29 = arith.constant 0 : index
    %get3A_30 = vector.load %arg3[%get3A_28, %get3A_29] : memref<256x128xf32, #tpu.memory_space<vmem>>, vector<256x128xf32>
    %dot_general3A = arith.constant dense<0.000000e+00> : vector<64x128xf32>
    %dot_general3A_31 = tpu.matmul %concatenate3A, %get3A_30, %dot_general3A {dimension_numbers = #tpu.dot_dimension_numbers<[1], [0], [0], [1], [0, 0, 1, 1], [], []>, precision = #tpu.contract_precision<fp32>, transpose_lhs_hint = false} : vector<64x256xf32>, vector<256x128xf32>, vector<64x128xf32> -> vector<64x128xf32>
    %get3A_32 = arith.constant 0 : index
    %get3A_33 = arith.constant 0 : index
    %get3A_34 = vector.load %arg4[%get3A_32, %get3A_33] : memref<1x128xf32, #tpu.memory_space<vmem>>, vector<1x128xf32>
    %add3A_35 = vector.broadcast %get3A_34 : vector<1x128xf32> to vector<64x128xf32>
    %add3A_36 = arith.addf %dot_general3A_31, %add3A_35 : vector<64x128xf32>
    %max3A_37 = arith.constant 0.000000e+00 : f32
    %max3A_38 = vector.broadcast %max3A_37 : f32 to vector<64x128xf32>
    %max3A_39 = arith.maximumf %add3A_36, %max3A_38 : vector<64x128xf32>
    %get3A_40 = arith.constant 0 : index
    %get3A_41 = arith.constant 0 : index
    %get3A_42 = vector.load %arg5[%get3A_40, %get3A_41] : memref<128x256xf32, #tpu.memory_space<vmem>>, vector<128x256xf32>
    %dot_general3A_43 = arith.constant dense<0.000000e+00> : vector<64x256xf32>
    %dot_general3A_44 = tpu.matmul %max3A_39, %get3A_42, %dot_general3A_43 {dimension_numbers = #tpu.dot_dimension_numbers<[1], [0], [0], [1], [0, 0, 1, 1], [], []>, precision = #tpu.contract_precision<fp32>, transpose_lhs_hint = false} : vector<64x128xf32>, vector<128x256xf32>, vector<64x256xf32> -> vector<64x256xf32>
    %get3A_45 = arith.constant 0 : index
    %get3A_46 = arith.constant 0 : index
    %get3A_47 = vector.load %arg6[%get3A_45, %get3A_46] : memref<1x256xf32, #tpu.memory_space<vmem>>, vector<1x256xf32>
    %add3A_48 = vector.broadcast %get3A_47 : vector<1x256xf32> to vector<64x256xf32>
    %add3A_49 = arith.addf %dot_general3A_44, %add3A_48 : vector<64x256xf32>
    %mul3A = arith.mulf %add3A_49, %add3A_49 : vector<64x256xf32>
    %reduce_sum3A = arith.constant dense<0.000000e+00> : vector<64xf32>
    %reduce_sum3A_50 = vector.multi_reduction <add>, %mul3A, %reduce_sum3A [1] : vector<64x256xf32> to vector<64xf32>
    %broadcast_in_dim3A_51 = vector.shape_cast %reduce_sum3A_50 : vector<64xf32> to vector<64x1xf32>
    %sqrt3A = math.sqrt %broadcast_in_dim3A_51 : vector<64x1xf32>
    %max3A_52 = arith.constant 9.99999996E-13 : f32
    %max3A_53 = vector.broadcast %max3A_52 : f32 to vector<64x1xf32>
    %max3A_54 = arith.maximumf %sqrt3A, %max3A_53 : vector<64x1xf32>
    %div3A_55 = vector.broadcast %max3A_54 : vector<64x1xf32> to vector<64x256xf32>
    %div3A_56 = arith.divf %add3A_49, %div3A_55 : vector<64x256xf32>
    %swap3A = arith.constant 0 : index
    %swap3A_57 = arith.constant 0 : index
    %swap3A_58 = vector.load %arg7[%swap3A, %swap3A_57] : memref<64x256xf32, #tpu.memory_space<vmem>>, vector<64x256xf32>
    tpu.vector_store %arg7[%swap3A, %swap3A_57], %div3A_56 {strides = array<i32>} : memref<64x256xf32, #tpu.memory_space<vmem>>, vector<64x256xf32>,
    return
  }
}

</mosaic_0001>

<sc_bundles>
// kernel: kernel.12.cloned.1.call-start
scs
__scs_entry_jumppad:
0x0: {  	(pc) =	sbr.rel $0x88, $3  }
0x1: {  	(tag) =	ssettag $0x0;
	lr =	simm.s32 $0x1  }
0x2: {  	[smem:$0x3F8B] =	sst lr;
	_ =	strace $0xD0000000  }
0x3: {  	_ = 	snop  }
0x4: {  	_ = 	snop  }
0x5: {  	_ = 	snop  }
0x6: {  	_ = 	snop  }
0x7: {  	_ = 	snop  }
__scs_overlays_trampoline_lowered:
0x8: {  	[smem:$0x3F9A] =	sst s0  }
0x9: {  	[smem:$0x3F9B] =	sst s1  }
0xa: {  	[smem:$0x3F9C] =	sst s2  }
0xb: {  	[smem:$0x3F9D] =	sst s3  }
0xc: {  	[smem:$0x3F9E] =	sst s4  }
0xd: {  	[smem:$0x3F9F] =	sst s5  }
0xe: {  	[smem:$0x3FA0] =	sst s6  }
0xf: {  	[smem:$0x3FA1] =	sst s7  }
0x10: {  	[smem:$0x3FA2] =	sst s8  }
0x11: {  	[smem:$0x3FA3] =	sst s9;
	s0 =	simm.s32 @!p0 $0x0  }
0x12: {  	s1 =	sld [smem:$0x3F89];
	s0 =	simm.s32 @p0 $0x1  }
0x13: {  	[smem:$0x3FA4] =	sst s0;
	s0 =	simm.s32 @!p1 $0x0  }
0x14: {  	s2 =	sld [smem:$0x3F88];
	s0 =	simm.s32 @p1 $0x1  }
0x15: {  	[smem:$0x3FA5] =	sst s0;
	s0 =	simm.s32 @!p2 $0x0  }
0x16: {  	s3 =	sld [smem:$0x3FDB];
	s0 =	simm.s32 @p2 $0x1  }
0x17: {  	s4 =	simm.s32 $0x1BF5;
	[smem:$0x3FA7] =	sst s0  }
0x18: {  	s0 =	sld [smem:$0x3F8A];
	_ =	swait.ge [sflag:s4], $0x0  }
0x19: {  	s7 =	sld [smem:$0x3F8B]  }
0x1a: {  	s8 =	sadd.s32 $0xFFFFE003, lr  }
0x1b: {  	s9 =	sadd.s32 $0xFFFFFEF7, lr;
	s5 =	simm.s32 $0xFFFFFFFF;
	p2 =	slt.u32 s8, $0xFFFFF086  }
0x1c: {  	p1 =	slt.u32 s9, $0xF7A;
	s5 =	simm.s32 @!p2 $0x0  }
0x1d: {  	s5 =	simm.s32 @p1 $0x1;
	p0 =	seq.s32 s7, s2  }
0x1e: {  	s7 =	smul.u32 @!p0 $0xF7A, s2;
	p2 =	seq.s32 @!p0 s5, $0x0  }
0x1f: {  	s9 =	smul.u32 $0xF7A, s1;
	s8 =	simm.s32 @!p0 $0x1BF5;
	p2 =	por !p2, p0  }
0x20: {  	[sflag:s8] =	ssyncset.s32 @!p0 $0xFFFFF086;
	s6 =	sadd.s32 @!p0 s3, s7;
	s7 =	simm.s32 @!p0 $0x108  }
0x21: {  	s3 =	sadd.s32 s3, s9;
	s6 =	sadd.s32 @!p0 $0x88, s6;
	s7 =	simm.s32 @p2 $0x1082  }
0x22: {  	[simem:s7], [sflag:s8] =	dma.local @!p0 [hbm:s6], $0xF7A  }
0x23: {  	s9 =	sor.u32 $0xD0000000, s2;
	s6 =	simm.s32 $0x108;
	_ =	swait.ge @!p0 [sflag:s8], $0x0  }
0x24: {  	s3 =	sadd.s32 $0x88, s3;
	s6 =	simm.s32 @!p1 $0x1082;
	[sflag:s4] =	ssyncset.s32 $0xFFFFF086  }
0x25: {  	[simem:s6], [sflag:s4] =	dma.local [hbm:s3], $0xF7A  }
0x26: {  	[smem:$0x3F8B] =	sst s1;
	(tag) =	ssettag s2;
	_ =	strace s9  }
0x27: {  	s1 =	sld [smem:$0x3F9B]  }
0x28: {  	s2 =	sld [smem:$0x3F9C]  }
0x29: {  	s4 =	sld [smem:$0x3F9E]  }
0x2a: {  	p0 =	seq.s32 s5, $0x0;
	s5 =	sld [smem:$0x3F9F]  }
0x2b: {  	s6 =	sld [smem:$0x3FA0]  }
0x2c: {  	s7 =	sld [smem:$0x3FA1]  }
0x2d: {  	s3 =	simm.s32 $0x108;
	s8 =	sld [smem:$0x3FA2]  }
0x2e: {  	s3 =	simm.s32 @!p0 $0x1082;
	s9 =	sld [smem:$0x3FA3]  }
0x2f: {  	lr =	sadd.s32 s0, s3;
	s0 =	sld [smem:$0x3F9A]  }
0x30: {  	s3 =	sld [smem:$0x3F9D]  }
0x31: {  	[smem:$0x3FA6] =	sst s10  }
0x32: {  	s10 =	sld [smem:$0x3FA4];
	_ =	sdelay $0x3  }
0x33: {  	p0 =	seq.s32 s10, $0x1;
	s10 =	sld [smem:$0x3FA6];
	_ =	sdelay $0x3  }
0x34: {  	[smem:$0x3FA6] =	sst s10  }
0x35: {  	s10 =	sld [smem:$0x3FA5];
	_ =	sdelay $0x3  }
0x36: {  	p1 =	seq.s32 s10, $0x1;
	s10 =	sld [smem:$0x3FA6];
	_ =	sdelay $0x3  }
0x37: {  	[smem:$0x3FA6] =	sst s10  }
0x38: {  	s10 =	sld [smem:$0x3FA7]  }
0x39: {  	_ = 	snop;
	(pc) =	sbr.ind lr, $3  }
0x3a: {  	_ = 	snop  }
0x3b: {  	_ = 	snop  }
0x3c: {  	p2 =	seq.s32 s10, $0x1;
	s10 =	sld [smem:$0x3FA6]  }
0x3d: {  	_ =	shalt  }
0x3e: {  	_ =	shalt  }
0x3f: {  	_ =	shalt  }
0x40: {  	_ =	shalt  }
0x41: {  	_ =	shalt  }
0x42: {  	_ =	shalt  }
0x43: {  	_ =	shalt  }
0x44: {  	_ =	shalt  }
0x45: {  	_ =	shalt  }
0x46: {  	_ =	shalt  }
0x47: {  	_ =	shalt  }
0x48: {  	_ =	shalt  }
0x49: {  	_ =	shalt  }
0x4a: {  	_ =	shalt  }
0x4b: {  	_ =	shalt  }
0x4c: {  	_ =	shalt  }
0x4d: {  	_ =	shalt  }
0x4e: {  	_ =	shalt  }
0x4f: {  	_ =	shalt  }
0x50: {  	_ =	shalt  }
0x51: {  	_ =	shalt  }
0x52: {  	_ =	shalt  }
0x53: {  	_ =	shalt  }
0x54: {  	_ =	shalt  }
0x55: {  	_ =	shalt  }
0x56: {  	_ =	shalt  }
0x57: {  	_ =	shalt  }
0x58: {  	_ =	shalt  }
0x59: {  	_ =	shalt  }
0x5a: {  	_ =	shalt  }
0x5b: {  	_ =	shalt  }
0x5c: {  	_ =	shalt  }
0x5d: {  	_ =	shalt  }
0x5e: {  	_ =	shalt  }
0x5f: {  	_ =	shalt  }
0x60: {  	_ =	shalt  }
0x61: {  	_ =	shalt  }
0x62: {  	_ =	shalt  }
0x63: {  	_ =	shalt  }
0x64: {  	_ =	shalt  }
0x65: {  	_ =	shalt  }
0x66: {  	_ =	shalt  }
0x67: {  	_ =	shalt  }
0x68: {  	_ =	shalt  }
0x69: {  	_ =	shalt  }
0x6a: {  	_ =	shalt  }
0x6b: {  	_ =	shalt  }
0x6c: {  	_ =	shalt  }
0x6d: {  	_ =	shalt  }
0x6e: {  	_ =	shalt  }
0x6f: {  	_ =	shalt  }
0x70: {  	_ =	shalt  }
0x71: {  	_ =	shalt  }
0x72: {  	_ =	shalt  }
0x73: {  	_ =	shalt  }
0x74: {  	_ =	shalt  }
0x75: {  	_ =	shalt  }
0x76: {  	_ =	shalt  }
0x77: {  	_ =	shalt  }
0x78: {  	_ =	shalt  }
0x79: {  	_ =	shalt  }
0x7a: {  	_ =	shalt  }
0x7b: {  	_ =	shalt  }
0x7c: {  	_ =	shalt  }
0x7d: {  	_ =	shalt  }
0x7e: {  	_ =	shalt  }
0x7f: {  	_ =	shalt  }
0x80: {  	_ =	shalt  }
0x81: {  	_ =	shalt  }
0x82: {  	_ =	shalt  }
0x83: {  	_ =	shalt  }
0x84: {  	_ =	shalt  }
0x85: {  	_ =	shalt  }
0x86: {  	_ =	shalt  }
0x87: {  	_ =	shalt  }
.Lfunc_end0:
.L_simem_size_0:
called_computation_lowered:
.L_overlay_start_0:
0x88: {  	s2 =	sld [smem:$0x3FD9]  }
0x89: {  	s3 =	sld [smem:$0x3FFE];
	_ =	sdelay $0x1  }
0x8a: {  	s1 =	srdreg.scid  }
0x8b: {  	s0 =	sand.u32 $0x1, s1  }
0x8c: {  	s17 =	sshll.u32 s0, $0xA;
	s2 =	sadd.s32 s3, s2  }
0x8d: {  	s2 =	sadd.s32 s2, s17  }
0x8e: {  	[smem:$0x3FB2] =	sst s2  }
0x8f: {  	_ = 	snop  }
0x90: {  	s2 =	sld [smem:$0x3FD0];
	(tm) =	ssettm $0x1  }
0x91: {  	s18 =	sld [smem:$0x3FFB];
	_ =	sdelay $0x3  }
0x92: {  	_ =	strace s18  }
0x93: {  	s3 =	sld [smem:$0x3FFC];
	_ =	sdelay $0x3  }
0x94: {  	_ =	strace s3  }
0x95: {  	s3 =	sld [smem:$0x3FFD];
	_ =	sdelay $0x3  }
0x96: {  	_ =	strace s3  }
0x97: {  	_ =	strace $0x8FFFFFFF  }
0x98: {  	s19 =	sld [smem:$0x3FDB];
	_ =	sdelay $0x1  }
0x99: {  	s4 =	simm.s32 $_scs_section_size  }
0x9a: {  	s5 =	simm.s32 $_size__tile_overlayer_lowered;
	s6 =	simm.s32 $_tile_overlayer_lowered  }
0x9b: {  	s22 =	simm.s32 $0x1BFF;
	s21 =	sshll.u32 s6, $0x1;
	s3 =	sadd.s32 s4, s19  }
0x9c: {  	s7 =	simm.s32 $0x0;
	s20 =	sshll.u32 s5, $0x1;
	s5 =	sadd.s32 s21, s3  }
0x9d: {  	[timem:s7], [sflag:s22] =	dma.local [hbm:s5], s20  }
0x9e: {  	_ =	swait.ge [sflag:s22], s20  }
0x9f: {  	s4 =	ssub.s32 $0x0, s20;
	[sflag:s22] =	ssyncset.done $0x0  }
0xa0: {  	[sflag:s22] =	ssyncadd.s32 s4;
	_ =	sdelay $0x1  }
0xa1: {  	s23 =	simm.s32 $0x1B8B  }
0xa2: {  	_ =	swait.ge [sflag:s23], $0x1  }
0xa3: {  	[sflag:s23] =	ssyncset.done $0x0  }
0xa4: {  	s25 =	simm.s32 $0x1B8E;
	s24 =	sld [smem:$0x3FFE];
	[sflag:s23] =	ssyncadd.s32 $0xFFFFFFFF  }
0xa5: {  	s26 =	simm.s32 $execute0_lowered;
	[smem:$0x3FD2] =	sst s25  }
0xa6: {  	s5 =	sshll.u32 s26, $0x1;
	_ =	strace $0x80000046;
	[dreg:$0x1] =	wrdreg $0xFFFFFFFF  }
0xa7: {  	s28 =	simm.s32 $_size_execute0_lowered;
	s3 =	sadd.s32 s3, s5;
	[dreg:$0x0] =	wrdreg $0x0  }
0xa8: {  	s5 =	sshll.u32 s28, $0x1;
	[dreg:$0x2] =	wrdreg s3  }
0xa9: {  	[dreg:$0x3] =	wrdreg s5  }
0xaa: {  	[dreg:$0x4] =	wrdreg $0xC0  }
0xab: {  	_ =	task [dreg:s7], $0x5FFFF  }
0xac: {  	[dreg:$0x1] =	wrdreg $0xFFFFFFFF  }
0xad: {  	[dreg:$0x0] =	wrdreg $0x60  }
0xae: {  	[dreg:$0x2] =	wrdreg s24  }
0xaf: {  	[dreg:$0x3] =	wrdreg s2  }
0xb0: {  	[dreg:$0x4] =	wrdreg $0x49000  }
0xb1: {  	[dreg:$0x5] =	wrdreg $0x9  }
0xb2: {  	_ =	task.clear_ibuf [dreg:s7], $0x6FFFF;
	_ =	strace $0x90000046  }
0xb3: {  	s29 =	simm.s32 $0x9;
	_ =	strace $0x80000048  }
0xb4: {  	_ =	swait.ge [sflag:s29], $0x1  }
0xb5: {  	[sflag:s29] =	ssyncadd.s32 $0xFFFFFFFF  }
0xb6: {  	_ =	strace $0x90000048  }
0xb7: {  	_ =	sfence  }
0xb8: {  	s30 =	sld [smem:$0x0];
	_ =	sdelay $0x2  }
0xb9: {  	s31 =	sshll.u32 s1, $0xD;
	s1 =	sshrl.u32 s1, $0x2  }
0xba: {  	s3 =	sand.u32 $0x4000, s31;
	s1 =	sadd.s32 s1, s30  }
0xbb: {  	s0 =	sor.u32 s3, s0;
	s1 =	sshll.u32 s1, $0x11  }
0xbc: {  	s0 =	sor.u32 s1, s0  }
0xbd: {  	s0 =	sadd.s32 $0x8F2B, s0  }
0xbe: {  	[sflag:s0] =	ssyncadd.remote.s32 $0x1  }
0xbf: {  	_ =	sfence.sel $0xFFFF  }
0xc0: {  	[dreg:$0x0] =	wrdreg $0xFFFFFFFF;
	(pc) =	sbr.abs _section_cstart, $3  }
0xc1: {  	[dreg:$0x1] =	wrdreg $0xFFFFFFFF  }
0xc2: {  	_ =	task.clear_ibuf [dreg:s7], $0x2FFFF;
	_ =	strace $0x9FFFFFFF  }
0xc3: {  	(tm) =	ssettm $0x7FFFFFFF  }
tec
execute0_lowered:
.L_overlay_start_1:
0x0: {  	(tag) =	ssettag $0x1  }
0x1: {  	s7 =	rddreg [dreg:$0x0]  }
0x2: {  	s2 =	rddreg [dreg:$0x1]  }
0x3: {  	s3 =	rddreg [dreg:$0x2]  }
0x4: {  	s0 =	rddreg [dreg:$0x3]  }
0x5: {  	s4 =	simm.s32 $0x0;
	s1 =	stileid.u32;
	s5 =	srdreg.scid  }
0x6: {  	s18 =	simm.s32 $0x80;
	s19 =	simm.s32 $0x10;
	s20 =	simm.s32 $0x0  }
0x7: {  	[smem:$0x7FF] =	sst s4;
	s9 =	smul.u32 $0x2700, s1;
	s12 =	sadd.s32 $0x5600, s7  }
0x8: {  	s8 =	sand.u32 $0x1, s5;
	s11 =	smul.u32 $0x4E000, s1;
	s13 =	sadd.s32 $0x40400, s7  }
0x9: {  	s26 =	sshll.u32 s1, $0x6;
	s29 =	smul.u32 $0x2710, s1;
	s17 =	sadd.s32 $0x138000, s3  }
0xa: {  	p0 =	sne.s32 s1, $0xF;
	_ =	strace $0x80000047;
	s25 =	smul.u32 $0x27100, s8  }
0xb: {  	s5 =	ssub.s32 $0x2, s8;
	s10 =	sshll.u32 s8, $0x4;
	s16 =	smul.u32 $0x138800, s8  }
0xc: {  	s6 =	sadd.s32 s9, s7;
	s14 =	sshrl.u32 s5, $0x1;
	s10 =	sor.u32 s1, s10  }
0xd: {  	s24 =	sshrl.u32 s11, $0x2;
	s7 =	sadd.s32 $0x40200, s7;
	s14 =	ssub.s32 s5, s14  }
0xe: {  	s10 =	smul.u32 $0x2710, s10;
	s15 =	sadd.s32 s24, s3;
	s5 =	sadd.s32 $0x19200, s6  }
0xf: {  	s6 =	sor.u32 $0x1C01, s26;
	s9 =	sadd.s32 s9, s25;
	s16 =	sshrl.u32 s16, $0x3  }
0x10: {  	s9 =	sadd.s32 s13, s9;
	s30 =	sadd.s32 s13, s16;
	s11 =	smax.u32 s14, $0x1  }
0x11: {  	s13 =	sshrl.u32 s15, $0x3;
	s14 =	simm.s32 $0x1;
	s10 =	sshrl.u32 s10, $0x3  }
0x12: {  	s15 =	sshrl.u32 @!p0 s17, $0x3;
	s28 =	sadd.s32 s12, s10;
	s10 =	sadd.s32 s29, s25  }
0x13: {  	s16 =	simm.s32 $0x100;
	s17 =	simm.s32 $0x4100;
	s31 =	sshrl.u32 s10, $0x3  }
0x14: {  	s8 =	sadd.s32 $0x4E0, s28;
	s10 =	sadd.s32 $0x27000, s30;
	s12 =	sadd.s32 s31, s12  }
.LBB2_1:
0x15: {  	[spmem:s13], [sflag:s6] =	dma.local [hbm:s5], $0x2700  }
0x16: {  	_ =	swait.ge [sflag:s14], $0x2700  }
0x17: {  	[sflag:s14] =	ssyncset.done $0x0  }
0x18: {  	s21 =	simm.s32 @!p0 $0x1;
	[sflag:s14] =	ssyncadd.s32 $0xFFFFD900  }
0x19: {  	[spmem:s15], [sflag:s6] =	dma.local @!p0 [hbm:s7], $0x100  }
0x1a: {  	_ =	swait.ge @!p0 [sflag:s21], $0x100  }
0x1b: {  	[sflag:s21] =	ssyncset.done @!p0 $0x0  }
0x1c: {  	[sflag:s21] =	ssyncadd.s32 @!p0 $0xFFFFFF00  }
0x1d: {  	[tilespmem:s16], [sflag:$0x1] =	stream.linear.gather [hbm4b:s2+s4], $0x4000, $0x38;
	[tilespmem:$0x18180] =	vst v63  }
0x1e: {  	_ =	swait.ge [sflag:s14], $0x4000  }
0x1f: {  	[sflag:s14] =	ssyncset.done $0x0  }
0x20: {  	[sflag:s14] =	ssyncadd.s32 $0xFFFFC000  }
0x21: {  	[tilespmem:s17], [sflag:$0x1] =	stream.linear.gather [hbm4b:s2+s4], $0x800, $0x38;
	[tilespmem:$0x18180] =	vst v63  }
0x22: {  	_ =	swait.ge [sflag:s14], $0x800  }
0x23: {  	[sflag:s14] =	ssyncset.done $0x0  }
0x24: {  	[sflag:s14] =	ssyncadd.s32 $0xFFFFF800  }
0x25: {  	s31 =	sadd.s32 $0x0, s12;
	[bflag:$0x0] =	sbarrier.arrive $0xFFFF  }
0x26: {  	[tilespmem:s4], [sflag:$0x1] =	stream.linear.gather [hbm4b:s31+s4], $0x80, $0x38;
	[tilespmem:$0x18180] =	vst v63  }
0x27: {  	_ =	swait.ge [sflag:s14], $0x80  }
0x28: {  	[sflag:s14] =	ssyncset.done $0x0  }
0x29: {  	[sflag:s14] =	ssyncadd.s32 $0xFFFFFF80  }
0x2a: {  	[spmem:s3] =	stream.indirect.scatter.add.f32 [tilespmem:s16], [sflag:$0x1], $0x80, s4, s18, $0xb8;
	[tilespmem:$0x18180] =	vst v63  }
0x2b: {  	_ =	swait.ge [sflag:s14], $0x4000  }
0x2c: {  	s22 =	simm.s32 $0x20;
	s21 =	simm.s32 $0x10;
	[sflag:s14] =	ssyncset.done $0x0  }
.LBB2_2:
0x2d: {  	s23 =	sadd.s32 s21, s12  }
0x2e: {  	[sflag:s14] =	ssyncadd.s32 $0xFFFFC000;
	s21 =	smov.u32 s22;
	s24 =	sadd.s32 $0x10, s22  }
0x2f: {  	[tilespmem:s4], [sflag:$0x1] =	stream.linear.gather [hbm4b:s23+s4], $0x80, $0x38;
	[tilespmem:$0x18180] =	vst v63  }
0x30: {  	p1 =	sne.s32 s22, $0x4D0;
	_ =	swait.ge [sflag:s14], $0x80  }
.Ltmp0:
0x31: {  	[sflag:s14] =	ssyncset.done $0x0;
	(pc) =	sbr.rel @p1 .LBB2_2-.Ltmp0, $4  }
0x32: {  	[sflag:s14] =	ssyncadd.s32 $0xFFFFFF80  }
0x33: {  	[spmem:s3] =	stream.indirect.scatter.add.f32 [tilespmem:s16], [sflag:$0x1], $0x80, s4, s18, $0xb8;
	[tilespmem:$0x18180] =	vst v63  }
0x34: {  	_ =	swait.ge [sflag:s14], $0x4000  }
0x35: {  	s22 =	smov.u32 s24;
	[sflag:s14] =	ssyncset.done $0x0  }
0x36: {  	s21 =	sadd.s32 s21, s12;
	[sflag:s14] =	ssyncadd.s32 $0xFFFFC000  }
0x37: {  	[tilespmem:s4], [sflag:$0x1] =	stream.linear.gather [hbm4b:s21+s4], $0x80, $0x38;
	[tilespmem:$0x18180] =	vst v63  }
0x38: {  	_ =	swait.ge [sflag:s14], $0x80  }
0x39: {  	[sflag:s14] =	ssyncset.done $0x0  }
0x3a: {  	[sflag:s14] =	ssyncadd.s32 $0xFFFFFF80  }
0x3b: {  	[spmem:s3] =	stream.indirect.scatter.add.f32 [tilespmem:s16], [sflag:$0x1], $0x80, s4, s18, $0xb8;
	[tilespmem:$0x18180] =	vst v63  }
0x3c: {  	_ =	swait.ge [sflag:s14], $0x4000  }
0x3d: {  	[sflag:s14] =	ssyncset.done $0x0  }
0x3e: {  	[sflag:s14] =	ssyncadd.s32 $0xFFFFC000  }
0x3f: {  	[tilespmem:s18], [sflag:$0x1] =	stream.linear.gather [hbm4b:s8+s4], $0x10, $0x38;
	[tilespmem:$0x18180] =	vst v63  }
0x40: {  	_ =	swait.ge [sflag:s14], $0x10  }
0x41: {  	[sflag:s14] =	ssyncset.done $0x0  }
0x42: {  	[sflag:s14] =	ssyncadd.s32 $0xFFFFFFF0  }
0x43: {  	[spmem:s3] =	stream.indirect.scatter.add.f32 [tilespmem:s17], [sflag:$0x1], $0x80, s18, s19, $0xb8;
	[tilespmem:$0x18180] =	vst v63  }
0x44: {  	_ =	swait.ge [sflag:s14], $0x800  }
0x45: {  	[sflag:s14] =	ssyncset.done $0x0  }
0x46: {  	[sflag:s14] =	ssyncadd.s32 $0xFFFFF800  }
0x47: {  	[bflag:$0x0] =	sbarrier.arrive $0xFFFF  }
0x48: {  	[hbm:s9], [sflag:s6] =	dma.local [spmem:s13], $0x2700  }
0x49: {  	s20 =	sadd.s32 $0x1, s20;
	_ =	swait.ge [sflag:s14], $0x2700  }
0x4a: {  	p1 =	sne.s32 s20, s11;
	[sflag:s14] =	ssyncset.done $0x0  }
.Ltmp1:
0x4b: {  	s21 =	simm.s32 @!p0 $0x1;
	[sflag:s14] =	ssyncadd.s32 $0xFFFFD900;
	(pc) =	sbr.rel @p1 .LBB2_1-.Ltmp1, $4  }
0x4c: {  	[hbm:s10], [sflag:s6] =	dma.local @!p0 [spmem:s15], $0x100  }
0x4d: {  	_ =	swait.ge @!p0 [sflag:s21], $0x100  }
0x4e: {  	[sflag:s21] =	ssyncset.done @!p0 $0x0  }
0x4f: {  	[sflag:s21] =	ssyncadd.s32 @!p0 $0xFFFFFF00  }
0x50: {  	_ =	sfence.sel $0x180000  }
0x51: {  	[bflag:$0x0] =	sbarrier.arrive $0xFFFF  }
0x52: {  	p0 =	sne.s32 s1, $0x0;
	_ =	strace $0x90000047  }
0x53: {  	s0 =	sadd.s32 @!p0 $0x100000, s0;
	[bflag:$0x2] =	sbarrier.arrive $0xFFFF  }
0x54: {  	[sflag:s0] =	ssyncadd.tile.s32 @!p0 $0x1;
	_ =	shalt  }
.Lfunc_end2:
_tile_overlayer_lowered:
.L_overlay_start_2:
0x55: {  	(tag) =	ssettag $0x2  }
0x56: {  	s0 =	rddreg [dreg:$0x0];
	s2 =	stileid.u32  }
0x57: {  	s1 =	rddreg [dreg:$0x1];
	p0 =	sne.s32 s2, $0x0  }
0x58: {  	s3 =	rddreg [dreg:$0x2];
	[bflag:$0x3] =	sbarrier.arrive $0xFFFF;
	s2 =	simm.s32 @!p0 $0x1C01  }
0x59: {  	[timem:s3], [sflag:s2] =	dma.local @!p0 [hbm:s0], s1  }
0x5a: {  	s0 =	simm.s32 @!p0 $0x1  }
0x5b: {  	_ =	swait.ge @!p0 [sflag:s0], s1  }
0x5c: {  	s1 =	ssub.s32 @!p0 $0x0, s1;
	[sflag:s0] =	ssyncset.done @!p0 $0x0  }
0x5d: {  	[sflag:s0] =	ssyncadd.s32 @!p0 s1  }
0x5e: {  	[bflag:$0x3] =	sbarrier.arrive $0xFFFF  }
0x5f: {  	_ =	shalt  }

// kernel: kernel.15.cloned.1.call-start
scs
__scs_entry_jumppad:
0x0: {  	(pc) =	sbr.rel $0x88, $3  }
0x1: {  	(tag) =	ssettag $0x0;
	lr =	simm.s32 $0x1  }
0x2: {  	[smem:$0x3F8B] =	sst lr;
	_ =	strace $0xD0000000  }
0x3: {  	_ = 	snop  }
0x4: {  	_ = 	snop  }
0x5: {  	_ = 	snop  }
0x6: {  	_ = 	snop  }
0x7: {  	_ = 	snop  }
__scs_overlays_trampoline_lowered:
0x8: {  	[smem:$0x3F9A] =	sst s0  }
0x9: {  	[smem:$0x3F9B] =	sst s1  }
0xa: {  	[smem:$0x3F9C] =	sst s2  }
0xb: {  	[smem:$0x3F9D] =	sst s3  }
0xc: {  	[smem:$0x3F9E] =	sst s4  }
0xd: {  	[smem:$0x3F9F] =	sst s5  }
0xe: {  	[smem:$0x3FA0] =	sst s6  }
0xf: {  	[smem:$0x3FA1] =	sst s7  }
0x10: {  	[smem:$0x3FA2] =	sst s8  }
0x11: {  	[smem:$0x3FA3] =	sst s9;
	s0 =	simm.s32 @!p0 $0x0  }
0x12: {  	s1 =	sld [smem:$0x3F89];
	s0 =	simm.s32 @p0 $0x1  }
0x13: {  	[smem:$0x3FA4] =	sst s0;
	s0 =	simm.s32 @!p1 $0x0  }
0x14: {  	s2 =	sld [smem:$0x3F88];
	s0 =	simm.s32 @p1 $0x1  }
0x15: {  	[smem:$0x3FA5] =	sst s0;
	s0 =	simm.s32 @!p2 $0x0  }
0x16: {  	s3 =	sld [smem:$0x3FDB];
	s0 =	simm.s32 @p2 $0x1  }
0x17: {  	s4 =	simm.s32 $0x1BF5;
	[smem:$0x3FA7] =	sst s0  }
0x18: {  	s0 =	sld [smem:$0x3F8A];
	_ =	swait.ge [sflag:s4], $0x0  }
0x19: {  	s7 =	sld [smem:$0x3F8B]  }
0x1a: {  	s8 =	sadd.s32 $0xFFFFE003, lr  }
0x1b: {  	s9 =	sadd.s32 $0xFFFFFEF7, lr;
	s5 =	simm.s32 $0xFFFFFFFF;
	p2 =	slt.u32 s8, $0xFFFFF086  }
0x1c: {  	p1 =	slt.u32 s9, $0xF7A;
	s5 =	simm.s32 @!p2 $0x0  }
0x1d: {  	s5 =	simm.s32 @p1 $0x1;
	p0 =	seq.s32 s7, s2  }
0x1e: {  	s7 =	smul.u32 @!p0 $0xF7A, s2;
	p2 =	seq.s32 @!p0 s5, $0x0  }
0x1f: {  	s9 =	smul.u32 $0xF7A, s1;
	s8 =	simm.s32 @!p0 $0x1BF5;
	p2 =	por !p2, p0  }
0x20: {  	[sflag:s8] =	ssyncset.s32 @!p0 $0xFFFFF086;
	s6 =	sadd.s32 @!p0 s3, s7;
	s7 =	simm.s32 @!p0 $0x108  }
0x21: {  	s3 =	sadd.s32 s3, s9;
	s6 =	sadd.s32 @!p0 $0x88, s6;
	s7 =	simm.s32 @p2 $0x1082  }
0x22: {  	[simem:s7], [sflag:s8] =	dma.local @!p0 [hbm:s6], $0xF7A  }
0x23: {  	s9 =	sor.u32 $0xD0000000, s2;
	s6 =	simm.s32 $0x108;
	_ =	swait.ge @!p0 [sflag:s8], $0x0  }
0x24: {  	s3 =	sadd.s32 $0x88, s3;
	s6 =	simm.s32 @!p1 $0x1082;
	[sflag:s4] =	ssyncset.s32 $0xFFFFF086  }
0x25: {  	[simem:s6], [sflag:s4] =	dma.local [hbm:s3], $0xF7A  }
0x26: {  	[smem:$0x3F8B] =	sst s1;
	(tag) =	ssettag s2;
	_ =	strace s9  }
0x27: {  	s1 =	sld [smem:$0x3F9B]  }
0x28: {  	s2 =	sld [smem:$0x3F9C]  }
0x29: {  	s4 =	sld [smem:$0x3F9E]  }
0x2a: {  	p0 =	seq.s32 s5, $0x0;
	s5 =	sld [smem:$0x3F9F]  }
0x2b: {  	s6 =	sld [smem:$0x3FA0]  }
0x2c: {  	s7 =	sld [smem:$0x3FA1]  }
0x2d: {  	s3 =	simm.s32 $0x108;
	s8 =	sld [smem:$0x3FA2]  }
0x2e: {  	s3 =	simm.s32 @!p0 $0x1082;
	s9 =	sld [smem:$0x3FA3]  }
0x2f: {  	lr =	sadd.s32 s0, s3;
	s0 =	sld [smem:$0x3F9A]  }
0x30: {  	s3 =	sld [smem:$0x3F9D]  }
0x31: {  	[smem:$0x3FA6] =	sst s10  }
0x32: {  	s10 =	sld [smem:$0x3FA4];
	_ =	sdelay $0x3  }
0x33: {  	p0 =	seq.s32 s10, $0x1;
	s10 =	sld [smem:$0x3FA6];
	_ =	sdelay $0x3  }
0x34: {  	[smem:$0x3FA6] =	sst s10  }
0x35: {  	s10 =	sld [smem:$0x3FA5];
	_ =	sdelay $0x3  }
0x36: {  	p1 =	seq.s32 s10, $0x1;
	s10 =	sld [smem:$0x3FA6];
	_ =	sdelay $0x3  }
0x37: {  	[smem:$0x3FA6] =	sst s10  }
0x38: {  	s10 =	sld [smem:$0x3FA7]  }
0x39: {  	_ = 	snop;
	(pc) =	sbr.ind lr, $3  }
0x3a: {  	_ = 	snop  }
0x3b: {  	_ = 	snop  }
0x3c: {  	p2 =	seq.s32 s10, $0x1;
	s10 =	sld [smem:$0x3FA6]  }
0x3d: {  	_ =	shalt  }
0x3e: {  	_ =	shalt  }
0x3f: {  	_ =	shalt  }
0x40: {  	_ =	shalt  }
0x41: {  	_ =	shalt  }
0x42: {  	_ =	shalt  }
0x43: {  	_ =	shalt  }
0x44: {  	_ =	shalt  }
0x45: {  	_ =	shalt  }
0x46: {  	_ =	shalt  }
0x47: {  	_ =	shalt  }
0x48: {  	_ =	shalt  }
0x49: {  	_ =	shalt  }
0x4a: {  	_ =	shalt  }
0x4b: {  	_ =	shalt  }
0x4c: {  	_ =	shalt  }
0x4d: {  	_ =	shalt  }
0x4e: {  	_ =	shalt  }
0x4f: {  	_ =	shalt  }
0x50: {  	_ =	shalt  }
0x51: {  	_ =	shalt  }
0x52: {  	_ =	shalt  }
0x53: {  	_ =	shalt  }
0x54: {  	_ =	shalt  }
0x55: {  	_ =	shalt  }
0x56: {  	_ =	shalt  }
0x57: {  	_ =	shalt  }
0x58: {  	_ =	shalt  }
0x59: {  	_ =	shalt  }
0x5a: {  	_ =	shalt  }
0x5b: {  	_ =	shalt  }
0x5c: {  	_ =	shalt  }
0x5d: {  	_ =	shalt  }
0x5e: {  	_ =	shalt  }
0x5f: {  	_ =	shalt  }
0x60: {  	_ =	shalt  }
0x61: {  	_ =	shalt  }
0x62: {  	_ =	shalt  }
0x63: {  	_ =	shalt  }
0x64: {  	_ =	shalt  }
0x65: {  	_ =	shalt  }
0x66: {  	_ =	shalt  }
0x67: {  	_ =	shalt  }
0x68: {  	_ =	shalt  }
0x69: {  	_ =	shalt  }
0x6a: {  	_ =	shalt  }
0x6b: {  	_ =	shalt  }
0x6c: {  	_ =	shalt  }
0x6d: {  	_ =	shalt  }
0x6e: {  	_ =	shalt  }
0x6f: {  	_ =	shalt  }
0x70: {  	_ =	shalt  }
0x71: {  	_ =	shalt  }
0x72: {  	_ =	shalt  }
0x73: {  	_ =	shalt  }
0x74: {  	_ =	shalt  }
0x75: {  	_ =	shalt  }
0x76: {  	_ =	shalt  }
0x77: {  	_ =	shalt  }
0x78: {  	_ =	shalt  }
0x79: {  	_ =	shalt  }
0x7a: {  	_ =	shalt  }
0x7b: {  	_ =	shalt  }
0x7c: {  	_ =	shalt  }
0x7d: {  	_ =	shalt  }
0x7e: {  	_ =	shalt  }
0x7f: {  	_ =	shalt  }
0x80: {  	_ =	shalt  }
0x81: {  	_ =	shalt  }
0x82: {  	_ =	shalt  }
0x83: {  	_ =	shalt  }
0x84: {  	_ =	shalt  }
0x85: {  	_ =	shalt  }
0x86: {  	_ =	shalt  }
0x87: {  	_ =	shalt  }
.Lfunc_end0:
.L_simem_size_0:
called_computation.1_lowered:
.L_overlay_start_0:
0x88: {  	s2 =	sld [smem:$0x3FD9]  }
0x89: {  	s3 =	sld [smem:$0x3FFE];
	_ =	sdelay $0x1  }
0x8a: {  	s1 =	srdreg.scid  }
0x8b: {  	s0 =	sand.u32 $0x1, s1  }
0x8c: {  	s17 =	sshll.u32 s0, $0xA;
	s2 =	sadd.s32 s3, s2  }
0x8d: {  	s2 =	sadd.s32 s2, s17  }
0x8e: {  	[smem:$0x3FB2] =	sst s2  }
0x8f: {  	_ = 	snop  }
0x90: {  	s18 =	sld [smem:$0x3FC9];
	(tm) =	ssettm $0x1  }
0x91: {  	s19 =	sld [smem:$0x3FFB];
	_ =	sdelay $0x3  }
0x92: {  	_ =	strace s19  }
0x93: {  	s2 =	sld [smem:$0x3FFC];
	_ =	sdelay $0x3  }
0x94: {  	_ =	strace s2  }
0x95: {  	s2 =	sld [smem:$0x3FFD];
	_ =	sdelay $0x3  }
0x96: {  	_ =	strace s2  }
0x97: {  	_ =	strace $0x8FFFFFFF  }
0x98: {  	s20 =	sld [smem:$0x3FDB];
	_ =	sdelay $0x1  }
0x99: {  	s4 =	simm.s32 $_scs_section_size  }
0x9a: {  	s5 =	simm.s32 $_size__tile_overlayer_lowered;
	s6 =	simm.s32 $_tile_overlayer_lowered  }
0x9b: {  	s7 =	simm.s32 $0x1BFF;
	s21 =	sshll.u32 s6, $0x1;
	s4 =	sadd.s32 s4, s20  }
0x9c: {  	s22 =	simm.s32 $0x0;
	s5 =	sshll.u32 s5, $0x1;
	s6 =	sadd.s32 s21, s4  }
0x9d: {  	[timem:s22], [sflag:s7] =	dma.local [hbm:s6], s5  }
0x9e: {  	_ =	swait.ge [sflag:s7], s5  }
0x9f: {  	s5 =	ssub.s32 $0x0, s5;
	[sflag:s7] =	ssyncset.done $0x0  }
0xa0: {  	[sflag:s7] =	ssyncadd.s32 s5;
	_ =	sdelay $0x1  }
0xa1: {  	s23 =	simm.s32 $0x1B8B  }
0xa2: {  	_ =	swait.ge [sflag:s23], $0x1  }
0xa3: {  	[sflag:s23] =	ssyncset.done $0x0  }
0xa4: {  	[sflag:s23] =	ssyncadd.s32 $0xFFFFFFFF  }
0xa5: {  	s5 =	sld [smem:$0x0]  }
0xa6: {  	s6 =	sand.u32 $0xFFFFFFFE, s1  }
0xa7: {  	p0 =	sne.s32 s1, s6  }
0xa8: {  	s6 =	sshll.u32 @p0 s6, $0xE  }
0xa9: {  	s6 =	sadd.s32 @p0 $0x11B8D, s6;
	s7 =	sshll.u32 @p0 s5, $0x11  }
0xaa: {  	s6 =	sor.u32 @p0 s7, s6  }
0xab: {  	[sflag:s6] =	ssyncadd.remote.s32 @p0 $0x1;
	_ =	sdelay $0x1  }
0xac: {  	s6 =	simm.s32 @p0 $0x1B8D  }
0xad: {  	_ =	swait.eq @p0 [sflag:s6], $0x1  }
0xae: {  	[sflag:s6] =	ssyncadd.s32 @p0 $0xFFFFFFFF  }
0xaf: {  	s7 =	sshll.u32 @!p0 s1, $0xE  }
0xb0: {  	s7 =	sor.u32 @!p0 $0x4000, s7;
	s6 =	simm.s32 @!p0 $0x1B8D  }
0xb1: {  	s5 =	sshll.u32 @!p0 s5, $0x11;
	s7 =	sadd.s32 @!p0 $0x11B8D, s7;
	_ =	swait.eq @!p0 [sflag:s6], $0x1  }
0xb2: {  	s5 =	sor.u32 @!p0 s5, s7;
	[sflag:s6] =	ssyncadd.s32 @!p0 $0xFFFFFFFF  }
0xb3: {  	s25 =	simm.s32 $0x1B8E;
	s24 =	sld [smem:$0x3FFE];
	[sflag:s5] =	ssyncadd.remote.s32 @!p0 $0x1  }
0xb4: {  	s26 =	simm.s32 $execute0_lowered;
	[smem:$0x3FD2] =	sst s25  }
0xb5: {  	s6 =	sshll.u32 s26, $0x1;
	_ =	strace $0x80000049;
	[dreg:$0x1] =	wrdreg $0xFFFFFFFF  }
0xb6: {  	s28 =	simm.s32 $_size_execute0_lowered;
	s4 =	sadd.s32 s4, s6;
	[dreg:$0x0] =	wrdreg $0x0  }
0xb7: {  	s6 =	sshll.u32 s28, $0x1;
	[dreg:$0x2] =	wrdreg s4  }
0xb8: {  	[dreg:$0x3] =	wrdreg s6  }
0xb9: {  	[dreg:$0x4] =	wrdreg $0xC0  }
0xba: {  	_ =	task [dreg:s22], $0x5FFFF  }
0xbb: {  	[dreg:$0x1] =	wrdreg $0xFFFFFFFF  }
0xbc: {  	[dreg:$0x0] =	wrdreg $0x60  }
0xbd: {  	[dreg:$0x2] =	wrdreg s18  }
0xbe: {  	[dreg:$0x3] =	wrdreg s24  }
0xbf: {  	[dreg:$0x4] =	wrdreg $0x8B000  }
0xc0: {  	[dreg:$0x5] =	wrdreg $0xA  }
0xc1: {  	_ =	task.clear_ibuf [dreg:s22], $0x6FFFF;
	_ =	strace $0x90000049  }
0xc2: {  	s29 =	simm.s32 $0xA;
	_ =	strace $0x8000004B  }
0xc3: {  	_ =	swait.ge [sflag:s29], $0x1  }
0xc4: {  	[sflag:s29] =	ssyncadd.s32 $0xFFFFFFFF  }
0xc5: {  	_ =	strace $0x9000004B  }
0xc6: {  	_ =	sfence  }
0xc7: {  	s30 =	sld [smem:$0x0];
	_ =	sdelay $0x2  }
0xc8: {  	s31 =	sshll.u32 s1, $0xD;
	s1 =	sshrl.u32 s1, $0x2  }
0xc9: {  	s4 =	sand.u32 $0x4000, s31;
	s1 =	sadd.s32 s1, s30  }
0xca: {  	s0 =	sor.u32 s4, s0;
	s1 =	sshll.u32 s1, $0x11  }
0xcb: {  	s0 =	sor.u32 s1, s0  }
0xcc: {  	s0 =	sadd.s32 $0x8F2B, s0  }
0xcd: {  	[sflag:s0] =	ssyncadd.remote.s32 $0x1  }
0xce: {  	_ =	sfence.sel $0xFFFF  }
0xcf: {  	[dreg:$0x0] =	wrdreg $0xFFFFFFFF;
	(pc) =	sbr.abs _section_cstart, $3  }
0xd0: {  	[dreg:$0x1] =	wrdreg $0xFFFFFFFF  }
0xd1: {  	_ =	task.clear_ibuf [dreg:s22], $0x2FFFF;
	_ =	strace $0x9FFFFFFF  }
0xd2: {  	(tm) =	ssettm $0x7FFFFFFF  }
0xd3: {  	_ =	shalt  }
tec
execute0_lowered:
.L_overlay_start_1:
0x0: {  	(tag) =	ssettag $0x1  }
0x1: {  	s1 =	rddreg [dreg:$0x0]  }
0x2: {  	s0 =	rddreg [dreg:$0x1]  }
0x3: {  	s3 =	rddreg [dreg:$0x2]  }
0x4: {  	s4 =	simm.s32 $0x0;
	s15 =	stileid.u32;
	s6 =	srdreg.scid  }
0x5: {  	s28 =	simm.s32 $0x100;
	s29 =	simm.s32 $0x180;
	s30 =	simm.s32 $0x4200  }
0x6: {  	s31 =	simm.s32 $0x1;
	[smem:$0x7FF] =	sst s4;
	s2 =	smul.u32 $0x2700, s15  }
0x7: {  	s5 =	sadd.s32 $0xF400, s0;
	s7 =	sand.u32 $0x1, s6;
	s6 =	sadd.s32 $0x5600, s0  }
0x8: {  	s12 =	smul.u32 $0x4E000, s15;
	s13 =	sadd.s32 $0x8E600, s0;
	s22 =	sshll.u32 s15, $0x6  }
0x9: {  	s24 =	sadd.s32 $0x138000, s3;
	s18 =	smul.u32 $0x2710, s15;
	p0 =	sne.s32 s15, $0xF  }
0xa: {  	_ =	strace $0x8000004A;
	s9 =	ssub.s32 $0x2, s7;
	s26 =	smul.u32 $0x138800, s7  }
0xb: {  	s11 =	sshll.u32 s7, $0x4;
	[dreg:$0x6] =	wrdreg s24;
	s7 =	smul.u32 $0x27100, s7  }
0xc: {  	s8 =	sadd.s32 s2, s0;
	s10 =	sshrl.u32 s9, $0x1;
	s20 =	sor.u32 s15, s11  }
0xd: {  	s21 =	sshrl.u32 s12, $0x2;
	s0 =	sadd.s32 $0x40200, s0;
	s11 =	simm.s32 $0x10  }
0xe: {  	s12 =	simm.s32 $0x8300;
	s10 =	ssub.s32 s9, s10;
	s14 =	smul.u32 $0x2710, s20  }
0xf: {  	s23 =	sadd.s32 s21, s3;
	s8 =	sadd.s32 $0x19200, s8;
	s9 =	sor.u32 $0x1C05, s22  }
0x10: {  	[dreg:$0x7] =	wrdreg s0;
	s17 =	sshrl.u32 s26, $0x3;
	s2 =	sadd.s32 s2, s7  }
0x11: {  	s22 =	sadd.s32 s18, s7;
	s7 =	simm.s32 $0x4;
	[dreg:$0x4] =	wrdreg s23  }
0x12: {  	[dreg:$0x5] =	wrdreg s8;
	s2 =	sadd.s32 s13, s2;
	s19 =	smax.u32 s10, $0x1  }
0x13: {  	s8 =	simm.s32 $0x8200;
	s10 =	simm.s32 $0x8280;
	[dreg:$0xa] =	wrdreg s2  }
0x14: {  	s25 =	sshrl.u32 s14, $0x3;
	[dreg:$0xc] =	wrdreg s19;
	s2 =	simm.s32 $0x3  }
0x15: {  	s14 =	sadd.s32 $0x4E0, s25;
	s20 =	sadd.s32 s5, s25;
	s21 =	sadd.s32 $0x10, s25  }
0x16: {  	s23 =	sadd.s32 s6, s25;
	s25 =	sadd.s32 $0x180, s22;
	[dreg:$0xd] =	wrdreg s20  }
0x17: {  	s16 =	sadd.s32 s5, s14;
	s0 =	sadd.s32 s6, s14;
	[dreg:$0xe] =	wrdreg s23  }
0x18: {  	s24 =	sadd.s32 s5, s21;
	s26 =	sshrl.u32 s25, $0x3;
	[dreg:$0x8] =	wrdreg s16  }
0x19: {  	s25 =	simm.s32 $0x80;
	[dreg:$0x9] =	wrdreg s0;
	s0 =	sadd.s32 s13, s17  }
0x1a: {  	[dreg:$0xf] =	wrdreg s24;
	s23 =	sadd.s32 s26, s5;
	s0 =	sadd.s32 $0x27000, s0  }
0x1b: {  	s24 =	simm.s32 $0x5;
	s13 =	simm.s32 $0x0;
	[dreg:$0xb] =	wrdreg s0  }
0x1c: {  	s0 =	sadd.s32 s6, s21;
	s21 =	sadd.s32 $0x100, s22;
	s22 =	sadd.s32 s26, s6  }
0x1d: {  	s26 =	simm.s32 $0x200;
	[dreg:$0x10] =	wrdreg s0;
	s0 =	simm.s32 $0x2  }
.LBB2_1:
0x1e: {  	s14 =	rddreg [dreg:$0x4]  }
0x1f: {  	s15 =	rddreg [dreg:$0x5];
	s14 =	sshrl.u32 s14, $0x3  }
0x20: {  	[spmem:s14], [sflag:s9] =	dma.local [hbm:s15], $0x2700  }
0x21: {  	_ =	swait.ge [sflag:s24], $0x2700  }
0x22: {  	[sflag:s24] =	ssyncset.done $0x0;
	s15 =	rddreg [dreg:$0x6]  }
0x23: {  	s16 =	rddreg [dreg:$0x7];
	[sflag:s24] =	ssyncadd.s32 $0xFFFFD900;
	s15 =	sshrl.u32 @!p0 s15, $0x3  }
0x24: {  	[spmem:s15], [sflag:s9] =	dma.local @!p0 [hbm:s16], $0x100  }
0x25: {  	s16 =	simm.s32 @!p0 $0x5  }
0x26: {  	_ =	swait.ge @!p0 [sflag:s16], $0x100  }
0x27: {  	[sflag:s16] =	ssyncset.done @!p0 $0x0  }
0x28: {  	[sflag:s16] =	ssyncadd.s32 @!p0 $0xFFFFFF00  }
0x29: {  	[bflag:$0x0] =	sbarrier.arrive $0xFFFF  }
0x2a: {  	s18 =	rddreg [dreg:$0xd]  }
0x2b: {  	[tilespmem:s4], [sflag:$0x5] =	stream.linear.gather [hbm4b:s18+s4], $0x80, $0x38;
	[tilespmem:$0x1C380] =	vst v63  }
0x2c: {  	_ =	swait.ge [sflag:s24], $0x80  }
0x2d: {  	[sflag:s24] =	ssyncset.done $0x0  }
0x2e: {  	s19 =	rddreg [dreg:$0xe];
	[sflag:s24] =	ssyncadd.s32 $0xFFFFFF80  }
0x2f: {  	[tilespmem:s25], [sflag:$0x5] =	stream.linear.gather [hbm4b:s19+s4], $0x80, $0x38;
	[tilespmem:$0x1C380] =	vst v63  }
0x30: {  	_ =	swait.ge [sflag:s24], $0x80  }
0x31: {  	[sflag:s24] =	ssyncset.done $0x0  }
0x32: {  	[sflag:s24] =	ssyncadd.s32 $0xFFFFFF80  }
0x33: {  	[tilespmem:s26], [sflag:$0x1] =	stream.indirect.gather [hbm4b:s1+s25], $0x80, s4, s25, $0xb8;
	[tilespmem:$0x1C380] =	vst v63  }
0x34: {  	s20 =	rddreg [dreg:$0xf]  }
0x35: {  	[tilespmem:s28], [sflag:$0x5] =	stream.linear.gather [hbm4b:s20+s4], $0x80, $0x38;
	[tilespmem:$0x1C380] =	vst v63  }
0x36: {  	_ =	swait.ge [sflag:s24], $0x80  }
0x37: {  	[sflag:s24] =	ssyncset.done $0x0  }
0x38: {  	s17 =	rddreg [dreg:$0x10];
	[sflag:s24] =	ssyncadd.s32 $0xFFFFFF80  }
0x39: {  	[tilespmem:s29], [sflag:$0x5] =	stream.linear.gather [hbm4b:s17+s4], $0x80, $0x38;
	[tilespmem:$0x1C380] =	vst v63  }
0x3a: {  	_ =	swait.ge [sflag:s24], $0x80  }
0x3b: {  	[sflag:s24] =	ssyncset.done $0x0  }
0x3c: {  	[sflag:s24] =	ssyncadd.s32 $0xFFFFFF80  }
0x3d: {  	[tilespmem:s30], [sflag:$0x2] =	stream.indirect.gather [hbm4b:s1+s25], $0x80, s28, s25, $0xb8;
	[tilespmem:$0x1C380] =	vst v63  }
0x3e: {  	_ =	swait.ge [sflag:s31], $0x4000  }
0x3f: {  	[sflag:s31] =	ssyncset.done $0x0  }
0x40: {  	[sflag:s31] =	ssyncadd.s32 $0xFFFFC000  }
0x41: {  	[spmem:s3] =	stream.indirect.scatter.add.f32 [tilespmem:s26], [sflag:$0x3], $0x80, s25, s25, $0xb8;
	[tilespmem:$0x1C380] =	vst v63  }
0x42: {  	_ =	swait.ge [sflag:s0], $0x4000  }
0x43: {  	[sflag:s0] =	ssyncset.done $0x0  }
0x44: {  	[sflag:s0] =	ssyncadd.s32 $0xFFFFC000  }
0x45: {  	[spmem:s3] =	stream.indirect.scatter.add.f32 [tilespmem:s30], [sflag:$0x4], $0x80, s29, s25, $0xb8;
	[tilespmem:$0x1C380] =	vst v63  }
0x46: {  	_ =	swait.ge [sflag:s2], $0x4000  }
0x47: {  	s18 =	sshrl.u32 s21, $0x3;
	[sflag:s2] =	ssyncset.done $0x0  }
0x48: {  	s17 =	sadd.s32 s5, s18;
	[sflag:s2] =	ssyncadd.s32 $0xFFFFC000  }
0x49: {  	[tilespmem:s4], [sflag:$0x5] =	stream.linear.gather [hbm4b:s17+s4], $0x80, $0x38;
	[tilespmem:$0x1C380] =	vst v63  }
0x4a: {  	_ =	swait.ge [sflag:s24], $0x80  }
0x4b: {  	[sflag:s24] =	ssyncset.done $0x0  }
0x4c: {  	s16 =	sadd.s32 s6, s18;
	[sflag:s24] =	ssyncadd.s32 $0xFFFFFF80  }
0x4d: {  	[tilespmem:s25], [sflag:$0x5] =	stream.linear.gather [hbm4b:s16+s4], $0x80, $0x38;
	[tilespmem:$0x1C380] =	vst v63  }
0x4e: {  	_ =	swait.ge [sflag:s24], $0x80  }
0x4f: {  	[sflag:s24] =	ssyncset.done $0x0  }
0x50: {  	[sflag:s24] =	ssyncadd.s32 $0xFFFFFF80  }
0x51: {  	[tilespmem:s26], [sflag:$0x1] =	stream.indirect.gather [hbm4b:s1+s25], $0x80, s4, s25, $0xb8;
	[tilespmem:$0x1C380] =	vst v63  }
0x52: {  	_ =	swait.ge [sflag:s7], $0x4000  }
0x53: {  	[sflag:s7] =	ssyncset.done $0x0  }
0x54: {  	s19 =	sadd.s32 $0x0, s23;
	[sflag:s7] =	ssyncadd.s32 $0xFFFFC000  }
0x55: {  	[tilespmem:s28], [sflag:$0x5] =	stream.linear.gather [hbm4b:s19+s4], $0x80, $0x38;
	[tilespmem:$0x1C380] =	vst v63  }
0x56: {  	_ =	swait.ge [sflag:s24], $0x80  }
0x57: {  	[sflag:s24] =	ssyncset.done $0x0  }
0x58: {  	s20 =	sadd.s32 $0x0, s22;
	[sflag:s24] =	ssyncadd.s32 $0xFFFFFF80  }
0x59: {  	[tilespmem:s29], [sflag:$0x5] =	stream.linear.gather [hbm4b:s20+s4], $0x80, $0x38;
	[tilespmem:$0x1C380] =	vst v63  }
0x5a: {  	_ =	swait.ge [sflag:s24], $0x80  }
0x5b: {  	[sflag:s24] =	ssyncset.done $0x0  }
0x5c: {  	[sflag:s24] =	ssyncadd.s32 $0xFFFFFF80  }
0x5d: {  	[tilespmem:s30], [sflag:$0x2] =	stream.indirect.gather [hbm4b:s1+s25], $0x80, s28, s25, $0xb8;
	[tilespmem:$0x1C380] =	vst v63  }
0x5e: {  	_ =	swait.ge [sflag:s31], $0x4000  }
0x5f: {  	[sflag:s31] =	ssyncset.done $0x0  }
0x60: {  	[sflag:s31] =	ssyncadd.s32 $0xFFFFC000  }
0x61: {  	[spmem:s3] =	stream.indirect.scatter.add.f32 [tilespmem:s26], [sflag:$0x3], $0x80, s25, s25, $0xb8;
	[tilespmem:$0x1C380] =	vst v63  }
0x62: {  	_ =	swait.ge [sflag:s0], $0x4000  }
0x63: {  	[sflag:s0] =	ssyncset.done $0x0  }
0x64: {  	s17 =	sadd.s32 $0x100, s21;
	s16 =	simm.s32 $0x20;
	[sflag:s0] =	ssyncadd.s32 $0xFFFFC000  }
.LBB2_2:
0x65: {  	[spmem:s3] =	stream.indirect.scatter.add.f32 [tilespmem:s30], [sflag:$0x4], $0x80, s29, s25, $0xb8;
	[tilespmem:$0x1C380] =	vst v63  }
0x66: {  	s18 =	smov.u32 s16  }
0x67: {  	p1 =	sne.s32 s16, $0x4A0;
	s16 =	sadd.s32 $0x20, s16;
	_ =	swait.ge [sflag:s2], $0x4000  }
0x68: {  	s19 =	sshrl.u32 s17, $0x3;
	[sflag:s2] =	ssyncset.done $0x0  }
0x69: {  	s20 =	sadd.s32 s5, s19;
	[sflag:s2] =	ssyncadd.s32 $0xFFFFC000  }
0x6a: {  	[tilespmem:s4], [sflag:$0x5] =	stream.linear.gather [hbm4b:s20+s4], $0x80, $0x38;
	[tilespmem:$0x1C380] =	vst v63  }
0x6b: {  	_ =	swait.ge [sflag:s24], $0x80  }
0x6c: {  	[sflag:s24] =	ssyncset.done $0x0  }
0x6d: {  	s19 =	sadd.s32 s6, s19;
	[sflag:s24] =	ssyncadd.s32 $0xFFFFFF80  }
0x6e: {  	[tilespmem:s25], [sflag:$0x5] =	stream.linear.gather [hbm4b:s19+s4], $0x80, $0x38;
	[tilespmem:$0x1C380] =	vst v63  }
0x6f: {  	_ =	swait.ge [sflag:s24], $0x80  }
0x70: {  	[sflag:s24] =	ssyncset.done $0x0  }
0x71: {  	[sflag:s24] =	ssyncadd.s32 $0xFFFFFF80  }
0x72: {  	[tilespmem:s26], [sflag:$0x1] =	stream.indirect.gather [hbm4b:s1+s25], $0x80, s4, s25, $0xb8;
	[tilespmem:$0x1C380] =	vst v63  }
0x73: {  	_ =	swait.ge [sflag:s7], $0x4000  }
0x74: {  	[sflag:s7] =	ssyncset.done $0x0  }
0x75: {  	s19 =	sadd.s32 s18, s23;
	[sflag:s7] =	ssyncadd.s32 $0xFFFFC000  }
0x76: {  	[tilespmem:s28], [sflag:$0x5] =	stream.linear.gather [hbm4b:s19+s4], $0x80, $0x38;
	[tilespmem:$0x1C380] =	vst v63  }
0x77: {  	_ =	swait.ge [sflag:s24], $0x80  }
0x78: {  	[sflag:s24] =	ssyncset.done $0x0  }
0x79: {  	s18 =	sadd.s32 s18, s22;
	[sflag:s24] =	ssyncadd.s32 $0xFFFFFF80  }
0x7a: {  	[tilespmem:s29], [sflag:$0x5] =	stream.linear.gather [hbm4b:s18+s4], $0x80, $0x38;
	[tilespmem:$0x1C380] =	vst v63  }
0x7b: {  	_ =	swait.ge [sflag:s24], $0x80  }
0x7c: {  	[sflag:s24] =	ssyncset.done $0x0  }
0x7d: {  	[sflag:s24] =	ssyncadd.s32 $0xFFFFFF80  }
0x7e: {  	[tilespmem:s30], [sflag:$0x2] =	stream.indirect.gather [hbm4b:s1+s25], $0x80, s28, s25, $0xb8;
	[tilespmem:$0x1C380] =	vst v63  }
0x7f: {  	_ =	swait.ge [sflag:s31], $0x4000  }
0x80: {  	[sflag:s31] =	ssyncset.done $0x0  }
.Ltmp0:
0x81: {  	[sflag:s31] =	ssyncadd.s32 $0xFFFFC000;
	(pc) =	sbr.rel @p1 .LBB2_2-.Ltmp0, $4  }
0x82: {  	[spmem:s3] =	stream.indirect.scatter.add.f32 [tilespmem:s26], [sflag:$0x3], $0x80, s25, s25, $0xb8;
	[tilespmem:$0x1C380] =	vst v63  }
0x83: {  	_ =	swait.ge [sflag:s0], $0x4000  }
0x84: {  	[sflag:s0] =	ssyncset.done $0x0  }
0x85: {  	s17 =	sadd.s32 $0x100, s17;
	[sflag:s0] =	ssyncadd.s32 $0xFFFFC000  }
0x86: {  	[spmem:s3] =	stream.indirect.scatter.add.f32 [tilespmem:s30], [sflag:$0x4], $0x80, s29, s25, $0xb8;
	[tilespmem:$0x1C380] =	vst v63  }
0x87: {  	_ =	swait.ge [sflag:s2], $0x4000  }
0x88: {  	[sflag:s2] =	ssyncset.done $0x0  }
0x89: {  	[sflag:s2] =	ssyncadd.s32 $0xFFFFC000  }
0x8a: {  	_ =	swait.ge [sflag:s7], $0x4000  }
0x8b: {  	[sflag:s7] =	ssyncset.done $0x0  }
0x8c: {  	s16 =	rddreg [dreg:$0x8];
	[sflag:s7] =	ssyncadd.s32 $0xFFFFC000  }
0x8d: {  	[tilespmem:s8], [sflag:$0x5] =	stream.linear.gather [hbm4b:s16+s4], $0x10, $0x38;
	[tilespmem:$0x1C380] =	vst v63  }
0x8e: {  	_ =	swait.ge [sflag:s24], $0x10  }
0x8f: {  	[sflag:s24] =	ssyncset.done $0x0  }
0x90: {  	s18 =	rddreg [dreg:$0x9];
	[sflag:s24] =	ssyncadd.s32 $0xFFFFFFF0  }
0x91: {  	[tilespmem:s10], [sflag:$0x5] =	stream.linear.gather [hbm4b:s18+s4], $0x10, $0x38;
	[tilespmem:$0x1C380] =	vst v63  }
0x92: {  	_ =	swait.ge [sflag:s24], $0x10  }
0x93: {  	[sflag:s24] =	ssyncset.done $0x0  }
0x94: {  	[sflag:s24] =	ssyncadd.s32 $0xFFFFFFF0  }
0x95: {  	[tilespmem:s12], [sflag:$0x1] =	stream.indirect.gather [hbm4b:s1+s11], $0x80, s8, s11, $0xb8;
	[tilespmem:$0x1C380] =	vst v63  }
0x96: {  	_ =	swait.ge [sflag:s31], $0x800  }
0x97: {  	[sflag:s31] =	ssyncset.done $0x0  }
0x98: {  	[sflag:s31] =	ssyncadd.s32 $0xFFFFF800  }
0x99: {  	[spmem:s3] =	stream.indirect.scatter.add.f32 [tilespmem:s12], [sflag:$0x5], $0x80, s10, s11, $0xb8;
	[tilespmem:$0x1C380] =	vst v63  }
0x9a: {  	_ =	swait.ge [sflag:s24], $0x800  }
0x9b: {  	[sflag:s24] =	ssyncset.done $0x0  }
0x9c: {  	[sflag:s24] =	ssyncadd.s32 $0xFFFFF800  }
0x9d: {  	[bflag:$0x0] =	sbarrier.arrive $0xFFFF  }
0x9e: {  	s19 =	rddreg [dreg:$0xa]  }
0x9f: {  	[hbm:s19], [sflag:s9] =	dma.local [spmem:s14], $0x2700  }
0xa0: {  	_ =	swait.ge [sflag:s24], $0x2700  }
0xa1: {  	[sflag:s24] =	ssyncset.done $0x0  }
0xa2: {  	s14 =	rddreg [dreg:$0xb];
	[sflag:s24] =	ssyncadd.s32 $0xFFFFD900  }
0xa3: {  	[hbm:s14], [sflag:s9] =	dma.local @!p0 [spmem:s15], $0x100  }
0xa4: {  	s14 =	simm.s32 @!p0 $0x5  }
0xa5: {  	_ =	swait.ge @!p0 [sflag:s14], $0x100  }
0xa6: {  	s13 =	sadd.s32 $0x1, s13;
	s20 =	rddreg [dreg:$0xc]  }
0xa7: {  	p1 =	sne.s32 s13, s20  }
.Ltmp1:
0xa8: {  	_ = 	snop;
	(pc) =	sbr.rel @p1 .LBB2_1-.Ltmp1, $3  }
0xa9: {  	_ =	sdelay $0x1  }
0xaa: {  	[sflag:s14] =	ssyncset.done @!p0 $0x0  }
0xab: {  	[sflag:s14] =	ssyncadd.s32 @!p0 $0xFFFFFF00  }
0xac: {  	_ =	sfence.sel $0x180000  }
0xad: {  	[bflag:$0x0] =	sbarrier.arrive $0xFFFF  }
0xae: {  	_ =	strace $0x9000004A  }
0xaf: {  	s0 =	stileid.u32;
	[bflag:$0x2] =	sbarrier.arrive $0xFFFF  }
0xb0: {  	p0 =	sne.s32 s0, $0x0;
	s0 =	rddreg [dreg:$0x3]  }
0xb1: {  	s0 =	sadd.s32 @!p0 $0x100000, s0  }
0xb2: {  	[sflag:s0] =	ssyncadd.tile.s32 @!p0 $0x1;
	_ =	shalt  }
.Lfunc_end2:
_tile_overlayer_lowered:
.L_overlay_start_2:
0xb3: {  	(tag) =	ssettag $0x2  }
0xb4: {  	s0 =	rddreg [dreg:$0x0];
	s2 =	stileid.u32  }
0xb5: {  	s1 =	rddreg [dreg:$0x1];
	p0 =	sne.s32 s2, $0x0  }
0xb6: {  	s3 =	rddreg [dreg:$0x2];
	[bflag:$0x3] =	sbarrier.arrive $0xFFFF;
	s2 =	simm.s32 @!p0 $0x1C05  }
0xb7: {  	[timem:s3], [sflag:s2] =	dma.local @!p0 [hbm:s0], s1  }
0xb8: {  	s0 =	simm.s32 @!p0 $0x5  }
0xb9: {  	_ =	swait.ge @!p0 [sflag:s0], s1  }
0xba: {  	s1 =	ssub.s32 @!p0 $0x0, s1;
	[sflag:s0] =	ssyncset.done @!p0 $0x0  }
0xbb: {  	[sflag:s0] =	ssyncadd.s32 @!p0 s1  }
0xbc: {  	[bflag:$0x3] =	sbarrier.arrive $0xFFFF  }
0xbd: {  	_ =	shalt  }

// kernel: kernel.18.cloned.1.call-start
scs
__scs_entry_jumppad:
0x0: {  	(pc) =	sbr.rel $0x88, $3  }
0x1: {  	(tag) =	ssettag $0x0;
	lr =	simm.s32 $0x1  }
0x2: {  	[smem:$0x3F8B] =	sst lr;
	_ =	strace $0xD0000000  }
0x3: {  	_ = 	snop  }
0x4: {  	_ = 	snop  }
0x5: {  	_ = 	snop  }
0x6: {  	_ = 	snop  }
0x7: {  	_ = 	snop  }
__scs_overlays_trampoline_lowered:
0x8: {  	[smem:$0x3F9A] =	sst s0  }
0x9: {  	[smem:$0x3F9B] =	sst s1  }
0xa: {  	[smem:$0x3F9C] =	sst s2  }
0xb: {  	[smem:$0x3F9D] =	sst s3  }
0xc: {  	[smem:$0x3F9E] =	sst s4  }
0xd: {  	[smem:$0x3F9F] =	sst s5  }
0xe: {  	[smem:$0x3FA0] =	sst s6  }
0xf: {  	[smem:$0x3FA1] =	sst s7  }
0x10: {  	[smem:$0x3FA2] =	sst s8  }
0x11: {  	[smem:$0x3FA3] =	sst s9;
	s0 =	simm.s32 @!p0 $0x0  }
0x12: {  	s1 =	sld [smem:$0x3F89];
	s0 =	simm.s32 @p0 $0x1  }
0x13: {  	[smem:$0x3FA4] =	sst s0;
	s0 =	simm.s32 @!p1 $0x0  }
0x14: {  	s2 =	sld [smem:$0x3F88];
	s0 =	simm.s32 @p1 $0x1  }
0x15: {  	[smem:$0x3FA5] =	sst s0;
	s0 =	simm.s32 @!p2 $0x0  }
0x16: {  	s3 =	sld [smem:$0x3FDB];
	s0 =	simm.s32 @p2 $0x1  }
0x17: {  	s4 =	simm.s32 $0x1BF5;
	[smem:$0x3FA7] =	sst s0  }
0x18: {  	s0 =	sld [smem:$0x3F8A];
	_ =	swait.ge [sflag:s4], $0x0  }
0x19: {  	s7 =	sld [smem:$0x3F8B]  }
0x1a: {  	s8 =	sadd.s32 $0xFFFFE003, lr  }
0x1b: {  	s9 =	sadd.s32 $0xFFFFFEF7, lr;
	s5 =	simm.s32 $0xFFFFFFFF;
	p2 =	slt.u32 s8, $0xFFFFF086  }
0x1c: {  	p1 =	slt.u32 s9, $0xF7A;
	s5 =	simm.s32 @!p2 $0x0  }
0x1d: {  	s5 =	simm.s32 @p1 $0x1;
	p0 =	seq.s32 s7, s2  }
0x1e: {  	s7 =	smul.u32 @!p0 $0xF7A, s2;
	p2 =	seq.s32 @!p0 s5, $0x0  }
0x1f: {  	s9 =	smul.u32 $0xF7A, s1;
	s8 =	simm.s32 @!p0 $0x1BF5;
	p2 =	por !p2, p0  }
0x20: {  	[sflag:s8] =	ssyncset.s32 @!p0 $0xFFFFF086;
	s6 =	sadd.s32 @!p0 s3, s7;
	s7 =	simm.s32 @!p0 $0x108  }
0x21: {  	s3 =	sadd.s32 s3, s9;
	s6 =	sadd.s32 @!p0 $0x88, s6;
	s7 =	simm.s32 @p2 $0x1082  }
0x22: {  	[simem:s7], [sflag:s8] =	dma.local @!p0 [hbm:s6], $0xF7A  }
0x23: {  	s9 =	sor.u32 $0xD0000000, s2;
	s6 =	simm.s32 $0x108;
	_ =	swait.ge @!p0 [sflag:s8], $0x0  }
0x24: {  	s3 =	sadd.s32 $0x88, s3;
	s6 =	simm.s32 @!p1 $0x1082;
	[sflag:s4] =	ssyncset.s32 $0xFFFFF086  }
0x25: {  	[simem:s6], [sflag:s4] =	dma.local [hbm:s3], $0xF7A  }
0x26: {  	[smem:$0x3F8B] =	sst s1;
	(tag) =	ssettag s2;
	_ =	strace s9  }
0x27: {  	s1 =	sld [smem:$0x3F9B]  }
0x28: {  	s2 =	sld [smem:$0x3F9C]  }
0x29: {  	s4 =	sld [smem:$0x3F9E]  }
0x2a: {  	p0 =	seq.s32 s5, $0x0;
	s5 =	sld [smem:$0x3F9F]  }
0x2b: {  	s6 =	sld [smem:$0x3FA0]  }
0x2c: {  	s7 =	sld [smem:$0x3FA1]  }
0x2d: {  	s3 =	simm.s32 $0x108;
	s8 =	sld [smem:$0x3FA2]  }
0x2e: {  	s3 =	simm.s32 @!p0 $0x1082;
	s9 =	sld [smem:$0x3FA3]  }
0x2f: {  	lr =	sadd.s32 s0, s3;
	s0 =	sld [smem:$0x3F9A]  }
0x30: {  	s3 =	sld [smem:$0x3F9D]  }
0x31: {  	[smem:$0x3FA6] =	sst s10  }
0x32: {  	s10 =	sld [smem:$0x3FA4];
	_ =	sdelay $0x3  }
0x33: {  	p0 =	seq.s32 s10, $0x1;
	s10 =	sld [smem:$0x3FA6];
	_ =	sdelay $0x3  }
0x34: {  	[smem:$0x3FA6] =	sst s10  }
0x35: {  	s10 =	sld [smem:$0x3FA5];
	_ =	sdelay $0x3  }
0x36: {  	p1 =	seq.s32 s10, $0x1;
	s10 =	sld [smem:$0x3FA6];
	_ =	sdelay $0x3  }
0x37: {  	[smem:$0x3FA6] =	sst s10  }
0x38: {  	s10 =	sld [smem:$0x3FA7]  }
0x39: {  	_ = 	snop;
	(pc) =	sbr.ind lr, $3  }
0x3a: {  	_ = 	snop  }
0x3b: {  	_ = 	snop  }
0x3c: {  	p2 =	seq.s32 s10, $0x1;
	s10 =	sld [smem:$0x3FA6]  }
0x3d: {  	_ =	shalt  }
0x3e: {  	_ =	shalt  }
0x3f: {  	_ =	shalt  }
0x40: {  	_ =	shalt  }
0x41: {  	_ =	shalt  }
0x42: {  	_ =	shalt  }
0x43: {  	_ =	shalt  }
0x44: {  	_ =	shalt  }
0x45: {  	_ =	shalt  }
0x46: {  	_ =	shalt  }
0x47: {  	_ =	shalt  }
0x48: {  	_ =	shalt  }
0x49: {  	_ =	shalt  }
0x4a: {  	_ =	shalt  }
0x4b: {  	_ =	shalt  }
0x4c: {  	_ =	shalt  }
0x4d: {  	_ =	shalt  }
0x4e: {  	_ =	shalt  }
0x4f: {  	_ =	shalt  }
0x50: {  	_ =	shalt  }
0x51: {  	_ =	shalt  }
0x52: {  	_ =	shalt  }
0x53: {  	_ =	shalt  }
0x54: {  	_ =	shalt  }
0x55: {  	_ =	shalt  }
0x56: {  	_ =	shalt  }
0x57: {  	_ =	shalt  }
0x58: {  	_ =	shalt  }
0x59: {  	_ =	shalt  }
0x5a: {  	_ =	shalt  }
0x5b: {  	_ =	shalt  }
0x5c: {  	_ =	shalt  }
0x5d: {  	_ =	shalt  }
0x5e: {  	_ =	shalt  }
0x5f: {  	_ =	shalt  }
0x60: {  	_ =	shalt  }
0x61: {  	_ =	shalt  }
0x62: {  	_ =	shalt  }
0x63: {  	_ =	shalt  }
0x64: {  	_ =	shalt  }
0x65: {  	_ =	shalt  }
0x66: {  	_ =	shalt  }
0x67: {  	_ =	shalt  }
0x68: {  	_ =	shalt  }
0x69: {  	_ =	shalt  }
0x6a: {  	_ =	shalt  }
0x6b: {  	_ =	shalt  }
0x6c: {  	_ =	shalt  }
0x6d: {  	_ =	shalt  }
0x6e: {  	_ =	shalt  }
0x6f: {  	_ =	shalt  }
0x70: {  	_ =	shalt  }
0x71: {  	_ =	shalt  }
0x72: {  	_ =	shalt  }
0x73: {  	_ =	shalt  }
0x74: {  	_ =	shalt  }
0x75: {  	_ =	shalt  }
0x76: {  	_ =	shalt  }
0x77: {  	_ =	shalt  }
0x78: {  	_ =	shalt  }
0x79: {  	_ =	shalt  }
0x7a: {  	_ =	shalt  }
0x7b: {  	_ =	shalt  }
0x7c: {  	_ =	shalt  }
0x7d: {  	_ =	shalt  }
0x7e: {  	_ =	shalt  }
0x7f: {  	_ =	shalt  }
0x80: {  	_ =	shalt  }
0x81: {  	_ =	shalt  }
0x82: {  	_ =	shalt  }
0x83: {  	_ =	shalt  }
0x84: {  	_ =	shalt  }
0x85: {  	_ =	shalt  }
0x86: {  	_ =	shalt  }
0x87: {  	_ =	shalt  }
.Lfunc_end0:
.L_simem_size_0:
called_computation.2_lowered:
.L_overlay_start_0:
0x88: {  	s2 =	sld [smem:$0x3FD9]  }
0x89: {  	s3 =	sld [smem:$0x3FFE];
	_ =	sdelay $0x1  }
0x8a: {  	s1 =	srdreg.scid  }
0x8b: {  	s0 =	sand.u32 $0x1, s1  }
0x8c: {  	s16 =	sshll.u32 s0, $0xA;
	s2 =	sadd.s32 s3, s2  }
0x8d: {  	s2 =	sadd.s32 s2, s16  }
0x8e: {  	[smem:$0x3FB2] =	sst s2  }
0x8f: {  	_ = 	snop  }
0x90: {  	(tm) =	ssettm $0x1  }
0x91: {  	s17 =	sld [smem:$0x3FFB];
	_ =	sdelay $0x3  }
0x92: {  	_ =	strace s17  }
0x93: {  	s2 =	sld [smem:$0x3FFC];
	_ =	sdelay $0x3  }
0x94: {  	_ =	strace s2  }
0x95: {  	s2 =	sld [smem:$0x3FFD];
	_ =	sdelay $0x3  }
0x96: {  	_ =	strace s2  }
0x97: {  	_ =	strace $0x8FFFFFFF  }
0x98: {  	s18 =	sld [smem:$0x3FDB];
	_ =	sdelay $0x1  }
0x99: {  	s19 =	simm.s32 $_scs_section_size  }
0x9a: {  	s4 =	simm.s32 $_size__tile_overlayer_lowered;
	s5 =	simm.s32 $_tile_overlayer_lowered  }
0x9b: {  	s22 =	simm.s32 $0x1BFF;
	s21 =	sshll.u32 s5, $0x1;
	s2 =	sadd.s32 s19, s18  }
0x9c: {  	s6 =	simm.s32 $0x0;
	s20 =	sshll.u32 s4, $0x1;
	s4 =	sadd.s32 s21, s2  }
0x9d: {  	[timem:s6], [sflag:s22] =	dma.local [hbm:s4], s20  }
0x9e: {  	_ =	swait.ge [sflag:s22], s20  }
0x9f: {  	s3 =	ssub.s32 $0x0, s20;
	[sflag:s22] =	ssyncset.done $0x0  }
0xa0: {  	[sflag:s22] =	ssyncadd.s32 s3;
	_ =	sdelay $0x1  }
0xa1: {  	s23 =	simm.s32 $0x1B8B  }
0xa2: {  	_ =	swait.ge [sflag:s23], $0x1  }
0xa3: {  	[sflag:s23] =	ssyncset.done $0x0  }
0xa4: {  	s25 =	simm.s32 $0x1B8E;
	s24 =	sld [smem:$0x3FFE];
	[sflag:s23] =	ssyncadd.s32 $0xFFFFFFFF  }
0xa5: {  	s26 =	simm.s32 $execute0_lowered;
	[smem:$0x3FD2] =	sst s25  }
0xa6: {  	s4 =	sshll.u32 s26, $0x1;
	_ =	strace $0x8000004C;
	[dreg:$0x1] =	wrdreg $0xFFFFFFFF  }
0xa7: {  	s28 =	simm.s32 $_size_execute0_lowered;
	s2 =	sadd.s32 s2, s4;
	[dreg:$0x0] =	wrdreg $0x0  }
0xa8: {  	s4 =	sshll.u32 s28, $0x1;
	[dreg:$0x2] =	wrdreg s2  }
0xa9: {  	[dreg:$0x3] =	wrdreg s4  }
0xaa: {  	[dreg:$0x4] =	wrdreg $0xC0  }
0xab: {  	_ =	task [dreg:s6], $0x5FFFF  }
0xac: {  	[dreg:$0x1] =	wrdreg $0xFFFFFFFF  }
0xad: {  	[dreg:$0x0] =	wrdreg $0x60  }
0xae: {  	[dreg:$0x2] =	wrdreg s24  }
0xaf: {  	[dreg:$0x3] =	wrdreg $0x8B000  }
0xb0: {  	[dreg:$0x4] =	wrdreg $0x9  }
0xb1: {  	_ =	task.clear_ibuf [dreg:s6], $0x5FFFF;
	_ =	strace $0x9000004C  }
0xb2: {  	s29 =	simm.s32 $0x9;
	_ =	strace $0x8000004E  }
0xb3: {  	_ =	swait.ge [sflag:s29], $0x1  }
0xb4: {  	[sflag:s29] =	ssyncadd.s32 $0xFFFFFFFF  }
0xb5: {  	_ =	strace $0x9000004E  }
0xb6: {  	_ =	sfence  }
0xb7: {  	s30 =	sld [smem:$0x0];
	_ =	sdelay $0x2  }
0xb8: {  	s31 =	sshll.u32 s1, $0xD;
	s1 =	sshrl.u32 s1, $0x2  }
0xb9: {  	s3 =	sand.u32 $0x4000, s31;
	s1 =	sadd.s32 s1, s30  }
0xba: {  	s0 =	sor.u32 s3, s0;
	s1 =	sshll.u32 s1, $0x11  }
0xbb: {  	s0 =	sor.u32 s1, s0  }
0xbc: {  	s0 =	sadd.s32 $0x8F2B, s0  }
0xbd: {  	[sflag:s0] =	ssyncadd.remote.s32 $0x1  }
0xbe: {  	_ =	sfence.sel $0xFFFF  }
0xbf: {  	[dreg:$0x0] =	wrdreg $0xFFFFFFFF;
	(pc) =	sbr.abs _section_cstart, $3  }
0xc0: {  	[dreg:$0x1] =	wrdreg $0xFFFFFFFF  }
0xc1: {  	_ =	task.clear_ibuf [dreg:s6], $0x2FFFF;
	_ =	strace $0x9FFFFFFF  }
0xc2: {  	(tm) =	ssettm $0x7FFFFFFF  }
0xc3: {  	_ =	shalt  }
tec
execute0_lowered:
.L_overlay_start_1:
0x0: {  	(tag) =	ssettag $0x1  }
0x1: {  	s0 =	rddreg [dreg:$0x0]  }
0x2: {  	s2 =	rddreg [dreg:$0x1];
	s3 =	simm.s32 $0x0  }
0x3: {  	s15 =	stileid.u32;
	s6 =	srdreg.scid;
	s28 =	simm.s32 $0x100  }
0x4: {  	s29 =	simm.s32 $0x180;
	s30 =	simm.s32 $0x4200;
	s31 =	simm.s32 $0x1  }
0x5: {  	[smem:$0x7FF] =	sst s3;
	s1 =	smul.u32 $0x2700, s15;
	s4 =	sadd.s32 $0x8E600, s0  }
0x6: {  	s5 =	sadd.s32 $0xF400, s0;
	s7 =	sand.u32 $0x1, s6;
	s6 =	sadd.s32 $0x5600, s0  }
0x7: {  	s12 =	smul.u32 $0x4E000, s15;
	s13 =	sadd.s32 $0xB5800, s0;
	s22 =	sshll.u32 s15, $0x6  }
0x8: {  	s24 =	sadd.s32 $0x138000, s2;
	s18 =	smul.u32 $0x2710, s15;
	p0 =	sne.s32 s15, $0xF  }
0x9: {  	_ =	strace $0x8000004D;
	s9 =	ssub.s32 $0x2, s7;
	s26 =	smul.u32 $0x138800, s7  }
0xa: {  	s11 =	sshll.u32 s7, $0x4;
	[dreg:$0x5] =	wrdreg s24;
	s7 =	smul.u32 $0x27100, s7  }
0xb: {  	s8 =	sadd.s32 s1, s0;
	s10 =	sshrl.u32 s9, $0x1;
	s20 =	sor.u32 s15, s11  }
0xc: {  	s21 =	sshrl.u32 s12, $0x2;
	s0 =	sadd.s32 $0x40200, s0;
	s11 =	simm.s32 $0x10  }
0xd: {  	s12 =	simm.s32 $0x8300;
	s10 =	ssub.s32 s9, s10;
	s14 =	smul.u32 $0x2710, s20  }
0xe: {  	s23 =	sadd.s32 s21, s2;
	s8 =	sadd.s32 $0x19200, s8;
	s9 =	sor.u32 $0x1C05, s22  }
0xf: {  	[dreg:$0x6] =	wrdreg s0;
	s17 =	sshrl.u32 s26, $0x3;
	s1 =	sadd.s32 s1, s7  }
0x10: {  	s22 =	sadd.s32 s18, s7;
	s7 =	simm.s32 $0x4;
	[dreg:$0x3] =	wrdreg s23  }
0x11: {  	[dreg:$0x4] =	wrdreg s8;
	s1 =	sadd.s32 s13, s1;
	s19 =	smax.u32 s10, $0x1  }
0x12: {  	s8 =	simm.s32 $0x8200;
	s10 =	simm.s32 $0x8280;
	[dreg:$0x9] =	wrdreg s1  }
0x13: {  	s25 =	sshrl.u32 s14, $0x3;
	[dreg:$0xb] =	wrdreg s19;
	s1 =	simm.s32 $0x3  }
0x14: {  	s14 =	sadd.s32 $0x4E0, s25;
	s20 =	sadd.s32 s5, s25;
	s21 =	sadd.s32 $0x10, s25  }
0x15: {  	s23 =	sadd.s32 s6, s25;
	s25 =	sadd.s32 $0x180, s22;
	[dreg:$0xc] =	wrdreg s20  }
0x16: {  	s16 =	sadd.s32 s5, s14;
	s0 =	sadd.s32 s6, s14;
	[dreg:$0xd] =	wrdreg s23  }
0x17: {  	s24 =	sadd.s32 s5, s21;
	s26 =	sshrl.u32 s25, $0x3;
	[dreg:$0x7] =	wrdreg s16  }
0x18: {  	s25 =	simm.s32 $0x80;
	[dreg:$0x8] =	wrdreg s0;
	s0 =	sadd.s32 s13, s17  }
0x19: {  	[dreg:$0xe] =	wrdreg s24;
	s23 =	sadd.s32 s26, s5;
	s0 =	sadd.s32 $0x27000, s0  }
0x1a: {  	s24 =	simm.s32 $0x5;
	s13 =	simm.s32 $0x0;
	[dreg:$0xa] =	wrdreg s0  }
0x1b: {  	s0 =	sadd.s32 s6, s21;
	s21 =	sadd.s32 $0x100, s22;
	s22 =	sadd.s32 s26, s6  }
0x1c: {  	s26 =	simm.s32 $0x200;
	[dreg:$0xf] =	wrdreg s0;
	s0 =	simm.s32 $0x2  }
.LBB2_1:
0x1d: {  	s14 =	rddreg [dreg:$0x3]  }
0x1e: {  	s15 =	rddreg [dreg:$0x4];
	s14 =	sshrl.u32 s14, $0x3  }
0x1f: {  	[spmem:s14], [sflag:s9] =	dma.local [hbm:s15], $0x2700  }
0x20: {  	_ =	swait.ge [sflag:s24], $0x2700  }
0x21: {  	[sflag:s24] =	ssyncset.done $0x0;
	s15 =	rddreg [dreg:$0x5]  }
0x22: {  	s16 =	rddreg [dreg:$0x6];
	[sflag:s24] =	ssyncadd.s32 $0xFFFFD900;
	s15 =	sshrl.u32 @!p0 s15, $0x3  }
0x23: {  	[spmem:s15], [sflag:s9] =	dma.local @!p0 [hbm:s16], $0x100  }
0x24: {  	s16 =	simm.s32 @!p0 $0x5  }
0x25: {  	_ =	swait.ge @!p0 [sflag:s16], $0x100  }
0x26: {  	[sflag:s16] =	ssyncset.done @!p0 $0x0  }
0x27: {  	[sflag:s16] =	ssyncadd.s32 @!p0 $0xFFFFFF00  }
0x28: {  	[bflag:$0x0] =	sbarrier.arrive $0xFFFF  }
0x29: {  	s18 =	rddreg [dreg:$0xc]  }
0x2a: {  	[tilespmem:s3], [sflag:$0x5] =	stream.linear.gather [hbm4b:s18+s3], $0x80, $0x38;
	[tilespmem:$0x1C380] =	vst v63  }
0x2b: {  	_ =	swait.ge [sflag:s24], $0x80  }
0x2c: {  	[sflag:s24] =	ssyncset.done $0x0  }
0x2d: {  	s19 =	rddreg [dreg:$0xd];
	[sflag:s24] =	ssyncadd.s32 $0xFFFFFF80  }
0x2e: {  	[tilespmem:s25], [sflag:$0x5] =	stream.linear.gather [hbm4b:s19+s3], $0x80, $0x38;
	[tilespmem:$0x1C380] =	vst v63  }
0x2f: {  	_ =	swait.ge [sflag:s24], $0x80  }
0x30: {  	[sflag:s24] =	ssyncset.done $0x0  }
0x31: {  	[sflag:s24] =	ssyncadd.s32 $0xFFFFFF80  }
0x32: {  	[tilespmem:s26], [sflag:$0x1] =	stream.indirect.gather [hbm4b:s4+s25], $0x80, s3, s25, $0xb8;
	[tilespmem:$0x1C380] =	vst v63  }
0x33: {  	s20 =	rddreg [dreg:$0xe]  }
0x34: {  	[tilespmem:s28], [sflag:$0x5] =	stream.linear.gather [hbm4b:s20+s3], $0x80, $0x38;
	[tilespmem:$0x1C380] =	vst v63  }
0x35: {  	_ =	swait.ge [sflag:s24], $0x80  }
0x36: {  	[sflag:s24] =	ssyncset.done $0x0  }
0x37: {  	s17 =	rddreg [dreg:$0xf];
	[sflag:s24] =	ssyncadd.s32 $0xFFFFFF80  }
0x38: {  	[tilespmem:s29], [sflag:$0x5] =	stream.linear.gather [hbm4b:s17+s3], $0x80, $0x38;
	[tilespmem:$0x1C380] =	vst v63  }
0x39: {  	_ =	swait.ge [sflag:s24], $0x80  }
0x3a: {  	[sflag:s24] =	ssyncset.done $0x0  }
0x3b: {  	[sflag:s24] =	ssyncadd.s32 $0xFFFFFF80  }
0x3c: {  	[tilespmem:s30], [sflag:$0x2] =	stream.indirect.gather [hbm4b:s4+s25], $0x80, s28, s25, $0xb8;
	[tilespmem:$0x1C380] =	vst v63  }
0x3d: {  	_ =	swait.ge [sflag:s31], $0x4000  }
0x3e: {  	[sflag:s31] =	ssyncset.done $0x0  }
0x3f: {  	[sflag:s31] =	ssyncadd.s32 $0xFFFFC000  }
0x40: {  	[spmem:s2] =	stream.indirect.scatter.add.f32 [tilespmem:s26], [sflag:$0x3], $0x80, s25, s25, $0xb8;
	[tilespmem:$0x1C380] =	vst v63  }
0x41: {  	_ =	swait.ge [sflag:s0], $0x4000  }
0x42: {  	[sflag:s0] =	ssyncset.done $0x0  }
0x43: {  	[sflag:s0] =	ssyncadd.s32 $0xFFFFC000  }
0x44: {  	[spmem:s2] =	stream.indirect.scatter.add.f32 [tilespmem:s30], [sflag:$0x4], $0x80, s29, s25, $0xb8;
	[tilespmem:$0x1C380] =	vst v63  }
0x45: {  	_ =	swait.ge [sflag:s1], $0x4000  }
0x46: {  	s18 =	sshrl.u32 s21, $0x3;
	[sflag:s1] =	ssyncset.done $0x0  }
0x47: {  	s17 =	sadd.s32 s5, s18;
	[sflag:s1] =	ssyncadd.s32 $0xFFFFC000  }
0x48: {  	[tilespmem:s3], [sflag:$0x5] =	stream.linear.gather [hbm4b:s17+s3], $0x80, $0x38;
	[tilespmem:$0x1C380] =	vst v63  }
0x49: {  	_ =	swait.ge [sflag:s24], $0x80  }
0x4a: {  	[sflag:s24] =	ssyncset.done $0x0  }
0x4b: {  	s16 =	sadd.s32 s6, s18;
	[sflag:s24] =	ssyncadd.s32 $0xFFFFFF80  }
0x4c: {  	[tilespmem:s25], [sflag:$0x5] =	stream.linear.gather [hbm4b:s16+s3], $0x80, $0x38;
	[tilespmem:$0x1C380] =	vst v63  }
0x4d: {  	_ =	swait.ge [sflag:s24], $0x80  }
0x4e: {  	[sflag:s24] =	ssyncset.done $0x0  }
0x4f: {  	[sflag:s24] =	ssyncadd.s32 $0xFFFFFF80  }
0x50: {  	[tilespmem:s26], [sflag:$0x1] =	stream.indirect.gather [hbm4b:s4+s25], $0x80, s3, s25, $0xb8;
	[tilespmem:$0x1C380] =	vst v63  }
0x51: {  	_ =	swait.ge [sflag:s7], $0x4000  }
0x52: {  	[sflag:s7] =	ssyncset.done $0x0  }
0x53: {  	s19 =	sadd.s32 $0x0, s23;
	[sflag:s7] =	ssyncadd.s32 $0xFFFFC000  }
0x54: {  	[tilespmem:s28], [sflag:$0x5] =	stream.linear.gather [hbm4b:s19+s3], $0x80, $0x38;
	[tilespmem:$0x1C380] =	vst v63  }
0x55: {  	_ =	swait.ge [sflag:s24], $0x80  }
0x56: {  	[sflag:s24] =	ssyncset.done $0x0  }
0x57: {  	s20 =	sadd.s32 $0x0, s22;
	[sflag:s24] =	ssyncadd.s32 $0xFFFFFF80  }
0x58: {  	[tilespmem:s29], [sflag:$0x5] =	stream.linear.gather [hbm4b:s20+s3], $0x80, $0x38;
	[tilespmem:$0x1C380] =	vst v63  }
0x59: {  	_ =	swait.ge [sflag:s24], $0x80  }
0x5a: {  	[sflag:s24] =	ssyncset.done $0x0  }
0x5b: {  	[sflag:s24] =	ssyncadd.s32 $0xFFFFFF80  }
0x5c: {  	[tilespmem:s30], [sflag:$0x2] =	stream.indirect.gather [hbm4b:s4+s25], $0x80, s28, s25, $0xb8;
	[tilespmem:$0x1C380] =	vst v63  }
0x5d: {  	_ =	swait.ge [sflag:s31], $0x4000  }
0x5e: {  	[sflag:s31] =	ssyncset.done $0x0  }
0x5f: {  	[sflag:s31] =	ssyncadd.s32 $0xFFFFC000  }
0x60: {  	[spmem:s2] =	stream.indirect.scatter.add.f32 [tilespmem:s26], [sflag:$0x3], $0x80, s25, s25, $0xb8;
	[tilespmem:$0x1C380] =	vst v63  }
0x61: {  	_ =	swait.ge [sflag:s0], $0x4000  }
0x62: {  	[sflag:s0] =	ssyncset.done $0x0  }
0x63: {  	s17 =	sadd.s32 $0x100, s21;
	s16 =	simm.s32 $0x20;
	[sflag:s0] =	ssyncadd.s32 $0xFFFFC000  }
.LBB2_2:
0x64: {  	[spmem:s2] =	stream.indirect.scatter.add.f32 [tilespmem:s30], [sflag:$0x4], $0x80, s29, s25, $0xb8;
	[tilespmem:$0x1C380] =	vst v63  }
0x65: {  	s18 =	smov.u32 s16  }
0x66: {  	p1 =	sne.s32 s16, $0x4A0;
	s16 =	sadd.s32 $0x20, s16;
	_ =	swait.ge [sflag:s1], $0x4000  }
0x67: {  	s19 =	sshrl.u32 s17, $0x3;
	[sflag:s1] =	ssyncset.done $0x0  }
0x68: {  	s20 =	sadd.s32 s5, s19;
	[sflag:s1] =	ssyncadd.s32 $0xFFFFC000  }
0x69: {  	[tilespmem:s3], [sflag:$0x5] =	stream.linear.gather [hbm4b:s20+s3], $0x80, $0x38;
	[tilespmem:$0x1C380] =	vst v63  }
0x6a: {  	_ =	swait.ge [sflag:s24], $0x80  }
0x6b: {  	[sflag:s24] =	ssyncset.done $0x0  }
0x6c: {  	s19 =	sadd.s32 s6, s19;
	[sflag:s24] =	ssyncadd.s32 $0xFFFFFF80  }
0x6d: {  	[tilespmem:s25], [sflag:$0x5] =	stream.linear.gather [hbm4b:s19+s3], $0x80, $0x38;
	[tilespmem:$0x1C380] =	vst v63  }
0x6e: {  	_ =	swait.ge [sflag:s24], $0x80  }
0x6f: {  	[sflag:s24] =	ssyncset.done $0x0  }
0x70: {  	[sflag:s24] =	ssyncadd.s32 $0xFFFFFF80  }
0x71: {  	[tilespmem:s26], [sflag:$0x1] =	stream.indirect.gather [hbm4b:s4+s25], $0x80, s3, s25, $0xb8;
	[tilespmem:$0x1C380] =	vst v63  }
0x72: {  	_ =	swait.ge [sflag:s7], $0x4000  }
0x73: {  	[sflag:s7] =	ssyncset.done $0x0  }
0x74: {  	s19 =	sadd.s32 s18, s23;
	[sflag:s7] =	ssyncadd.s32 $0xFFFFC000  }
0x75: {  	[tilespmem:s28], [sflag:$0x5] =	stream.linear.gather [hbm4b:s19+s3], $0x80, $0x38;
	[tilespmem:$0x1C380] =	vst v63  }
0x76: {  	_ =	swait.ge [sflag:s24], $0x80  }
0x77: {  	[sflag:s24] =	ssyncset.done $0x0  }
0x78: {  	s18 =	sadd.s32 s18, s22;
	[sflag:s24] =	ssyncadd.s32 $0xFFFFFF80  }
0x79: {  	[tilespmem:s29], [sflag:$0x5] =	stream.linear.gather [hbm4b:s18+s3], $0x80, $0x38;
	[tilespmem:$0x1C380] =	vst v63  }
0x7a: {  	_ =	swait.ge [sflag:s24], $0x80  }
0x7b: {  	[sflag:s24] =	ssyncset.done $0x0  }
0x7c: {  	[sflag:s24] =	ssyncadd.s32 $0xFFFFFF80  }
0x7d: {  	[tilespmem:s30], [sflag:$0x2] =	stream.indirect.gather [hbm4b:s4+s25], $0x80, s28, s25, $0xb8;
	[tilespmem:$0x1C380] =	vst v63  }
0x7e: {  	_ =	swait.ge [sflag:s31], $0x4000  }
0x7f: {  	[sflag:s31] =	ssyncset.done $0x0  }
.Ltmp0:
0x80: {  	[sflag:s31] =	ssyncadd.s32 $0xFFFFC000;
	(pc) =	sbr.rel @p1 .LBB2_2-.Ltmp0, $4  }
0x81: {  	[spmem:s2] =	stream.indirect.scatter.add.f32 [tilespmem:s26], [sflag:$0x3], $0x80, s25, s25, $0xb8;
	[tilespmem:$0x1C380] =	vst v63  }
0x82: {  	_ =	swait.ge [sflag:s0], $0x4000  }
0x83: {  	[sflag:s0] =	ssyncset.done $0x0  }
0x84: {  	s17 =	sadd.s32 $0x100, s17;
	[sflag:s0] =	ssyncadd.s32 $0xFFFFC000  }
0x85: {  	[spmem:s2] =	stream.indirect.scatter.add.f32 [tilespmem:s30], [sflag:$0x4], $0x80, s29, s25, $0xb8;
	[tilespmem:$0x1C380] =	vst v63  }
0x86: {  	_ =	swait.ge [sflag:s1], $0x4000  }
0x87: {  	[sflag:s1] =	ssyncset.done $0x0  }
0x88: {  	[sflag:s1] =	ssyncadd.s32 $0xFFFFC000  }
0x89: {  	_ =	swait.ge [sflag:s7], $0x4000  }
0x8a: {  	[sflag:s7] =	ssyncset.done $0x0  }
0x8b: {  	s16 =	rddreg [dreg:$0x7];
	[sflag:s7] =	ssyncadd.s32 $0xFFFFC000  }
0x8c: {  	[tilespmem:s8], [sflag:$0x5] =	stream.linear.gather [hbm4b:s16+s3], $0x10, $0x38;
	[tilespmem:$0x1C380] =	vst v63  }
0x8d: {  	_ =	swait.ge [sflag:s24], $0x10  }
0x8e: {  	[sflag:s24] =	ssyncset.done $0x0  }
0x8f: {  	s18 =	rddreg [dreg:$0x8];
	[sflag:s24] =	ssyncadd.s32 $0xFFFFFFF0  }
0x90: {  	[tilespmem:s10], [sflag:$0x5] =	stream.linear.gather [hbm4b:s18+s3], $0x10, $0x38;
	[tilespmem:$0x1C380] =	vst v63  }
0x91: {  	_ =	swait.ge [sflag:s24], $0x10  }
0x92: {  	[sflag:s24] =	ssyncset.done $0x0  }
0x93: {  	[sflag:s24] =	ssyncadd.s32 $0xFFFFFFF0  }
0x94: {  	[tilespmem:s12], [sflag:$0x1] =	stream.indirect.gather [hbm4b:s4+s11], $0x80, s8, s11, $0xb8;
	[tilespmem:$0x1C380] =	vst v63  }
0x95: {  	_ =	swait.ge [sflag:s31], $0x800  }
0x96: {  	[sflag:s31] =	ssyncset.done $0x0  }
0x97: {  	[sflag:s31] =	ssyncadd.s32 $0xFFFFF800  }
0x98: {  	[spmem:s2] =	stream.indirect.scatter.add.f32 [tilespmem:s12], [sflag:$0x5], $0x80, s10, s11, $0xb8;
	[tilespmem:$0x1C380] =	vst v63  }
0x99: {  	_ =	swait.ge [sflag:s24], $0x800  }
0x9a: {  	[sflag:s24] =	ssyncset.done $0x0  }
0x9b: {  	[sflag:s24] =	ssyncadd.s32 $0xFFFFF800  }
0x9c: {  	[bflag:$0x0] =	sbarrier.arrive $0xFFFF  }
0x9d: {  	s19 =	rddreg [dreg:$0x9]  }
0x9e: {  	[hbm:s19], [sflag:s9] =	dma.local [spmem:s14], $0x2700  }
0x9f: {  	_ =	swait.ge [sflag:s24], $0x2700  }
0xa0: {  	[sflag:s24] =	ssyncset.done $0x0  }
0xa1: {  	s14 =	rddreg [dreg:$0xa];
	[sflag:s24] =	ssyncadd.s32 $0xFFFFD900  }
0xa2: {  	[hbm:s14], [sflag:s9] =	dma.local @!p0 [spmem:s15], $0x100  }
0xa3: {  	s14 =	simm.s32 @!p0 $0x5  }
0xa4: {  	_ =	swait.ge @!p0 [sflag:s14], $0x100  }
0xa5: {  	s13 =	sadd.s32 $0x1, s13;
	s20 =	rddreg [dreg:$0xb]  }
0xa6: {  	p1 =	sne.s32 s13, s20  }
.Ltmp1:
0xa7: {  	_ = 	snop;
	(pc) =	sbr.rel @p1 .LBB2_1-.Ltmp1, $3  }
0xa8: {  	_ =	sdelay $0x1  }
0xa9: {  	[sflag:s14] =	ssyncset.done @!p0 $0x0  }
0xaa: {  	[sflag:s14] =	ssyncadd.s32 @!p0 $0xFFFFFF00  }
0xab: {  	_ =	sfence.sel $0x180000  }
0xac: {  	[bflag:$0x0] =	sbarrier.arrive $0xFFFF  }
0xad: {  	_ =	strace $0x9000004D  }
0xae: {  	s0 =	stileid.u32;
	[bflag:$0x2] =	sbarrier.arrive $0xFFFF  }
0xaf: {  	p0 =	sne.s32 s0, $0x0;
	s0 =	rddreg [dreg:$0x2]  }
0xb0: {  	s0 =	sadd.s32 @!p0 $0x100000, s0  }
0xb1: {  	[sflag:s0] =	ssyncadd.tile.s32 @!p0 $0x1;
	_ =	shalt  }
.Lfunc_end2:
_tile_overlayer_lowered:
.L_overlay_start_2:
0xb2: {  	(tag) =	ssettag $0x2  }
0xb3: {  	s0 =	rddreg [dreg:$0x0];
	s2 =	stileid.u32  }
0xb4: {  	s1 =	rddreg [dreg:$0x1];
	p0 =	sne.s32 s2, $0x0  }
0xb5: {  	s3 =	rddreg [dreg:$0x2];
	[bflag:$0x3] =	sbarrier.arrive $0xFFFF;
	s2 =	simm.s32 @!p0 $0x1C05  }
0xb6: {  	[timem:s3], [sflag:s2] =	dma.local @!p0 [hbm:s0], s1  }
0xb7: {  	s0 =	simm.s32 @!p0 $0x5  }
0xb8: {  	_ =	swait.ge @!p0 [sflag:s0], s1  }
0xb9: {  	s1 =	ssub.s32 @!p0 $0x0, s1;
	[sflag:s0] =	ssyncset.done @!p0 $0x0  }
0xba: {  	[sflag:s0] =	ssyncadd.s32 @!p0 s1  }
0xbb: {  	[bflag:$0x3] =	sbarrier.arrive $0xFFFF  }
0xbc: {  	_ =	shalt  }

// kernel: kernel.21.cloned.1.call-start
scs
__scs_entry_jumppad:
0x0: {  	(pc) =	sbr.rel $0x88, $3  }
0x1: {  	(tag) =	ssettag $0x0;
	lr =	simm.s32 $0x1  }
0x2: {  	[smem:$0x3F8B] =	sst lr;
	_ =	strace $0xD0000000  }
0x3: {  	_ = 	snop  }
0x4: {  	_ = 	snop  }
0x5: {  	_ = 	snop  }
0x6: {  	_ = 	snop  }
0x7: {  	_ = 	snop  }
__scs_overlays_trampoline_lowered:
0x8: {  	[smem:$0x3F9A] =	sst s0  }
0x9: {  	[smem:$0x3F9B] =	sst s1  }
0xa: {  	[smem:$0x3F9C] =	sst s2  }
0xb: {  	[smem:$0x3F9D] =	sst s3  }
0xc: {  	[smem:$0x3F9E] =	sst s4  }
0xd: {  	[smem:$0x3F9F] =	sst s5  }
0xe: {  	[smem:$0x3FA0] =	sst s6  }
0xf: {  	[smem:$0x3FA1] =	sst s7  }
0x10: {  	[smem:$0x3FA2] =	sst s8  }
0x11: {  	[smem:$0x3FA3] =	sst s9;
	s0 =	simm.s32 @!p0 $0x0  }
0x12: {  	s1 =	sld [smem:$0x3F89];
	s0 =	simm.s32 @p0 $0x1  }
0x13: {  	[smem:$0x3FA4] =	sst s0;
	s0 =	simm.s32 @!p1 $0x0  }
0x14: {  	s2 =	sld [smem:$0x3F88];
	s0 =	simm.s32 @p1 $0x1  }
0x15: {  	[smem:$0x3FA5] =	sst s0;
	s0 =	simm.s32 @!p2 $0x0  }
0x16: {  	s3 =	sld [smem:$0x3FDB];
	s0 =	simm.s32 @p2 $0x1  }
0x17: {  	s4 =	simm.s32 $0x1BF5;
	[smem:$0x3FA7] =	sst s0  }
0x18: {  	s0 =	sld [smem:$0x3F8A];
	_ =	swait.ge [sflag:s4], $0x0  }
0x19: {  	s7 =	sld [smem:$0x3F8B]  }
0x1a: {  	s8 =	sadd.s32 $0xFFFFE003, lr  }
0x1b: {  	s9 =	sadd.s32 $0xFFFFFEF7, lr;
	s5 =	simm.s32 $0xFFFFFFFF;
	p2 =	slt.u32 s8, $0xFFFFF086  }
0x1c: {  	p1 =	slt.u32 s9, $0xF7A;
	s5 =	simm.s32 @!p2 $0x0  }
0x1d: {  	s5 =	simm.s32 @p1 $0x1;
	p0 =	seq.s32 s7, s2  }
0x1e: {  	s7 =	smul.u32 @!p0 $0xF7A, s2;
	p2 =	seq.s32 @!p0 s5, $0x0  }
0x1f: {  	s9 =	smul.u32 $0xF7A, s1;
	s8 =	simm.s32 @!p0 $0x1BF5;
	p2 =	por !p2, p0  }
0x20: {  	[sflag:s8] =	ssyncset.s32 @!p0 $0xFFFFF086;
	s6 =	sadd.s32 @!p0 s3, s7;
	s7 =	simm.s32 @!p0 $0x108  }
0x21: {  	s3 =	sadd.s32 s3, s9;
	s6 =	sadd.s32 @!p0 $0x88, s6;
	s7 =	simm.s32 @p2 $0x1082  }
0x22: {  	[simem:s7], [sflag:s8] =	dma.local @!p0 [hbm:s6], $0xF7A  }
0x23: {  	s9 =	sor.u32 $0xD0000000, s2;
	s6 =	simm.s32 $0x108;
	_ =	swait.ge @!p0 [sflag:s8], $0x0  }
0x24: {  	s3 =	sadd.s32 $0x88, s3;
	s6 =	simm.s32 @!p1 $0x1082;
	[sflag:s4] =	ssyncset.s32 $0xFFFFF086  }
0x25: {  	[simem:s6], [sflag:s4] =	dma.local [hbm:s3], $0xF7A  }
0x26: {  	[smem:$0x3F8B] =	sst s1;
	(tag) =	ssettag s2;
	_ =	strace s9  }
0x27: {  	s1 =	sld [smem:$0x3F9B]  }
0x28: {  	s2 =	sld [smem:$0x3F9C]  }
0x29: {  	s4 =	sld [smem:$0x3F9E]  }
0x2a: {  	p0 =	seq.s32 s5, $0x0;
	s5 =	sld [smem:$0x3F9F]  }
0x2b: {  	s6 =	sld [smem:$0x3FA0]  }
0x2c: {  	s7 =	sld [smem:$0x3FA1]  }
0x2d: {  	s3 =	simm.s32 $0x108;
	s8 =	sld [smem:$0x3FA2]  }
0x2e: {  	s3 =	simm.s32 @!p0 $0x1082;
	s9 =	sld [smem:$0x3FA3]  }
0x2f: {  	lr =	sadd.s32 s0, s3;
	s0 =	sld [smem:$0x3F9A]  }
0x30: {  	s3 =	sld [smem:$0x3F9D]  }
0x31: {  	[smem:$0x3FA6] =	sst s10  }
0x32: {  	s10 =	sld [smem:$0x3FA4];
	_ =	sdelay $0x3  }
0x33: {  	p0 =	seq.s32 s10, $0x1;
	s10 =	sld [smem:$0x3FA6];
	_ =	sdelay $0x3  }
0x34: {  	[smem:$0x3FA6] =	sst s10  }
0x35: {  	s10 =	sld [smem:$0x3FA5];
	_ =	sdelay $0x3  }
0x36: {  	p1 =	seq.s32 s10, $0x1;
	s10 =	sld [smem:$0x3FA6];
	_ =	sdelay $0x3  }
0x37: {  	[smem:$0x3FA6] =	sst s10  }
0x38: {  	s10 =	sld [smem:$0x3FA7]  }
0x39: {  	_ = 	snop;
	(pc) =	sbr.ind lr, $3  }
0x3a: {  	_ = 	snop  }
0x3b: {  	_ = 	snop  }
0x3c: {  	p2 =	seq.s32 s10, $0x1;
	s10 =	sld [smem:$0x3FA6]  }
0x3d: {  	_ =	shalt  }
0x3e: {  	_ =	shalt  }
0x3f: {  	_ =	shalt  }
0x40: {  	_ =	shalt  }
0x41: {  	_ =	shalt  }
0x42: {  	_ =	shalt  }
0x43: {  	_ =	shalt  }
0x44: {  	_ =	shalt  }
0x45: {  	_ =	shalt  }
0x46: {  	_ =	shalt  }
0x47: {  	_ =	shalt  }
0x48: {  	_ =	shalt  }
0x49: {  	_ =	shalt  }
0x4a: {  	_ =	shalt  }
0x4b: {  	_ =	shalt  }
0x4c: {  	_ =	shalt  }
0x4d: {  	_ =	shalt  }
0x4e: {  	_ =	shalt  }
0x4f: {  	_ =	shalt  }
0x50: {  	_ =	shalt  }
0x51: {  	_ =	shalt  }
0x52: {  	_ =	shalt  }
0x53: {  	_ =	shalt  }
0x54: {  	_ =	shalt  }
0x55: {  	_ =	shalt  }
0x56: {  	_ =	shalt  }
0x57: {  	_ =	shalt  }
0x58: {  	_ =	shalt  }
0x59: {  	_ =	shalt  }
0x5a: {  	_ =	shalt  }
0x5b: {  	_ =	shalt  }
0x5c: {  	_ =	shalt  }
0x5d: {  	_ =	shalt  }
0x5e: {  	_ =	shalt  }
0x5f: {  	_ =	shalt  }
0x60: {  	_ =	shalt  }
0x61: {  	_ =	shalt  }
0x62: {  	_ =	shalt  }
0x63: {  	_ =	shalt  }
0x64: {  	_ =	shalt  }
0x65: {  	_ =	shalt  }
0x66: {  	_ =	shalt  }
0x67: {  	_ =	shalt  }
0x68: {  	_ =	shalt  }
0x69: {  	_ =	shalt  }
0x6a: {  	_ =	shalt  }
0x6b: {  	_ =	shalt  }
0x6c: {  	_ =	shalt  }
0x6d: {  	_ =	shalt  }
0x6e: {  	_ =	shalt  }
0x6f: {  	_ =	shalt  }
0x70: {  	_ =	shalt  }
0x71: {  	_ =	shalt  }
0x72: {  	_ =	shalt  }
0x73: {  	_ =	shalt  }
0x74: {  	_ =	shalt  }
0x75: {  	_ =	shalt  }
0x76: {  	_ =	shalt  }
0x77: {  	_ =	shalt  }
0x78: {  	_ =	shalt  }
0x79: {  	_ =	shalt  }
0x7a: {  	_ =	shalt  }
0x7b: {  	_ =	shalt  }
0x7c: {  	_ =	shalt  }
0x7d: {  	_ =	shalt  }
0x7e: {  	_ =	shalt  }
0x7f: {  	_ =	shalt  }
0x80: {  	_ =	shalt  }
0x81: {  	_ =	shalt  }
0x82: {  	_ =	shalt  }
0x83: {  	_ =	shalt  }
0x84: {  	_ =	shalt  }
0x85: {  	_ =	shalt  }
0x86: {  	_ =	shalt  }
0x87: {  	_ =	shalt  }
.Lfunc_end0:
.L_simem_size_0:
called_computation.3_lowered:
.L_overlay_start_0:
0x88: {  	s2 =	sld [smem:$0x3FD9]  }
0x89: {  	s3 =	sld [smem:$0x3FFE];
	_ =	sdelay $0x1  }
0x8a: {  	s1 =	srdreg.scid  }
0x8b: {  	s0 =	sand.u32 $0x1, s1  }
0x8c: {  	s16 =	sshll.u32 s0, $0xA;
	s2 =	sadd.s32 s3, s2  }
0x8d: {  	s2 =	sadd.s32 s2, s16  }
0x8e: {  	[smem:$0x3FB2] =	sst s2  }
0x8f: {  	_ = 	snop  }
0x90: {  	(tm) =	ssettm $0x1  }
0x91: {  	s17 =	sld [smem:$0x3FFB];
	_ =	sdelay $0x3  }
0x92: {  	_ =	strace s17  }
0x93: {  	s2 =	sld [smem:$0x3FFC];
	_ =	sdelay $0x3  }
0x94: {  	_ =	strace s2  }
0x95: {  	s2 =	sld [smem:$0x3FFD];
	_ =	sdelay $0x3  }
0x96: {  	_ =	strace s2  }
0x97: {  	_ =	strace $0x8FFFFFFF  }
0x98: {  	s18 =	sld [smem:$0x3FDB];
	_ =	sdelay $0x1  }
0x99: {  	s19 =	simm.s32 $_scs_section_size  }
0x9a: {  	s4 =	simm.s32 $_size__tile_overlayer_lowered;
	s5 =	simm.s32 $_tile_overlayer_lowered  }
0x9b: {  	s22 =	simm.s32 $0x1BFF;
	s21 =	sshll.u32 s5, $0x1;
	s2 =	sadd.s32 s19, s18  }
0x9c: {  	s6 =	simm.s32 $0x0;
	s20 =	sshll.u32 s4, $0x1;
	s4 =	sadd.s32 s21, s2  }
0x9d: {  	[timem:s6], [sflag:s22] =	dma.local [hbm:s4], s20  }
0x9e: {  	_ =	swait.ge [sflag:s22], s20  }
0x9f: {  	s3 =	ssub.s32 $0x0, s20;
	[sflag:s22] =	ssyncset.done $0x0  }
0xa0: {  	[sflag:s22] =	ssyncadd.s32 s3;
	_ =	sdelay $0x1  }
0xa1: {  	s23 =	simm.s32 $0x1B8B  }
0xa2: {  	_ =	swait.ge [sflag:s23], $0x1  }
0xa3: {  	[sflag:s23] =	ssyncset.done $0x0  }
0xa4: {  	s25 =	simm.s32 $0x1B8E;
	s24 =	sld [smem:$0x3FFE];
	[sflag:s23] =	ssyncadd.s32 $0xFFFFFFFF  }
0xa5: {  	s26 =	simm.s32 $execute0_lowered;
	[smem:$0x3FD2] =	sst s25  }
0xa6: {  	s4 =	sshll.u32 s26, $0x1;
	_ =	strace $0x8000004F;
	[dreg:$0x1] =	wrdreg $0xFFFFFFFF  }
0xa7: {  	s28 =	simm.s32 $_size_execute0_lowered;
	s2 =	sadd.s32 s2, s4;
	[dreg:$0x0] =	wrdreg $0x0  }
0xa8: {  	s4 =	sshll.u32 s28, $0x1;
	[dreg:$0x2] =	wrdreg s2  }
0xa9: {  	[dreg:$0x3] =	wrdreg s4  }
0xaa: {  	[dreg:$0x4] =	wrdreg $0xC0  }
0xab: {  	_ =	task [dreg:s6], $0x5FFFF  }
0xac: {  	[dreg:$0x1] =	wrdreg $0xFFFFFFFF  }
0xad: {  	[dreg:$0x0] =	wrdreg $0x60  }
0xae: {  	[dreg:$0x2] =	wrdreg s24  }
0xaf: {  	[dreg:$0x3] =	wrdreg $0x8B000  }
0xb0: {  	[dreg:$0x4] =	wrdreg $0x9  }
0xb1: {  	_ =	task.clear_ibuf [dreg:s6], $0x5FFFF;
	_ =	strace $0x9000004F  }
0xb2: {  	s29 =	simm.s32 $0x9;
	_ =	strace $0x80000051  }
0xb3: {  	_ =	swait.ge [sflag:s29], $0x1  }
0xb4: {  	[sflag:s29] =	ssyncadd.s32 $0xFFFFFFFF  }
0xb5: {  	_ =	strace $0x90000051  }
0xb6: {  	_ =	sfence  }
0xb7: {  	s30 =	sld [smem:$0x0];
	_ =	sdelay $0x2  }
0xb8: {  	s31 =	sshll.u32 s1, $0xD;
	s1 =	sshrl.u32 s1, $0x2  }
0xb9: {  	s3 =	sand.u32 $0x4000, s31;
	s1 =	sadd.s32 s1, s30  }
0xba: {  	s0 =	sor.u32 s3, s0;
	s1 =	sshll.u32 s1, $0x11  }
0xbb: {  	s0 =	sor.u32 s1, s0  }
0xbc: {  	s0 =	sadd.s32 $0x8F2B, s0  }
0xbd: {  	[sflag:s0] =	ssyncadd.remote.s32 $0x1  }
0xbe: {  	_ =	sfence.sel $0xFFFF  }
0xbf: {  	[dreg:$0x0] =	wrdreg $0xFFFFFFFF;
	(pc) =	sbr.abs _section_cstart, $3  }
0xc0: {  	[dreg:$0x1] =	wrdreg $0xFFFFFFFF  }
0xc1: {  	_ =	task.clear_ibuf [dreg:s6], $0x2FFFF;
	_ =	strace $0x9FFFFFFF  }
0xc2: {  	(tm) =	ssettm $0x7FFFFFFF  }
0xc3: {  	_ =	shalt  }
tec
execute0_lowered:
.L_overlay_start_1:
0x0: {  	(tag) =	ssettag $0x1  }
0x1: {  	s0 =	rddreg [dreg:$0x0]  }
0x2: {  	s2 =	rddreg [dreg:$0x1];
	s3 =	simm.s32 $0x0  }
0x3: {  	s15 =	stileid.u32;
	s6 =	srdreg.scid;
	s28 =	simm.s32 $0x100  }
0x4: {  	s29 =	simm.s32 $0x180;
	s30 =	simm.s32 $0x4200;
	s31 =	simm.s32 $0x1  }
0x5: {  	[smem:$0x7FF] =	sst s3;
	s1 =	smul.u32 $0x2700, s15;
	s4 =	sadd.s32 $0x8E600, s0  }
0x6: {  	s5 =	sadd.s32 $0xF400, s0;
	s7 =	sand.u32 $0x1, s6;
	s6 =	sadd.s32 $0x5600, s0  }
0x7: {  	s12 =	smul.u32 $0x4E000, s15;
	s13 =	sadd.s32 $0xB5800, s0;
	s22 =	sshll.u32 s15, $0x6  }
0x8: {  	s24 =	sadd.s32 $0x138000, s2;
	s18 =	smul.u32 $0x2710, s15;
	p0 =	sne.s32 s15, $0xF  }
0x9: {  	_ =	strace $0x80000050;
	s9 =	ssub.s32 $0x2, s7;
	s26 =	smul.u32 $0x138800, s7  }
0xa: {  	s11 =	sshll.u32 s7, $0x4;
	[dreg:$0x5] =	wrdreg s24;
	s7 =	smul.u32 $0x27100, s7  }
0xb: {  	s8 =	sadd.s32 s1, s0;
	s10 =	sshrl.u32 s9, $0x1;
	s20 =	sor.u32 s15, s11  }
0xc: {  	s21 =	sshrl.u32 s12, $0x2;
	s0 =	sadd.s32 $0x40200, s0;
	s11 =	simm.s32 $0x10  }
0xd: {  	s12 =	simm.s32 $0x8300;
	s10 =	ssub.s32 s9, s10;
	s14 =	smul.u32 $0x2710, s20  }
0xe: {  	s23 =	sadd.s32 s21, s2;
	s8 =	sadd.s32 $0x19200, s8;
	s9 =	sor.u32 $0x1C05, s22  }
0xf: {  	[dreg:$0x6] =	wrdreg s0;
	s17 =	sshrl.u32 s26, $0x3;
	s1 =	sadd.s32 s1, s7  }
0x10: {  	s22 =	sadd.s32 s18, s7;
	s7 =	simm.s32 $0x4;
	[dreg:$0x3] =	wrdreg s23  }
0x11: {  	[dreg:$0x4] =	wrdreg s8;
	s1 =	sadd.s32 s13, s1;
	s19 =	smax.u32 s10, $0x1  }
0x12: {  	s8 =	simm.s32 $0x8200;
	s10 =	simm.s32 $0x8280;
	[dreg:$0x9] =	wrdreg s1  }
0x13: {  	s25 =	sshrl.u32 s14, $0x3;
	[dreg:$0xb] =	wrdreg s19;
	s1 =	simm.s32 $0x3  }
0x14: {  	s14 =	sadd.s32 $0x4E0, s25;
	s20 =	sadd.s32 s5, s25;
	s21 =	sadd.s32 $0x10, s25  }
0x15: {  	s23 =	sadd.s32 s6, s25;
	s25 =	sadd.s32 $0x180, s22;
	[dreg:$0xc] =	wrdreg s20  }
0x16: {  	s16 =	sadd.s32 s5, s14;
	s0 =	sadd.s32 s6, s14;
	[dreg:$0xd] =	wrdreg s23  }
0x17: {  	s24 =	sadd.s32 s5, s21;
	s26 =	sshrl.u32 s25, $0x3;
	[dreg:$0x7] =	wrdreg s16  }
0x18: {  	s25 =	simm.s32 $0x80;
	[dreg:$0x8] =	wrdreg s0;
	s0 =	sadd.s32 s13, s17  }
0x19: {  	[dreg:$0xe] =	wrdreg s24;
	s23 =	sadd.s32 s26, s5;
	s0 =	sadd.s32 $0x27000, s0  }
0x1a: {  	s24 =	simm.s32 $0x5;
	s13 =	simm.s32 $0x0;
	[dreg:$0xa] =	wrdreg s0  }
0x1b: {  	s0 =	sadd.s32 s6, s21;
	s21 =	sadd.s32 $0x100, s22;
	s22 =	sadd.s32 s26, s6  }
0x1c: {  	s26 =	simm.s32 $0x200;
	[dreg:$0xf] =	wrdreg s0;
	s0 =	simm.s32 $0x2  }
.LBB2_1:
0x1d: {  	s14 =	rddreg [dreg:$0x3]  }
0x1e: {  	s15 =	rddreg [dreg:$0x4];
	s14 =	sshrl.u32 s14, $0x3  }
0x1f: {  	[spmem:s14], [sflag:s9] =	dma.local [hbm:s15], $0x2700  }
0x20: {  	_ =	swait.ge [sflag:s24], $0x2700  }
0x21: {  	[sflag:s24] =	ssyncset.done $0x0;
	s15 =	rddreg [dreg:$0x5]  }
0x22: {  	s16 =	rddreg [dreg:$0x6];
	[sflag:s24] =	ssyncadd.s32 $0xFFFFD900;
	s15 =	sshrl.u32 @!p0 s15, $0x3  }
0x23: {  	[spmem:s15], [sflag:s9] =	dma.local @!p0 [hbm:s16], $0x100  }
0x24: {  	s16 =	simm.s32 @!p0 $0x5  }
0x25: {  	_ =	swait.ge @!p0 [sflag:s16], $0x100  }
0x26: {  	[sflag:s16] =	ssyncset.done @!p0 $0x0  }
0x27: {  	[sflag:s16] =	ssyncadd.s32 @!p0 $0xFFFFFF00  }
0x28: {  	[bflag:$0x0] =	sbarrier.arrive $0xFFFF  }
0x29: {  	s18 =	rddreg [dreg:$0xc]  }
0x2a: {  	[tilespmem:s3], [sflag:$0x5] =	stream.linear.gather [hbm4b:s18+s3], $0x80, $0x38;
	[tilespmem:$0x1C380] =	vst v63  }
0x2b: {  	_ =	swait.ge [sflag:s24], $0x80  }
0x2c: {  	[sflag:s24] =	ssyncset.done $0x0  }
0x2d: {  	s19 =	rddreg [dreg:$0xd];
	[sflag:s24] =	ssyncadd.s32 $0xFFFFFF80  }
0x2e: {  	[tilespmem:s25], [sflag:$0x5] =	stream.linear.gather [hbm4b:s19+s3], $0x80, $0x38;
	[tilespmem:$0x1C380] =	vst v63  }
0x2f: {  	_ =	swait.ge [sflag:s24], $0x80  }
0x30: {  	[sflag:s24] =	ssyncset.done $0x0  }
0x31: {  	[sflag:s24] =	ssyncadd.s32 $0xFFFFFF80  }
0x32: {  	[tilespmem:s26], [sflag:$0x1] =	stream.indirect.gather [hbm4b:s4+s25], $0x80, s3, s25, $0xb8;
	[tilespmem:$0x1C380] =	vst v63  }
0x33: {  	s20 =	rddreg [dreg:$0xe]  }
0x34: {  	[tilespmem:s28], [sflag:$0x5] =	stream.linear.gather [hbm4b:s20+s3], $0x80, $0x38;
	[tilespmem:$0x1C380] =	vst v63  }
0x35: {  	_ =	swait.ge [sflag:s24], $0x80  }
0x36: {  	[sflag:s24] =	ssyncset.done $0x0  }
0x37: {  	s17 =	rddreg [dreg:$0xf];
	[sflag:s24] =	ssyncadd.s32 $0xFFFFFF80  }
0x38: {  	[tilespmem:s29], [sflag:$0x5] =	stream.linear.gather [hbm4b:s17+s3], $0x80, $0x38;
	[tilespmem:$0x1C380] =	vst v63  }
0x39: {  	_ =	swait.ge [sflag:s24], $0x80  }
0x3a: {  	[sflag:s24] =	ssyncset.done $0x0  }
0x3b: {  	[sflag:s24] =	ssyncadd.s32 $0xFFFFFF80  }
0x3c: {  	[tilespmem:s30], [sflag:$0x2] =	stream.indirect.gather [hbm4b:s4+s25], $0x80, s28, s25, $0xb8;
	[tilespmem:$0x1C380] =	vst v63  }
0x3d: {  	_ =	swait.ge [sflag:s31], $0x4000  }
0x3e: {  	[sflag:s31] =	ssyncset.done $0x0  }
0x3f: {  	[sflag:s31] =	ssyncadd.s32 $0xFFFFC000  }
0x40: {  	[spmem:s2] =	stream.indirect.scatter.add.f32 [tilespmem:s26], [sflag:$0x3], $0x80, s25, s25, $0xb8;
	[tilespmem:$0x1C380] =	vst v63  }
0x41: {  	_ =	swait.ge [sflag:s0], $0x4000  }
0x42: {  	[sflag:s0] =	ssyncset.done $0x0  }
0x43: {  	[sflag:s0] =	ssyncadd.s32 $0xFFFFC000  }
0x44: {  	[spmem:s2] =	stream.indirect.scatter.add.f32 [tilespmem:s30], [sflag:$0x4], $0x80, s29, s25, $0xb8;
	[tilespmem:$0x1C380] =	vst v63  }
0x45: {  	_ =	swait.ge [sflag:s1], $0x4000  }
0x46: {  	s18 =	sshrl.u32 s21, $0x3;
	[sflag:s1] =	ssyncset.done $0x0  }
0x47: {  	s17 =	sadd.s32 s5, s18;
	[sflag:s1] =	ssyncadd.s32 $0xFFFFC000  }
0x48: {  	[tilespmem:s3], [sflag:$0x5] =	stream.linear.gather [hbm4b:s17+s3], $0x80, $0x38;
	[tilespmem:$0x1C380] =	vst v63  }
0x49: {  	_ =	swait.ge [sflag:s24], $0x80  }
0x4a: {  	[sflag:s24] =	ssyncset.done $0x0  }
0x4b: {  	s16 =	sadd.s32 s6, s18;
	[sflag:s24] =	ssyncadd.s32 $0xFFFFFF80  }
0x4c: {  	[tilespmem:s25], [sflag:$0x5] =	stream.linear.gather [hbm4b:s16+s3], $0x80, $0x38;
	[tilespmem:$0x1C380] =	vst v63  }
0x4d: {  	_ =	swait.ge [sflag:s24], $0x80  }
0x4e: {  	[sflag:s24] =	ssyncset.done $0x0  }
0x4f: {  	[sflag:s24] =	ssyncadd.s32 $0xFFFFFF80  }
0x50: {  	[tilespmem:s26], [sflag:$0x1] =	stream.indirect.gather [hbm4b:s4+s25], $0x80, s3, s25, $0xb8;
	[tilespmem:$0x1C380] =	vst v63  }
0x51: {  	_ =	swait.ge [sflag:s7], $0x4000  }
0x52: {  	[sflag:s7] =	ssyncset.done $0x0  }
0x53: {  	s19 =	sadd.s32 $0x0, s23;
	[sflag:s7] =	ssyncadd.s32 $0xFFFFC000  }
0x54: {  	[tilespmem:s28], [sflag:$0x5] =	stream.linear.gather [hbm4b:s19+s3], $0x80, $0x38;
	[tilespmem:$0x1C380] =	vst v63  }
0x55: {  	_ =	swait.ge [sflag:s24], $0x80  }
0x56: {  	[sflag:s24] =	ssyncset.done $0x0  }
0x57: {  	s20 =	sadd.s32 $0x0, s22;
	[sflag:s24] =	ssyncadd.s32 $0xFFFFFF80  }
0x58: {  	[tilespmem:s29], [sflag:$0x5] =	stream.linear.gather [hbm4b:s20+s3], $0x80, $0x38;
	[tilespmem:$0x1C380] =	vst v63  }
0x59: {  	_ =	swait.ge [sflag:s24], $0x80  }
0x5a: {  	[sflag:s24] =	ssyncset.done $0x0  }
0x5b: {  	[sflag:s24] =	ssyncadd.s32 $0xFFFFFF80  }
0x5c: {  	[tilespmem:s30], [sflag:$0x2] =	stream.indirect.gather [hbm4b:s4+s25], $0x80, s28, s25, $0xb8;
	[tilespmem:$0x1C380] =	vst v63  }
0x5d: {  	_ =	swait.ge [sflag:s31], $0x4000  }
0x5e: {  	[sflag:s31] =	ssyncset.done $0x0  }
0x5f: {  	[sflag:s31] =	ssyncadd.s32 $0xFFFFC000  }
0x60: {  	[spmem:s2] =	stream.indirect.scatter.add.f32 [tilespmem:s26], [sflag:$0x3], $0x80, s25, s25, $0xb8;
	[tilespmem:$0x1C380] =	vst v63  }
0x61: {  	_ =	swait.ge [sflag:s0], $0x4000  }
0x62: {  	[sflag:s0] =	ssyncset.done $0x0  }
0x63: {  	s17 =	sadd.s32 $0x100, s21;
	s16 =	simm.s32 $0x20;
	[sflag:s0] =	ssyncadd.s32 $0xFFFFC000  }
.LBB2_2:
0x64: {  	[spmem:s2] =	stream.indirect.scatter.add.f32 [tilespmem:s30], [sflag:$0x4], $0x80, s29, s25, $0xb8;
	[tilespmem:$0x1C380] =	vst v63  }
0x65: {  	s18 =	smov.u32 s16  }
0x66: {  	p1 =	sne.s32 s16, $0x4A0;
	s16 =	sadd.s32 $0x20, s16;
	_ =	swait.ge [sflag:s1], $0x4000  }
0x67: {  	s19 =	sshrl.u32 s17, $0x3;
	[sflag:s1] =	ssyncset.done $0x0  }
0x68: {  	s20 =	sadd.s32 s5, s19;
	[sflag:s1] =	ssyncadd.s32 $0xFFFFC000  }
0x69: {  	[tilespmem:s3], [sflag:$0x5] =	stream.linear.gather [hbm4b:s20+s3], $0x80, $0x38;
	[tilespmem:$0x1C380] =	vst v63  }
0x6a: {  	_ =	swait.ge [sflag:s24], $0x80  }
0x6b: {  	[sflag:s24] =	ssyncset.done $0x0  }
0x6c: {  	s19 =	sadd.s32 s6, s19;
	[sflag:s24] =	ssyncadd.s32 $0xFFFFFF80  }
0x6d: {  	[tilespmem:s25], [sflag:$0x5] =	stream.linear.gather [hbm4b:s19+s3], $0x80, $0x38;
	[tilespmem:$0x1C380] =	vst v63  }
0x6e: {  	_ =	swait.ge [sflag:s24], $0x80  }
0x6f: {  	[sflag:s24] =	ssyncset.done $0x0  }
0x70: {  	[sflag:s24] =	ssyncadd.s32 $0xFFFFFF80  }
0x71: {  	[tilespmem:s26], [sflag:$0x1] =	stream.indirect.gather [hbm4b:s4+s25], $0x80, s3, s25, $0xb8;
	[tilespmem:$0x1C380] =	vst v63  }
0x72: {  	_ =	swait.ge [sflag:s7], $0x4000  }
0x73: {  	[sflag:s7] =	ssyncset.done $0x0  }
0x74: {  	s19 =	sadd.s32 s18, s23;
	[sflag:s7] =	ssyncadd.s32 $0xFFFFC000  }
0x75: {  	[tilespmem:s28], [sflag:$0x5] =	stream.linear.gather [hbm4b:s19+s3], $0x80, $0x38;
	[tilespmem:$0x1C380] =	vst v63  }
0x76: {  	_ =	swait.ge [sflag:s24], $0x80  }
0x77: {  	[sflag:s24] =	ssyncset.done $0x0  }
0x78: {  	s18 =	sadd.s32 s18, s22;
	[sflag:s24] =	ssyncadd.s32 $0xFFFFFF80  }
0x79: {  	[tilespmem:s29], [sflag:$0x5] =	stream.linear.gather [hbm4b:s18+s3], $0x80, $0x38;
	[tilespmem:$0x1C380] =	vst v63  }
0x7a: {  	_ =	swait.ge [sflag:s24], $0x80  }
0x7b: {  	[sflag:s24] =	ssyncset.done $0x0  }
0x7c: {  	[sflag:s24] =	ssyncadd.s32 $0xFFFFFF80  }
0x7d: {  	[tilespmem:s30], [sflag:$0x2] =	stream.indirect.gather [hbm4b:s4+s25], $0x80, s28, s25, $0xb8;
	[tilespmem:$0x1C380] =	vst v63  }
0x7e: {  	_ =	swait.ge [sflag:s31], $0x4000  }
0x7f: {  	[sflag:s31] =	ssyncset.done $0x0  }
.Ltmp0:
0x80: {  	[sflag:s31] =	ssyncadd.s32 $0xFFFFC000;
	(pc) =	sbr.rel @p1 .LBB2_2-.Ltmp0, $4  }
0x81: {  	[spmem:s2] =	stream.indirect.scatter.add.f32 [tilespmem:s26], [sflag:$0x3], $0x80, s25, s25, $0xb8;
	[tilespmem:$0x1C380] =	vst v63  }
0x82: {  	_ =	swait.ge [sflag:s0], $0x4000  }
0x83: {  	[sflag:s0] =	ssyncset.done $0x0  }
0x84: {  	s17 =	sadd.s32 $0x100, s17;
	[sflag:s0] =	ssyncadd.s32 $0xFFFFC000  }
0x85: {  	[spmem:s2] =	stream.indirect.scatter.add.f32 [tilespmem:s30], [sflag:$0x4], $0x80, s29, s25, $0xb8;
	[tilespmem:$0x1C380] =	vst v63  }
0x86: {  	_ =	swait.ge [sflag:s1], $0x4000  }
0x87: {  	[sflag:s1] =	ssyncset.done $0x0  }
0x88: {  	[sflag:s1] =	ssyncadd.s32 $0xFFFFC000  }
0x89: {  	_ =	swait.ge [sflag:s7], $0x4000  }
0x8a: {  	[sflag:s7] =	ssyncset.done $0x0  }
0x8b: {  	s16 =	rddreg [dreg:$0x7];
	[sflag:s7] =	ssyncadd.s32 $0xFFFFC000  }
0x8c: {  	[tilespmem:s8], [sflag:$0x5] =	stream.linear.gather [hbm4b:s16+s3], $0x10, $0x38;
	[tilespmem:$0x1C380] =	vst v63  }
0x8d: {  	_ =	swait.ge [sflag:s24], $0x10  }
0x8e: {  	[sflag:s24] =	ssyncset.done $0x0  }
0x8f: {  	s18 =	rddreg [dreg:$0x8];
	[sflag:s24] =	ssyncadd.s32 $0xFFFFFFF0  }
0x90: {  	[tilespmem:s10], [sflag:$0x5] =	stream.linear.gather [hbm4b:s18+s3], $0x10, $0x38;
	[tilespmem:$0x1C380] =	vst v63  }
0x91: {  	_ =	swait.ge [sflag:s24], $0x10  }
0x92: {  	[sflag:s24] =	ssyncset.done $0x0  }
0x93: {  	[sflag:s24] =	ssyncadd.s32 $0xFFFFFFF0  }
0x94: {  	[tilespmem:s12], [sflag:$0x1] =	stream.indirect.gather [hbm4b:s4+s11], $0x80, s8, s11, $0xb8;
	[tilespmem:$0x1C380] =	vst v63  }
0x95: {  	_ =	swait.ge [sflag:s31], $0x800  }
0x96: {  	[sflag:s31] =	ssyncset.done $0x0  }
0x97: {  	[sflag:s31] =	ssyncadd.s32 $0xFFFFF800  }
0x98: {  	[spmem:s2] =	stream.indirect.scatter.add.f32 [tilespmem:s12], [sflag:$0x5], $0x80, s10, s11, $0xb8;
	[tilespmem:$0x1C380] =	vst v63  }
0x99: {  	_ =	swait.ge [sflag:s24], $0x800  }
0x9a: {  	[sflag:s24] =	ssyncset.done $0x0  }
0x9b: {  	[sflag:s24] =	ssyncadd.s32 $0xFFFFF800  }
0x9c: {  	[bflag:$0x0] =	sbarrier.arrive $0xFFFF  }
0x9d: {  	s19 =	rddreg [dreg:$0x9]  }
0x9e: {  	[hbm:s19], [sflag:s9] =	dma.local [spmem:s14], $0x2700  }
0x9f: {  	_ =	swait.ge [sflag:s24], $0x2700  }
0xa0: {  	[sflag:s24] =	ssyncset.done $0x0  }
0xa1: {  	s14 =	rddreg [dreg:$0xa];
	[sflag:s24] =	ssyncadd.s32 $0xFFFFD900  }
0xa2: {  	[hbm:s14], [sflag:s9] =	dma.local @!p0 [spmem:s15], $0x100  }
0xa3: {  	s14 =	simm.s32 @!p0 $0x5  }
0xa4: {  	_ =	swait.ge @!p0 [sflag:s14], $0x100  }
0xa5: {  	s13 =	sadd.s32 $0x1, s13;
	s20 =	rddreg [dreg:$0xb]  }
0xa6: {  	p1 =	sne.s32 s13, s20  }
.Ltmp1:
0xa7: {  	_ = 	snop;
	(pc) =	sbr.rel @p1 .LBB2_1-.Ltmp1, $3  }
0xa8: {  	_ =	sdelay $0x1  }
0xa9: {  	[sflag:s14] =	ssyncset.done @!p0 $0x0  }
0xaa: {  	[sflag:s14] =	ssyncadd.s32 @!p0 $0xFFFFFF00  }
0xab: {  	_ =	sfence.sel $0x180000  }
0xac: {  	[bflag:$0x0] =	sbarrier.arrive $0xFFFF  }
0xad: {  	_ =	strace $0x90000050  }
0xae: {  	s0 =	stileid.u32;
	[bflag:$0x2] =	sbarrier.arrive $0xFFFF  }
0xaf: {  	p0 =	sne.s32 s0, $0x0;
	s0 =	rddreg [dreg:$0x2]  }
0xb0: {  	s0 =	sadd.s32 @!p0 $0x100000, s0  }
0xb1: {  	[sflag:s0] =	ssyncadd.tile.s32 @!p0 $0x1;
	_ =	shalt  }
.Lfunc_end2:
_tile_overlayer_lowered:
.L_overlay_start_2:
0xb2: {  	(tag) =	ssettag $0x2  }
0xb3: {  	s0 =	rddreg [dreg:$0x0];
	s2 =	stileid.u32  }
0xb4: {  	s1 =	rddreg [dreg:$0x1];
	p0 =	sne.s32 s2, $0x0  }
0xb5: {  	s3 =	rddreg [dreg:$0x2];
	[bflag:$0x3] =	sbarrier.arrive $0xFFFF;
	s2 =	simm.s32 @!p0 $0x1C05  }
0xb6: {  	[timem:s3], [sflag:s2] =	dma.local @!p0 [hbm:s0], s1  }
0xb7: {  	s0 =	simm.s32 @!p0 $0x5  }
0xb8: {  	_ =	swait.ge @!p0 [sflag:s0], s1  }
0xb9: {  	s1 =	ssub.s32 @!p0 $0x0, s1;
	[sflag:s0] =	ssyncset.done @!p0 $0x0  }
0xba: {  	[sflag:s0] =	ssyncadd.s32 @!p0 s1  }
0xbb: {  	[bflag:$0x3] =	sbarrier.arrive $0xFFFF  }
0xbc: {  	_ =	shalt  }

// kernel: kernel.24.cloned.1.call-start
scs
__scs_entry_jumppad:
0x0: {  	(pc) =	sbr.rel $0x88, $3  }
0x1: {  	(tag) =	ssettag $0x0;
	lr =	simm.s32 $0x1  }
0x2: {  	[smem:$0x3F8B] =	sst lr;
	_ =	strace $0xD0000000  }
0x3: {  	_ = 	snop  }
0x4: {  	_ = 	snop  }
0x5: {  	_ = 	snop  }
0x6: {  	_ = 	snop  }
0x7: {  	_ = 	snop  }
__scs_overlays_trampoline_lowered:
0x8: {  	[smem:$0x3F9A] =	sst s0  }
0x9: {  	[smem:$0x3F9B] =	sst s1  }
0xa: {  	[smem:$0x3F9C] =	sst s2  }
0xb: {  	[smem:$0x3F9D] =	sst s3  }
0xc: {  	[smem:$0x3F9E] =	sst s4  }
0xd: {  	[smem:$0x3F9F] =	sst s5  }
0xe: {  	[smem:$0x3FA0] =	sst s6  }
0xf: {  	[smem:$0x3FA1] =	sst s7  }
0x10: {  	[smem:$0x3FA2] =	sst s8  }
0x11: {  	[smem:$0x3FA3] =	sst s9;
	s0 =	simm.s32 @!p0 $0x0  }
0x12: {  	s1 =	sld [smem:$0x3F89];
	s0 =	simm.s32 @p0 $0x1  }
0x13: {  	[smem:$0x3FA4] =	sst s0;
	s0 =	simm.s32 @!p1 $0x0  }
0x14: {  	s2 =	sld [smem:$0x3F88];
	s0 =	simm.s32 @p1 $0x1  }
0x15: {  	[smem:$0x3FA5] =	sst s0;
	s0 =	simm.s32 @!p2 $0x0  }
0x16: {  	s3 =	sld [smem:$0x3FDB];
	s0 =	simm.s32 @p2 $0x1  }
0x17: {  	s4 =	simm.s32 $0x1BF5;
	[smem:$0x3FA7] =	sst s0  }
0x18: {  	s0 =	sld [smem:$0x3F8A];
	_ =	swait.ge [sflag:s4], $0x0  }
0x19: {  	s7 =	sld [smem:$0x3F8B]  }
0x1a: {  	s8 =	sadd.s32 $0xFFFFE003, lr  }
0x1b: {  	s9 =	sadd.s32 $0xFFFFFEF7, lr;
	s5 =	simm.s32 $0xFFFFFFFF;
	p2 =	slt.u32 s8, $0xFFFFF086  }
0x1c: {  	p1 =	slt.u32 s9, $0xF7A;
	s5 =	simm.s32 @!p2 $0x0  }
0x1d: {  	s5 =	simm.s32 @p1 $0x1;
	p0 =	seq.s32 s7, s2  }
0x1e: {  	s7 =	smul.u32 @!p0 $0xF7A, s2;
	p2 =	seq.s32 @!p0 s5, $0x0  }
0x1f: {  	s9 =	smul.u32 $0xF7A, s1;
	s8 =	simm.s32 @!p0 $0x1BF5;
	p2 =	por !p2, p0  }
0x20: {  	[sflag:s8] =	ssyncset.s32 @!p0 $0xFFFFF086;
	s6 =	sadd.s32 @!p0 s3, s7;
	s7 =	simm.s32 @!p0 $0x108  }
0x21: {  	s3 =	sadd.s32 s3, s9;
	s6 =	sadd.s32 @!p0 $0x88, s6;
	s7 =	simm.s32 @p2 $0x1082  }
0x22: {  	[simem:s7], [sflag:s8] =	dma.local @!p0 [hbm:s6], $0xF7A  }
0x23: {  	s9 =	sor.u32 $0xD0000000, s2;
	s6 =	simm.s32 $0x108;
	_ =	swait.ge @!p0 [sflag:s8], $0x0  }
0x24: {  	s3 =	sadd.s32 $0x88, s3;
	s6 =	simm.s32 @!p1 $0x1082;
	[sflag:s4] =	ssyncset.s32 $0xFFFFF086  }
0x25: {  	[simem:s6], [sflag:s4] =	dma.local [hbm:s3], $0xF7A  }
0x26: {  	[smem:$0x3F8B] =	sst s1;
	(tag) =	ssettag s2;
	_ =	strace s9  }
0x27: {  	s1 =	sld [smem:$0x3F9B]  }
0x28: {  	s2 =	sld [smem:$0x3F9C]  }
0x29: {  	s4 =	sld [smem:$0x3F9E]  }
0x2a: {  	p0 =	seq.s32 s5, $0x0;
	s5 =	sld [smem:$0x3F9F]  }
0x2b: {  	s6 =	sld [smem:$0x3FA0]  }
0x2c: {  	s7 =	sld [smem:$0x3FA1]  }
0x2d: {  	s3 =	simm.s32 $0x108;
	s8 =	sld [smem:$0x3FA2]  }
0x2e: {  	s3 =	simm.s32 @!p0 $0x1082;
	s9 =	sld [smem:$0x3FA3]  }
0x2f: {  	lr =	sadd.s32 s0, s3;
	s0 =	sld [smem:$0x3F9A]  }
0x30: {  	s3 =	sld [smem:$0x3F9D]  }
0x31: {  	[smem:$0x3FA6] =	sst s10  }
0x32: {  	s10 =	sld [smem:$0x3FA4];
	_ =	sdelay $0x3  }
0x33: {  	p0 =	seq.s32 s10, $0x1;
	s10 =	sld [smem:$0x3FA6];
	_ =	sdelay $0x3  }
0x34: {  	[smem:$0x3FA6] =	sst s10  }
0x35: {  	s10 =	sld [smem:$0x3FA5];
	_ =	sdelay $0x3  }
0x36: {  	p1 =	seq.s32 s10, $0x1;
	s10 =	sld [smem:$0x3FA6];
	_ =	sdelay $0x3  }
0x37: {  	[smem:$0x3FA6] =	sst s10  }
0x38: {  	s10 =	sld [smem:$0x3FA7]  }
0x39: {  	_ = 	snop;
	(pc) =	sbr.ind lr, $3  }
0x3a: {  	_ = 	snop  }
0x3b: {  	_ = 	snop  }
0x3c: {  	p2 =	seq.s32 s10, $0x1;
	s10 =	sld [smem:$0x3FA6]  }
0x3d: {  	_ =	shalt  }
0x3e: {  	_ =	shalt  }
0x3f: {  	_ =	shalt  }
0x40: {  	_ =	shalt  }
0x41: {  	_ =	shalt  }
0x42: {  	_ =	shalt  }
0x43: {  	_ =	shalt  }
0x44: {  	_ =	shalt  }
0x45: {  	_ =	shalt  }
0x46: {  	_ =	shalt  }
0x47: {  	_ =	shalt  }
0x48: {  	_ =	shalt  }
0x49: {  	_ =	shalt  }
0x4a: {  	_ =	shalt  }
0x4b: {  	_ =	shalt  }
0x4c: {  	_ =	shalt  }
0x4d: {  	_ =	shalt  }
0x4e: {  	_ =	shalt  }
0x4f: {  	_ =	shalt  }
0x50: {  	_ =	shalt  }
0x51: {  	_ =	shalt  }
0x52: {  	_ =	shalt  }
0x53: {  	_ =	shalt  }
0x54: {  	_ =	shalt  }
0x55: {  	_ =	shalt  }
0x56: {  	_ =	shalt  }
0x57: {  	_ =	shalt  }
0x58: {  	_ =	shalt  }
0x59: {  	_ =	shalt  }
0x5a: {  	_ =	shalt  }
0x5b: {  	_ =	shalt  }
0x5c: {  	_ =	shalt  }
0x5d: {  	_ =	shalt  }
0x5e: {  	_ =	shalt  }
0x5f: {  	_ =	shalt  }
0x60: {  	_ =	shalt  }
0x61: {  	_ =	shalt  }
0x62: {  	_ =	shalt  }
0x63: {  	_ =	shalt  }
0x64: {  	_ =	shalt  }
0x65: {  	_ =	shalt  }
0x66: {  	_ =	shalt  }
0x67: {  	_ =	shalt  }
0x68: {  	_ =	shalt  }
0x69: {  	_ =	shalt  }
0x6a: {  	_ =	shalt  }
0x6b: {  	_ =	shalt  }
0x6c: {  	_ =	shalt  }
0x6d: {  	_ =	shalt  }
0x6e: {  	_ =	shalt  }
0x6f: {  	_ =	shalt  }
0x70: {  	_ =	shalt  }
0x71: {  	_ =	shalt  }
0x72: {  	_ =	shalt  }
0x73: {  	_ =	shalt  }
0x74: {  	_ =	shalt  }
0x75: {  	_ =	shalt  }
0x76: {  	_ =	shalt  }
0x77: {  	_ =	shalt  }
0x78: {  	_ =	shalt  }
0x79: {  	_ =	shalt  }
0x7a: {  	_ =	shalt  }
0x7b: {  	_ =	shalt  }
0x7c: {  	_ =	shalt  }
0x7d: {  	_ =	shalt  }
0x7e: {  	_ =	shalt  }
0x7f: {  	_ =	shalt  }
0x80: {  	_ =	shalt  }
0x81: {  	_ =	shalt  }
0x82: {  	_ =	shalt  }
0x83: {  	_ =	shalt  }
0x84: {  	_ =	shalt  }
0x85: {  	_ =	shalt  }
0x86: {  	_ =	shalt  }
0x87: {  	_ =	shalt  }
.Lfunc_end0:
.L_simem_size_0:
called_computation.4_lowered:
.L_overlay_start_0:
0x88: {  	s2 =	sld [smem:$0x3FD9]  }
0x89: {  	s3 =	sld [smem:$0x3FFE];
	_ =	sdelay $0x1  }
0x8a: {  	s1 =	srdreg.scid  }
0x8b: {  	s0 =	sand.u32 $0x1, s1  }
0x8c: {  	s17 =	sshll.u32 s0, $0xA;
	s2 =	sadd.s32 s3, s2  }
0x8d: {  	s2 =	sadd.s32 s2, s17  }
0x8e: {  	[smem:$0x3FB2] =	sst s2  }
0x8f: {  	_ = 	snop  }
0x90: {  	s2 =	sld [smem:$0x3FC7]  }
0x91: {  	s18 =	sld [smem:$0x3FD0];
	(tm) =	ssettm $0x1  }
0x92: {  	s4 =	sld [smem:$0x3FFB];
	_ =	sdelay $0x3  }
0x93: {  	_ =	strace s4  }
0x94: {  	s4 =	sld [smem:$0x3FFC];
	_ =	sdelay $0x3  }
0x95: {  	_ =	strace s4  }
0x96: {  	s4 =	sld [smem:$0x3FFD];
	_ =	sdelay $0x3  }
0x97: {  	_ =	strace s4  }
0x98: {  	_ =	strace $0x8FFFFFFF  }
0x99: {  	s19 =	sld [smem:$0x3FDB];
	_ =	sdelay $0x1  }
0x9a: {  	s5 =	simm.s32 $_scs_section_size  }
0x9b: {  	s6 =	simm.s32 $_size__tile_overlayer_lowered;
	s7 =	simm.s32 $_tile_overlayer_lowered  }
0x9c: {  	s22 =	simm.s32 $0x1BFF;
	s21 =	sshll.u32 s7, $0x1;
	s4 =	sadd.s32 s5, s19  }
0x9d: {  	s8 =	simm.s32 $0x0;
	s20 =	sshll.u32 s6, $0x1;
	s6 =	sadd.s32 s21, s4  }
0x9e: {  	[timem:s8], [sflag:s22] =	dma.local [hbm:s6], s20  }
0x9f: {  	_ =	swait.ge [sflag:s22], s20  }
0xa0: {  	s5 =	ssub.s32 $0x0, s20;
	[sflag:s22] =	ssyncset.done $0x0  }
0xa1: {  	[sflag:s22] =	ssyncadd.s32 s5;
	_ =	sdelay $0x1  }
0xa2: {  	s23 =	simm.s32 $0x1B8B  }
0xa3: {  	_ =	swait.ge [sflag:s23], $0x1  }
0xa4: {  	[sflag:s23] =	ssyncset.done $0x0  }
0xa5: {  	s25 =	simm.s32 $0x1B8E;
	s24 =	sld [smem:$0x3FFE];
	[sflag:s23] =	ssyncadd.s32 $0xFFFFFFFF  }
0xa6: {  	s26 =	simm.s32 $execute0_lowered;
	[smem:$0x3FD2] =	sst s25  }
0xa7: {  	s6 =	sshll.u32 s26, $0x1;
	_ =	strace $0x80000052;
	[dreg:$0x1] =	wrdreg $0xFFFFFFFF  }
0xa8: {  	s28 =	simm.s32 $_size_execute0_lowered;
	s4 =	sadd.s32 s4, s6;
	[dreg:$0x0] =	wrdreg $0x0  }
0xa9: {  	s6 =	sshll.u32 s28, $0x1;
	[dreg:$0x2] =	wrdreg s4  }
0xaa: {  	[dreg:$0x3] =	wrdreg s6  }
0xab: {  	[dreg:$0x4] =	wrdreg $0xC0  }
0xac: {  	_ =	task [dreg:s8], $0x5FFFF  }
0xad: {  	[dreg:$0x1] =	wrdreg $0xFFFFFFFF  }
0xae: {  	[dreg:$0x0] =	wrdreg $0x60  }
0xaf: {  	[dreg:$0x2] =	wrdreg s24  }
0xb0: {  	[dreg:$0x3] =	wrdreg s2  }
0xb1: {  	[dreg:$0x4] =	wrdreg s18  }
0xb2: {  	[dreg:$0x5] =	wrdreg $0x89000  }
0xb3: {  	[dreg:$0x6] =	wrdreg $0x8B000  }
0xb4: {  	[dreg:$0x7] =	wrdreg $0x9  }
0xb5: {  	_ =	task.clear_ibuf [dreg:s8], $0x8FFFF;
	_ =	strace $0x90000052  }
0xb6: {  	s29 =	simm.s32 $0x9;
	_ =	strace $0x80000054  }
0xb7: {  	_ =	swait.ge [sflag:s29], $0x1  }
0xb8: {  	[sflag:s29] =	ssyncadd.s32 $0xFFFFFFFF  }
0xb9: {  	_ =	strace $0x90000054  }
0xba: {  	_ =	sfence  }
0xbb: {  	s30 =	sld [smem:$0x0];
	_ =	sdelay $0x2  }
0xbc: {  	s31 =	sshll.u32 s1, $0xD;
	s1 =	sshrl.u32 s1, $0x2  }
0xbd: {  	s3 =	sand.u32 $0x4000, s31;
	s1 =	sadd.s32 s1, s30  }
0xbe: {  	s0 =	sor.u32 s3, s0;
	s1 =	sshll.u32 s1, $0x11  }
0xbf: {  	s0 =	sor.u32 s1, s0  }
0xc0: {  	s0 =	sadd.s32 $0x8F2B, s0  }
0xc1: {  	[sflag:s0] =	ssyncadd.remote.s32 $0x1  }
0xc2: {  	_ =	sfence.sel $0xFFFF  }
0xc3: {  	[dreg:$0x0] =	wrdreg $0xFFFFFFFF;
	(pc) =	sbr.abs _section_cstart, $3  }
0xc4: {  	[dreg:$0x1] =	wrdreg $0xFFFFFFFF  }
0xc5: {  	_ =	task.clear_ibuf [dreg:s8], $0x2FFFF;
	_ =	strace $0x9FFFFFFF  }
0xc6: {  	(tm) =	ssettm $0x7FFFFFFF  }
0xc7: {  	_ =	shalt  }
tec
execute0_lowered:
.L_overlay_start_1:
0x0: {  	(tag) =	ssettag $0x1  }
0x1: {  	s0 =	rddreg [dreg:$0x0]  }
0x2: {  	s21 =	rddreg [dreg:$0x1]  }
0x3: {  	s1 =	rddreg [dreg:$0x2]  }
0x4: {  	s2 =	rddreg [dreg:$0x3]  }
0x5: {  	s3 =	rddreg [dreg:$0x4]  }
0x6: {  	s4 =	simm.s32 $0x0;
	s10 =	stileid.u32;
	[dreg:$0x6] =	wrdreg s1  }
0x7: {  	[smem:$0x7FF] =	sst s4;
	s1 =	sshll.u32 s10, $0xA;
	s17 =	sadd.s32 $0x4E0, s21  }
0x8: {  	s18 =	sadd.s32 $0x67400, s0;
	_ =	strace $0x80000053;
	[dreg:$0xb] =	wrdreg s17  }
0x9: {  	s5 =	sshll.u32 s10, $0x7;
	s6 =	sadd.s32 s1, s2;
	[dreg:$0xc] =	wrdreg s18  }
0xa: {  	s5 =	sadd.s32 s5, s0;
	s16 =	sadd.s32 s1, s3;
	[dreg:$0x7] =	wrdreg s6  }
0xb: {  	s15 =	sadd.s32 $0x19200, s5;
	[dreg:$0x9] =	wrdreg s16  }
0xc: {  	s5 =	sadd.s32 $0x19600, s5;
	[dreg:$0x8] =	wrdreg s15  }
0xd: {  	p0 =	sgt.u32 s10, $0x7;
	[dreg:$0xa] =	wrdreg s5  }
0xe: {  	s6 =	sshll.u32 @!p0 s10, $0x6;
	s7 =	rddreg [dreg:$0x7];
	s5 =	simm.s32 @!p0 $0x1  }
0xf: {  	s6 =	sor.u32 @!p0 $0x1C01, s6;
	s8 =	rddreg [dreg:$0x8];
	s30 =	sshrl.u32 @!p0 s7, $0x3  }
0x10: {  	[spmem:s30], [sflag:s6] =	dma.local @!p0 [hbm:s8], $0x80  }
0x11: {  	_ =	swait.ge @!p0 [sflag:s5], $0x80  }
0x12: {  	s7 =	rddreg [dreg:$0x9];
	[sflag:s5] =	ssyncset.done @!p0 $0x0  }
0x13: {  	s8 =	rddreg [dreg:$0xa];
	[sflag:s5] =	ssyncadd.s32 @!p0 $0xFFFFFF80;
	s20 =	sshrl.u32 @!p0 s7, $0x3  }
0x14: {  	[spmem:s20], [sflag:s6] =	dma.local @!p0 [hbm:s8], $0x80  }
0x15: {  	s19 =	srdreg.scid;
	_ =	swait.ge @!p0 [sflag:s5], $0x80  }
0x16: {  	s31 =	sand.u32 $0x1, s19;
	s7 =	simm.s32 $0x4080;
	[sflag:s5] =	ssyncset.done @!p0 $0x0  }
0x17: {  	s8 =	simm.s32 $0x1;
	s9 =	rddreg [dreg:$0x6];
	[sflag:s5] =	ssyncadd.s32 @!p0 $0xFFFFFF80  }
0x18: {  	[tilespmem:s7], [sflag:$0x1] =	stream.linear.gather [hbm4b:s9+s4], $0x4000, $0x38;
	[tilespmem:$0x8D00] =	vst v63  }
0x19: {  	s22 =	sshll.u32 s31, $0x4;
	_ =	swait.ge [sflag:s8], $0x4000  }
0x1a: {  	s15 =	sor.u32 s10, s22;
	[sflag:s8] =	ssyncset.done $0x0  }
0x1b: {  	s9 =	sshll.u32 s15, $0x4;
	[sflag:s8] =	ssyncadd.s32 $0xFFFFC000  }
0x1c: {  	s10 =	simm.s32 $0x2;
	s9 =	sadd.s32 s21, s9;
	[bflag:$0x0] =	sbarrier.arrive $0xFFFF  }
0x1d: {  	[tilespmem:s4], [sflag:$0x2] =	stream.linear.gather [hbm4b:s9+s4], $0x80, $0x38;
	[tilespmem:$0x8D00] =	vst v63  }
0x1e: {  	_ =	swait.ge [sflag:s10], $0x80  }
0x1f: {  	s24 =	sadd.s32 $0x40400, s0;
	s11 =	sshll.u32 s15, $0xB;
	[sflag:s10] =	ssyncset.done $0x0  }
0x20: {  	s12 =	simm.s32 $0x80;
	s11 =	sadd.s32 s24, s11;
	[sflag:s10] =	ssyncadd.s32 $0xFFFFFF80  }
0x21: {  	[tilespmem:s12], [sflag:$0x2] =	stream.linear.gather [hbm4b:s11+s4], $0x4000, $0x38;
	[tilespmem:$0x8D00] =	vst v63  }
0x22: {  	_ =	swait.ge [sflag:s10], $0x4000  }
0x23: {  	[sflag:s10] =	ssyncset.done $0x0  }
0x24: {  	[sflag:s10] =	ssyncadd.s32 $0xFFFFC000  }
0x25: {  	[spmem:s2] =	stream.indirect.scatter.add.f32 [tilespmem:s12], [sflag:$0x2], $0x80, s4, s12, $0xb8;
	[tilespmem:$0x8D00] =	vst v63  }
0x26: {  	_ =	swait.ge [sflag:s10], $0x4000  }
0x27: {  	[sflag:s10] =	ssyncset.done $0x0  }
0x28: {  	[sflag:s10] =	ssyncadd.s32 $0xFFFFC000  }
0x29: {  	[spmem:s3] =	stream.indirect.scatter.add.f32 [tilespmem:s7], [sflag:$0x1], $0x80, s4, s12, $0xb8;
	[tilespmem:$0x8D00] =	vst v63  }
0x2a: {  	s14 =	sor.u32 $0x20, s15;
	_ =	swait.ge [sflag:s8], $0x4000  }
0x2b: {  	s13 =	sshll.u32 s14, $0x4;
	[sflag:s8] =	ssyncset.done $0x0  }
0x2c: {  	s13 =	sadd.s32 s21, s13;
	[sflag:s8] =	ssyncadd.s32 $0xFFFFC000  }
0x2d: {  	[tilespmem:s4], [sflag:$0x2] =	stream.linear.gather [hbm4b:s13+s4], $0x80, $0x38;
	[tilespmem:$0x8D00] =	vst v63  }
0x2e: {  	_ =	swait.ge [sflag:s10], $0x80  }
0x2f: {  	s14 =	sshll.u32 s14, $0xB;
	[sflag:s10] =	ssyncset.done $0x0  }
0x30: {  	s14 =	sadd.s32 s24, s14;
	[sflag:s10] =	ssyncadd.s32 $0xFFFFFF80  }
0x31: {  	[tilespmem:s12], [sflag:$0x2] =	stream.linear.gather [hbm4b:s14+s4], $0x4000, $0x38;
	[tilespmem:$0x8D00] =	vst v63  }
0x32: {  	_ =	swait.ge [sflag:s10], $0x4000  }
0x33: {  	[sflag:s10] =	ssyncset.done $0x0  }
0x34: {  	[sflag:s10] =	ssyncadd.s32 $0xFFFFC000  }
0x35: {  	[spmem:s2] =	stream.indirect.scatter.add.f32 [tilespmem:s12], [sflag:$0x2], $0x80, s4, s12, $0xb8;
	[tilespmem:$0x8D00] =	vst v63  }
0x36: {  	s25 =	sor.u32 $0x40, s15;
	_ =	swait.ge [sflag:s10], $0x4000  }
0x37: {  	p1 =	sgt.u32 s25, $0x4D;
	[sflag:s10] =	ssyncset.done $0x0  }
0x38: {  	p2 =	sne.s32 @p1 s15, $0x1F;
	[sflag:s10] =	ssyncadd.s32 $0xFFFFC000  }
0x39: {  	[spmem:s3] =	stream.indirect.scatter.add.f32 [tilespmem:s7], [sflag:$0x1], $0x80, s4, s12, $0xb8;
	[tilespmem:$0x8D00] =	vst v63  }
0x3a: {  	p2 =	por p2, !p1;
	_ =	swait.ge [sflag:s8], $0x4000  }
0x3b: {  	s16 =	simm.s32 @!p2 $0x8080;
	[sflag:s8] =	ssyncset.done $0x0  }
0x3c: {  	s15 =	simm.s32 @!p2 $0x0;
	s17 =	rddreg [dreg:$0xb];
	[sflag:s8] =	ssyncadd.s32 $0xFFFFC000  }
0x3d: {  	[tilespmem:s16], [sflag:$0x1] =	stream.linear.gather @!p2 [hbm4b:s17+s15], $0x10, $0x38;
	[tilespmem:$0x8D00] =	vst v63  }
0x3e: {  	s17 =	simm.s32 @!p2 $0x1  }
0x3f: {  	_ =	swait.ge @!p2 [sflag:s17], $0x10  }
0x40: {  	[sflag:s17] =	ssyncset.done @!p2 $0x0  }
0x41: {  	s18 =	simm.s32 @!p2 $0x8100;
	s19 =	rddreg [dreg:$0xc];
	[sflag:s17] =	ssyncadd.s32 @!p2 $0xFFFFFFF0  }
0x42: {  	[tilespmem:s18], [sflag:$0x1] =	stream.linear.gather @!p2 [hbm4b:s19+s15], $0x800, $0x38;
	[tilespmem:$0x8D00] =	vst v63  }
0x43: {  	_ =	swait.ge @!p2 [sflag:s17], $0x800  }
0x44: {  	[sflag:s17] =	ssyncset.done @!p2 $0x0  }
0x45: {  	s19 =	simm.s32 @!p2 $0x10;
	[sflag:s17] =	ssyncadd.s32 @!p2 $0xFFFFF800  }
0x46: {  	[spmem:s2] =	stream.indirect.scatter.add.f32 @!p2 [tilespmem:s18], [sflag:$0x1], $0x80, s16, s19, $0xb8;
	[tilespmem:$0x8D00] =	vst v63  }
0x47: {  	_ =	swait.ge @!p2 [sflag:s17], $0x800  }
0x48: {  	[sflag:s17] =	ssyncset.done @!p2 $0x0  }
0x49: {  	s22 =	simm.s32 @!p2 $0x4080;
	[sflag:s17] =	ssyncadd.s32 @!p2 $0xFFFFF800  }
0x4a: {  	[spmem:s3] =	stream.indirect.scatter.add.f32 @!p2 [tilespmem:s22], [sflag:$0x1], $0x80, s16, s19, $0xb8;
	[tilespmem:$0x8D00] =	vst v63  }
0x4b: {  	s23 =	sshll.u32 s25, $0x4;
	_ =	swait.ge @!p2 [sflag:s17], $0x800  }
0x4c: {  	s21 =	sadd.s32 s21, s23;
	[sflag:s17] =	ssyncset.done @!p2 $0x0  }
0x4d: {  	s23 =	simm.s32 @!p1 $0x2;
	s22 =	simm.s32 @!p1 $0x0;
	[sflag:s17] =	ssyncadd.s32 @!p2 $0xFFFFF800  }
0x4e: {  	[tilespmem:s22], [sflag:$0x2] =	stream.linear.gather @!p1 [hbm4b:s21+s22], $0x80, $0x38;
	[tilespmem:$0x8D00] =	vst v63  }
0x4f: {  	_ =	swait.ge @!p1 [sflag:s23], $0x80  }
0x50: {  	s25 =	sshll.u32 s25, $0xB;
	[sflag:s23] =	ssyncset.done @!p1 $0x0  }
0x51: {  	s24 =	sadd.s32 s24, s25;
	s25 =	simm.s32 @!p1 $0x80;
	[sflag:s23] =	ssyncadd.s32 @!p1 $0xFFFFFF80  }
0x52: {  	[tilespmem:s25], [sflag:$0x2] =	stream.linear.gather @!p1 [hbm4b:s24+s22], $0x4000, $0x38;
	[tilespmem:$0x8D00] =	vst v63  }
0x53: {  	_ =	swait.ge @!p1 [sflag:s23], $0x4000  }
0x54: {  	[sflag:s23] =	ssyncset.done @!p1 $0x0  }
0x55: {  	[sflag:s23] =	ssyncadd.s32 @!p1 $0xFFFFC000  }
0x56: {  	[spmem:s2] =	stream.indirect.scatter.add.f32 @!p1 [tilespmem:s25], [sflag:$0x2], $0x80, s22, s25, $0xb8;
	[tilespmem:$0x8D00] =	vst v63  }
0x57: {  	_ =	swait.ge @!p1 [sflag:s23], $0x4000  }
0x58: {  	s29 =	sshll.u32 s31, $0xD;
	[sflag:s23] =	ssyncset.done @!p1 $0x0  }
0x59: {  	s26 =	simm.s32 @!p1 $0x4080;
	s28 =	simm.s32 @!p1 $0x1;
	[sflag:s23] =	ssyncadd.s32 @!p1 $0xFFFFC000  }
0x5a: {  	[spmem:s3] =	stream.indirect.scatter.add.f32 @!p1 [tilespmem:s26], [sflag:$0x1], $0x80, s22, s25, $0xb8;
	[tilespmem:$0x8D00] =	vst v63  }
0x5b: {  	s1 =	sadd.s32 s1, s29;
	_ =	swait.ge @!p1 [sflag:s28], $0x4000  }
0x5c: {  	s1 =	sshrl.u32 s1, $0x3;
	[sflag:s28] =	ssyncset.done @!p1 $0x0  }
0x5d: {  	s0 =	sadd.s32 s1, s0;
	[sflag:s28] =	ssyncadd.s32 @!p1 $0xFFFFC000  }
0x5e: {  	s29 =	sadd.s32 $0x5600, s0;
	s26 =	ssub.s32 $0x2, s31;
	[bflag:$0x0] =	sbarrier.arrive $0xFFFF  }
0x5f: {  	[hbm:s29], [sflag:s6] =	dma.local @!p0 [spmem:s30], $0x80  }
0x60: {  	s30 =	sshrl.u32 s26, $0x1  }
0x61: {  	s1 =	ssub.s32 s26, s30  }
0x62: {  	s26 =	smax.u32 s1, $0x1  }
0x63: {  	s31 =	sadd.s32 $0xFFFFFFFF, s26  }
0x64: {  	p3 =	sne.s32 s31, $0x0  }
.Ltmp0:
0x65: {  	_ =	swait.ge @!p0 [sflag:s5], $0x80;
	(pc) =	sbr.rel @!p3 .LBB2_1-.Ltmp0, $4  }
0x66: {  	[sflag:s5] =	ssyncset.done @!p0 $0x0  }
0x67: {  	s30 =	sadd.s32 $0x5E00, s0;
	[sflag:s5] =	ssyncadd.s32 @!p0 $0xFFFFFF80  }
0x68: {  	[hbm:s30], [sflag:s6] =	dma.local @!p0 [spmem:s20], $0x80  }
0x69: {  	s0 =	simm.s32 @!p0 $0x1;
	_ =	swait.ge @!p0 [sflag:s5], $0x80  }
.LBB2_2:
0x6a: {  	s1 =	rddreg [dreg:$0x7];
	[sflag:s0] =	ssyncset.done @!p0 $0x0  }
0x6b: {  	s20 =	rddreg [dreg:$0x8];
	s1 =	sshrl.u32 @!p0 s1, $0x3;
	[sflag:s0] =	ssyncadd.s32 @!p0 $0xFFFFFF80  }
0x6c: {  	[spmem:s1], [sflag:s6] =	dma.local @!p0 [hbm:s20], $0x80  }
0x6d: {  	s0 =	smov.u32 s5;
	_ =	swait.ge @!p0 [sflag:s5], $0x80  }
0x6e: {  	[sflag:s0] =	ssyncset.done @!p0 $0x0;
	s20 =	rddreg [dreg:$0x9]  }
0x6f: {  	s26 =	rddreg [dreg:$0xa];
	[sflag:s0] =	ssyncadd.s32 @!p0 $0xFFFFFF80;
	s20 =	sshrl.u32 @!p0 s20, $0x3  }
0x70: {  	[spmem:s20], [sflag:s6] =	dma.local @!p0 [hbm:s26], $0x80  }
0x71: {  	_ =	swait.ge @!p0 [sflag:s0], $0x80  }
0x72: {  	[sflag:s0] =	ssyncset.done @!p0 $0x0  }
0x73: {  	s26 =	rddreg [dreg:$0x6];
	[sflag:s0] =	ssyncadd.s32 @!p0 $0xFFFFFF80  }
0x74: {  	[tilespmem:s7], [sflag:$0x1] =	stream.linear.gather [hbm4b:s26+s4], $0x4000, $0x38;
	[tilespmem:$0x8D00] =	vst v63  }
0x75: {  	_ =	swait.ge [sflag:s8], $0x4000  }
0x76: {  	[sflag:s8] =	ssyncset.done $0x0  }
0x77: {  	[sflag:s8] =	ssyncadd.s32 $0xFFFFC000  }
0x78: {  	[bflag:$0x0] =	sbarrier.arrive $0xFFFF  }
0x79: {  	[tilespmem:s4], [sflag:$0x2] =	stream.linear.gather [hbm4b:s9+s4], $0x80, $0x38;
	[tilespmem:$0x8D00] =	vst v63  }
0x7a: {  	_ =	swait.ge [sflag:s10], $0x80  }
0x7b: {  	[sflag:s10] =	ssyncset.done $0x0  }
0x7c: {  	[sflag:s10] =	ssyncadd.s32 $0xFFFFFF80  }
0x7d: {  	[tilespmem:s12], [sflag:$0x2] =	stream.linear.gather [hbm4b:s11+s4], $0x4000, $0x38;
	[tilespmem:$0x8D00] =	vst v63  }
0x7e: {  	_ =	swait.ge [sflag:s10], $0x4000  }
0x7f: {  	[sflag:s10] =	ssyncset.done $0x0  }
0x80: {  	[sflag:s10] =	ssyncadd.s32 $0xFFFFC000  }
0x81: {  	[spmem:s2] =	stream.indirect.scatter.add.f32 [tilespmem:s12], [sflag:$0x2], $0x80, s4, s12, $0xb8;
	[tilespmem:$0x8D00] =	vst v63  }
0x82: {  	_ =	swait.ge [sflag:s10], $0x4000  }
0x83: {  	[sflag:s10] =	ssyncset.done $0x0  }
0x84: {  	[sflag:s10] =	ssyncadd.s32 $0xFFFFC000  }
0x85: {  	[spmem:s3] =	stream.indirect.scatter.add.f32 [tilespmem:s7], [sflag:$0x1], $0x80, s4, s12, $0xb8;
	[tilespmem:$0x8D00] =	vst v63  }
0x86: {  	_ =	swait.ge [sflag:s8], $0x4000  }
0x87: {  	[sflag:s8] =	ssyncset.done $0x0  }
0x88: {  	[sflag:s8] =	ssyncadd.s32 $0xFFFFC000  }
0x89: {  	[tilespmem:s4], [sflag:$0x2] =	stream.linear.gather [hbm4b:s13+s4], $0x80, $0x38;
	[tilespmem:$0x8D00] =	vst v63  }
0x8a: {  	_ =	swait.ge [sflag:s10], $0x80  }
0x8b: {  	[sflag:s10] =	ssyncset.done $0x0  }
0x8c: {  	[sflag:s10] =	ssyncadd.s32 $0xFFFFFF80  }
0x8d: {  	[tilespmem:s12], [sflag:$0x2] =	stream.linear.gather [hbm4b:s14+s4], $0x4000, $0x38;
	[tilespmem:$0x8D00] =	vst v63  }
0x8e: {  	_ =	swait.ge [sflag:s10], $0x4000  }
0x8f: {  	[sflag:s10] =	ssyncset.done $0x0  }
0x90: {  	[sflag:s10] =	ssyncadd.s32 $0xFFFFC000  }
0x91: {  	[spmem:s2] =	stream.indirect.scatter.add.f32 [tilespmem:s12], [sflag:$0x2], $0x80, s4, s12, $0xb8;
	[tilespmem:$0x8D00] =	vst v63  }
0x92: {  	_ =	swait.ge [sflag:s10], $0x4000  }
0x93: {  	[sflag:s10] =	ssyncset.done $0x0  }
0x94: {  	[sflag:s10] =	ssyncadd.s32 $0xFFFFC000  }
0x95: {  	[spmem:s3] =	stream.indirect.scatter.add.f32 [tilespmem:s7], [sflag:$0x1], $0x80, s4, s12, $0xb8;
	[tilespmem:$0x8D00] =	vst v63  }
0x96: {  	_ =	swait.ge [sflag:s8], $0x4000  }
0x97: {  	[sflag:s8] =	ssyncset.done $0x0  }
0x98: {  	s26 =	rddreg [dreg:$0xb];
	[sflag:s8] =	ssyncadd.s32 $0xFFFFC000  }
0x99: {  	[tilespmem:s16], [sflag:$0x1] =	stream.linear.gather @!p2 [hbm4b:s26+s15], $0x10, $0x38;
	[tilespmem:$0x8D00] =	vst v63  }
0x9a: {  	_ =	swait.ge @!p2 [sflag:s17], $0x10  }
0x9b: {  	[sflag:s17] =	ssyncset.done @!p2 $0x0  }
0x9c: {  	s26 =	rddreg [dreg:$0xc];
	[sflag:s17] =	ssyncadd.s32 @!p2 $0xFFFFFFF0  }
0x9d: {  	[tilespmem:s18], [sflag:$0x1] =	stream.linear.gather @!p2 [hbm4b:s26+s15], $0x800, $0x38;
	[tilespmem:$0x8D00] =	vst v63  }
0x9e: {  	_ =	swait.ge @!p2 [sflag:s17], $0x800  }
0x9f: {  	[sflag:s17] =	ssyncset.done @!p2 $0x0  }
0xa0: {  	[sflag:s17] =	ssyncadd.s32 @!p2 $0xFFFFF800  }
0xa1: {  	[spmem:s2] =	stream.indirect.scatter.add.f32 @!p2 [tilespmem:s18], [sflag:$0x1], $0x80, s16, s19, $0xb8;
	[tilespmem:$0x8D00] =	vst v63  }
0xa2: {  	_ =	swait.ge @!p2 [sflag:s17], $0x800  }
0xa3: {  	[sflag:s17] =	ssyncset.done @!p2 $0x0  }
0xa4: {  	s26 =	simm.s32 @!p2 $0x4080;
	[sflag:s17] =	ssyncadd.s32 @!p2 $0xFFFFF800  }
0xa5: {  	[spmem:s3] =	stream.indirect.scatter.add.f32 @!p2 [tilespmem:s26], [sflag:$0x1], $0x80, s16, s19, $0xb8;
	[tilespmem:$0x8D00] =	vst v63  }
0xa6: {  	_ =	swait.ge @!p2 [sflag:s17], $0x800  }
0xa7: {  	[sflag:s17] =	ssyncset.done @!p2 $0x0  }
0xa8: {  	[sflag:s17] =	ssyncadd.s32 @!p2 $0xFFFFF800  }
0xa9: {  	[tilespmem:s22], [sflag:$0x2] =	stream.linear.gather @!p1 [hbm4b:s21+s22], $0x80, $0x38;
	[tilespmem:$0x8D00] =	vst v63  }
0xaa: {  	_ =	swait.ge @!p1 [sflag:s23], $0x80  }
0xab: {  	[sflag:s23] =	ssyncset.done @!p1 $0x0  }
0xac: {  	[sflag:s23] =	ssyncadd.s32 @!p1 $0xFFFFFF80  }
0xad: {  	[tilespmem:s25], [sflag:$0x2] =	stream.linear.gather @!p1 [hbm4b:s24+s22], $0x4000, $0x38;
	[tilespmem:$0x8D00] =	vst v63  }
0xae: {  	_ =	swait.ge @!p1 [sflag:s23], $0x4000  }
0xaf: {  	[sflag:s23] =	ssyncset.done @!p1 $0x0  }
0xb0: {  	[sflag:s23] =	ssyncadd.s32 @!p1 $0xFFFFC000  }
0xb1: {  	[spmem:s2] =	stream.indirect.scatter.add.f32 @!p1 [tilespmem:s25], [sflag:$0x2], $0x80, s22, s25, $0xb8;
	[tilespmem:$0x8D00] =	vst v63  }
0xb2: {  	_ =	swait.ge @!p1 [sflag:s23], $0x4000  }
0xb3: {  	[sflag:s23] =	ssyncset.done @!p1 $0x0  }
0xb4: {  	s26 =	simm.s32 @!p1 $0x4080;
	[sflag:s23] =	ssyncadd.s32 @!p1 $0xFFFFC000  }
0xb5: {  	[spmem:s3] =	stream.indirect.scatter.add.f32 @!p1 [tilespmem:s26], [sflag:$0x1], $0x80, s22, s25, $0xb8;
	[tilespmem:$0x8D00] =	vst v63  }
0xb6: {  	_ =	swait.ge @!p1 [sflag:s28], $0x4000  }
0xb7: {  	[sflag:s28] =	ssyncset.done @!p1 $0x0  }
0xb8: {  	s31 =	sadd.s32 $0xFFFFFFFF, s31;
	[sflag:s28] =	ssyncadd.s32 @!p1 $0xFFFFC000  }
0xb9: {  	p3 =	sne.s32 s31, $0x0;
	[bflag:$0x0] =	sbarrier.arrive $0xFFFF  }
0xba: {  	[hbm:s29], [sflag:s6] =	dma.local @!p0 [spmem:s1], $0x80  }
.Ltmp1:
0xbb: {  	_ =	swait.ge @!p0 [sflag:s0], $0x80;
	(pc) =	sbr.rel @p3 .LBB2_2-.Ltmp1, $4  }
0xbc: {  	[sflag:s0] =	ssyncset.done @!p0 $0x0  }
0xbd: {  	[sflag:s0] =	ssyncadd.s32 @!p0 $0xFFFFFF80  }
0xbe: {  	[hbm:s30], [sflag:s6] =	dma.local @!p0 [spmem:s20], $0x80  }
0xbf: {  	_ =	swait.ge @!p0 [sflag:s0], $0x80  }
.LBB2_3:
0xc0: {  	[sflag:s0] =	ssyncset.done @!p0 $0x0  }
0xc1: {  	[sflag:s0] =	ssyncadd.s32 @!p0 $0xFFFFFF80  }
0xc2: {  	_ =	sfence.sel $0x180000  }
0xc3: {  	[bflag:$0x0] =	sbarrier.arrive $0xFFFF  }
0xc4: {  	_ =	strace $0x90000053  }
0xc5: {  	s31 =	stileid.u32;
	[bflag:$0x2] =	sbarrier.arrive $0xFFFF  }
0xc6: {  	p0 =	sne.s32 s31, $0x0;
	s0 =	rddreg [dreg:$0x5]  }
0xc7: {  	s0 =	sadd.s32 @!p0 $0x100000, s0  }
0xc8: {  	[sflag:s0] =	ssyncadd.tile.s32 @!p0 $0x1;
	_ =	shalt  }
.LBB2_1:
.Ltmp2:
0xc9: {  	(pc) =	sbr.rel .LBB2_3-.Ltmp2, $2  }
0xca: {  	_ =	sdelay $0x2  }
0xcb: {  	s0 =	simm.s32 @!p0 $0x1  }
.Lfunc_end2:
_tile_overlayer_lowered:
.L_overlay_start_2:
0xcc: {  	(tag) =	ssettag $0x2  }
0xcd: {  	s0 =	rddreg [dreg:$0x0];
	s2 =	stileid.u32  }
0xce: {  	s1 =	rddreg [dreg:$0x1];
	p0 =	sne.s32 s2, $0x0  }
0xcf: {  	s3 =	rddreg [dreg:$0x2];
	[bflag:$0x3] =	sbarrier.arrive $0xFFFF;
	s2 =	simm.s32 @!p0 $0x1C01  }
0xd0: {  	[timem:s3], [sflag:s2] =	dma.local @!p0 [hbm:s0], s1  }
0xd1: {  	s0 =	simm.s32 @!p0 $0x1  }
0xd2: {  	_ =	swait.ge @!p0 [sflag:s0], s1  }
0xd3: {  	s1 =	ssub.s32 @!p0 $0x0, s1;
	[sflag:s0] =	ssyncset.done @!p0 $0x0  }
0xd4: {  	[sflag:s0] =	ssyncadd.s32 @!p0 s1  }
0xd5: {  	[bflag:$0x3] =	sbarrier.arrive $0xFFFF  }
0xd6: {  	_ =	shalt  }

</sc_bundles>
